<compile_context>
chip_gen: v7x
topology: tpu7x:2x2x1
jax: 0.10.2.dev20260603
libtpu: 0.0.44.dev20260713+nightly
codegen_flags: <defaults>
</compile_context>

<pallas_src>
import functools

import jax
import jax.numpy as jnp
from jax import lax
from jax.experimental import pallas as pl
from jax.experimental.pallas import tpu as pltpu
from jax.experimental.pallas import tpu_sc as plsc

_NC, _NS = 2, 16
_BLK = 2000


def _lrelu(v):
    return jnp.where(v > 0, v, 0.2 * v)


def _prep1_body(x_ref, w_ref, av_ref, dv_ref,
                hl_ref, as_ref, ad_ref, ma_ref, md_ref):
    i = pl.program_id(0)
    hl = jnp.dot(x_ref[...], w_ref[...], preferred_element_type=jnp.float32)
    hl_ref[...] = hl
    a = jnp.sum(hl * av_ref[...], axis=1, keepdims=True)
    d = jnp.sum(hl * dv_ref[...], axis=1, keepdims=True)
    as_ref[...] = a
    ad_ref[...] = d
    _acc_max(i, ma_ref, md_ref, a, d)


def _acc_max(i, ma_ref, md_ref, a, d):
    bm_a = jnp.max(a).reshape(1, 1)
    bm_d = jnp.max(d).reshape(1, 1)

    @pl.when(i == 0)
    def _():
        ma_ref[...] = bm_a
        md_ref[...] = bm_d

    @pl.when(i > 0)
    def _():
        ma_ref[...] = jnp.maximum(ma_ref[...], bm_a)
        md_ref[...] = jnp.maximum(md_ref[...], bm_d)


def _prep1(x, W1, av, dv):
    n = x.shape[0]
    g = n // _BLK
    return pl.pallas_call(
        _prep1_body,
        grid=(g,),
        in_specs=[
            pl.BlockSpec((_BLK, 7), lambda i: (i, 0)),
            pl.BlockSpec((7, 16), lambda i: (0, 0)),
            pl.BlockSpec((1, 16), lambda i: (0, 0)),
            pl.BlockSpec((1, 16), lambda i: (0, 0)),
        ],
        out_specs=[
            pl.BlockSpec((_BLK, 16), lambda i: (i, 0)),
            pl.BlockSpec((_BLK, 1), lambda i: (i, 0)),
            pl.BlockSpec((_BLK, 1), lambda i: (i, 0)),
            pl.BlockSpec((1, 1), lambda i: (0, 0)),
            pl.BlockSpec((1, 1), lambda i: (0, 0)),
        ],
        out_shape=[
            jax.ShapeDtypeStruct((n, 16), jnp.float32),
            jax.ShapeDtypeStruct((n, 1), jnp.float32),
            jax.ShapeDtypeStruct((n, 1), jnp.float32),
            jax.ShapeDtypeStruct((1, 1), jnp.float32),
            jax.ShapeDtypeStruct((1, 1), jnp.float32),
        ],
    )(x, W1, av, dv)


def _mid_body(acc_ref, ss_ref, hl_ref, as_ref, ad_ref, sh_ref, b_ref,
              w_ref, av_ref, dv_ref,
              hlo_ref, as2_ref, ad2_ref, ma_ref, md_ref):
    i = pl.program_id(0)
    ex = jnp.exp(_lrelu(as_ref[...] + ad_ref[...]) - sh_ref[0, 0])
    acc = acc_ref[0] + acc_ref[1] + ex * hl_ref[...]
    ss = ss_ref[0] + ss_ref[1] + ex + 1e-16
    h1 = jnp.maximum(acc / ss + b_ref[...], 0.0)
    hl2 = jnp.dot(h1, w_ref[...], preferred_element_type=jnp.float32)
    a = jnp.sum(hl2 * av_ref[...], axis=1, keepdims=True)
    d = jnp.sum(hl2 * dv_ref[...], axis=1, keepdims=True)
    hlo_ref[0] = hl2[:, :16]
    hlo_ref[1] = hl2[:, 16:]
    as2_ref[...] = a
    ad2_ref[...] = d
    _acc_max(i, ma_ref, md_ref, a, d)


def _mid(acc1, ssum1, hl1, as1, ad1, shift1, b1, W2, av2, dv2):
    n = hl1.shape[0]
    g = n // _BLK
    return pl.pallas_call(
        _mid_body,
        grid=(g,),
        in_specs=[
            pl.BlockSpec((2, _BLK, 16), lambda i: (0, i, 0)),
            pl.BlockSpec((2, _BLK, 1), lambda i: (0, i, 0)),
            pl.BlockSpec((_BLK, 16), lambda i: (i, 0)),
            pl.BlockSpec((_BLK, 1), lambda i: (i, 0)),
            pl.BlockSpec((_BLK, 1), lambda i: (i, 0)),
            pl.BlockSpec((1, 1), lambda i: (0, 0)),
            pl.BlockSpec((1, 16), lambda i: (0, 0)),
            pl.BlockSpec((16, 32), lambda i: (0, 0)),
            pl.BlockSpec((1, 32), lambda i: (0, 0)),
            pl.BlockSpec((1, 32), lambda i: (0, 0)),
        ],
        out_specs=[
            pl.BlockSpec((2, _BLK, 16), lambda i: (0, i, 0)),
            pl.BlockSpec((_BLK, 1), lambda i: (i, 0)),
            pl.BlockSpec((_BLK, 1), lambda i: (i, 0)),
            pl.BlockSpec((1, 1), lambda i: (0, 0)),
            pl.BlockSpec((1, 1), lambda i: (0, 0)),
        ],
        out_shape=[
            jax.ShapeDtypeStruct((2, n, 16), jnp.float32),
            jax.ShapeDtypeStruct((n, 1), jnp.float32),
            jax.ShapeDtypeStruct((n, 1), jnp.float32),
            jax.ShapeDtypeStruct((1, 1), jnp.float32),
            jax.ShapeDtypeStruct((1, 1), jnp.float32),
        ],
    )(acc1, ssum1, hl1, as1, ad1, shift1, b1, W2, av2, dv2)


def _fin_body(acc_ref, ss_ref, hl_ref, as_ref, ad_ref, sh_ref, b_ref,
              w_ref, bo_ref, out_ref):
    ex = jnp.exp(_lrelu(as_ref[...] + ad_ref[...]) - sh_ref[0, 0])
    ss = ss_ref[...] + ex + 1e-16
    h2a = jnp.maximum((acc_ref[0] + ex * hl_ref[0]) / ss + b_ref[:, :16], 0.0)
    h2b = jnp.maximum((acc_ref[1] + ex * hl_ref[1]) / ss + b_ref[:, 16:], 0.0)
    h2 = jnp.concatenate([h2a, h2b], axis=1)
    out_ref[...] = (
        jnp.dot(h2, w_ref[...], preferred_element_type=jnp.float32)
        + bo_ref[...]
    )


def _fin(acc2, ssum2, hl2, as2, ad2, shift2, b2, W_out, b_out):
    n = as2.shape[0]
    g = n // _BLK
    return pl.pallas_call(
        _fin_body,
        grid=(g,),
        in_specs=[
            pl.BlockSpec((2, _BLK, 16), lambda i: (0, i, 0)),
            pl.BlockSpec((_BLK, 1), lambda i: (i, 0)),
            pl.BlockSpec((2, _BLK, 16), lambda i: (0, i, 0)),
            pl.BlockSpec((_BLK, 1), lambda i: (i, 0)),
            pl.BlockSpec((_BLK, 1), lambda i: (i, 0)),
            pl.BlockSpec((1, 1), lambda i: (0, 0)),
            pl.BlockSpec((1, 32), lambda i: (0, 0)),
            pl.BlockSpec((32, 4), lambda i: (0, 0)),
            pl.BlockSpec((1, 4), lambda i: (0, 0)),
        ],
        out_specs=pl.BlockSpec((_BLK, 4), lambda i: (i, 0)),
        out_shape=jax.ShapeDtypeStruct((n, 4), jnp.float32),
    )(acc2, ssum2, hl2, as2, ad2, shift2, b2, W_out, b_out)


def _edge_pass(src, dst, table, asn, adn, shift8, n, channel_split):
    e = src.shape[0]
    per = e // _NS if channel_split else e // (_NC * _NS)
    nfull, tail = divmod(per, 128)
    assert tail % 8 == 0
    assert n % 160 == 0 and n % 80 == 0
    rpt = n // _NS
    n10 = n // 10

    mesh = plsc.VectorSubcoreMesh(core_axis_name="c", subcore_axis_name="s")

    zc = 125
    z1 = 2000

    def body(src_h, dst_h, tab_h, asn_h, adn_h, sh_h, acc_o, ss_o,
             sidx, sidx2, didx, asv, adv, exv, rows,
             sidxB, sidx2B, didxB, asvB, advB, exvB, rowsB,
             sidxT, sidx2T, didxT, asvT, advT, exvT, rowsT,
             shiftv, zrow, z1d, acc_sh, ssum_sh, as_sh, ad_sh,
             semA, semB, semC, semSa, semUa, semSb, semUb):
        cid = lax.axis_index("c")
        sid = lax.axis_index("s")

        def zr(i, c):
            zrow[i, :] = jnp.zeros((16,), jnp.float32)
            return c
        lax.fori_loop(0, zc, zr, 0)

        def zo(i, c):
            z1d[pl.ds(i * 16, 16)] = jnp.zeros((16,), jnp.float32)
            return c
        lax.fori_loop(0, z1 // 16, zo, 0)

        def za(k, c):
            pltpu.sync_copy(zrow, acc_sh.at[pl.ds(sid * rpt + k * zc, zc)])
            return c
        lax.fori_loop(0, rpt // zc, za, 0)

        @pl.when(sid < 10)
        def _():
            off = sid * n10
            for k in range(5):
                pltpu.sync_copy(z1d, ssum_sh.at[pl.ds(off + k * z1, z1)])
            pltpu.sync_copy(asn_h.at[pl.ds(off, n10)], as_sh.at[pl.ds(off, n10)])
            pltpu.sync_copy(adn_h.at[pl.ds(off, n10)], ad_sh.at[pl.ds(off, n10)])

        pltpu.sync_copy(sh_h, shiftv)
        plsc.subcore_barrier()

        s = shiftv[pl.ds(0, 16)][0]
        base = sid * per if channel_split else (cid * _NS + sid) * per
        ioff = cid * n

        def row_ref(bufs):
            return bufs[1] if channel_split else bufs[0]

        def idx_load(off, bufs, nb):
            sidx_b, sidx2_b, didx_b = bufs[0], bufs[1], bufs[2]
            pltpu.sync_copy(src_h.at[pl.ds(off, nb)], sidx_b)
            pltpu.sync_copy(dst_h.at[pl.ds(off, nb)], didx_b)
            if channel_split:
                for g in range(nb // 16):
                    sidx2_b[pl.ds(g * 16, 16)] = (
                        sidx_b[pl.ds(g * 16, 16)] + ioff)

        def fire_gathers(bufs):
            sidx_b, _, didx_b, asv_b, adv_b, _, rows_b = bufs
            pltpu.async_copy(as_sh.at[sidx_b], asv_b, semA)
            pltpu.async_copy(ad_sh.at[didx_b], adv_b, semB)
            pltpu.async_copy(tab_h.at[row_ref(bufs)], rows_b, semC)

        def wait_gathers(bufs):
            sidx_b, _, didx_b, asv_b, adv_b, _, rows_b = bufs
            pltpu.make_async_copy(as_sh.at[sidx_b], asv_b, semA).wait()
            pltpu.make_async_copy(ad_sh.at[didx_b], adv_b, semB).wait()
            pltpu.make_async_copy(tab_h.at[row_ref(bufs)], rows_b,
                                  semC).wait()

        def compute_ex_scale(bufs, nb):
            _, _, didx_b, asv_b, adv_b, exv_b, rows_b = bufs
            for g in range(nb // 16):
                al = asv_b[pl.ds(g * 16, 16)] + adv_b[pl.ds(g * 16, 16)]
                al = jnp.where(al > 0, al, 0.2 * al)
                exv_b[pl.ds(g * 16, 16)] = jnp.exp(al - s)

            def scale(g, c):
                ev = exv_b[pl.ds(g * 16, 16)]
                b0 = g * 16
                for j in range(16):
                    rows_b[b0 + j, :] = rows_b[b0 + j, :] * ev[j]
                return c
            lax.fori_loop(0, nb // 16, scale, 0)

        def fire_scatter(bufs, semS, semU):
            _, _, didx_b, _, _, exv_b, rows_b = bufs
            pltpu.async_copy(rows_b, acc_sh.at[didx_b], semS, add=True)
            if channel_split:
                @pl.when(cid == 0)
                def _():
                    pltpu.async_copy(exv_b, ssum_sh.at[didx_b], semU,
                                     add=True)
            else:
                pltpu.async_copy(exv_b, ssum_sh.at[didx_b], semU, add=True)

        def drain_scatter(bufs, semS, semU):
            _, _, didx_b, _, _, exv_b, rows_b = bufs
            pltpu.make_async_copy(rows_b, acc_sh.at[didx_b], semS).wait()
            if channel_split:
                @pl.when(cid == 0)
                def _():
                    pltpu.make_async_copy(exv_b, ssum_sh.at[didx_b],
                                          semU).wait()
            else:
                pltpu.make_async_copy(exv_b, ssum_sh.at[didx_b],
                                      semU).wait()

        def do_block(off, nb, bufs):
            idx_load(off, bufs, nb)
            fire_gathers(bufs)
            wait_gathers(bufs)
            compute_ex_scale(bufs, nb)
            _, _, didx_b, _, _, exv_b, rows_b = bufs
            pltpu.sync_copy(rows_b, acc_sh.at[didx_b], add=True)
            if channel_split:
                @pl.when(cid == 0)
                def _():
                    pltpu.sync_copy(exv_b, ssum_sh.at[didx_b], add=True)
            else:
                pltpu.sync_copy(exv_b, ssum_sh.at[didx_b], add=True)

        bufs_a = (sidx, sidx2, didx, asv, adv, exv, rows)
        bufs_b = (sidxB, sidx2B, didxB, asvB, advB, exvB, rowsB)
        tail_bufs = (sidxT, sidx2T, didxT, asvT, advT, exvT, rowsT)

        nfull_even = nfull - (nfull % 2)
        npair = nfull_even // 2

        idx_load(base, bufs_a, 128)
        fire_gathers(bufs_a)

        def pbody(k, c):
            o0 = base + (2 * k) * 128

            @pl.when(k > 0)
            def _():
                drain_scatter(bufs_b, semSb, semUb)
            idx_load(o0 + 128, bufs_b, 128)
            wait_gathers(bufs_a)
            fire_gathers(bufs_b)
            compute_ex_scale(bufs_a, 128)
            fire_scatter(bufs_a, semSa, semUa)

            @pl.when(k < npair - 1)
            def _():
                drain_scatter(bufs_a, semSa, semUa)
                idx_load(o0 + 256, bufs_a, 128)
                fire_gathers(bufs_a)
            wait_gathers(bufs_b)
            compute_ex_scale(bufs_b, 128)
            fire_scatter(bufs_b, semSb, semUb)
            return c
        if npair:
            lax.fori_loop(0, npair, pbody, 0)
            drain_scatter(bufs_a, semSa, semUa)
            drain_scatter(bufs_b, semSb, semUb)

        for j in range(nfull - nfull_even):
            do_block(base + (nfull_even + j) * 128, 128, bufs_a)
        if tail:
            do_block(base + nfull * 128, tail, tail_bufs)

        plsc.subcore_barrier()

        @pl.when(sid < 10)
        def _():
            ro = sid * n10
            pltpu.sync_copy(acc_sh.at[pl.ds(ro, n10)],
                            acc_o.at[pl.ds(cid * n + ro, n10)])

        pred = sid < 10
        if channel_split:
            pred = jnp.logical_and(pred, cid == 0)

        @pl.when(pred)
        def _():
            off = sid * n10
            pltpu.sync_copy(ssum_sh.at[pl.ds(off, n10)],
                            ss_o.at[pl.ds(cid * n + off, n10)])

    tail_n = tail if tail else 8
    run = pl.kernel(
        body,
        out_type=[
            jax.ShapeDtypeStruct((2 * n, 16), jnp.float32),
            jax.ShapeDtypeStruct((2 * n,), jnp.float32),
        ],
        mesh=mesh,
        scratch_types=[
            pltpu.VMEM((128,), jnp.int32),
            pltpu.VMEM((128,), jnp.int32),
            pltpu.VMEM((128,), jnp.int32),
            pltpu.VMEM((128,), jnp.float32),
            pltpu.VMEM((128,), jnp.float32),
            pltpu.VMEM((128,), jnp.float32),
            pltpu.VMEM((128, 16), jnp.float32),
            pltpu.VMEM((128,), jnp.int32),
            pltpu.VMEM((128,), jnp.int32),
            pltpu.VMEM((128,), jnp.int32),
            pltpu.VMEM((128,), jnp.float32),
            pltpu.VMEM((128,), jnp.float32),
            pltpu.VMEM((128,), jnp.float32),
            pltpu.VMEM((128, 16), jnp.float32),
            pltpu.VMEM((tail_n,), jnp.int32),
            pltpu.VMEM((tail_n,), jnp.int32),
            pltpu.VMEM((tail_n,), jnp.int32),
            pltpu.VMEM((tail_n,), jnp.float32),
            pltpu.VMEM((tail_n,), jnp.float32),
            pltpu.VMEM((tail_n,), jnp.float32),
            pltpu.VMEM((tail_n, 16), jnp.float32),
            pltpu.VMEM((16,), jnp.float32),
            pltpu.VMEM((zc, 16), jnp.float32),
            pltpu.VMEM((z1,), jnp.float32),
            pltpu.VMEM_SHARED((n, 16), jnp.float32),
            pltpu.VMEM_SHARED((n,), jnp.float32),
            pltpu.VMEM_SHARED((n,), jnp.float32),
            pltpu.VMEM_SHARED((n,), jnp.float32),
            pltpu.SemaphoreType.DMA,
            pltpu.SemaphoreType.DMA,
            pltpu.SemaphoreType.DMA,
            pltpu.SemaphoreType.DMA,
            pltpu.SemaphoreType.DMA,
            pltpu.SemaphoreType.DMA,
            pltpu.SemaphoreType.DMA,
        ],
        compiler_params=pltpu.CompilerParams(use_tc_tiling_on_sc=False),
    )
    return run(src, dst, table, asn, adn, shift8)


def _shift_arrays(ma, md):
    c = ma[0, 0] + md[0, 0]
    s = jnp.where(c > 0, c, 0.2 * c)
    return s.reshape(1, 1), jnp.broadcast_to(s.reshape(1), (16,))


def kernel(x, edge_index, edge_attr, W1, att_src1, att_dst1, b1,
           W2, att_src2, att_dst2, b2, W_out, b_out):
    n = x.shape[0]
    src = edge_index[0]
    dst = edge_index[1]

    hl1, as1, ad1, ma1, md1 = _prep1(
        x, W1, att_src1.reshape(1, 16), att_dst1.reshape(1, 16))
    sh1_tc, sh1_sc = _shift_arrays(ma1, md1)

    acc1, ssum1 = _edge_pass(
        src, dst, hl1, as1.reshape(n), ad1.reshape(n), sh1_sc, n,
        channel_split=False)

    hl2, as2, ad2, ma2, md2 = _mid(
        acc1.reshape(2, n, 16), ssum1.reshape(2, n, 1), hl1, as1, ad1,
        sh1_tc, b1.reshape(1, 16), W2,
        att_src2.reshape(1, 32), att_dst2.reshape(1, 32))
    sh2_tc, sh2_sc = _shift_arrays(ma2, md2)

    acc2, ssum2 = _edge_pass(
        src, dst, hl2.reshape(2 * n, 16), as2.reshape(n), ad2.reshape(n),
        sh2_sc, n, channel_split=True)

    return _fin(acc2.reshape(2, n, 16), ssum2[:n].reshape(n, 1), hl2,
                as2, ad2, sh2_tc, b2.reshape(1, 32), W_out,
                b_out.reshape(1, 4))

# --- scband reference (transcript-rebuilt; emitter-appended) ---
"""Pipeline reference for scband-gatnet-28484223107177 (READ-ONLY COPY).

The authoritative reference and input builder live on the scoring server;
editing this copy changes nothing except your own understanding.
"""

import jax, jax.numpy as jnp
import numpy as np

N = 100000
E = 6400000


def _glorot(k, shape):
    fan = shape[0] + shape[-1] if len(shape) > 1 else 1 + shape[0]
    s = (6.0 / fan) ** 0.5
    return jax.random.uniform(k, shape, jnp.float32, -s, s)


def setup_inputs(seed: int = 0) -> dict:
    key = jax.random.key(seed)
    ks = jax.random.split(key, 16)
    x = jax.random.normal(ks[0], (N, 7), dtype=jnp.float32)
    edge_index = jax.random.randint(ks[1], (2, E), 0, N, dtype=jnp.int32)
    edge_attr = jax.random.normal(ks[2], (E, 4), dtype=jnp.float32)
    # GATConv(7, 16), heads=1
    W1 = _glorot(ks[3], (7, 16))
    att_src1 = _glorot(ks[4], (16,))
    att_dst1 = _glorot(ks[5], (16,))
    b1 = jnp.zeros((16,), jnp.float32)
    # GATConv(16, 32), heads=1
    W2 = _glorot(ks[6], (16, 32))
    att_src2 = _glorot(ks[7], (32,))
    att_dst2 = _glorot(ks[8], (32,))
    b2 = jnp.zeros((32,), jnp.float32)
    # Linear(32, 4)
    W_out = _glorot(ks[9], (32, 4))
    b_out = jnp.zeros((4,), jnp.float32)
    return {"x": x, "edge_index": edge_index, "edge_attr": edge_attr,
            "W1": W1, "att_src1": att_src1, "att_dst1": att_dst1, "b1": b1,
            "W2": W2, "att_src2": att_src2, "att_dst2": att_dst2, "b2": b2,
            "W_out": W_out, "b_out": b_out}


def reference(x, edge_index, edge_attr, W1, att_src1, att_dst1, b1,
              W2, att_src2, att_dst2, b2, W_out, b_out):
    # PyG GATConv semantics, heads=1, concat=True, negative_slope=0.2,
    # add_self_loops=True. edge_attr is ignored because edge_dim was not
    # configured on GATConv (lin_edge is None).
    n = x.shape[0]
    loops = jnp.arange(n, dtype=edge_index.dtype)
    src = jnp.concatenate([edge_index[0], loops])
    dst = jnp.concatenate([edge_index[1], loops])

    def gat(h, W, a_s, a_d, b):
        hl = h @ W                      # [N, C]
        as_n = hl @ a_s                 # [N]
        ad_n = hl @ a_d                 # [N]
        al = as_n[src] + ad_n[dst]      # [E']
        al = jnp.where(al > 0, al, 0.2 * al)  # leaky_relu(0.2)
        m = jax.ops.segment_max(al, dst, num_segments=n)
        ex = jnp.exp(al - m[dst])
        ssum = jax.ops.segment_sum(ex, dst, num_segments=n)
        alpha = ex / (ssum[dst] + 1e-16)
        out = jax.ops.segment_sum(alpha[:, None] * hl[src], dst, num_segments=n)
        return out + b

    h1 = jax.nn.relu(gat(x, W1, att_src1, att_dst1, b1))
    h2 = jax.nn.relu(gat(h1, W2, att_src2, att_dst2, b2))
    return h2 @ W_out + b_out

if __name__ == "__main__":
    import jax
    _d = setup_inputs()
    print(jax.jit(kernel)(*tuple(_d.values())))

</pallas_src>

<mosaic_0001>
#map = affine_map<(d0, d1) -> (0)>
#map1 = affine_map<(d0, d1) -> (0, 0)>
module attributes {stable_mosaic.version = 14 : i64} {
  func.func @body(%arg0: i32, %arg1: i32, %arg2: memref<6400000xi32, #tpu.memory_space<hbm>>, %arg3: memref<6400000xi32, #tpu.memory_space<hbm>>, %arg4: memref<100000x16xf32, #tpu.memory_space<hbm>>, %arg5: memref<100000xf32, #tpu.memory_space<hbm>>, %arg6: memref<100000xf32, #tpu.memory_space<hbm>>, %arg7: memref<16xf32, #tpu.memory_space<hbm>>, %arg8: memref<200000x16xf32, #tpu.memory_space<hbm>>, %arg9: memref<200000xf32, #tpu.memory_space<hbm>>, %arg10: memref<128xi32, #tpu.memory_space<vmem>>, %arg11: memref<128xi32, #tpu.memory_space<vmem>>, %arg12: memref<128xi32, #tpu.memory_space<vmem>>, %arg13: memref<128xf32, #tpu.memory_space<vmem>>, %arg14: memref<128xf32, #tpu.memory_space<vmem>>, %arg15: memref<128xf32, #tpu.memory_space<vmem>>, %arg16: memref<128x16xf32, #tpu.memory_space<vmem>>, %arg17: memref<128xi32, #tpu.memory_space<vmem>>, %arg18: memref<128xi32, #tpu.memory_space<vmem>>, %arg19: memref<128xi32, #tpu.memory_space<vmem>>, %arg20: memref<128xf32, #tpu.memory_space<vmem>>, %arg21: memref<128xf32, #tpu.memory_space<vmem>>, %arg22: memref<128xf32, #tpu.memory_space<vmem>>, %arg23: memref<128x16xf32, #tpu.memory_space<vmem>>, %arg24: memref<64xi32, #tpu.memory_space<vmem>>, %arg25: memref<64xi32, #tpu.memory_space<vmem>>, %arg26: memref<64xi32, #tpu.memory_space<vmem>>, %arg27: memref<64xf32, #tpu.memory_space<vmem>>, %arg28: memref<64xf32, #tpu.memory_space<vmem>>, %arg29: memref<64xf32, #tpu.memory_space<vmem>>, %arg30: memref<64x16xf32, #tpu.memory_space<vmem>>, %arg31: memref<16xf32, #tpu.memory_space<vmem>>, %arg32: memref<125x16xf32, #tpu.memory_space<vmem>>, %arg33: memref<2000xf32, #tpu.memory_space<vmem>>, %arg34: memref<100000x16xf32, #tpu.memory_space<vmem_shared>>, %arg35: memref<100000xf32, #tpu.memory_space<vmem_shared>>, %arg36: memref<100000xf32, #tpu.memory_space<vmem_shared>>, %arg37: memref<100000xf32, #tpu.memory_space<vmem_shared>>, %arg38: memref<!tpu.dma_semaphore, #tpu.memory_space<semaphore_mem>>, %arg39: memref<!tpu.dma_semaphore, #tpu.memory_space<semaphore_mem>>, %arg40: memref<!tpu.dma_semaphore, #tpu.memory_space<semaphore_mem>>, %arg41: memref<!tpu.dma_semaphore, #tpu.memory_space<semaphore_mem>>, %arg42: memref<!tpu.dma_semaphore, #tpu.memory_space<semaphore_mem>>, %arg43: memref<!tpu.dma_semaphore, #tpu.memory_space<semaphore_mem>>, %arg44: memref<!tpu.dma_semaphore, #tpu.memory_space<semaphore_mem>>) attributes {dimension_semantics = [#tpu.dimension_semantics<core_parallel>, #tpu.dimension_semantics<subcore_parallel>], iteration_bounds = array<i64: 2, 16>, scalar_prefetch = 0 : i64, scratch_operands = 35 : i64, tpu.core_type = #tpu.core_type<sc_vector_subcore>, window_params = [{transform_indices = #map}, {transform_indices = #map}, {transform_indices = #map1}, {transform_indices = #map}, {transform_indices = #map}, {transform_indices = #map}, {transform_indices = #map1}, {transform_indices = #map}]} {
    %scan3A = arith.constant 0 : i32
    %scan3A_0 = arith.constant 0 : i32
    %scan3A_1 = arith.constant 125 : i32
    %scan3A_2 = arith.addi %scan3A_0, %scan3A_1 : i32
    %scan3A_3 = arith.constant 1 : i32
    scf.for %scan3A_159 = %scan3A_0 to %scan3A_2 step %scan3A_3  : i32 {
      %broadcast_in_dim3A = arith.constant 0.000000e+00 : f32
      %broadcast_in_dim3A_160 = vector.broadcast %broadcast_in_dim3A : f32 to vector<16xf32>
      %swap3A_161 = arith.index_cast %scan3A_159 : i32 to index
      %swap3A_162 = arith.constant 0 : index
      %swap3A_163 = tpu.vector_load %arg32[%swap3A_161, %swap3A_162] {strides = array<i32>} : memref<125x16xf32, #tpu.memory_space<vmem>>, vector<1x16xf32>,
      %swap3A_164 = vector.shape_cast %swap3A_163 : vector<1x16xf32> to vector<16xf32>
      %swap3A_165 = vector.shape_cast %broadcast_in_dim3A_160 : vector<16xf32> to vector<1x16xf32>
      tpu.vector_store %arg32[%swap3A_161, %swap3A_162], %swap3A_165 {strides = array<i32>} : memref<125x16xf32, #tpu.memory_space<vmem>>, vector<1x16xf32>,
    }
    %scan3A_4 = arith.constant 125 : i32
    %scan3A_5 = arith.constant 0 : i32
    %scan3A_6 = arith.constant 0 : i32
    %scan3A_7 = arith.constant 125 : i32
    %scan3A_8 = arith.addi %scan3A_6, %scan3A_7 : i32
    %scan3A_9 = arith.constant 1 : i32
    scf.for %scan3A_159 = %scan3A_6 to %scan3A_8 step %scan3A_9  : i32 {
      %broadcast_in_dim3A = arith.constant 0.000000e+00 : f32
      %broadcast_in_dim3A_160 = vector.broadcast %broadcast_in_dim3A : f32 to vector<16xf32>
      %mul3A_161 = arith.constant 16 : i32
      %mul3A_162 = arith.muli %scan3A_159, %mul3A_161 : i32
      %swap3A_163 = arith.index_cast %mul3A_162 : i32 to index
      %swap3A_164 = tpu.vector_load %arg33[%swap3A_163] {strides = array<i32>} : memref<2000xf32, #tpu.memory_space<vmem>>, vector<16xf32>,
      %swap3A_165 = vector.shape_cast %swap3A_164 : vector<16xf32> to vector<16xf32>
      %swap3A_166 = vector.shape_cast %broadcast_in_dim3A_160 : vector<16xf32> to vector<16xf32>
      tpu.vector_store %arg33[%swap3A_163], %swap3A_166 {strides = array<i32>} : memref<2000xf32, #tpu.memory_space<vmem>>, vector<16xf32>,
    }
    %scan3A_10 = arith.constant 125 : i32
    %scan3A_11 = arith.constant 0 : i32
    %scan3A_12 = arith.constant 0 : i32
    %scan3A_13 = arith.constant 50 : i32
    %scan3A_14 = arith.addi %scan3A_12, %scan3A_13 : i32
    %scan3A_15 = arith.constant 1 : i32
    scf.for %scan3A_159 = %scan3A_12 to %scan3A_14 step %scan3A_15  : i32 {
      %mul3A_160 = arith.constant 6250 : i32
      %mul3A_161 = arith.muli %arg1, %mul3A_160 : i32
      %mul3A_162 = arith.constant 125 : i32
      %mul3A_163 = arith.muli %scan3A_159, %mul3A_162 : i32
      %add3A_164 = arith.addi %mul3A_161, %mul3A_163 : i32
      "tpu.region"() ({
        %run_scoped3A = tpu.sem_alloc : memref<!tpu.dma_semaphore, #tpu.memory_space<semaphore_mem>>
        %dma_start3A_165 = arith.constant 0 : i32
        %dma_start3A_166 = tpu.memref_slice %arg34[%add3A_164, %dma_start3A_165] : memref<100000x16xf32, #tpu.memory_space<vmem_shared>> -> memref<125x16xf32, #tpu.memory_space<vmem_shared>>
        %dma_start3A_167 = arith.constant 0 : i32
        %dma_start3A_168 = tpu.memref_slice %arg34[%add3A_164, %dma_start3A_167] : memref<100000x16xf32, #tpu.memory_space<vmem_shared>> -> memref<125x16xf32, #tpu.memory_space<vmem_shared>>
        tpu.enqueue_dma source(%arg32 : memref<125x16xf32, #tpu.memory_space<vmem>>) target(%dma_start3A_168 : memref<125x16xf32, #tpu.memory_space<vmem_shared>>) target_semaphore(%run_scoped3A : memref<!tpu.dma_semaphore, #tpu.memory_space<semaphore_mem>>)
        %dma_wait3A_169 = arith.constant 0 : i32
        %dma_wait3A_170 = tpu.memref_slice %arg34[%add3A_164, %dma_wait3A_169] : memref<100000x16xf32, #tpu.memory_space<vmem_shared>> -> memref<125x16xf32, #tpu.memory_space<vmem_shared>>
        %dma_wait3A_171 = arith.constant 0 : i32
        %dma_wait3A_172 = tpu.memref_slice %arg34[%add3A_164, %dma_wait3A_171] : memref<100000x16xf32, #tpu.memory_space<vmem_shared>> -> memref<125x16xf32, #tpu.memory_space<vmem_shared>>
        tpu.wait_dma2 semaphore(%run_scoped3A : memref<!tpu.dma_semaphore, #tpu.memory_space<semaphore_mem>>) src(%arg32 : memref<125x16xf32, #tpu.memory_space<vmem>>) dst(%dma_wait3A_172 : memref<125x16xf32, #tpu.memory_space<vmem_shared>>)
        tpu.yield
      }) : () -> ()
    }
    %scan3A_16 = arith.constant 50 : i32
    %lt3A = arith.constant 10 : i32
    %lt3A_17 = arith.cmpi slt, %arg1, %lt3A : i32
    %convert_element_type3A = arith.extui %lt3A_17 : i1 to i32
    %cond3A = arith.constant 0 : i32
    %cond3A_18 = arith.cmpi ne, %convert_element_type3A, %cond3A : i32
    scf.if %cond3A_18 {
      %mul3A_159 = arith.constant 10000 : i32
      %mul3A_160 = arith.muli %arg1, %mul3A_159 : i32
      %add3A_161 = arith.constant 0 : i32
      %add3A_162 = arith.addi %mul3A_160, %add3A_161 : i32
      "tpu.region"() ({
        %run_scoped3A = tpu.sem_alloc : memref<!tpu.dma_semaphore, #tpu.memory_space<semaphore_mem>>
        %dma_start3A_171 = tpu.memref_slice %arg35[%add3A_162] : memref<100000xf32, #tpu.memory_space<vmem_shared>> -> memref<2000xf32, #tpu.memory_space<vmem_shared>>
        %dma_start3A_172 = tpu.memref_slice %arg35[%add3A_162] : memref<100000xf32, #tpu.memory_space<vmem_shared>> -> memref<2000xf32, #tpu.memory_space<vmem_shared>>
        tpu.enqueue_dma source(%arg33 : memref<2000xf32, #tpu.memory_space<vmem>>) target(%dma_start3A_172 : memref<2000xf32, #tpu.memory_space<vmem_shared>>) target_semaphore(%run_scoped3A : memref<!tpu.dma_semaphore, #tpu.memory_space<semaphore_mem>>)
        %dma_wait3A_173 = tpu.memref_slice %arg35[%add3A_162] : memref<100000xf32, #tpu.memory_space<vmem_shared>> -> memref<2000xf32, #tpu.memory_space<vmem_shared>>
        %dma_wait3A_174 = tpu.memref_slice %arg35[%add3A_162] : memref<100000xf32, #tpu.memory_space<vmem_shared>> -> memref<2000xf32, #tpu.memory_space<vmem_shared>>
        tpu.wait_dma2 semaphore(%run_scoped3A : memref<!tpu.dma_semaphore, #tpu.memory_space<semaphore_mem>>) src(%arg33 : memref<2000xf32, #tpu.memory_space<vmem>>) dst(%dma_wait3A_174 : memref<2000xf32, #tpu.memory_space<vmem_shared>>)
        tpu.yield
      }) : () -> ()
      %add3A_163 = arith.constant 2000 : i32
      %add3A_164 = arith.addi %mul3A_160, %add3A_163 : i32
      "tpu.region"() ({
        %run_scoped3A = tpu.sem_alloc : memref<!tpu.dma_semaphore, #tpu.memory_space<semaphore_mem>>
        %dma_start3A_171 = tpu.memref_slice %arg35[%add3A_164] : memref<100000xf32, #tpu.memory_space<vmem_shared>> -> memref<2000xf32, #tpu.memory_space<vmem_shared>>
        %dma_start3A_172 = tpu.memref_slice %arg35[%add3A_164] : memref<100000xf32, #tpu.memory_space<vmem_shared>> -> memref<2000xf32, #tpu.memory_space<vmem_shared>>
        tpu.enqueue_dma source(%arg33 : memref<2000xf32, #tpu.memory_space<vmem>>) target(%dma_start3A_172 : memref<2000xf32, #tpu.memory_space<vmem_shared>>) target_semaphore(%run_scoped3A : memref<!tpu.dma_semaphore, #tpu.memory_space<semaphore_mem>>)
        %dma_wait3A_173 = tpu.memref_slice %arg35[%add3A_164] : memref<100000xf32, #tpu.memory_space<vmem_shared>> -> memref<2000xf32, #tpu.memory_space<vmem_shared>>
        %dma_wait3A_174 = tpu.memref_slice %arg35[%add3A_164] : memref<100000xf32, #tpu.memory_space<vmem_shared>> -> memref<2000xf32, #tpu.memory_space<vmem_shared>>
        tpu.wait_dma2 semaphore(%run_scoped3A : memref<!tpu.dma_semaphore, #tpu.memory_space<semaphore_mem>>) src(%arg33 : memref<2000xf32, #tpu.memory_space<vmem>>) dst(%dma_wait3A_174 : memref<2000xf32, #tpu.memory_space<vmem_shared>>)
        tpu.yield
      }) : () -> ()
      %add3A_165 = arith.constant 4000 : i32
      %add3A_166 = arith.addi %mul3A_160, %add3A_165 : i32
      "tpu.region"() ({
        %run_scoped3A = tpu.sem_alloc : memref<!tpu.dma_semaphore, #tpu.memory_space<semaphore_mem>>
        %dma_start3A_171 = tpu.memref_slice %arg35[%add3A_166] : memref<100000xf32, #tpu.memory_space<vmem_shared>> -> memref<2000xf32, #tpu.memory_space<vmem_shared>>
        %dma_start3A_172 = tpu.memref_slice %arg35[%add3A_166] : memref<100000xf32, #tpu.memory_space<vmem_shared>> -> memref<2000xf32, #tpu.memory_space<vmem_shared>>
        tpu.enqueue_dma source(%arg33 : memref<2000xf32, #tpu.memory_space<vmem>>) target(%dma_start3A_172 : memref<2000xf32, #tpu.memory_space<vmem_shared>>) target_semaphore(%run_scoped3A : memref<!tpu.dma_semaphore, #tpu.memory_space<semaphore_mem>>)
        %dma_wait3A_173 = tpu.memref_slice %arg35[%add3A_166] : memref<100000xf32, #tpu.memory_space<vmem_shared>> -> memref<2000xf32, #tpu.memory_space<vmem_shared>>
        %dma_wait3A_174 = tpu.memref_slice %arg35[%add3A_166] : memref<100000xf32, #tpu.memory_space<vmem_shared>> -> memref<2000xf32, #tpu.memory_space<vmem_shared>>
        tpu.wait_dma2 semaphore(%run_scoped3A : memref<!tpu.dma_semaphore, #tpu.memory_space<semaphore_mem>>) src(%arg33 : memref<2000xf32, #tpu.memory_space<vmem>>) dst(%dma_wait3A_174 : memref<2000xf32, #tpu.memory_space<vmem_shared>>)
        tpu.yield
      }) : () -> ()
      %add3A_167 = arith.constant 6000 : i32
      %add3A_168 = arith.addi %mul3A_160, %add3A_167 : i32
      "tpu.region"() ({
        %run_scoped3A = tpu.sem_alloc : memref<!tpu.dma_semaphore, #tpu.memory_space<semaphore_mem>>
        %dma_start3A_171 = tpu.memref_slice %arg35[%add3A_168] : memref<100000xf32, #tpu.memory_space<vmem_shared>> -> memref<2000xf32, #tpu.memory_space<vmem_shared>>
        %dma_start3A_172 = tpu.memref_slice %arg35[%add3A_168] : memref<100000xf32, #tpu.memory_space<vmem_shared>> -> memref<2000xf32, #tpu.memory_space<vmem_shared>>
        tpu.enqueue_dma source(%arg33 : memref<2000xf32, #tpu.memory_space<vmem>>) target(%dma_start3A_172 : memref<2000xf32, #tpu.memory_space<vmem_shared>>) target_semaphore(%run_scoped3A : memref<!tpu.dma_semaphore, #tpu.memory_space<semaphore_mem>>)
        %dma_wait3A_173 = tpu.memref_slice %arg35[%add3A_168] : memref<100000xf32, #tpu.memory_space<vmem_shared>> -> memref<2000xf32, #tpu.memory_space<vmem_shared>>
        %dma_wait3A_174 = tpu.memref_slice %arg35[%add3A_168] : memref<100000xf32, #tpu.memory_space<vmem_shared>> -> memref<2000xf32, #tpu.memory_space<vmem_shared>>
        tpu.wait_dma2 semaphore(%run_scoped3A : memref<!tpu.dma_semaphore, #tpu.memory_space<semaphore_mem>>) src(%arg33 : memref<2000xf32, #tpu.memory_space<vmem>>) dst(%dma_wait3A_174 : memref<2000xf32, #tpu.memory_space<vmem_shared>>)
        tpu.yield
      }) : () -> ()
      %add3A_169 = arith.constant 8000 : i32
      %add3A_170 = arith.addi %mul3A_160, %add3A_169 : i32
      "tpu.region"() ({
        %run_scoped3A = tpu.sem_alloc : memref<!tpu.dma_semaphore, #tpu.memory_space<semaphore_mem>>
        %dma_start3A_171 = tpu.memref_slice %arg35[%add3A_170] : memref<100000xf32, #tpu.memory_space<vmem_shared>> -> memref<2000xf32, #tpu.memory_space<vmem_shared>>
        %dma_start3A_172 = tpu.memref_slice %arg35[%add3A_170] : memref<100000xf32, #tpu.memory_space<vmem_shared>> -> memref<2000xf32, #tpu.memory_space<vmem_shared>>
        tpu.enqueue_dma source(%arg33 : memref<2000xf32, #tpu.memory_space<vmem>>) target(%dma_start3A_172 : memref<2000xf32, #tpu.memory_space<vmem_shared>>) target_semaphore(%run_scoped3A : memref<!tpu.dma_semaphore, #tpu.memory_space<semaphore_mem>>)
        %dma_wait3A_173 = tpu.memref_slice %arg35[%add3A_170] : memref<100000xf32, #tpu.memory_space<vmem_shared>> -> memref<2000xf32, #tpu.memory_space<vmem_shared>>
        %dma_wait3A_174 = tpu.memref_slice %arg35[%add3A_170] : memref<100000xf32, #tpu.memory_space<vmem_shared>> -> memref<2000xf32, #tpu.memory_space<vmem_shared>>
        tpu.wait_dma2 semaphore(%run_scoped3A : memref<!tpu.dma_semaphore, #tpu.memory_space<semaphore_mem>>) src(%arg33 : memref<2000xf32, #tpu.memory_space<vmem>>) dst(%dma_wait3A_174 : memref<2000xf32, #tpu.memory_space<vmem_shared>>)
        tpu.yield
      }) : () -> ()
      "tpu.region"() ({
        %run_scoped3A = tpu.sem_alloc : memref<!tpu.dma_semaphore, #tpu.memory_space<semaphore_mem>>
        %dma_start3A_171 = tpu.memref_slice %arg36[%mul3A_160] : memref<100000xf32, #tpu.memory_space<vmem_shared>> -> memref<10000xf32, #tpu.memory_space<vmem_shared>>
        %dma_start3A_172 = tpu.memref_slice %arg5[%mul3A_160] : memref<100000xf32, #tpu.memory_space<hbm>> -> memref<10000xf32, #tpu.memory_space<hbm>>
        tpu.enqueue_dma source(%dma_start3A_172 : memref<10000xf32, #tpu.memory_space<hbm>>) target(%dma_start3A_171 : memref<10000xf32, #tpu.memory_space<vmem_shared>>) target_semaphore(%run_scoped3A : memref<!tpu.dma_semaphore, #tpu.memory_space<semaphore_mem>>)
        %dma_wait3A_173 = tpu.memref_slice %arg36[%mul3A_160] : memref<100000xf32, #tpu.memory_space<vmem_shared>> -> memref<10000xf32, #tpu.memory_space<vmem_shared>>
        %dma_wait3A_174 = tpu.memref_slice %arg5[%mul3A_160] : memref<100000xf32, #tpu.memory_space<hbm>> -> memref<10000xf32, #tpu.memory_space<hbm>>
        tpu.wait_dma2 semaphore(%run_scoped3A : memref<!tpu.dma_semaphore, #tpu.memory_space<semaphore_mem>>) src(%dma_wait3A_174 : memref<10000xf32, #tpu.memory_space<hbm>>) dst(%dma_wait3A_173 : memref<10000xf32, #tpu.memory_space<vmem_shared>>)
        tpu.yield
      }) : () -> ()
      "tpu.region"() ({
        %run_scoped3A = tpu.sem_alloc : memref<!tpu.dma_semaphore, #tpu.memory_space<semaphore_mem>>
        %dma_start3A_171 = tpu.memref_slice %arg37[%mul3A_160] : memref<100000xf32, #tpu.memory_space<vmem_shared>> -> memref<10000xf32, #tpu.memory_space<vmem_shared>>
        %dma_start3A_172 = tpu.memref_slice %arg6[%mul3A_160] : memref<100000xf32, #tpu.memory_space<hbm>> -> memref<10000xf32, #tpu.memory_space<hbm>>
        tpu.enqueue_dma source(%dma_start3A_172 : memref<10000xf32, #tpu.memory_space<hbm>>) target(%dma_start3A_171 : memref<10000xf32, #tpu.memory_space<vmem_shared>>) target_semaphore(%run_scoped3A : memref<!tpu.dma_semaphore, #tpu.memory_space<semaphore_mem>>)
        %dma_wait3A_173 = tpu.memref_slice %arg37[%mul3A_160] : memref<100000xf32, #tpu.memory_space<vmem_shared>> -> memref<10000xf32, #tpu.memory_space<vmem_shared>>
        %dma_wait3A_174 = tpu.memref_slice %arg6[%mul3A_160] : memref<100000xf32, #tpu.memory_space<hbm>> -> memref<10000xf32, #tpu.memory_space<hbm>>
        tpu.wait_dma2 semaphore(%run_scoped3A : memref<!tpu.dma_semaphore, #tpu.memory_space<semaphore_mem>>) src(%dma_wait3A_174 : memref<10000xf32, #tpu.memory_space<hbm>>) dst(%dma_wait3A_173 : memref<10000xf32, #tpu.memory_space<vmem_shared>>)
        tpu.yield
      }) : () -> ()
    } else {
    }
    "tpu.region"() ({
      %run_scoped3A = tpu.sem_alloc : memref<!tpu.dma_semaphore, #tpu.memory_space<semaphore_mem>>
      tpu.enqueue_dma source(%arg7 : memref<16xf32, #tpu.memory_space<hbm>>) target(%arg31 : memref<16xf32, #tpu.memory_space<vmem>>) target_semaphore(%run_scoped3A : memref<!tpu.dma_semaphore, #tpu.memory_space<semaphore_mem>>)
      tpu.wait_dma2 semaphore(%run_scoped3A : memref<!tpu.dma_semaphore, #tpu.memory_space<semaphore_mem>>) src(%arg7 : memref<16xf32, #tpu.memory_space<hbm>>) dst(%arg31 : memref<16xf32, #tpu.memory_space<vmem>>)
      tpu.yield
    }) : () -> ()
    %barrier3A = arith.constant 0 : index
    tpu.barrier barrier_id(%barrier3A)
    %get3A = arith.constant 0 : index
    %get3A_19 = tpu.vector_load %arg31[%get3A] {strides = array<i32>} : memref<16xf32, #tpu.memory_space<vmem>>, vector<16xf32>,
    %get3A_20 = vector.shape_cast %get3A_19 : vector<16xf32> to vector<16xf32>
    %slice3A = vector.extract_strided_slice %get3A_20 {offsets = [0], sizes = [1], strides = [1]} : vector<16xf32> to vector<1xf32>
    %squeeze3A = vector.extract %slice3A[0] : f32 from vector<1xf32>
    %mul3A = arith.constant 16 : i32
    %mul3A_21 = arith.muli %arg0, %mul3A : i32
    %add3A = arith.addi %mul3A_21, %arg1 : i32
    %mul3A_22 = arith.constant 200000 : i32
    %mul3A_23 = arith.muli %add3A, %mul3A_22 : i32
    %mul3A_24 = arith.constant 100000 : i32
    %mul3A_25 = arith.muli %arg0, %mul3A_24 : i32
    "tpu.region"() ({
      %run_scoped3A = tpu.sem_alloc : memref<!tpu.dma_semaphore, #tpu.memory_space<semaphore_mem>>
      %dma_start3A_159 = tpu.memref_slice %arg2[%mul3A_23] : memref<6400000xi32, #tpu.memory_space<hbm>> -> memref<128xi32, #tpu.memory_space<hbm>>
      %dma_start3A_160 = tpu.memref_slice %arg2[%mul3A_23] : memref<6400000xi32, #tpu.memory_space<hbm>> -> memref<128xi32, #tpu.memory_space<hbm>>
      tpu.enqueue_dma source(%dma_start3A_160 : memref<128xi32, #tpu.memory_space<hbm>>) target(%arg10 : memref<128xi32, #tpu.memory_space<vmem>>) target_semaphore(%run_scoped3A : memref<!tpu.dma_semaphore, #tpu.memory_space<semaphore_mem>>)
      %dma_wait3A_161 = tpu.memref_slice %arg2[%mul3A_23] : memref<6400000xi32, #tpu.memory_space<hbm>> -> memref<128xi32, #tpu.memory_space<hbm>>
      %dma_wait3A_162 = tpu.memref_slice %arg2[%mul3A_23] : memref<6400000xi32, #tpu.memory_space<hbm>> -> memref<128xi32, #tpu.memory_space<hbm>>
      tpu.wait_dma2 semaphore(%run_scoped3A : memref<!tpu.dma_semaphore, #tpu.memory_space<semaphore_mem>>) src(%dma_wait3A_162 : memref<128xi32, #tpu.memory_space<hbm>>) dst(%arg10 : memref<128xi32, #tpu.memory_space<vmem>>)
      tpu.yield
    }) : () -> ()
    "tpu.region"() ({
      %run_scoped3A = tpu.sem_alloc : memref<!tpu.dma_semaphore, #tpu.memory_space<semaphore_mem>>
      %dma_start3A_159 = tpu.memref_slice %arg3[%mul3A_23] : memref<6400000xi32, #tpu.memory_space<hbm>> -> memref<128xi32, #tpu.memory_space<hbm>>
      %dma_start3A_160 = tpu.memref_slice %arg3[%mul3A_23] : memref<6400000xi32, #tpu.memory_space<hbm>> -> memref<128xi32, #tpu.memory_space<hbm>>
      tpu.enqueue_dma source(%dma_start3A_160 : memref<128xi32, #tpu.memory_space<hbm>>) target(%arg12 : memref<128xi32, #tpu.memory_space<vmem>>) target_semaphore(%run_scoped3A : memref<!tpu.dma_semaphore, #tpu.memory_space<semaphore_mem>>)
      %dma_wait3A_161 = tpu.memref_slice %arg3[%mul3A_23] : memref<6400000xi32, #tpu.memory_space<hbm>> -> memref<128xi32, #tpu.memory_space<hbm>>
      %dma_wait3A_162 = tpu.memref_slice %arg3[%mul3A_23] : memref<6400000xi32, #tpu.memory_space<hbm>> -> memref<128xi32, #tpu.memory_space<hbm>>
      tpu.wait_dma2 semaphore(%run_scoped3A : memref<!tpu.dma_semaphore, #tpu.memory_space<semaphore_mem>>) src(%dma_wait3A_162 : memref<128xi32, #tpu.memory_space<hbm>>) dst(%arg12 : memref<128xi32, #tpu.memory_space<vmem>>)
      tpu.yield
    }) : () -> ()
    %dma_start3A = arith.constant 0 : i32
    %dma_start3A_26 = tpu.memref_slice %arg36[%dma_start3A] : memref<100000xf32, #tpu.memory_space<vmem_shared>> -> memref<100000xf32, #tpu.memory_space<vmem_shared>>
    tpu.enqueue_indirect_dma source(%dma_start3A_26 : memref<100000xf32, #tpu.memory_space<vmem_shared>>) target(%arg13 : memref<128xf32, #tpu.memory_space<vmem>>) offsets(%arg10 : memref<128xi32, #tpu.memory_space<vmem>>) semaphore(%arg38 : memref<!tpu.dma_semaphore, #tpu.memory_space<semaphore_mem>>)
    %dma_start3A_27 = arith.constant 0 : i32
    %dma_start3A_28 = tpu.memref_slice %arg37[%dma_start3A_27] : memref<100000xf32, #tpu.memory_space<vmem_shared>> -> memref<100000xf32, #tpu.memory_space<vmem_shared>>
    tpu.enqueue_indirect_dma source(%dma_start3A_28 : memref<100000xf32, #tpu.memory_space<vmem_shared>>) target(%arg14 : memref<128xf32, #tpu.memory_space<vmem>>) offsets(%arg12 : memref<128xi32, #tpu.memory_space<vmem>>) semaphore(%arg39 : memref<!tpu.dma_semaphore, #tpu.memory_space<semaphore_mem>>)
    %dma_start3A_29 = arith.constant 0 : i32
    %dma_start3A_30 = arith.constant 0 : i32
    %dma_start3A_31 = tpu.memref_slice %arg4[%dma_start3A_29, %dma_start3A_30] : memref<100000x16xf32, #tpu.memory_space<hbm>> -> memref<100000x16xf32, #tpu.memory_space<hbm>>
    tpu.enqueue_indirect_dma source(%dma_start3A_31 : memref<100000x16xf32, #tpu.memory_space<hbm>>) target(%arg16 : memref<128x16xf32, #tpu.memory_space<vmem>>) offsets(%arg10 : memref<128xi32, #tpu.memory_space<vmem>>) semaphore(%arg40 : memref<!tpu.dma_semaphore, #tpu.memory_space<semaphore_mem>>)
    %scan3A_32 = arith.constant 0 : i32
    %scan3A_33 = arith.constant 0 : i32
    %scan3A_34 = arith.constant 781 : i32
    %scan3A_35 = arith.addi %scan3A_33, %scan3A_34 : i32
    %scan3A_36 = arith.constant 1 : i32
    scf.for %scan3A_159 = %scan3A_33 to %scan3A_35 step %scan3A_36  : i32 {
      %mul3A_160 = arith.constant 2 : i32
      %mul3A_161 = arith.muli %mul3A_160, %scan3A_159 : i32
      %mul3A_162 = arith.constant 128 : i32
      %mul3A_163 = arith.muli %mul3A_161, %mul3A_162 : i32
      %add3A_164 = arith.addi %mul3A_23, %mul3A_163 : i32
      %gt3A_165 = arith.constant 0 : i32
      %gt3A_166 = arith.cmpi sgt, %scan3A_159, %gt3A_165 : i32
      %convert_element_type3A_167 = arith.extui %gt3A_166 : i1 to i32
      %cond3A_168 = arith.constant 0 : i32
      %cond3A_169 = arith.cmpi ne, %convert_element_type3A_167, %cond3A_168 : i32
      scf.if %cond3A_169 {
        %dma_wait3A_556 = arith.constant 0 : i32
        %dma_wait3A_557 = arith.constant 0 : i32
        %dma_wait3A_558 = tpu.memref_slice %arg34[%dma_wait3A_556, %dma_wait3A_557] : memref<100000x16xf32, #tpu.memory_space<vmem_shared>> -> memref<100000x16xf32, #tpu.memory_space<vmem_shared>>
        tpu.wait_indirect_dma semaphore(%arg43 : memref<!tpu.dma_semaphore, #tpu.memory_space<semaphore_mem>>) src(%arg23 : memref<128x16xf32, #tpu.memory_space<vmem>>) dst(%dma_wait3A_558 : memref<100000x16xf32, #tpu.memory_space<vmem_shared>>)
        %dma_wait3A_559 = arith.constant 0 : i32
        %dma_wait3A_560 = tpu.memref_slice %arg35[%dma_wait3A_559] : memref<100000xf32, #tpu.memory_space<vmem_shared>> -> memref<100000xf32, #tpu.memory_space<vmem_shared>>
        tpu.wait_indirect_dma semaphore(%arg44 : memref<!tpu.dma_semaphore, #tpu.memory_space<semaphore_mem>>) src(%arg22 : memref<128xf32, #tpu.memory_space<vmem>>) dst(%dma_wait3A_560 : memref<100000xf32, #tpu.memory_space<vmem_shared>>)
      } else {
      }
      %add3A_170 = arith.constant 128 : i32
      %add3A_171 = arith.addi %add3A_164, %add3A_170 : i32
      "tpu.region"() ({
        %run_scoped3A = tpu.sem_alloc : memref<!tpu.dma_semaphore, #tpu.memory_space<semaphore_mem>>
        %dma_start3A_556 = tpu.memref_slice %arg2[%add3A_171] : memref<6400000xi32, #tpu.memory_space<hbm>> -> memref<128xi32, #tpu.memory_space<hbm>>
        %dma_start3A_557 = tpu.memref_slice %arg2[%add3A_171] : memref<6400000xi32, #tpu.memory_space<hbm>> -> memref<128xi32, #tpu.memory_space<hbm>>
        tpu.enqueue_dma source(%dma_start3A_557 : memref<128xi32, #tpu.memory_space<hbm>>) target(%arg17 : memref<128xi32, #tpu.memory_space<vmem>>) target_semaphore(%run_scoped3A : memref<!tpu.dma_semaphore, #tpu.memory_space<semaphore_mem>>)
        %dma_wait3A_558 = tpu.memref_slice %arg2[%add3A_171] : memref<6400000xi32, #tpu.memory_space<hbm>> -> memref<128xi32, #tpu.memory_space<hbm>>
        %dma_wait3A_559 = tpu.memref_slice %arg2[%add3A_171] : memref<6400000xi32, #tpu.memory_space<hbm>> -> memref<128xi32, #tpu.memory_space<hbm>>
        tpu.wait_dma2 semaphore(%run_scoped3A : memref<!tpu.dma_semaphore, #tpu.memory_space<semaphore_mem>>) src(%dma_wait3A_559 : memref<128xi32, #tpu.memory_space<hbm>>) dst(%arg17 : memref<128xi32, #tpu.memory_space<vmem>>)
        tpu.yield
      }) : () -> ()
      "tpu.region"() ({
        %run_scoped3A = tpu.sem_alloc : memref<!tpu.dma_semaphore, #tpu.memory_space<semaphore_mem>>
        %dma_start3A_556 = tpu.memref_slice %arg3[%add3A_171] : memref<6400000xi32, #tpu.memory_space<hbm>> -> memref<128xi32, #tpu.memory_space<hbm>>
        %dma_start3A_557 = tpu.memref_slice %arg3[%add3A_171] : memref<6400000xi32, #tpu.memory_space<hbm>> -> memref<128xi32, #tpu.memory_space<hbm>>
        tpu.enqueue_dma source(%dma_start3A_557 : memref<128xi32, #tpu.memory_space<hbm>>) target(%arg19 : memref<128xi32, #tpu.memory_space<vmem>>) target_semaphore(%run_scoped3A : memref<!tpu.dma_semaphore, #tpu.memory_space<semaphore_mem>>)
        %dma_wait3A_558 = tpu.memref_slice %arg3[%add3A_171] : memref<6400000xi32, #tpu.memory_space<hbm>> -> memref<128xi32, #tpu.memory_space<hbm>>
        %dma_wait3A_559 = tpu.memref_slice %arg3[%add3A_171] : memref<6400000xi32, #tpu.memory_space<hbm>> -> memref<128xi32, #tpu.memory_space<hbm>>
        tpu.wait_dma2 semaphore(%run_scoped3A : memref<!tpu.dma_semaphore, #tpu.memory_space<semaphore_mem>>) src(%dma_wait3A_559 : memref<128xi32, #tpu.memory_space<hbm>>) dst(%arg19 : memref<128xi32, #tpu.memory_space<vmem>>)
        tpu.yield
      }) : () -> ()
      %dma_wait3A_172 = arith.constant 0 : i32
      %dma_wait3A_173 = tpu.memref_slice %arg36[%dma_wait3A_172] : memref<100000xf32, #tpu.memory_space<vmem_shared>> -> memref<100000xf32, #tpu.memory_space<vmem_shared>>
      tpu.wait_indirect_dma semaphore(%arg38 : memref<!tpu.dma_semaphore, #tpu.memory_space<semaphore_mem>>) src(%dma_wait3A_173 : memref<100000xf32, #tpu.memory_space<vmem_shared>>) dst(%arg13 : memref<128xf32, #tpu.memory_space<vmem>>)
      %dma_wait3A_174 = arith.constant 0 : i32
      %dma_wait3A_175 = tpu.memref_slice %arg37[%dma_wait3A_174] : memref<100000xf32, #tpu.memory_space<vmem_shared>> -> memref<100000xf32, #tpu.memory_space<vmem_shared>>
      tpu.wait_indirect_dma semaphore(%arg39 : memref<!tpu.dma_semaphore, #tpu.memory_space<semaphore_mem>>) src(%dma_wait3A_175 : memref<100000xf32, #tpu.memory_space<vmem_shared>>) dst(%arg14 : memref<128xf32, #tpu.memory_space<vmem>>)
      %dma_wait3A_176 = arith.constant 0 : i32
      %dma_wait3A_177 = arith.constant 0 : i32
      %dma_wait3A_178 = tpu.memref_slice %arg4[%dma_wait3A_176, %dma_wait3A_177] : memref<100000x16xf32, #tpu.memory_space<hbm>> -> memref<100000x16xf32, #tpu.memory_space<hbm>>
      tpu.wait_indirect_dma semaphore(%arg40 : memref<!tpu.dma_semaphore, #tpu.memory_space<semaphore_mem>>) src(%dma_wait3A_178 : memref<100000x16xf32, #tpu.memory_space<hbm>>) dst(%arg16 : memref<128x16xf32, #tpu.memory_space<vmem>>)
      %dma_start3A_179 = arith.constant 0 : i32
      %dma_start3A_180 = tpu.memref_slice %arg36[%dma_start3A_179] : memref<100000xf32, #tpu.memory_space<vmem_shared>> -> memref<100000xf32, #tpu.memory_space<vmem_shared>>
      tpu.enqueue_indirect_dma source(%dma_start3A_180 : memref<100000xf32, #tpu.memory_space<vmem_shared>>) target(%arg20 : memref<128xf32, #tpu.memory_space<vmem>>) offsets(%arg17 : memref<128xi32, #tpu.memory_space<vmem>>) semaphore(%arg38 : memref<!tpu.dma_semaphore, #tpu.memory_space<semaphore_mem>>)
      %dma_start3A_181 = arith.constant 0 : i32
      %dma_start3A_182 = tpu.memref_slice %arg37[%dma_start3A_181] : memref<100000xf32, #tpu.memory_space<vmem_shared>> -> memref<100000xf32, #tpu.memory_space<vmem_shared>>
      tpu.enqueue_indirect_dma source(%dma_start3A_182 : memref<100000xf32, #tpu.memory_space<vmem_shared>>) target(%arg21 : memref<128xf32, #tpu.memory_space<vmem>>) offsets(%arg19 : memref<128xi32, #tpu.memory_space<vmem>>) semaphore(%arg39 : memref<!tpu.dma_semaphore, #tpu.memory_space<semaphore_mem>>)
      %dma_start3A_183 = arith.constant 0 : i32
      %dma_start3A_184 = arith.constant 0 : i32
      %dma_start3A_185 = tpu.memref_slice %arg4[%dma_start3A_183, %dma_start3A_184] : memref<100000x16xf32, #tpu.memory_space<hbm>> -> memref<100000x16xf32, #tpu.memory_space<hbm>>
      tpu.enqueue_indirect_dma source(%dma_start3A_185 : memref<100000x16xf32, #tpu.memory_space<hbm>>) target(%arg23 : memref<128x16xf32, #tpu.memory_space<vmem>>) offsets(%arg17 : memref<128xi32, #tpu.memory_space<vmem>>) semaphore(%arg40 : memref<!tpu.dma_semaphore, #tpu.memory_space<semaphore_mem>>)
      %get3A_186 = arith.constant 0 : index
      %get3A_187 = tpu.vector_load %arg13[%get3A_186] {strides = array<i32>} : memref<128xf32, #tpu.memory_space<vmem>>, vector<16xf32>,
      %get3A_188 = vector.shape_cast %get3A_187 : vector<16xf32> to vector<16xf32>
      %get3A_189 = arith.constant 0 : index
      %get3A_190 = tpu.vector_load %arg14[%get3A_189] {strides = array<i32>} : memref<128xf32, #tpu.memory_space<vmem>>, vector<16xf32>,
      %get3A_191 = vector.shape_cast %get3A_190 : vector<16xf32> to vector<16xf32>
      %add3A_192 = arith.addf %get3A_188, %get3A_191 : vector<16xf32>
      %gt3A_193 = arith.constant 0.000000e+00 : f32
      %gt3A_194 = vector.broadcast %gt3A_193 : f32 to vector<16xf32>
      %gt3A_195 = arith.cmpf ogt, %add3A_192, %gt3A_194 : vector<16xf32>
      %mul3A_196 = arith.constant 2.000000e-01 : f32
      %mul3A_197 = vector.broadcast %mul3A_196 : f32 to vector<16xf32>
      %mul3A_198 = arith.mulf %mul3A_197, %add3A_192 : vector<16xf32>
      %select_n3A_199 = arith.select %gt3A_195, %add3A_192, %mul3A_198 : vector<16xi1>, vector<16xf32>
      %sub3A_200 = vector.broadcast %squeeze3A : f32 to vector<16xf32>
      %sub3A_201 = arith.subf %select_n3A_199, %sub3A_200 : vector<16xf32>
      %exp3A_202 = math.exp %sub3A_201 : vector<16xf32>
      %swap3A_203 = arith.constant 0 : index
      %swap3A_204 = tpu.vector_load %arg15[%swap3A_203] {strides = array<i32>} : memref<128xf32, #tpu.memory_space<vmem>>, vector<16xf32>,
      %swap3A_205 = vector.shape_cast %swap3A_204 : vector<16xf32> to vector<16xf32>
      %swap3A_206 = vector.shape_cast %exp3A_202 : vector<16xf32> to vector<16xf32>
      tpu.vector_store %arg15[%swap3A_203], %swap3A_206 {strides = array<i32>} : memref<128xf32, #tpu.memory_space<vmem>>, vector<16xf32>,
      %get3A_207 = arith.constant 16 : index
      %get3A_208 = tpu.vector_load %arg13[%get3A_207] {strides = array<i32>} : memref<128xf32, #tpu.memory_space<vmem>>, vector<16xf32>,
      %get3A_209 = vector.shape_cast %get3A_208 : vector<16xf32> to vector<16xf32>
      %get3A_210 = arith.constant 16 : index
      %get3A_211 = tpu.vector_load %arg14[%get3A_210] {strides = array<i32>} : memref<128xf32, #tpu.memory_space<vmem>>, vector<16xf32>,
      %get3A_212 = vector.shape_cast %get3A_211 : vector<16xf32> to vector<16xf32>
      %add3A_213 = arith.addf %get3A_209, %get3A_212 : vector<16xf32>
      %gt3A_214 = arith.constant 0.000000e+00 : f32
      %gt3A_215 = vector.broadcast %gt3A_214 : f32 to vector<16xf32>
      %gt3A_216 = arith.cmpf ogt, %add3A_213, %gt3A_215 : vector<16xf32>
      %mul3A_217 = arith.constant 2.000000e-01 : f32
      %mul3A_218 = vector.broadcast %mul3A_217 : f32 to vector<16xf32>
      %mul3A_219 = arith.mulf %mul3A_218, %add3A_213 : vector<16xf32>
      %select_n3A_220 = arith.select %gt3A_216, %add3A_213, %mul3A_219 : vector<16xi1>, vector<16xf32>
      %sub3A_221 = vector.broadcast %squeeze3A : f32 to vector<16xf32>
      %sub3A_222 = arith.subf %select_n3A_220, %sub3A_221 : vector<16xf32>
      %exp3A_223 = math.exp %sub3A_222 : vector<16xf32>
      %swap3A_224 = arith.constant 16 : index
      %swap3A_225 = tpu.vector_load %arg15[%swap3A_224] {strides = array<i32>} : memref<128xf32, #tpu.memory_space<vmem>>, vector<16xf32>,
      %swap3A_226 = vector.shape_cast %swap3A_225 : vector<16xf32> to vector<16xf32>
      %swap3A_227 = vector.shape_cast %exp3A_223 : vector<16xf32> to vector<16xf32>
      tpu.vector_store %arg15[%swap3A_224], %swap3A_227 {strides = array<i32>} : memref<128xf32, #tpu.memory_space<vmem>>, vector<16xf32>,
      %get3A_228 = arith.constant 32 : index
      %get3A_229 = tpu.vector_load %arg13[%get3A_228] {strides = array<i32>} : memref<128xf32, #tpu.memory_space<vmem>>, vector<16xf32>,
      %get3A_230 = vector.shape_cast %get3A_229 : vector<16xf32> to vector<16xf32>
      %get3A_231 = arith.constant 32 : index
      %get3A_232 = tpu.vector_load %arg14[%get3A_231] {strides = array<i32>} : memref<128xf32, #tpu.memory_space<vmem>>, vector<16xf32>,
      %get3A_233 = vector.shape_cast %get3A_232 : vector<16xf32> to vector<16xf32>
      %add3A_234 = arith.addf %get3A_230, %get3A_233 : vector<16xf32>
      %gt3A_235 = arith.constant 0.000000e+00 : f32
      %gt3A_236 = vector.broadcast %gt3A_235 : f32 to vector<16xf32>
      %gt3A_237 = arith.cmpf ogt, %add3A_234, %gt3A_236 : vector<16xf32>
      %mul3A_238 = arith.constant 2.000000e-01 : f32
      %mul3A_239 = vector.broadcast %mul3A_238 : f32 to vector<16xf32>
      %mul3A_240 = arith.mulf %mul3A_239, %add3A_234 : vector<16xf32>
      %select_n3A_241 = arith.select %gt3A_237, %add3A_234, %mul3A_240 : vector<16xi1>, vector<16xf32>
      %sub3A_242 = vector.broadcast %squeeze3A : f32 to vector<16xf32>
      %sub3A_243 = arith.subf %select_n3A_241, %sub3A_242 : vector<16xf32>
      %exp3A_244 = math.exp %sub3A_243 : vector<16xf32>
      %swap3A_245 = arith.constant 32 : index
      %swap3A_246 = tpu.vector_load %arg15[%swap3A_245] {strides = array<i32>} : memref<128xf32, #tpu.memory_space<vmem>>, vector<16xf32>,
      %swap3A_247 = vector.shape_cast %swap3A_246 : vector<16xf32> to vector<16xf32>
      %swap3A_248 = vector.shape_cast %exp3A_244 : vector<16xf32> to vector<16xf32>
      tpu.vector_store %arg15[%swap3A_245], %swap3A_248 {strides = array<i32>} : memref<128xf32, #tpu.memory_space<vmem>>, vector<16xf32>,
      %get3A_249 = arith.constant 48 : index
      %get3A_250 = tpu.vector_load %arg13[%get3A_249] {strides = array<i32>} : memref<128xf32, #tpu.memory_space<vmem>>, vector<16xf32>,
      %get3A_251 = vector.shape_cast %get3A_250 : vector<16xf32> to vector<16xf32>
      %get3A_252 = arith.constant 48 : index
      %get3A_253 = tpu.vector_load %arg14[%get3A_252] {strides = array<i32>} : memref<128xf32, #tpu.memory_space<vmem>>, vector<16xf32>,
      %get3A_254 = vector.shape_cast %get3A_253 : vector<16xf32> to vector<16xf32>
      %add3A_255 = arith.addf %get3A_251, %get3A_254 : vector<16xf32>
      %gt3A_256 = arith.constant 0.000000e+00 : f32
      %gt3A_257 = vector.broadcast %gt3A_256 : f32 to vector<16xf32>
      %gt3A_258 = arith.cmpf ogt, %add3A_255, %gt3A_257 : vector<16xf32>
      %mul3A_259 = arith.constant 2.000000e-01 : f32
      %mul3A_260 = vector.broadcast %mul3A_259 : f32 to vector<16xf32>
      %mul3A_261 = arith.mulf %mul3A_260, %add3A_255 : vector<16xf32>
      %select_n3A_262 = arith.select %gt3A_258, %add3A_255, %mul3A_261 : vector<16xi1>, vector<16xf32>
      %sub3A_263 = vector.broadcast %squeeze3A : f32 to vector<16xf32>
      %sub3A_264 = arith.subf %select_n3A_262, %sub3A_263 : vector<16xf32>
      %exp3A_265 = math.exp %sub3A_264 : vector<16xf32>
      %swap3A_266 = arith.constant 48 : index
      %swap3A_267 = tpu.vector_load %arg15[%swap3A_266] {strides = array<i32>} : memref<128xf32, #tpu.memory_space<vmem>>, vector<16xf32>,
      %swap3A_268 = vector.shape_cast %swap3A_267 : vector<16xf32> to vector<16xf32>
      %swap3A_269 = vector.shape_cast %exp3A_265 : vector<16xf32> to vector<16xf32>
      tpu.vector_store %arg15[%swap3A_266], %swap3A_269 {strides = array<i32>} : memref<128xf32, #tpu.memory_space<vmem>>, vector<16xf32>,
      %get3A_270 = arith.constant 64 : index
      %get3A_271 = tpu.vector_load %arg13[%get3A_270] {strides = array<i32>} : memref<128xf32, #tpu.memory_space<vmem>>, vector<16xf32>,
      %get3A_272 = vector.shape_cast %get3A_271 : vector<16xf32> to vector<16xf32>
      %get3A_273 = arith.constant 64 : index
      %get3A_274 = tpu.vector_load %arg14[%get3A_273] {strides = array<i32>} : memref<128xf32, #tpu.memory_space<vmem>>, vector<16xf32>,
      %get3A_275 = vector.shape_cast %get3A_274 : vector<16xf32> to vector<16xf32>
      %add3A_276 = arith.addf %get3A_272, %get3A_275 : vector<16xf32>
      %gt3A_277 = arith.constant 0.000000e+00 : f32
      %gt3A_278 = vector.broadcast %gt3A_277 : f32 to vector<16xf32>
      %gt3A_279 = arith.cmpf ogt, %add3A_276, %gt3A_278 : vector<16xf32>
      %mul3A_280 = arith.constant 2.000000e-01 : f32
      %mul3A_281 = vector.broadcast %mul3A_280 : f32 to vector<16xf32>
      %mul3A_282 = arith.mulf %mul3A_281, %add3A_276 : vector<16xf32>
      %select_n3A_283 = arith.select %gt3A_279, %add3A_276, %mul3A_282 : vector<16xi1>, vector<16xf32>
      %sub3A_284 = vector.broadcast %squeeze3A : f32 to vector<16xf32>
      %sub3A_285 = arith.subf %select_n3A_283, %sub3A_284 : vector<16xf32>
      %exp3A_286 = math.exp %sub3A_285 : vector<16xf32>
      %swap3A_287 = arith.constant 64 : index
      %swap3A_288 = tpu.vector_load %arg15[%swap3A_287] {strides = array<i32>} : memref<128xf32, #tpu.memory_space<vmem>>, vector<16xf32>,
      %swap3A_289 = vector.shape_cast %swap3A_288 : vector<16xf32> to vector<16xf32>
      %swap3A_290 = vector.shape_cast %exp3A_286 : vector<16xf32> to vector<16xf32>
      tpu.vector_store %arg15[%swap3A_287], %swap3A_290 {strides = array<i32>} : memref<128xf32, #tpu.memory_space<vmem>>, vector<16xf32>,
      %get3A_291 = arith.constant 80 : index
      %get3A_292 = tpu.vector_load %arg13[%get3A_291] {strides = array<i32>} : memref<128xf32, #tpu.memory_space<vmem>>, vector<16xf32>,
      %get3A_293 = vector.shape_cast %get3A_292 : vector<16xf32> to vector<16xf32>
      %get3A_294 = arith.constant 80 : index
      %get3A_295 = tpu.vector_load %arg14[%get3A_294] {strides = array<i32>} : memref<128xf32, #tpu.memory_space<vmem>>, vector<16xf32>,
      %get3A_296 = vector.shape_cast %get3A_295 : vector<16xf32> to vector<16xf32>
      %add3A_297 = arith.addf %get3A_293, %get3A_296 : vector<16xf32>
      %gt3A_298 = arith.constant 0.000000e+00 : f32
      %gt3A_299 = vector.broadcast %gt3A_298 : f32 to vector<16xf32>
      %gt3A_300 = arith.cmpf ogt, %add3A_297, %gt3A_299 : vector<16xf32>
      %mul3A_301 = arith.constant 2.000000e-01 : f32
      %mul3A_302 = vector.broadcast %mul3A_301 : f32 to vector<16xf32>
      %mul3A_303 = arith.mulf %mul3A_302, %add3A_297 : vector<16xf32>
      %select_n3A_304 = arith.select %gt3A_300, %add3A_297, %mul3A_303 : vector<16xi1>, vector<16xf32>
      %sub3A_305 = vector.broadcast %squeeze3A : f32 to vector<16xf32>
      %sub3A_306 = arith.subf %select_n3A_304, %sub3A_305 : vector<16xf32>
      %exp3A_307 = math.exp %sub3A_306 : vector<16xf32>
      %swap3A_308 = arith.constant 80 : index
      %swap3A_309 = tpu.vector_load %arg15[%swap3A_308] {strides = array<i32>} : memref<128xf32, #tpu.memory_space<vmem>>, vector<16xf32>,
      %swap3A_310 = vector.shape_cast %swap3A_309 : vector<16xf32> to vector<16xf32>
      %swap3A_311 = vector.shape_cast %exp3A_307 : vector<16xf32> to vector<16xf32>
      tpu.vector_store %arg15[%swap3A_308], %swap3A_311 {strides = array<i32>} : memref<128xf32, #tpu.memory_space<vmem>>, vector<16xf32>,
      %get3A_312 = arith.constant 96 : index
      %get3A_313 = tpu.vector_load %arg13[%get3A_312] {strides = array<i32>} : memref<128xf32, #tpu.memory_space<vmem>>, vector<16xf32>,
      %get3A_314 = vector.shape_cast %get3A_313 : vector<16xf32> to vector<16xf32>
      %get3A_315 = arith.constant 96 : index
      %get3A_316 = tpu.vector_load %arg14[%get3A_315] {strides = array<i32>} : memref<128xf32, #tpu.memory_space<vmem>>, vector<16xf32>,
      %get3A_317 = vector.shape_cast %get3A_316 : vector<16xf32> to vector<16xf32>
      %add3A_318 = arith.addf %get3A_314, %get3A_317 : vector<16xf32>
      %gt3A_319 = arith.constant 0.000000e+00 : f32
      %gt3A_320 = vector.broadcast %gt3A_319 : f32 to vector<16xf32>
      %gt3A_321 = arith.cmpf ogt, %add3A_318, %gt3A_320 : vector<16xf32>
      %mul3A_322 = arith.constant 2.000000e-01 : f32
      %mul3A_323 = vector.broadcast %mul3A_322 : f32 to vector<16xf32>
      %mul3A_324 = arith.mulf %mul3A_323, %add3A_318 : vector<16xf32>
      %select_n3A_325 = arith.select %gt3A_321, %add3A_318, %mul3A_324 : vector<16xi1>, vector<16xf32>
      %sub3A_326 = vector.broadcast %squeeze3A : f32 to vector<16xf32>
      %sub3A_327 = arith.subf %select_n3A_325, %sub3A_326 : vector<16xf32>
      %exp3A_328 = math.exp %sub3A_327 : vector<16xf32>
      %swap3A_329 = arith.constant 96 : index
      %swap3A_330 = tpu.vector_load %arg15[%swap3A_329] {strides = array<i32>} : memref<128xf32, #tpu.memory_space<vmem>>, vector<16xf32>,
      %swap3A_331 = vector.shape_cast %swap3A_330 : vector<16xf32> to vector<16xf32>
      %swap3A_332 = vector.shape_cast %exp3A_328 : vector<16xf32> to vector<16xf32>
      tpu.vector_store %arg15[%swap3A_329], %swap3A_332 {strides = array<i32>} : memref<128xf32, #tpu.memory_space<vmem>>, vector<16xf32>,
      %get3A_333 = arith.constant 112 : index
      %get3A_334 = tpu.vector_load %arg13[%get3A_333] {strides = array<i32>} : memref<128xf32, #tpu.memory_space<vmem>>, vector<16xf32>,
      %get3A_335 = vector.shape_cast %get3A_334 : vector<16xf32> to vector<16xf32>
      %get3A_336 = arith.constant 112 : index
      %get3A_337 = tpu.vector_load %arg14[%get3A_336] {strides = array<i32>} : memref<128xf32, #tpu.memory_space<vmem>>, vector<16xf32>,
      %get3A_338 = vector.shape_cast %get3A_337 : vector<16xf32> to vector<16xf32>
      %add3A_339 = arith.addf %get3A_335, %get3A_338 : vector<16xf32>
      %gt3A_340 = arith.constant 0.000000e+00 : f32
      %gt3A_341 = vector.broadcast %gt3A_340 : f32 to vector<16xf32>
      %gt3A_342 = arith.cmpf ogt, %add3A_339, %gt3A_341 : vector<16xf32>
      %mul3A_343 = arith.constant 2.000000e-01 : f32
      %mul3A_344 = vector.broadcast %mul3A_343 : f32 to vector<16xf32>
      %mul3A_345 = arith.mulf %mul3A_344, %add3A_339 : vector<16xf32>
      %select_n3A_346 = arith.select %gt3A_342, %add3A_339, %mul3A_345 : vector<16xi1>, vector<16xf32>
      %sub3A_347 = vector.broadcast %squeeze3A : f32 to vector<16xf32>
      %sub3A_348 = arith.subf %select_n3A_346, %sub3A_347 : vector<16xf32>
      %exp3A_349 = math.exp %sub3A_348 : vector<16xf32>
      %swap3A_350 = arith.constant 112 : index
      %swap3A_351 = tpu.vector_load %arg15[%swap3A_350] {strides = array<i32>} : memref<128xf32, #tpu.memory_space<vmem>>, vector<16xf32>,
      %swap3A_352 = vector.shape_cast %swap3A_351 : vector<16xf32> to vector<16xf32>
      %swap3A_353 = vector.shape_cast %exp3A_349 : vector<16xf32> to vector<16xf32>
      tpu.vector_store %arg15[%swap3A_350], %swap3A_353 {strides = array<i32>} : memref<128xf32, #tpu.memory_space<vmem>>, vector<16xf32>,
      %scan3A_354 = arith.constant 0 : i32
      %scan3A_355 = arith.constant 0 : i32
      %scan3A_356 = arith.constant 8 : i32
      %scan3A_357 = arith.addi %scan3A_355, %scan3A_356 : i32
      %scan3A_358 = arith.constant 1 : i32
      scf.for %scan3A_556 = %scan3A_355 to %scan3A_357 step %scan3A_358  : i32 {
        %mul3A_557 = arith.constant 16 : i32
        %mul3A_558 = arith.muli %scan3A_556, %mul3A_557 : i32
        %get3A_559 = arith.index_cast %mul3A_558 : i32 to index
        %get3A_560 = tpu.vector_load %arg15[%get3A_559] {strides = array<i32>} : memref<128xf32, #tpu.memory_space<vmem>>, vector<16xf32>,
        %get3A_561 = vector.shape_cast %get3A_560 : vector<16xf32> to vector<16xf32>
        %mul3A_562 = arith.constant 16 : i32
        %mul3A_563 = arith.muli %scan3A_556, %mul3A_562 : i32
        %add3A_564 = arith.constant 0 : i32
        %add3A_565 = arith.addi %mul3A_563, %add3A_564 : i32
        %get3A_566 = arith.index_cast %add3A_565 : i32 to index
        %get3A_567 = arith.constant 0 : index
        %get3A_568 = tpu.vector_load %arg16[%get3A_566, %get3A_567] {strides = array<i32>} : memref<128x16xf32, #tpu.memory_space<vmem>>, vector<1x16xf32>,
        %get3A_569 = vector.shape_cast %get3A_568 : vector<1x16xf32> to vector<16xf32>
        %slice3A_570 = vector.extract_strided_slice %get3A_561 {offsets = [0], sizes = [1], strides = [1]} : vector<16xf32> to vector<1xf32>
        %squeeze3A_571 = vector.extract %slice3A_570[0] : f32 from vector<1xf32>
        %mul3A_572 = vector.broadcast %squeeze3A_571 : f32 to vector<16xf32>
        %mul3A_573 = arith.mulf %get3A_569, %mul3A_572 : vector<16xf32>
        %add3A_574 = arith.constant 0 : i32
        %add3A_575 = arith.addi %mul3A_563, %add3A_574 : i32
        %swap3A_576 = arith.index_cast %add3A_575 : i32 to index
        %swap3A_577 = arith.constant 0 : index
        %swap3A_578 = tpu.vector_load %arg16[%swap3A_576, %swap3A_577] {strides = array<i32>} : memref<128x16xf32, #tpu.memory_space<vmem>>, vector<1x16xf32>,
        %swap3A_579 = vector.shape_cast %swap3A_578 : vector<1x16xf32> to vector<16xf32>
        %swap3A_580 = vector.shape_cast %mul3A_573 : vector<16xf32> to vector<1x16xf32>
        tpu.vector_store %arg16[%swap3A_576, %swap3A_577], %swap3A_580 {strides = array<i32>} : memref<128x16xf32, #tpu.memory_space<vmem>>, vector<1x16xf32>,
        %add3A_581 = arith.constant 1 : i32
        %add3A_582 = arith.addi %mul3A_563, %add3A_581 : i32
        %get3A_583 = arith.index_cast %add3A_582 : i32 to index
        %get3A_584 = arith.constant 0 : index
        %get3A_585 = tpu.vector_load %arg16[%get3A_583, %get3A_584] {strides = array<i32>} : memref<128x16xf32, #tpu.memory_space<vmem>>, vector<1x16xf32>,
        %get3A_586 = vector.shape_cast %get3A_585 : vector<1x16xf32> to vector<16xf32>
        %slice3A_587 = vector.extract_strided_slice %get3A_561 {offsets = [1], sizes = [1], strides = [1]} : vector<16xf32> to vector<1xf32>
        %squeeze3A_588 = vector.extract %slice3A_587[0] : f32 from vector<1xf32>
        %mul3A_589 = vector.broadcast %squeeze3A_588 : f32 to vector<16xf32>
        %mul3A_590 = arith.mulf %get3A_586, %mul3A_589 : vector<16xf32>
        %add3A_591 = arith.constant 1 : i32
        %add3A_592 = arith.addi %mul3A_563, %add3A_591 : i32
        %swap3A_593 = arith.index_cast %add3A_592 : i32 to index
        %swap3A_594 = arith.constant 0 : index
        %swap3A_595 = tpu.vector_load %arg16[%swap3A_593, %swap3A_594] {strides = array<i32>} : memref<128x16xf32, #tpu.memory_space<vmem>>, vector<1x16xf32>,
        %swap3A_596 = vector.shape_cast %swap3A_595 : vector<1x16xf32> to vector<16xf32>
        %swap3A_597 = vector.shape_cast %mul3A_590 : vector<16xf32> to vector<1x16xf32>
        tpu.vector_store %arg16[%swap3A_593, %swap3A_594], %swap3A_597 {strides = array<i32>} : memref<128x16xf32, #tpu.memory_space<vmem>>, vector<1x16xf32>,
        %add3A_598 = arith.constant 2 : i32
        %add3A_599 = arith.addi %mul3A_563, %add3A_598 : i32
        %get3A_600 = arith.index_cast %add3A_599 : i32 to index
        %get3A_601 = arith.constant 0 : index
        %get3A_602 = tpu.vector_load %arg16[%get3A_600, %get3A_601] {strides = array<i32>} : memref<128x16xf32, #tpu.memory_space<vmem>>, vector<1x16xf32>,
        %get3A_603 = vector.shape_cast %get3A_602 : vector<1x16xf32> to vector<16xf32>
        %slice3A_604 = vector.extract_strided_slice %get3A_561 {offsets = [2], sizes = [1], strides = [1]} : vector<16xf32> to vector<1xf32>
        %squeeze3A_605 = vector.extract %slice3A_604[0] : f32 from vector<1xf32>
        %mul3A_606 = vector.broadcast %squeeze3A_605 : f32 to vector<16xf32>
        %mul3A_607 = arith.mulf %get3A_603, %mul3A_606 : vector<16xf32>
        %add3A_608 = arith.constant 2 : i32
        %add3A_609 = arith.addi %mul3A_563, %add3A_608 : i32
        %swap3A_610 = arith.index_cast %add3A_609 : i32 to index
        %swap3A_611 = arith.constant 0 : index
        %swap3A_612 = tpu.vector_load %arg16[%swap3A_610, %swap3A_611] {strides = array<i32>} : memref<128x16xf32, #tpu.memory_space<vmem>>, vector<1x16xf32>,
        %swap3A_613 = vector.shape_cast %swap3A_612 : vector<1x16xf32> to vector<16xf32>
        %swap3A_614 = vector.shape_cast %mul3A_607 : vector<16xf32> to vector<1x16xf32>
        tpu.vector_store %arg16[%swap3A_610, %swap3A_611], %swap3A_614 {strides = array<i32>} : memref<128x16xf32, #tpu.memory_space<vmem>>, vector<1x16xf32>,
        %add3A_615 = arith.constant 3 : i32
        %add3A_616 = arith.addi %mul3A_563, %add3A_615 : i32
        %get3A_617 = arith.index_cast %add3A_616 : i32 to index
        %get3A_618 = arith.constant 0 : index
        %get3A_619 = tpu.vector_load %arg16[%get3A_617, %get3A_618] {strides = array<i32>} : memref<128x16xf32, #tpu.memory_space<vmem>>, vector<1x16xf32>,
        %get3A_620 = vector.shape_cast %get3A_619 : vector<1x16xf32> to vector<16xf32>
        %slice3A_621 = vector.extract_strided_slice %get3A_561 {offsets = [3], sizes = [1], strides = [1]} : vector<16xf32> to vector<1xf32>
        %squeeze3A_622 = vector.extract %slice3A_621[0] : f32 from vector<1xf32>
        %mul3A_623 = vector.broadcast %squeeze3A_622 : f32 to vector<16xf32>
        %mul3A_624 = arith.mulf %get3A_620, %mul3A_623 : vector<16xf32>
        %add3A_625 = arith.constant 3 : i32
        %add3A_626 = arith.addi %mul3A_563, %add3A_625 : i32
        %swap3A_627 = arith.index_cast %add3A_626 : i32 to index
        %swap3A_628 = arith.constant 0 : index
        %swap3A_629 = tpu.vector_load %arg16[%swap3A_627, %swap3A_628] {strides = array<i32>} : memref<128x16xf32, #tpu.memory_space<vmem>>, vector<1x16xf32>,
        %swap3A_630 = vector.shape_cast %swap3A_629 : vector<1x16xf32> to vector<16xf32>
        %swap3A_631 = vector.shape_cast %mul3A_624 : vector<16xf32> to vector<1x16xf32>
        tpu.vector_store %arg16[%swap3A_627, %swap3A_628], %swap3A_631 {strides = array<i32>} : memref<128x16xf32, #tpu.memory_space<vmem>>, vector<1x16xf32>,
        %add3A_632 = arith.constant 4 : i32
        %add3A_633 = arith.addi %mul3A_563, %add3A_632 : i32
        %get3A_634 = arith.index_cast %add3A_633 : i32 to index
        %get3A_635 = arith.constant 0 : index
        %get3A_636 = tpu.vector_load %arg16[%get3A_634, %get3A_635] {strides = array<i32>} : memref<128x16xf32, #tpu.memory_space<vmem>>, vector<1x16xf32>,
        %get3A_637 = vector.shape_cast %get3A_636 : vector<1x16xf32> to vector<16xf32>
        %slice3A_638 = vector.extract_strided_slice %get3A_561 {offsets = [4], sizes = [1], strides = [1]} : vector<16xf32> to vector<1xf32>
        %squeeze3A_639 = vector.extract %slice3A_638[0] : f32 from vector<1xf32>
        %mul3A_640 = vector.broadcast %squeeze3A_639 : f32 to vector<16xf32>
        %mul3A_641 = arith.mulf %get3A_637, %mul3A_640 : vector<16xf32>
        %add3A_642 = arith.constant 4 : i32
        %add3A_643 = arith.addi %mul3A_563, %add3A_642 : i32
        %swap3A_644 = arith.index_cast %add3A_643 : i32 to index
        %swap3A_645 = arith.constant 0 : index
        %swap3A_646 = tpu.vector_load %arg16[%swap3A_644, %swap3A_645] {strides = array<i32>} : memref<128x16xf32, #tpu.memory_space<vmem>>, vector<1x16xf32>,
        %swap3A_647 = vector.shape_cast %swap3A_646 : vector<1x16xf32> to vector<16xf32>
        %swap3A_648 = vector.shape_cast %mul3A_641 : vector<16xf32> to vector<1x16xf32>
        tpu.vector_store %arg16[%swap3A_644, %swap3A_645], %swap3A_648 {strides = array<i32>} : memref<128x16xf32, #tpu.memory_space<vmem>>, vector<1x16xf32>,
        %add3A_649 = arith.constant 5 : i32
        %add3A_650 = arith.addi %mul3A_563, %add3A_649 : i32
        %get3A_651 = arith.index_cast %add3A_650 : i32 to index
        %get3A_652 = arith.constant 0 : index
        %get3A_653 = tpu.vector_load %arg16[%get3A_651, %get3A_652] {strides = array<i32>} : memref<128x16xf32, #tpu.memory_space<vmem>>, vector<1x16xf32>,
        %get3A_654 = vector.shape_cast %get3A_653 : vector<1x16xf32> to vector<16xf32>
        %slice3A_655 = vector.extract_strided_slice %get3A_561 {offsets = [5], sizes = [1], strides = [1]} : vector<16xf32> to vector<1xf32>
        %squeeze3A_656 = vector.extract %slice3A_655[0] : f32 from vector<1xf32>
        %mul3A_657 = vector.broadcast %squeeze3A_656 : f32 to vector<16xf32>
        %mul3A_658 = arith.mulf %get3A_654, %mul3A_657 : vector<16xf32>
        %add3A_659 = arith.constant 5 : i32
        %add3A_660 = arith.addi %mul3A_563, %add3A_659 : i32
        %swap3A_661 = arith.index_cast %add3A_660 : i32 to index
        %swap3A_662 = arith.constant 0 : index
        %swap3A_663 = tpu.vector_load %arg16[%swap3A_661, %swap3A_662] {strides = array<i32>} : memref<128x16xf32, #tpu.memory_space<vmem>>, vector<1x16xf32>,
        %swap3A_664 = vector.shape_cast %swap3A_663 : vector<1x16xf32> to vector<16xf32>
        %swap3A_665 = vector.shape_cast %mul3A_658 : vector<16xf32> to vector<1x16xf32>
        tpu.vector_store %arg16[%swap3A_661, %swap3A_662], %swap3A_665 {strides = array<i32>} : memref<128x16xf32, #tpu.memory_space<vmem>>, vector<1x16xf32>,
        %add3A_666 = arith.constant 6 : i32
        %add3A_667 = arith.addi %mul3A_563, %add3A_666 : i32
        %get3A_668 = arith.index_cast %add3A_667 : i32 to index
        %get3A_669 = arith.constant 0 : index
        %get3A_670 = tpu.vector_load %arg16[%get3A_668, %get3A_669] {strides = array<i32>} : memref<128x16xf32, #tpu.memory_space<vmem>>, vector<1x16xf32>,
        %get3A_671 = vector.shape_cast %get3A_670 : vector<1x16xf32> to vector<16xf32>
        %slice3A_672 = vector.extract_strided_slice %get3A_561 {offsets = [6], sizes = [1], strides = [1]} : vector<16xf32> to vector<1xf32>
        %squeeze3A_673 = vector.extract %slice3A_672[0] : f32 from vector<1xf32>
        %mul3A_674 = vector.broadcast %squeeze3A_673 : f32 to vector<16xf32>
        %mul3A_675 = arith.mulf %get3A_671, %mul3A_674 : vector<16xf32>
        %add3A_676 = arith.constant 6 : i32
        %add3A_677 = arith.addi %mul3A_563, %add3A_676 : i32
        %swap3A_678 = arith.index_cast %add3A_677 : i32 to index
        %swap3A_679 = arith.constant 0 : index
        %swap3A_680 = tpu.vector_load %arg16[%swap3A_678, %swap3A_679] {strides = array<i32>} : memref<128x16xf32, #tpu.memory_space<vmem>>, vector<1x16xf32>,
        %swap3A_681 = vector.shape_cast %swap3A_680 : vector<1x16xf32> to vector<16xf32>
        %swap3A_682 = vector.shape_cast %mul3A_675 : vector<16xf32> to vector<1x16xf32>
        tpu.vector_store %arg16[%swap3A_678, %swap3A_679], %swap3A_682 {strides = array<i32>} : memref<128x16xf32, #tpu.memory_space<vmem>>, vector<1x16xf32>,
        %add3A_683 = arith.constant 7 : i32
        %add3A_684 = arith.addi %mul3A_563, %add3A_683 : i32
        %get3A_685 = arith.index_cast %add3A_684 : i32 to index
        %get3A_686 = arith.constant 0 : index
        %get3A_687 = tpu.vector_load %arg16[%get3A_685, %get3A_686] {strides = array<i32>} : memref<128x16xf32, #tpu.memory_space<vmem>>, vector<1x16xf32>,
        %get3A_688 = vector.shape_cast %get3A_687 : vector<1x16xf32> to vector<16xf32>
        %slice3A_689 = vector.extract_strided_slice %get3A_561 {offsets = [7], sizes = [1], strides = [1]} : vector<16xf32> to vector<1xf32>
        %squeeze3A_690 = vector.extract %slice3A_689[0] : f32 from vector<1xf32>
        %mul3A_691 = vector.broadcast %squeeze3A_690 : f32 to vector<16xf32>
        %mul3A_692 = arith.mulf %get3A_688, %mul3A_691 : vector<16xf32>
        %add3A_693 = arith.constant 7 : i32
        %add3A_694 = arith.addi %mul3A_563, %add3A_693 : i32
        %swap3A_695 = arith.index_cast %add3A_694 : i32 to index
        %swap3A_696 = arith.constant 0 : index
        %swap3A_697 = tpu.vector_load %arg16[%swap3A_695, %swap3A_696] {strides = array<i32>} : memref<128x16xf32, #tpu.memory_space<vmem>>, vector<1x16xf32>,
        %swap3A_698 = vector.shape_cast %swap3A_697 : vector<1x16xf32> to vector<16xf32>
        %swap3A_699 = vector.shape_cast %mul3A_692 : vector<16xf32> to vector<1x16xf32>
        tpu.vector_store %arg16[%swap3A_695, %swap3A_696], %swap3A_699 {strides = array<i32>} : memref<128x16xf32, #tpu.memory_space<vmem>>, vector<1x16xf32>,
        %add3A_700 = arith.constant 8 : i32
        %add3A_701 = arith.addi %mul3A_563, %add3A_700 : i32
        %get3A_702 = arith.index_cast %add3A_701 : i32 to index
        %get3A_703 = arith.constant 0 : index
        %get3A_704 = tpu.vector_load %arg16[%get3A_702, %get3A_703] {strides = array<i32>} : memref<128x16xf32, #tpu.memory_space<vmem>>, vector<1x16xf32>,
        %get3A_705 = vector.shape_cast %get3A_704 : vector<1x16xf32> to vector<16xf32>
        %slice3A_706 = vector.extract_strided_slice %get3A_561 {offsets = [8], sizes = [1], strides = [1]} : vector<16xf32> to vector<1xf32>
        %squeeze3A_707 = vector.extract %slice3A_706[0] : f32 from vector<1xf32>
        %mul3A_708 = vector.broadcast %squeeze3A_707 : f32 to vector<16xf32>
        %mul3A_709 = arith.mulf %get3A_705, %mul3A_708 : vector<16xf32>
        %add3A_710 = arith.constant 8 : i32
        %add3A_711 = arith.addi %mul3A_563, %add3A_710 : i32
        %swap3A_712 = arith.index_cast %add3A_711 : i32 to index
        %swap3A_713 = arith.constant 0 : index
        %swap3A_714 = tpu.vector_load %arg16[%swap3A_712, %swap3A_713] {strides = array<i32>} : memref<128x16xf32, #tpu.memory_space<vmem>>, vector<1x16xf32>,
        %swap3A_715 = vector.shape_cast %swap3A_714 : vector<1x16xf32> to vector<16xf32>
        %swap3A_716 = vector.shape_cast %mul3A_709 : vector<16xf32> to vector<1x16xf32>
        tpu.vector_store %arg16[%swap3A_712, %swap3A_713], %swap3A_716 {strides = array<i32>} : memref<128x16xf32, #tpu.memory_space<vmem>>, vector<1x16xf32>,
        %add3A_717 = arith.constant 9 : i32
        %add3A_718 = arith.addi %mul3A_563, %add3A_717 : i32
        %get3A_719 = arith.index_cast %add3A_718 : i32 to index
        %get3A_720 = arith.constant 0 : index
        %get3A_721 = tpu.vector_load %arg16[%get3A_719, %get3A_720] {strides = array<i32>} : memref<128x16xf32, #tpu.memory_space<vmem>>, vector<1x16xf32>,
        %get3A_722 = vector.shape_cast %get3A_721 : vector<1x16xf32> to vector<16xf32>
        %slice3A_723 = vector.extract_strided_slice %get3A_561 {offsets = [9], sizes = [1], strides = [1]} : vector<16xf32> to vector<1xf32>
        %squeeze3A_724 = vector.extract %slice3A_723[0] : f32 from vector<1xf32>
        %mul3A_725 = vector.broadcast %squeeze3A_724 : f32 to vector<16xf32>
        %mul3A_726 = arith.mulf %get3A_722, %mul3A_725 : vector<16xf32>
        %add3A_727 = arith.constant 9 : i32
        %add3A_728 = arith.addi %mul3A_563, %add3A_727 : i32
        %swap3A_729 = arith.index_cast %add3A_728 : i32 to index
        %swap3A_730 = arith.constant 0 : index
        %swap3A_731 = tpu.vector_load %arg16[%swap3A_729, %swap3A_730] {strides = array<i32>} : memref<128x16xf32, #tpu.memory_space<vmem>>, vector<1x16xf32>,
        %swap3A_732 = vector.shape_cast %swap3A_731 : vector<1x16xf32> to vector<16xf32>
        %swap3A_733 = vector.shape_cast %mul3A_726 : vector<16xf32> to vector<1x16xf32>
        tpu.vector_store %arg16[%swap3A_729, %swap3A_730], %swap3A_733 {strides = array<i32>} : memref<128x16xf32, #tpu.memory_space<vmem>>, vector<1x16xf32>,
        %add3A_734 = arith.constant 10 : i32
        %add3A_735 = arith.addi %mul3A_563, %add3A_734 : i32
        %get3A_736 = arith.index_cast %add3A_735 : i32 to index
        %get3A_737 = arith.constant 0 : index
        %get3A_738 = tpu.vector_load %arg16[%get3A_736, %get3A_737] {strides = array<i32>} : memref<128x16xf32, #tpu.memory_space<vmem>>, vector<1x16xf32>,
        %get3A_739 = vector.shape_cast %get3A_738 : vector<1x16xf32> to vector<16xf32>
        %slice3A_740 = vector.extract_strided_slice %get3A_561 {offsets = [10], sizes = [1], strides = [1]} : vector<16xf32> to vector<1xf32>
        %squeeze3A_741 = vector.extract %slice3A_740[0] : f32 from vector<1xf32>
        %mul3A_742 = vector.broadcast %squeeze3A_741 : f32 to vector<16xf32>
        %mul3A_743 = arith.mulf %get3A_739, %mul3A_742 : vector<16xf32>
        %add3A_744 = arith.constant 10 : i32
        %add3A_745 = arith.addi %mul3A_563, %add3A_744 : i32
        %swap3A_746 = arith.index_cast %add3A_745 : i32 to index
        %swap3A_747 = arith.constant 0 : index
        %swap3A_748 = tpu.vector_load %arg16[%swap3A_746, %swap3A_747] {strides = array<i32>} : memref<128x16xf32, #tpu.memory_space<vmem>>, vector<1x16xf32>,
        %swap3A_749 = vector.shape_cast %swap3A_748 : vector<1x16xf32> to vector<16xf32>
        %swap3A_750 = vector.shape_cast %mul3A_743 : vector<16xf32> to vector<1x16xf32>
        tpu.vector_store %arg16[%swap3A_746, %swap3A_747], %swap3A_750 {strides = array<i32>} : memref<128x16xf32, #tpu.memory_space<vmem>>, vector<1x16xf32>,
        %add3A_751 = arith.constant 11 : i32
        %add3A_752 = arith.addi %mul3A_563, %add3A_751 : i32
        %get3A_753 = arith.index_cast %add3A_752 : i32 to index
        %get3A_754 = arith.constant 0 : index
        %get3A_755 = tpu.vector_load %arg16[%get3A_753, %get3A_754] {strides = array<i32>} : memref<128x16xf32, #tpu.memory_space<vmem>>, vector<1x16xf32>,
        %get3A_756 = vector.shape_cast %get3A_755 : vector<1x16xf32> to vector<16xf32>
        %slice3A_757 = vector.extract_strided_slice %get3A_561 {offsets = [11], sizes = [1], strides = [1]} : vector<16xf32> to vector<1xf32>
        %squeeze3A_758 = vector.extract %slice3A_757[0] : f32 from vector<1xf32>
        %mul3A_759 = vector.broadcast %squeeze3A_758 : f32 to vector<16xf32>
        %mul3A_760 = arith.mulf %get3A_756, %mul3A_759 : vector<16xf32>
        %add3A_761 = arith.constant 11 : i32
        %add3A_762 = arith.addi %mul3A_563, %add3A_761 : i32
        %swap3A_763 = arith.index_cast %add3A_762 : i32 to index
        %swap3A_764 = arith.constant 0 : index
        %swap3A_765 = tpu.vector_load %arg16[%swap3A_763, %swap3A_764] {strides = array<i32>} : memref<128x16xf32, #tpu.memory_space<vmem>>, vector<1x16xf32>,
        %swap3A_766 = vector.shape_cast %swap3A_765 : vector<1x16xf32> to vector<16xf32>
        %swap3A_767 = vector.shape_cast %mul3A_760 : vector<16xf32> to vector<1x16xf32>
        tpu.vector_store %arg16[%swap3A_763, %swap3A_764], %swap3A_767 {strides = array<i32>} : memref<128x16xf32, #tpu.memory_space<vmem>>, vector<1x16xf32>,
        %add3A_768 = arith.constant 12 : i32
        %add3A_769 = arith.addi %mul3A_563, %add3A_768 : i32
        %get3A_770 = arith.index_cast %add3A_769 : i32 to index
        %get3A_771 = arith.constant 0 : index
        %get3A_772 = tpu.vector_load %arg16[%get3A_770, %get3A_771] {strides = array<i32>} : memref<128x16xf32, #tpu.memory_space<vmem>>, vector<1x16xf32>,
        %get3A_773 = vector.shape_cast %get3A_772 : vector<1x16xf32> to vector<16xf32>
        %slice3A_774 = vector.extract_strided_slice %get3A_561 {offsets = [12], sizes = [1], strides = [1]} : vector<16xf32> to vector<1xf32>
        %squeeze3A_775 = vector.extract %slice3A_774[0] : f32 from vector<1xf32>
        %mul3A_776 = vector.broadcast %squeeze3A_775 : f32 to vector<16xf32>
        %mul3A_777 = arith.mulf %get3A_773, %mul3A_776 : vector<16xf32>
        %add3A_778 = arith.constant 12 : i32
        %add3A_779 = arith.addi %mul3A_563, %add3A_778 : i32
        %swap3A_780 = arith.index_cast %add3A_779 : i32 to index
        %swap3A_781 = arith.constant 0 : index
        %swap3A_782 = tpu.vector_load %arg16[%swap3A_780, %swap3A_781] {strides = array<i32>} : memref<128x16xf32, #tpu.memory_space<vmem>>, vector<1x16xf32>,
        %swap3A_783 = vector.shape_cast %swap3A_782 : vector<1x16xf32> to vector<16xf32>
        %swap3A_784 = vector.shape_cast %mul3A_777 : vector<16xf32> to vector<1x16xf32>
        tpu.vector_store %arg16[%swap3A_780, %swap3A_781], %swap3A_784 {strides = array<i32>} : memref<128x16xf32, #tpu.memory_space<vmem>>, vector<1x16xf32>,
        %add3A_785 = arith.constant 13 : i32
        %add3A_786 = arith.addi %mul3A_563, %add3A_785 : i32
        %get3A_787 = arith.index_cast %add3A_786 : i32 to index
        %get3A_788 = arith.constant 0 : index
        %get3A_789 = tpu.vector_load %arg16[%get3A_787, %get3A_788] {strides = array<i32>} : memref<128x16xf32, #tpu.memory_space<vmem>>, vector<1x16xf32>,
        %get3A_790 = vector.shape_cast %get3A_789 : vector<1x16xf32> to vector<16xf32>
        %slice3A_791 = vector.extract_strided_slice %get3A_561 {offsets = [13], sizes = [1], strides = [1]} : vector<16xf32> to vector<1xf32>
        %squeeze3A_792 = vector.extract %slice3A_791[0] : f32 from vector<1xf32>
        %mul3A_793 = vector.broadcast %squeeze3A_792 : f32 to vector<16xf32>
        %mul3A_794 = arith.mulf %get3A_790, %mul3A_793 : vector<16xf32>
        %add3A_795 = arith.constant 13 : i32
        %add3A_796 = arith.addi %mul3A_563, %add3A_795 : i32
        %swap3A_797 = arith.index_cast %add3A_796 : i32 to index
        %swap3A_798 = arith.constant 0 : index
        %swap3A_799 = tpu.vector_load %arg16[%swap3A_797, %swap3A_798] {strides = array<i32>} : memref<128x16xf32, #tpu.memory_space<vmem>>, vector<1x16xf32>,
        %swap3A_800 = vector.shape_cast %swap3A_799 : vector<1x16xf32> to vector<16xf32>
        %swap3A_801 = vector.shape_cast %mul3A_794 : vector<16xf32> to vector<1x16xf32>
        tpu.vector_store %arg16[%swap3A_797, %swap3A_798], %swap3A_801 {strides = array<i32>} : memref<128x16xf32, #tpu.memory_space<vmem>>, vector<1x16xf32>,
        %add3A_802 = arith.constant 14 : i32
        %add3A_803 = arith.addi %mul3A_563, %add3A_802 : i32
        %get3A_804 = arith.index_cast %add3A_803 : i32 to index
        %get3A_805 = arith.constant 0 : index
        %get3A_806 = tpu.vector_load %arg16[%get3A_804, %get3A_805] {strides = array<i32>} : memref<128x16xf32, #tpu.memory_space<vmem>>, vector<1x16xf32>,
        %get3A_807 = vector.shape_cast %get3A_806 : vector<1x16xf32> to vector<16xf32>
        %slice3A_808 = vector.extract_strided_slice %get3A_561 {offsets = [14], sizes = [1], strides = [1]} : vector<16xf32> to vector<1xf32>
        %squeeze3A_809 = vector.extract %slice3A_808[0] : f32 from vector<1xf32>
        %mul3A_810 = vector.broadcast %squeeze3A_809 : f32 to vector<16xf32>
        %mul3A_811 = arith.mulf %get3A_807, %mul3A_810 : vector<16xf32>
        %add3A_812 = arith.constant 14 : i32
        %add3A_813 = arith.addi %mul3A_563, %add3A_812 : i32
        %swap3A_814 = arith.index_cast %add3A_813 : i32 to index
        %swap3A_815 = arith.constant 0 : index
        %swap3A_816 = tpu.vector_load %arg16[%swap3A_814, %swap3A_815] {strides = array<i32>} : memref<128x16xf32, #tpu.memory_space<vmem>>, vector<1x16xf32>,
        %swap3A_817 = vector.shape_cast %swap3A_816 : vector<1x16xf32> to vector<16xf32>
        %swap3A_818 = vector.shape_cast %mul3A_811 : vector<16xf32> to vector<1x16xf32>
        tpu.vector_store %arg16[%swap3A_814, %swap3A_815], %swap3A_818 {strides = array<i32>} : memref<128x16xf32, #tpu.memory_space<vmem>>, vector<1x16xf32>,
        %add3A_819 = arith.constant 15 : i32
        %add3A_820 = arith.addi %mul3A_563, %add3A_819 : i32
        %get3A_821 = arith.index_cast %add3A_820 : i32 to index
        %get3A_822 = arith.constant 0 : index
        %get3A_823 = tpu.vector_load %arg16[%get3A_821, %get3A_822] {strides = array<i32>} : memref<128x16xf32, #tpu.memory_space<vmem>>, vector<1x16xf32>,
        %get3A_824 = vector.shape_cast %get3A_823 : vector<1x16xf32> to vector<16xf32>
        %slice3A_825 = vector.extract_strided_slice %get3A_561 {offsets = [15], sizes = [1], strides = [1]} : vector<16xf32> to vector<1xf32>
        %squeeze3A_826 = vector.extract %slice3A_825[0] : f32 from vector<1xf32>
        %mul3A_827 = vector.broadcast %squeeze3A_826 : f32 to vector<16xf32>
        %mul3A_828 = arith.mulf %get3A_824, %mul3A_827 : vector<16xf32>
        %add3A_829 = arith.constant 15 : i32
        %add3A_830 = arith.addi %mul3A_563, %add3A_829 : i32
        %swap3A_831 = arith.index_cast %add3A_830 : i32 to index
        %swap3A_832 = arith.constant 0 : index
        %swap3A_833 = tpu.vector_load %arg16[%swap3A_831, %swap3A_832] {strides = array<i32>} : memref<128x16xf32, #tpu.memory_space<vmem>>, vector<1x16xf32>,
        %swap3A_834 = vector.shape_cast %swap3A_833 : vector<1x16xf32> to vector<16xf32>
        %swap3A_835 = vector.shape_cast %mul3A_828 : vector<16xf32> to vector<1x16xf32>
        tpu.vector_store %arg16[%swap3A_831, %swap3A_832], %swap3A_835 {strides = array<i32>} : memref<128x16xf32, #tpu.memory_space<vmem>>, vector<1x16xf32>,
      }
      %scan3A_359 = arith.constant 8 : i32
      %dma_start3A_360 = arith.constant 0 : i32
      %dma_start3A_361 = arith.constant 0 : i32
      %dma_start3A_362 = tpu.memref_slice %arg34[%dma_start3A_360, %dma_start3A_361] : memref<100000x16xf32, #tpu.memory_space<vmem_shared>> -> memref<100000x16xf32, #tpu.memory_space<vmem_shared>>
      tpu.enqueue_indirect_dma source(%arg16 : memref<128x16xf32, #tpu.memory_space<vmem>>) target(%dma_start3A_362 : memref<100000x16xf32, #tpu.memory_space<vmem_shared>>) offsets(%arg12 : memref<128xi32, #tpu.memory_space<vmem>>) semaphore(%arg41 : memref<!tpu.dma_semaphore, #tpu.memory_space<semaphore_mem>>) {add = true}
      %dma_start3A_363 = arith.constant 0 : i32
      %dma_start3A_364 = tpu.memref_slice %arg35[%dma_start3A_363] : memref<100000xf32, #tpu.memory_space<vmem_shared>> -> memref<100000xf32, #tpu.memory_space<vmem_shared>>
      tpu.enqueue_indirect_dma source(%arg15 : memref<128xf32, #tpu.memory_space<vmem>>) target(%dma_start3A_364 : memref<100000xf32, #tpu.memory_space<vmem_shared>>) offsets(%arg12 : memref<128xi32, #tpu.memory_space<vmem>>) semaphore(%arg42 : memref<!tpu.dma_semaphore, #tpu.memory_space<semaphore_mem>>) {add = true}
      %lt3A_365 = arith.constant 780 : i32
      %lt3A_366 = arith.cmpi slt, %scan3A_159, %lt3A_365 : i32
      %convert_element_type3A_367 = arith.extui %lt3A_366 : i1 to i32
      %cond3A_368 = arith.constant 0 : i32
      %cond3A_369 = arith.cmpi ne, %convert_element_type3A_367, %cond3A_368 : i32
      scf.if %cond3A_369 {
        %dma_wait3A_556 = arith.constant 0 : i32
        %dma_wait3A_557 = arith.constant 0 : i32
        %dma_wait3A_558 = tpu.memref_slice %arg34[%dma_wait3A_556, %dma_wait3A_557] : memref<100000x16xf32, #tpu.memory_space<vmem_shared>> -> memref<100000x16xf32, #tpu.memory_space<vmem_shared>>
        tpu.wait_indirect_dma semaphore(%arg41 : memref<!tpu.dma_semaphore, #tpu.memory_space<semaphore_mem>>) src(%arg16 : memref<128x16xf32, #tpu.memory_space<vmem>>) dst(%dma_wait3A_558 : memref<100000x16xf32, #tpu.memory_space<vmem_shared>>)
        %dma_wait3A_559 = arith.constant 0 : i32
        %dma_wait3A_560 = tpu.memref_slice %arg35[%dma_wait3A_559] : memref<100000xf32, #tpu.memory_space<vmem_shared>> -> memref<100000xf32, #tpu.memory_space<vmem_shared>>
        tpu.wait_indirect_dma semaphore(%arg42 : memref<!tpu.dma_semaphore, #tpu.memory_space<semaphore_mem>>) src(%arg15 : memref<128xf32, #tpu.memory_space<vmem>>) dst(%dma_wait3A_560 : memref<100000xf32, #tpu.memory_space<vmem_shared>>)
        %add3A_561 = arith.constant 256 : i32
        %add3A_562 = arith.addi %add3A_164, %add3A_561 : i32
        "tpu.region"() ({
          %run_scoped3A = tpu.sem_alloc : memref<!tpu.dma_semaphore, #tpu.memory_space<semaphore_mem>>
          %dma_start3A_570 = tpu.memref_slice %arg2[%add3A_562] : memref<6400000xi32, #tpu.memory_space<hbm>> -> memref<128xi32, #tpu.memory_space<hbm>>
          %dma_start3A_571 = tpu.memref_slice %arg2[%add3A_562] : memref<6400000xi32, #tpu.memory_space<hbm>> -> memref<128xi32, #tpu.memory_space<hbm>>
          tpu.enqueue_dma source(%dma_start3A_571 : memref<128xi32, #tpu.memory_space<hbm>>) target(%arg10 : memref<128xi32, #tpu.memory_space<vmem>>) target_semaphore(%run_scoped3A : memref<!tpu.dma_semaphore, #tpu.memory_space<semaphore_mem>>)
          %dma_wait3A_572 = tpu.memref_slice %arg2[%add3A_562] : memref<6400000xi32, #tpu.memory_space<hbm>> -> memref<128xi32, #tpu.memory_space<hbm>>
          %dma_wait3A_573 = tpu.memref_slice %arg2[%add3A_562] : memref<6400000xi32, #tpu.memory_space<hbm>> -> memref<128xi32, #tpu.memory_space<hbm>>
          tpu.wait_dma2 semaphore(%run_scoped3A : memref<!tpu.dma_semaphore, #tpu.memory_space<semaphore_mem>>) src(%dma_wait3A_573 : memref<128xi32, #tpu.memory_space<hbm>>) dst(%arg10 : memref<128xi32, #tpu.memory_space<vmem>>)
          tpu.yield
        }) : () -> ()
        "tpu.region"() ({
          %run_scoped3A = tpu.sem_alloc : memref<!tpu.dma_semaphore, #tpu.memory_space<semaphore_mem>>
          %dma_start3A_570 = tpu.memref_slice %arg3[%add3A_562] : memref<6400000xi32, #tpu.memory_space<hbm>> -> memref<128xi32, #tpu.memory_space<hbm>>
          %dma_start3A_571 = tpu.memref_slice %arg3[%add3A_562] : memref<6400000xi32, #tpu.memory_space<hbm>> -> memref<128xi32, #tpu.memory_space<hbm>>
          tpu.enqueue_dma source(%dma_start3A_571 : memref<128xi32, #tpu.memory_space<hbm>>) target(%arg12 : memref<128xi32, #tpu.memory_space<vmem>>) target_semaphore(%run_scoped3A : memref<!tpu.dma_semaphore, #tpu.memory_space<semaphore_mem>>)
          %dma_wait3A_572 = tpu.memref_slice %arg3[%add3A_562] : memref<6400000xi32, #tpu.memory_space<hbm>> -> memref<128xi32, #tpu.memory_space<hbm>>
          %dma_wait3A_573 = tpu.memref_slice %arg3[%add3A_562] : memref<6400000xi32, #tpu.memory_space<hbm>> -> memref<128xi32, #tpu.memory_space<hbm>>
          tpu.wait_dma2 semaphore(%run_scoped3A : memref<!tpu.dma_semaphore, #tpu.memory_space<semaphore_mem>>) src(%dma_wait3A_573 : memref<128xi32, #tpu.memory_space<hbm>>) dst(%arg12 : memref<128xi32, #tpu.memory_space<vmem>>)
          tpu.yield
        }) : () -> ()
        %dma_start3A_563 = arith.constant 0 : i32
        %dma_start3A_564 = tpu.memref_slice %arg36[%dma_start3A_563] : memref<100000xf32, #tpu.memory_space<vmem_shared>> -> memref<100000xf32, #tpu.memory_space<vmem_shared>>
        tpu.enqueue_indirect_dma source(%dma_start3A_564 : memref<100000xf32, #tpu.memory_space<vmem_shared>>) target(%arg13 : memref<128xf32, #tpu.memory_space<vmem>>) offsets(%arg10 : memref<128xi32, #tpu.memory_space<vmem>>) semaphore(%arg38 : memref<!tpu.dma_semaphore, #tpu.memory_space<semaphore_mem>>)
        %dma_start3A_565 = arith.constant 0 : i32
        %dma_start3A_566 = tpu.memref_slice %arg37[%dma_start3A_565] : memref<100000xf32, #tpu.memory_space<vmem_shared>> -> memref<100000xf32, #tpu.memory_space<vmem_shared>>
        tpu.enqueue_indirect_dma source(%dma_start3A_566 : memref<100000xf32, #tpu.memory_space<vmem_shared>>) target(%arg14 : memref<128xf32, #tpu.memory_space<vmem>>) offsets(%arg12 : memref<128xi32, #tpu.memory_space<vmem>>) semaphore(%arg39 : memref<!tpu.dma_semaphore, #tpu.memory_space<semaphore_mem>>)
        %dma_start3A_567 = arith.constant 0 : i32
        %dma_start3A_568 = arith.constant 0 : i32
        %dma_start3A_569 = tpu.memref_slice %arg4[%dma_start3A_567, %dma_start3A_568] : memref<100000x16xf32, #tpu.memory_space<hbm>> -> memref<100000x16xf32, #tpu.memory_space<hbm>>
        tpu.enqueue_indirect_dma source(%dma_start3A_569 : memref<100000x16xf32, #tpu.memory_space<hbm>>) target(%arg16 : memref<128x16xf32, #tpu.memory_space<vmem>>) offsets(%arg10 : memref<128xi32, #tpu.memory_space<vmem>>) semaphore(%arg40 : memref<!tpu.dma_semaphore, #tpu.memory_space<semaphore_mem>>)
      } else {
      }
      %dma_wait3A_370 = arith.constant 0 : i32
      %dma_wait3A_371 = tpu.memref_slice %arg36[%dma_wait3A_370] : memref<100000xf32, #tpu.memory_space<vmem_shared>> -> memref<100000xf32, #tpu.memory_space<vmem_shared>>
      tpu.wait_indirect_dma semaphore(%arg38 : memref<!tpu.dma_semaphore, #tpu.memory_space<semaphore_mem>>) src(%dma_wait3A_371 : memref<100000xf32, #tpu.memory_space<vmem_shared>>) dst(%arg20 : memref<128xf32, #tpu.memory_space<vmem>>)
      %dma_wait3A_372 = arith.constant 0 : i32
      %dma_wait3A_373 = tpu.memref_slice %arg37[%dma_wait3A_372] : memref<100000xf32, #tpu.memory_space<vmem_shared>> -> memref<100000xf32, #tpu.memory_space<vmem_shared>>
      tpu.wait_indirect_dma semaphore(%arg39 : memref<!tpu.dma_semaphore, #tpu.memory_space<semaphore_mem>>) src(%dma_wait3A_373 : memref<100000xf32, #tpu.memory_space<vmem_shared>>) dst(%arg21 : memref<128xf32, #tpu.memory_space<vmem>>)
      %dma_wait3A_374 = arith.constant 0 : i32
      %dma_wait3A_375 = arith.constant 0 : i32
      %dma_wait3A_376 = tpu.memref_slice %arg4[%dma_wait3A_374, %dma_wait3A_375] : memref<100000x16xf32, #tpu.memory_space<hbm>> -> memref<100000x16xf32, #tpu.memory_space<hbm>>
      tpu.wait_indirect_dma semaphore(%arg40 : memref<!tpu.dma_semaphore, #tpu.memory_space<semaphore_mem>>) src(%dma_wait3A_376 : memref<100000x16xf32, #tpu.memory_space<hbm>>) dst(%arg23 : memref<128x16xf32, #tpu.memory_space<vmem>>)
      %get3A_377 = arith.constant 0 : index
      %get3A_378 = tpu.vector_load %arg20[%get3A_377] {strides = array<i32>} : memref<128xf32, #tpu.memory_space<vmem>>, vector<16xf32>,
      %get3A_379 = vector.shape_cast %get3A_378 : vector<16xf32> to vector<16xf32>
      %get3A_380 = arith.constant 0 : index
      %get3A_381 = tpu.vector_load %arg21[%get3A_380] {strides = array<i32>} : memref<128xf32, #tpu.memory_space<vmem>>, vector<16xf32>,
      %get3A_382 = vector.shape_cast %get3A_381 : vector<16xf32> to vector<16xf32>
      %add3A_383 = arith.addf %get3A_379, %get3A_382 : vector<16xf32>
      %gt3A_384 = arith.constant 0.000000e+00 : f32
      %gt3A_385 = vector.broadcast %gt3A_384 : f32 to vector<16xf32>
      %gt3A_386 = arith.cmpf ogt, %add3A_383, %gt3A_385 : vector<16xf32>
      %mul3A_387 = arith.constant 2.000000e-01 : f32
      %mul3A_388 = vector.broadcast %mul3A_387 : f32 to vector<16xf32>
      %mul3A_389 = arith.mulf %mul3A_388, %add3A_383 : vector<16xf32>
      %select_n3A_390 = arith.select %gt3A_386, %add3A_383, %mul3A_389 : vector<16xi1>, vector<16xf32>
      %sub3A_391 = vector.broadcast %squeeze3A : f32 to vector<16xf32>
      %sub3A_392 = arith.subf %select_n3A_390, %sub3A_391 : vector<16xf32>
      %exp3A_393 = math.exp %sub3A_392 : vector<16xf32>
      %swap3A_394 = arith.constant 0 : index
      %swap3A_395 = tpu.vector_load %arg22[%swap3A_394] {strides = array<i32>} : memref<128xf32, #tpu.memory_space<vmem>>, vector<16xf32>,
      %swap3A_396 = vector.shape_cast %swap3A_395 : vector<16xf32> to vector<16xf32>
      %swap3A_397 = vector.shape_cast %exp3A_393 : vector<16xf32> to vector<16xf32>
      tpu.vector_store %arg22[%swap3A_394], %swap3A_397 {strides = array<i32>} : memref<128xf32, #tpu.memory_space<vmem>>, vector<16xf32>,
      %get3A_398 = arith.constant 16 : index
      %get3A_399 = tpu.vector_load %arg20[%get3A_398] {strides = array<i32>} : memref<128xf32, #tpu.memory_space<vmem>>, vector<16xf32>,
      %get3A_400 = vector.shape_cast %get3A_399 : vector<16xf32> to vector<16xf32>
      %get3A_401 = arith.constant 16 : index
      %get3A_402 = tpu.vector_load %arg21[%get3A_401] {strides = array<i32>} : memref<128xf32, #tpu.memory_space<vmem>>, vector<16xf32>,
      %get3A_403 = vector.shape_cast %get3A_402 : vector<16xf32> to vector<16xf32>
      %add3A_404 = arith.addf %get3A_400, %get3A_403 : vector<16xf32>
      %gt3A_405 = arith.constant 0.000000e+00 : f32
      %gt3A_406 = vector.broadcast %gt3A_405 : f32 to vector<16xf32>
      %gt3A_407 = arith.cmpf ogt, %add3A_404, %gt3A_406 : vector<16xf32>
      %mul3A_408 = arith.constant 2.000000e-01 : f32
      %mul3A_409 = vector.broadcast %mul3A_408 : f32 to vector<16xf32>
      %mul3A_410 = arith.mulf %mul3A_409, %add3A_404 : vector<16xf32>
      %select_n3A_411 = arith.select %gt3A_407, %add3A_404, %mul3A_410 : vector<16xi1>, vector<16xf32>
      %sub3A_412 = vector.broadcast %squeeze3A : f32 to vector<16xf32>
      %sub3A_413 = arith.subf %select_n3A_411, %sub3A_412 : vector<16xf32>
      %exp3A_414 = math.exp %sub3A_413 : vector<16xf32>
      %swap3A_415 = arith.constant 16 : index
      %swap3A_416 = tpu.vector_load %arg22[%swap3A_415] {strides = array<i32>} : memref<128xf32, #tpu.memory_space<vmem>>, vector<16xf32>,
      %swap3A_417 = vector.shape_cast %swap3A_416 : vector<16xf32> to vector<16xf32>
      %swap3A_418 = vector.shape_cast %exp3A_414 : vector<16xf32> to vector<16xf32>
      tpu.vector_store %arg22[%swap3A_415], %swap3A_418 {strides = array<i32>} : memref<128xf32, #tpu.memory_space<vmem>>, vector<16xf32>,
      %get3A_419 = arith.constant 32 : index
      %get3A_420 = tpu.vector_load %arg20[%get3A_419] {strides = array<i32>} : memref<128xf32, #tpu.memory_space<vmem>>, vector<16xf32>,
      %get3A_421 = vector.shape_cast %get3A_420 : vector<16xf32> to vector<16xf32>
      %get3A_422 = arith.constant 32 : index
      %get3A_423 = tpu.vector_load %arg21[%get3A_422] {strides = array<i32>} : memref<128xf32, #tpu.memory_space<vmem>>, vector<16xf32>,
      %get3A_424 = vector.shape_cast %get3A_423 : vector<16xf32> to vector<16xf32>
      %add3A_425 = arith.addf %get3A_421, %get3A_424 : vector<16xf32>
      %gt3A_426 = arith.constant 0.000000e+00 : f32
      %gt3A_427 = vector.broadcast %gt3A_426 : f32 to vector<16xf32>
      %gt3A_428 = arith.cmpf ogt, %add3A_425, %gt3A_427 : vector<16xf32>
      %mul3A_429 = arith.constant 2.000000e-01 : f32
      %mul3A_430 = vector.broadcast %mul3A_429 : f32 to vector<16xf32>
      %mul3A_431 = arith.mulf %mul3A_430, %add3A_425 : vector<16xf32>
      %select_n3A_432 = arith.select %gt3A_428, %add3A_425, %mul3A_431 : vector<16xi1>, vector<16xf32>
      %sub3A_433 = vector.broadcast %squeeze3A : f32 to vector<16xf32>
      %sub3A_434 = arith.subf %select_n3A_432, %sub3A_433 : vector<16xf32>
      %exp3A_435 = math.exp %sub3A_434 : vector<16xf32>
      %swap3A_436 = arith.constant 32 : index
      %swap3A_437 = tpu.vector_load %arg22[%swap3A_436] {strides = array<i32>} : memref<128xf32, #tpu.memory_space<vmem>>, vector<16xf32>,
      %swap3A_438 = vector.shape_cast %swap3A_437 : vector<16xf32> to vector<16xf32>
      %swap3A_439 = vector.shape_cast %exp3A_435 : vector<16xf32> to vector<16xf32>
      tpu.vector_store %arg22[%swap3A_436], %swap3A_439 {strides = array<i32>} : memref<128xf32, #tpu.memory_space<vmem>>, vector<16xf32>,
      %get3A_440 = arith.constant 48 : index
      %get3A_441 = tpu.vector_load %arg20[%get3A_440] {strides = array<i32>} : memref<128xf32, #tpu.memory_space<vmem>>, vector<16xf32>,
      %get3A_442 = vector.shape_cast %get3A_441 : vector<16xf32> to vector<16xf32>
      %get3A_443 = arith.constant 48 : index
      %get3A_444 = tpu.vector_load %arg21[%get3A_443] {strides = array<i32>} : memref<128xf32, #tpu.memory_space<vmem>>, vector<16xf32>,
      %get3A_445 = vector.shape_cast %get3A_444 : vector<16xf32> to vector<16xf32>
      %add3A_446 = arith.addf %get3A_442, %get3A_445 : vector<16xf32>
      %gt3A_447 = arith.constant 0.000000e+00 : f32
      %gt3A_448 = vector.broadcast %gt3A_447 : f32 to vector<16xf32>
      %gt3A_449 = arith.cmpf ogt, %add3A_446, %gt3A_448 : vector<16xf32>
      %mul3A_450 = arith.constant 2.000000e-01 : f32
      %mul3A_451 = vector.broadcast %mul3A_450 : f32 to vector<16xf32>
      %mul3A_452 = arith.mulf %mul3A_451, %add3A_446 : vector<16xf32>
      %select_n3A_453 = arith.select %gt3A_449, %add3A_446, %mul3A_452 : vector<16xi1>, vector<16xf32>
      %sub3A_454 = vector.broadcast %squeeze3A : f32 to vector<16xf32>
      %sub3A_455 = arith.subf %select_n3A_453, %sub3A_454 : vector<16xf32>
      %exp3A_456 = math.exp %sub3A_455 : vector<16xf32>
      %swap3A_457 = arith.constant 48 : index
      %swap3A_458 = tpu.vector_load %arg22[%swap3A_457] {strides = array<i32>} : memref<128xf32, #tpu.memory_space<vmem>>, vector<16xf32>,
      %swap3A_459 = vector.shape_cast %swap3A_458 : vector<16xf32> to vector<16xf32>
      %swap3A_460 = vector.shape_cast %exp3A_456 : vector<16xf32> to vector<16xf32>
      tpu.vector_store %arg22[%swap3A_457], %swap3A_460 {strides = array<i32>} : memref<128xf32, #tpu.memory_space<vmem>>, vector<16xf32>,
      %get3A_461 = arith.constant 64 : index
      %get3A_462 = tpu.vector_load %arg20[%get3A_461] {strides = array<i32>} : memref<128xf32, #tpu.memory_space<vmem>>, vector<16xf32>,
      %get3A_463 = vector.shape_cast %get3A_462 : vector<16xf32> to vector<16xf32>
      %get3A_464 = arith.constant 64 : index
      %get3A_465 = tpu.vector_load %arg21[%get3A_464] {strides = array<i32>} : memref<128xf32, #tpu.memory_space<vmem>>, vector<16xf32>,
      %get3A_466 = vector.shape_cast %get3A_465 : vector<16xf32> to vector<16xf32>
      %add3A_467 = arith.addf %get3A_463, %get3A_466 : vector<16xf32>
      %gt3A_468 = arith.constant 0.000000e+00 : f32
      %gt3A_469 = vector.broadcast %gt3A_468 : f32 to vector<16xf32>
      %gt3A_470 = arith.cmpf ogt, %add3A_467, %gt3A_469 : vector<16xf32>
      %mul3A_471 = arith.constant 2.000000e-01 : f32
      %mul3A_472 = vector.broadcast %mul3A_471 : f32 to vector<16xf32>
      %mul3A_473 = arith.mulf %mul3A_472, %add3A_467 : vector<16xf32>
      %select_n3A_474 = arith.select %gt3A_470, %add3A_467, %mul3A_473 : vector<16xi1>, vector<16xf32>
      %sub3A_475 = vector.broadcast %squeeze3A : f32 to vector<16xf32>
      %sub3A_476 = arith.subf %select_n3A_474, %sub3A_475 : vector<16xf32>
      %exp3A_477 = math.exp %sub3A_476 : vector<16xf32>
      %swap3A_478 = arith.constant 64 : index
      %swap3A_479 = tpu.vector_load %arg22[%swap3A_478] {strides = array<i32>} : memref<128xf32, #tpu.memory_space<vmem>>, vector<16xf32>,
      %swap3A_480 = vector.shape_cast %swap3A_479 : vector<16xf32> to vector<16xf32>
      %swap3A_481 = vector.shape_cast %exp3A_477 : vector<16xf32> to vector<16xf32>
      tpu.vector_store %arg22[%swap3A_478], %swap3A_481 {strides = array<i32>} : memref<128xf32, #tpu.memory_space<vmem>>, vector<16xf32>,
      %get3A_482 = arith.constant 80 : index
      %get3A_483 = tpu.vector_load %arg20[%get3A_482] {strides = array<i32>} : memref<128xf32, #tpu.memory_space<vmem>>, vector<16xf32>,
      %get3A_484 = vector.shape_cast %get3A_483 : vector<16xf32> to vector<16xf32>
      %get3A_485 = arith.constant 80 : index
      %get3A_486 = tpu.vector_load %arg21[%get3A_485] {strides = array<i32>} : memref<128xf32, #tpu.memory_space<vmem>>, vector<16xf32>,
      %get3A_487 = vector.shape_cast %get3A_486 : vector<16xf32> to vector<16xf32>
      %add3A_488 = arith.addf %get3A_484, %get3A_487 : vector<16xf32>
      %gt3A_489 = arith.constant 0.000000e+00 : f32
      %gt3A_490 = vector.broadcast %gt3A_489 : f32 to vector<16xf32>
      %gt3A_491 = arith.cmpf ogt, %add3A_488, %gt3A_490 : vector<16xf32>
      %mul3A_492 = arith.constant 2.000000e-01 : f32
      %mul3A_493 = vector.broadcast %mul3A_492 : f32 to vector<16xf32>
      %mul3A_494 = arith.mulf %mul3A_493, %add3A_488 : vector<16xf32>
      %select_n3A_495 = arith.select %gt3A_491, %add3A_488, %mul3A_494 : vector<16xi1>, vector<16xf32>
      %sub3A_496 = vector.broadcast %squeeze3A : f32 to vector<16xf32>
      %sub3A_497 = arith.subf %select_n3A_495, %sub3A_496 : vector<16xf32>
      %exp3A_498 = math.exp %sub3A_497 : vector<16xf32>
      %swap3A_499 = arith.constant 80 : index
      %swap3A_500 = tpu.vector_load %arg22[%swap3A_499] {strides = array<i32>} : memref<128xf32, #tpu.memory_space<vmem>>, vector<16xf32>,
      %swap3A_501 = vector.shape_cast %swap3A_500 : vector<16xf32> to vector<16xf32>
      %swap3A_502 = vector.shape_cast %exp3A_498 : vector<16xf32> to vector<16xf32>
      tpu.vector_store %arg22[%swap3A_499], %swap3A_502 {strides = array<i32>} : memref<128xf32, #tpu.memory_space<vmem>>, vector<16xf32>,
      %get3A_503 = arith.constant 96 : index
      %get3A_504 = tpu.vector_load %arg20[%get3A_503] {strides = array<i32>} : memref<128xf32, #tpu.memory_space<vmem>>, vector<16xf32>,
      %get3A_505 = vector.shape_cast %get3A_504 : vector<16xf32> to vector<16xf32>
      %get3A_506 = arith.constant 96 : index
      %get3A_507 = tpu.vector_load %arg21[%get3A_506] {strides = array<i32>} : memref<128xf32, #tpu.memory_space<vmem>>, vector<16xf32>,
      %get3A_508 = vector.shape_cast %get3A_507 : vector<16xf32> to vector<16xf32>
      %add3A_509 = arith.addf %get3A_505, %get3A_508 : vector<16xf32>
      %gt3A_510 = arith.constant 0.000000e+00 : f32
      %gt3A_511 = vector.broadcast %gt3A_510 : f32 to vector<16xf32>
      %gt3A_512 = arith.cmpf ogt, %add3A_509, %gt3A_511 : vector<16xf32>
      %mul3A_513 = arith.constant 2.000000e-01 : f32
      %mul3A_514 = vector.broadcast %mul3A_513 : f32 to vector<16xf32>
      %mul3A_515 = arith.mulf %mul3A_514, %add3A_509 : vector<16xf32>
      %select_n3A_516 = arith.select %gt3A_512, %add3A_509, %mul3A_515 : vector<16xi1>, vector<16xf32>
      %sub3A_517 = vector.broadcast %squeeze3A : f32 to vector<16xf32>
      %sub3A_518 = arith.subf %select_n3A_516, %sub3A_517 : vector<16xf32>
      %exp3A_519 = math.exp %sub3A_518 : vector<16xf32>
      %swap3A_520 = arith.constant 96 : index
      %swap3A_521 = tpu.vector_load %arg22[%swap3A_520] {strides = array<i32>} : memref<128xf32, #tpu.memory_space<vmem>>, vector<16xf32>,
      %swap3A_522 = vector.shape_cast %swap3A_521 : vector<16xf32> to vector<16xf32>
      %swap3A_523 = vector.shape_cast %exp3A_519 : vector<16xf32> to vector<16xf32>
      tpu.vector_store %arg22[%swap3A_520], %swap3A_523 {strides = array<i32>} : memref<128xf32, #tpu.memory_space<vmem>>, vector<16xf32>,
      %get3A_524 = arith.constant 112 : index
      %get3A_525 = tpu.vector_load %arg20[%get3A_524] {strides = array<i32>} : memref<128xf32, #tpu.memory_space<vmem>>, vector<16xf32>,
      %get3A_526 = vector.shape_cast %get3A_525 : vector<16xf32> to vector<16xf32>
      %get3A_527 = arith.constant 112 : index
      %get3A_528 = tpu.vector_load %arg21[%get3A_527] {strides = array<i32>} : memref<128xf32, #tpu.memory_space<vmem>>, vector<16xf32>,
      %get3A_529 = vector.shape_cast %get3A_528 : vector<16xf32> to vector<16xf32>
      %add3A_530 = arith.addf %get3A_526, %get3A_529 : vector<16xf32>
      %gt3A_531 = arith.constant 0.000000e+00 : f32
      %gt3A_532 = vector.broadcast %gt3A_531 : f32 to vector<16xf32>
      %gt3A_533 = arith.cmpf ogt, %add3A_530, %gt3A_532 : vector<16xf32>
      %mul3A_534 = arith.constant 2.000000e-01 : f32
      %mul3A_535 = vector.broadcast %mul3A_534 : f32 to vector<16xf32>
      %mul3A_536 = arith.mulf %mul3A_535, %add3A_530 : vector<16xf32>
      %select_n3A_537 = arith.select %gt3A_533, %add3A_530, %mul3A_536 : vector<16xi1>, vector<16xf32>
      %sub3A_538 = vector.broadcast %squeeze3A : f32 to vector<16xf32>
      %sub3A_539 = arith.subf %select_n3A_537, %sub3A_538 : vector<16xf32>
      %exp3A_540 = math.exp %sub3A_539 : vector<16xf32>
      %swap3A_541 = arith.constant 112 : index
      %swap3A_542 = tpu.vector_load %arg22[%swap3A_541] {strides = array<i32>} : memref<128xf32, #tpu.memory_space<vmem>>, vector<16xf32>,
      %swap3A_543 = vector.shape_cast %swap3A_542 : vector<16xf32> to vector<16xf32>
      %swap3A_544 = vector.shape_cast %exp3A_540 : vector<16xf32> to vector<16xf32>
      tpu.vector_store %arg22[%swap3A_541], %swap3A_544 {strides = array<i32>} : memref<128xf32, #tpu.memory_space<vmem>>, vector<16xf32>,
      %scan3A_545 = arith.constant 0 : i32
      %scan3A_546 = arith.constant 0 : i32
      %scan3A_547 = arith.constant 8 : i32
      %scan3A_548 = arith.addi %scan3A_546, %scan3A_547 : i32
      %scan3A_549 = arith.constant 1 : i32
      scf.for %scan3A_556 = %scan3A_546 to %scan3A_548 step %scan3A_549  : i32 {
        %mul3A_557 = arith.constant 16 : i32
        %mul3A_558 = arith.muli %scan3A_556, %mul3A_557 : i32
        %get3A_559 = arith.index_cast %mul3A_558 : i32 to index
        %get3A_560 = tpu.vector_load %arg22[%get3A_559] {strides = array<i32>} : memref<128xf32, #tpu.memory_space<vmem>>, vector<16xf32>,
        %get3A_561 = vector.shape_cast %get3A_560 : vector<16xf32> to vector<16xf32>
        %mul3A_562 = arith.constant 16 : i32
        %mul3A_563 = arith.muli %scan3A_556, %mul3A_562 : i32
        %add3A_564 = arith.constant 0 : i32
        %add3A_565 = arith.addi %mul3A_563, %add3A_564 : i32
        %get3A_566 = arith.index_cast %add3A_565 : i32 to index
        %get3A_567 = arith.constant 0 : index
        %get3A_568 = tpu.vector_load %arg23[%get3A_566, %get3A_567] {strides = array<i32>} : memref<128x16xf32, #tpu.memory_space<vmem>>, vector<1x16xf32>,
        %get3A_569 = vector.shape_cast %get3A_568 : vector<1x16xf32> to vector<16xf32>
        %slice3A_570 = vector.extract_strided_slice %get3A_561 {offsets = [0], sizes = [1], strides = [1]} : vector<16xf32> to vector<1xf32>
        %squeeze3A_571 = vector.extract %slice3A_570[0] : f32 from vector<1xf32>
        %mul3A_572 = vector.broadcast %squeeze3A_571 : f32 to vector<16xf32>
        %mul3A_573 = arith.mulf %get3A_569, %mul3A_572 : vector<16xf32>
        %add3A_574 = arith.constant 0 : i32
        %add3A_575 = arith.addi %mul3A_563, %add3A_574 : i32
        %swap3A_576 = arith.index_cast %add3A_575 : i32 to index
        %swap3A_577 = arith.constant 0 : index
        %swap3A_578 = tpu.vector_load %arg23[%swap3A_576, %swap3A_577] {strides = array<i32>} : memref<128x16xf32, #tpu.memory_space<vmem>>, vector<1x16xf32>,
        %swap3A_579 = vector.shape_cast %swap3A_578 : vector<1x16xf32> to vector<16xf32>
        %swap3A_580 = vector.shape_cast %mul3A_573 : vector<16xf32> to vector<1x16xf32>
        tpu.vector_store %arg23[%swap3A_576, %swap3A_577], %swap3A_580 {strides = array<i32>} : memref<128x16xf32, #tpu.memory_space<vmem>>, vector<1x16xf32>,
        %add3A_581 = arith.constant 1 : i32
        %add3A_582 = arith.addi %mul3A_563, %add3A_581 : i32
        %get3A_583 = arith.index_cast %add3A_582 : i32 to index
        %get3A_584 = arith.constant 0 : index
        %get3A_585 = tpu.vector_load %arg23[%get3A_583, %get3A_584] {strides = array<i32>} : memref<128x16xf32, #tpu.memory_space<vmem>>, vector<1x16xf32>,
        %get3A_586 = vector.shape_cast %get3A_585 : vector<1x16xf32> to vector<16xf32>
        %slice3A_587 = vector.extract_strided_slice %get3A_561 {offsets = [1], sizes = [1], strides = [1]} : vector<16xf32> to vector<1xf32>
        %squeeze3A_588 = vector.extract %slice3A_587[0] : f32 from vector<1xf32>
        %mul3A_589 = vector.broadcast %squeeze3A_588 : f32 to vector<16xf32>
        %mul3A_590 = arith.mulf %get3A_586, %mul3A_589 : vector<16xf32>
        %add3A_591 = arith.constant 1 : i32
        %add3A_592 = arith.addi %mul3A_563, %add3A_591 : i32
        %swap3A_593 = arith.index_cast %add3A_592 : i32 to index
        %swap3A_594 = arith.constant 0 : index
        %swap3A_595 = tpu.vector_load %arg23[%swap3A_593, %swap3A_594] {strides = array<i32>} : memref<128x16xf32, #tpu.memory_space<vmem>>, vector<1x16xf32>,
        %swap3A_596 = vector.shape_cast %swap3A_595 : vector<1x16xf32> to vector<16xf32>
        %swap3A_597 = vector.shape_cast %mul3A_590 : vector<16xf32> to vector<1x16xf32>
        tpu.vector_store %arg23[%swap3A_593, %swap3A_594], %swap3A_597 {strides = array<i32>} : memref<128x16xf32, #tpu.memory_space<vmem>>, vector<1x16xf32>,
        %add3A_598 = arith.constant 2 : i32
        %add3A_599 = arith.addi %mul3A_563, %add3A_598 : i32
        %get3A_600 = arith.index_cast %add3A_599 : i32 to index
        %get3A_601 = arith.constant 0 : index
        %get3A_602 = tpu.vector_load %arg23[%get3A_600, %get3A_601] {strides = array<i32>} : memref<128x16xf32, #tpu.memory_space<vmem>>, vector<1x16xf32>,
        %get3A_603 = vector.shape_cast %get3A_602 : vector<1x16xf32> to vector<16xf32>
        %slice3A_604 = vector.extract_strided_slice %get3A_561 {offsets = [2], sizes = [1], strides = [1]} : vector<16xf32> to vector<1xf32>
        %squeeze3A_605 = vector.extract %slice3A_604[0] : f32 from vector<1xf32>
        %mul3A_606 = vector.broadcast %squeeze3A_605 : f32 to vector<16xf32>
        %mul3A_607 = arith.mulf %get3A_603, %mul3A_606 : vector<16xf32>
        %add3A_608 = arith.constant 2 : i32
        %add3A_609 = arith.addi %mul3A_563, %add3A_608 : i32
        %swap3A_610 = arith.index_cast %add3A_609 : i32 to index
        %swap3A_611 = arith.constant 0 : index
        %swap3A_612 = tpu.vector_load %arg23[%swap3A_610, %swap3A_611] {strides = array<i32>} : memref<128x16xf32, #tpu.memory_space<vmem>>, vector<1x16xf32>,
        %swap3A_613 = vector.shape_cast %swap3A_612 : vector<1x16xf32> to vector<16xf32>
        %swap3A_614 = vector.shape_cast %mul3A_607 : vector<16xf32> to vector<1x16xf32>
        tpu.vector_store %arg23[%swap3A_610, %swap3A_611], %swap3A_614 {strides = array<i32>} : memref<128x16xf32, #tpu.memory_space<vmem>>, vector<1x16xf32>,
        %add3A_615 = arith.constant 3 : i32
        %add3A_616 = arith.addi %mul3A_563, %add3A_615 : i32
        %get3A_617 = arith.index_cast %add3A_616 : i32 to index
        %get3A_618 = arith.constant 0 : index
        %get3A_619 = tpu.vector_load %arg23[%get3A_617, %get3A_618] {strides = array<i32>} : memref<128x16xf32, #tpu.memory_space<vmem>>, vector<1x16xf32>,
        %get3A_620 = vector.shape_cast %get3A_619 : vector<1x16xf32> to vector<16xf32>
        %slice3A_621 = vector.extract_strided_slice %get3A_561 {offsets = [3], sizes = [1], strides = [1]} : vector<16xf32> to vector<1xf32>
        %squeeze3A_622 = vector.extract %slice3A_621[0] : f32 from vector<1xf32>
        %mul3A_623 = vector.broadcast %squeeze3A_622 : f32 to vector<16xf32>
        %mul3A_624 = arith.mulf %get3A_620, %mul3A_623 : vector<16xf32>
        %add3A_625 = arith.constant 3 : i32
        %add3A_626 = arith.addi %mul3A_563, %add3A_625 : i32
        %swap3A_627 = arith.index_cast %add3A_626 : i32 to index
        %swap3A_628 = arith.constant 0 : index
        %swap3A_629 = tpu.vector_load %arg23[%swap3A_627, %swap3A_628] {strides = array<i32>} : memref<128x16xf32, #tpu.memory_space<vmem>>, vector<1x16xf32>,
        %swap3A_630 = vector.shape_cast %swap3A_629 : vector<1x16xf32> to vector<16xf32>
        %swap3A_631 = vector.shape_cast %mul3A_624 : vector<16xf32> to vector<1x16xf32>
        tpu.vector_store %arg23[%swap3A_627, %swap3A_628], %swap3A_631 {strides = array<i32>} : memref<128x16xf32, #tpu.memory_space<vmem>>, vector<1x16xf32>,
        %add3A_632 = arith.constant 4 : i32
        %add3A_633 = arith.addi %mul3A_563, %add3A_632 : i32
        %get3A_634 = arith.index_cast %add3A_633 : i32 to index
        %get3A_635 = arith.constant 0 : index
        %get3A_636 = tpu.vector_load %arg23[%get3A_634, %get3A_635] {strides = array<i32>} : memref<128x16xf32, #tpu.memory_space<vmem>>, vector<1x16xf32>,
        %get3A_637 = vector.shape_cast %get3A_636 : vector<1x16xf32> to vector<16xf32>
        %slice3A_638 = vector.extract_strided_slice %get3A_561 {offsets = [4], sizes = [1], strides = [1]} : vector<16xf32> to vector<1xf32>
        %squeeze3A_639 = vector.extract %slice3A_638[0] : f32 from vector<1xf32>
        %mul3A_640 = vector.broadcast %squeeze3A_639 : f32 to vector<16xf32>
        %mul3A_641 = arith.mulf %get3A_637, %mul3A_640 : vector<16xf32>
        %add3A_642 = arith.constant 4 : i32
        %add3A_643 = arith.addi %mul3A_563, %add3A_642 : i32
        %swap3A_644 = arith.index_cast %add3A_643 : i32 to index
        %swap3A_645 = arith.constant 0 : index
        %swap3A_646 = tpu.vector_load %arg23[%swap3A_644, %swap3A_645] {strides = array<i32>} : memref<128x16xf32, #tpu.memory_space<vmem>>, vector<1x16xf32>,
        %swap3A_647 = vector.shape_cast %swap3A_646 : vector<1x16xf32> to vector<16xf32>
        %swap3A_648 = vector.shape_cast %mul3A_641 : vector<16xf32> to vector<1x16xf32>
        tpu.vector_store %arg23[%swap3A_644, %swap3A_645], %swap3A_648 {strides = array<i32>} : memref<128x16xf32, #tpu.memory_space<vmem>>, vector<1x16xf32>,
        %add3A_649 = arith.constant 5 : i32
        %add3A_650 = arith.addi %mul3A_563, %add3A_649 : i32
        %get3A_651 = arith.index_cast %add3A_650 : i32 to index
        %get3A_652 = arith.constant 0 : index
        %get3A_653 = tpu.vector_load %arg23[%get3A_651, %get3A_652] {strides = array<i32>} : memref<128x16xf32, #tpu.memory_space<vmem>>, vector<1x16xf32>,
        %get3A_654 = vector.shape_cast %get3A_653 : vector<1x16xf32> to vector<16xf32>
        %slice3A_655 = vector.extract_strided_slice %get3A_561 {offsets = [5], sizes = [1], strides = [1]} : vector<16xf32> to vector<1xf32>
        %squeeze3A_656 = vector.extract %slice3A_655[0] : f32 from vector<1xf32>
        %mul3A_657 = vector.broadcast %squeeze3A_656 : f32 to vector<16xf32>
        %mul3A_658 = arith.mulf %get3A_654, %mul3A_657 : vector<16xf32>
        %add3A_659 = arith.constant 5 : i32
        %add3A_660 = arith.addi %mul3A_563, %add3A_659 : i32
        %swap3A_661 = arith.index_cast %add3A_660 : i32 to index
        %swap3A_662 = arith.constant 0 : index
        %swap3A_663 = tpu.vector_load %arg23[%swap3A_661, %swap3A_662] {strides = array<i32>} : memref<128x16xf32, #tpu.memory_space<vmem>>, vector<1x16xf32>,
        %swap3A_664 = vector.shape_cast %swap3A_663 : vector<1x16xf32> to vector<16xf32>
        %swap3A_665 = vector.shape_cast %mul3A_658 : vector<16xf32> to vector<1x16xf32>
        tpu.vector_store %arg23[%swap3A_661, %swap3A_662], %swap3A_665 {strides = array<i32>} : memref<128x16xf32, #tpu.memory_space<vmem>>, vector<1x16xf32>,
        %add3A_666 = arith.constant 6 : i32
        %add3A_667 = arith.addi %mul3A_563, %add3A_666 : i32
        %get3A_668 = arith.index_cast %add3A_667 : i32 to index
        %get3A_669 = arith.constant 0 : index
        %get3A_670 = tpu.vector_load %arg23[%get3A_668, %get3A_669] {strides = array<i32>} : memref<128x16xf32, #tpu.memory_space<vmem>>, vector<1x16xf32>,
        %get3A_671 = vector.shape_cast %get3A_670 : vector<1x16xf32> to vector<16xf32>
        %slice3A_672 = vector.extract_strided_slice %get3A_561 {offsets = [6], sizes = [1], strides = [1]} : vector<16xf32> to vector<1xf32>
        %squeeze3A_673 = vector.extract %slice3A_672[0] : f32 from vector<1xf32>
        %mul3A_674 = vector.broadcast %squeeze3A_673 : f32 to vector<16xf32>
        %mul3A_675 = arith.mulf %get3A_671, %mul3A_674 : vector<16xf32>
        %add3A_676 = arith.constant 6 : i32
        %add3A_677 = arith.addi %mul3A_563, %add3A_676 : i32
        %swap3A_678 = arith.index_cast %add3A_677 : i32 to index
        %swap3A_679 = arith.constant 0 : index
        %swap3A_680 = tpu.vector_load %arg23[%swap3A_678, %swap3A_679] {strides = array<i32>} : memref<128x16xf32, #tpu.memory_space<vmem>>, vector<1x16xf32>,
        %swap3A_681 = vector.shape_cast %swap3A_680 : vector<1x16xf32> to vector<16xf32>
        %swap3A_682 = vector.shape_cast %mul3A_675 : vector<16xf32> to vector<1x16xf32>
        tpu.vector_store %arg23[%swap3A_678, %swap3A_679], %swap3A_682 {strides = array<i32>} : memref<128x16xf32, #tpu.memory_space<vmem>>, vector<1x16xf32>,
        %add3A_683 = arith.constant 7 : i32
        %add3A_684 = arith.addi %mul3A_563, %add3A_683 : i32
        %get3A_685 = arith.index_cast %add3A_684 : i32 to index
        %get3A_686 = arith.constant 0 : index
        %get3A_687 = tpu.vector_load %arg23[%get3A_685, %get3A_686] {strides = array<i32>} : memref<128x16xf32, #tpu.memory_space<vmem>>, vector<1x16xf32>,
        %get3A_688 = vector.shape_cast %get3A_687 : vector<1x16xf32> to vector<16xf32>
        %slice3A_689 = vector.extract_strided_slice %get3A_561 {offsets = [7], sizes = [1], strides = [1]} : vector<16xf32> to vector<1xf32>
        %squeeze3A_690 = vector.extract %slice3A_689[0] : f32 from vector<1xf32>
        %mul3A_691 = vector.broadcast %squeeze3A_690 : f32 to vector<16xf32>
        %mul3A_692 = arith.mulf %get3A_688, %mul3A_691 : vector<16xf32>
        %add3A_693 = arith.constant 7 : i32
        %add3A_694 = arith.addi %mul3A_563, %add3A_693 : i32
        %swap3A_695 = arith.index_cast %add3A_694 : i32 to index
        %swap3A_696 = arith.constant 0 : index
        %swap3A_697 = tpu.vector_load %arg23[%swap3A_695, %swap3A_696] {strides = array<i32>} : memref<128x16xf32, #tpu.memory_space<vmem>>, vector<1x16xf32>,
        %swap3A_698 = vector.shape_cast %swap3A_697 : vector<1x16xf32> to vector<16xf32>
        %swap3A_699 = vector.shape_cast %mul3A_692 : vector<16xf32> to vector<1x16xf32>
        tpu.vector_store %arg23[%swap3A_695, %swap3A_696], %swap3A_699 {strides = array<i32>} : memref<128x16xf32, #tpu.memory_space<vmem>>, vector<1x16xf32>,
        %add3A_700 = arith.constant 8 : i32
        %add3A_701 = arith.addi %mul3A_563, %add3A_700 : i32
        %get3A_702 = arith.index_cast %add3A_701 : i32 to index
        %get3A_703 = arith.constant 0 : index
        %get3A_704 = tpu.vector_load %arg23[%get3A_702, %get3A_703] {strides = array<i32>} : memref<128x16xf32, #tpu.memory_space<vmem>>, vector<1x16xf32>,
        %get3A_705 = vector.shape_cast %get3A_704 : vector<1x16xf32> to vector<16xf32>
        %slice3A_706 = vector.extract_strided_slice %get3A_561 {offsets = [8], sizes = [1], strides = [1]} : vector<16xf32> to vector<1xf32>
        %squeeze3A_707 = vector.extract %slice3A_706[0] : f32 from vector<1xf32>
        %mul3A_708 = vector.broadcast %squeeze3A_707 : f32 to vector<16xf32>
        %mul3A_709 = arith.mulf %get3A_705, %mul3A_708 : vector<16xf32>
        %add3A_710 = arith.constant 8 : i32
        %add3A_711 = arith.addi %mul3A_563, %add3A_710 : i32
        %swap3A_712 = arith.index_cast %add3A_711 : i32 to index
        %swap3A_713 = arith.constant 0 : index
        %swap3A_714 = tpu.vector_load %arg23[%swap3A_712, %swap3A_713] {strides = array<i32>} : memref<128x16xf32, #tpu.memory_space<vmem>>, vector<1x16xf32>,
        %swap3A_715 = vector.shape_cast %swap3A_714 : vector<1x16xf32> to vector<16xf32>
        %swap3A_716 = vector.shape_cast %mul3A_709 : vector<16xf32> to vector<1x16xf32>
        tpu.vector_store %arg23[%swap3A_712, %swap3A_713], %swap3A_716 {strides = array<i32>} : memref<128x16xf32, #tpu.memory_space<vmem>>, vector<1x16xf32>,
        %add3A_717 = arith.constant 9 : i32
        %add3A_718 = arith.addi %mul3A_563, %add3A_717 : i32
        %get3A_719 = arith.index_cast %add3A_718 : i32 to index
        %get3A_720 = arith.constant 0 : index
        %get3A_721 = tpu.vector_load %arg23[%get3A_719, %get3A_720] {strides = array<i32>} : memref<128x16xf32, #tpu.memory_space<vmem>>, vector<1x16xf32>,
        %get3A_722 = vector.shape_cast %get3A_721 : vector<1x16xf32> to vector<16xf32>
        %slice3A_723 = vector.extract_strided_slice %get3A_561 {offsets = [9], sizes = [1], strides = [1]} : vector<16xf32> to vector<1xf32>
        %squeeze3A_724 = vector.extract %slice3A_723[0] : f32 from vector<1xf32>
        %mul3A_725 = vector.broadcast %squeeze3A_724 : f32 to vector<16xf32>
        %mul3A_726 = arith.mulf %get3A_722, %mul3A_725 : vector<16xf32>
        %add3A_727 = arith.constant 9 : i32
        %add3A_728 = arith.addi %mul3A_563, %add3A_727 : i32
        %swap3A_729 = arith.index_cast %add3A_728 : i32 to index
        %swap3A_730 = arith.constant 0 : index
        %swap3A_731 = tpu.vector_load %arg23[%swap3A_729, %swap3A_730] {strides = array<i32>} : memref<128x16xf32, #tpu.memory_space<vmem>>, vector<1x16xf32>,
        %swap3A_732 = vector.shape_cast %swap3A_731 : vector<1x16xf32> to vector<16xf32>
        %swap3A_733 = vector.shape_cast %mul3A_726 : vector<16xf32> to vector<1x16xf32>
        tpu.vector_store %arg23[%swap3A_729, %swap3A_730], %swap3A_733 {strides = array<i32>} : memref<128x16xf32, #tpu.memory_space<vmem>>, vector<1x16xf32>,
        %add3A_734 = arith.constant 10 : i32
        %add3A_735 = arith.addi %mul3A_563, %add3A_734 : i32
        %get3A_736 = arith.index_cast %add3A_735 : i32 to index
        %get3A_737 = arith.constant 0 : index
        %get3A_738 = tpu.vector_load %arg23[%get3A_736, %get3A_737] {strides = array<i32>} : memref<128x16xf32, #tpu.memory_space<vmem>>, vector<1x16xf32>,
        %get3A_739 = vector.shape_cast %get3A_738 : vector<1x16xf32> to vector<16xf32>
        %slice3A_740 = vector.extract_strided_slice %get3A_561 {offsets = [10], sizes = [1], strides = [1]} : vector<16xf32> to vector<1xf32>
        %squeeze3A_741 = vector.extract %slice3A_740[0] : f32 from vector<1xf32>
        %mul3A_742 = vector.broadcast %squeeze3A_741 : f32 to vector<16xf32>
        %mul3A_743 = arith.mulf %get3A_739, %mul3A_742 : vector<16xf32>
        %add3A_744 = arith.constant 10 : i32
        %add3A_745 = arith.addi %mul3A_563, %add3A_744 : i32
        %swap3A_746 = arith.index_cast %add3A_745 : i32 to index
        %swap3A_747 = arith.constant 0 : index
        %swap3A_748 = tpu.vector_load %arg23[%swap3A_746, %swap3A_747] {strides = array<i32>} : memref<128x16xf32, #tpu.memory_space<vmem>>, vector<1x16xf32>,
        %swap3A_749 = vector.shape_cast %swap3A_748 : vector<1x16xf32> to vector<16xf32>
        %swap3A_750 = vector.shape_cast %mul3A_743 : vector<16xf32> to vector<1x16xf32>
        tpu.vector_store %arg23[%swap3A_746, %swap3A_747], %swap3A_750 {strides = array<i32>} : memref<128x16xf32, #tpu.memory_space<vmem>>, vector<1x16xf32>,
        %add3A_751 = arith.constant 11 : i32
        %add3A_752 = arith.addi %mul3A_563, %add3A_751 : i32
        %get3A_753 = arith.index_cast %add3A_752 : i32 to index
        %get3A_754 = arith.constant 0 : index
        %get3A_755 = tpu.vector_load %arg23[%get3A_753, %get3A_754] {strides = array<i32>} : memref<128x16xf32, #tpu.memory_space<vmem>>, vector<1x16xf32>,
        %get3A_756 = vector.shape_cast %get3A_755 : vector<1x16xf32> to vector<16xf32>
        %slice3A_757 = vector.extract_strided_slice %get3A_561 {offsets = [11], sizes = [1], strides = [1]} : vector<16xf32> to vector<1xf32>
        %squeeze3A_758 = vector.extract %slice3A_757[0] : f32 from vector<1xf32>
        %mul3A_759 = vector.broadcast %squeeze3A_758 : f32 to vector<16xf32>
        %mul3A_760 = arith.mulf %get3A_756, %mul3A_759 : vector<16xf32>
        %add3A_761 = arith.constant 11 : i32
        %add3A_762 = arith.addi %mul3A_563, %add3A_761 : i32
        %swap3A_763 = arith.index_cast %add3A_762 : i32 to index
        %swap3A_764 = arith.constant 0 : index
        %swap3A_765 = tpu.vector_load %arg23[%swap3A_763, %swap3A_764] {strides = array<i32>} : memref<128x16xf32, #tpu.memory_space<vmem>>, vector<1x16xf32>,
        %swap3A_766 = vector.shape_cast %swap3A_765 : vector<1x16xf32> to vector<16xf32>
        %swap3A_767 = vector.shape_cast %mul3A_760 : vector<16xf32> to vector<1x16xf32>
        tpu.vector_store %arg23[%swap3A_763, %swap3A_764], %swap3A_767 {strides = array<i32>} : memref<128x16xf32, #tpu.memory_space<vmem>>, vector<1x16xf32>,
        %add3A_768 = arith.constant 12 : i32
        %add3A_769 = arith.addi %mul3A_563, %add3A_768 : i32
        %get3A_770 = arith.index_cast %add3A_769 : i32 to index
        %get3A_771 = arith.constant 0 : index
        %get3A_772 = tpu.vector_load %arg23[%get3A_770, %get3A_771] {strides = array<i32>} : memref<128x16xf32, #tpu.memory_space<vmem>>, vector<1x16xf32>,
        %get3A_773 = vector.shape_cast %get3A_772 : vector<1x16xf32> to vector<16xf32>
        %slice3A_774 = vector.extract_strided_slice %get3A_561 {offsets = [12], sizes = [1], strides = [1]} : vector<16xf32> to vector<1xf32>
        %squeeze3A_775 = vector.extract %slice3A_774[0] : f32 from vector<1xf32>
        %mul3A_776 = vector.broadcast %squeeze3A_775 : f32 to vector<16xf32>
        %mul3A_777 = arith.mulf %get3A_773, %mul3A_776 : vector<16xf32>
        %add3A_778 = arith.constant 12 : i32
        %add3A_779 = arith.addi %mul3A_563, %add3A_778 : i32
        %swap3A_780 = arith.index_cast %add3A_779 : i32 to index
        %swap3A_781 = arith.constant 0 : index
        %swap3A_782 = tpu.vector_load %arg23[%swap3A_780, %swap3A_781] {strides = array<i32>} : memref<128x16xf32, #tpu.memory_space<vmem>>, vector<1x16xf32>,
        %swap3A_783 = vector.shape_cast %swap3A_782 : vector<1x16xf32> to vector<16xf32>
        %swap3A_784 = vector.shape_cast %mul3A_777 : vector<16xf32> to vector<1x16xf32>
        tpu.vector_store %arg23[%swap3A_780, %swap3A_781], %swap3A_784 {strides = array<i32>} : memref<128x16xf32, #tpu.memory_space<vmem>>, vector<1x16xf32>,
        %add3A_785 = arith.constant 13 : i32
        %add3A_786 = arith.addi %mul3A_563, %add3A_785 : i32
        %get3A_787 = arith.index_cast %add3A_786 : i32 to index
        %get3A_788 = arith.constant 0 : index
        %get3A_789 = tpu.vector_load %arg23[%get3A_787, %get3A_788] {strides = array<i32>} : memref<128x16xf32, #tpu.memory_space<vmem>>, vector<1x16xf32>,
        %get3A_790 = vector.shape_cast %get3A_789 : vector<1x16xf32> to vector<16xf32>
        %slice3A_791 = vector.extract_strided_slice %get3A_561 {offsets = [13], sizes = [1], strides = [1]} : vector<16xf32> to vector<1xf32>
        %squeeze3A_792 = vector.extract %slice3A_791[0] : f32 from vector<1xf32>
        %mul3A_793 = vector.broadcast %squeeze3A_792 : f32 to vector<16xf32>
        %mul3A_794 = arith.mulf %get3A_790, %mul3A_793 : vector<16xf32>
        %add3A_795 = arith.constant 13 : i32
        %add3A_796 = arith.addi %mul3A_563, %add3A_795 : i32
        %swap3A_797 = arith.index_cast %add3A_796 : i32 to index
        %swap3A_798 = arith.constant 0 : index
        %swap3A_799 = tpu.vector_load %arg23[%swap3A_797, %swap3A_798] {strides = array<i32>} : memref<128x16xf32, #tpu.memory_space<vmem>>, vector<1x16xf32>,
        %swap3A_800 = vector.shape_cast %swap3A_799 : vector<1x16xf32> to vector<16xf32>
        %swap3A_801 = vector.shape_cast %mul3A_794 : vector<16xf32> to vector<1x16xf32>
        tpu.vector_store %arg23[%swap3A_797, %swap3A_798], %swap3A_801 {strides = array<i32>} : memref<128x16xf32, #tpu.memory_space<vmem>>, vector<1x16xf32>,
        %add3A_802 = arith.constant 14 : i32
        %add3A_803 = arith.addi %mul3A_563, %add3A_802 : i32
        %get3A_804 = arith.index_cast %add3A_803 : i32 to index
        %get3A_805 = arith.constant 0 : index
        %get3A_806 = tpu.vector_load %arg23[%get3A_804, %get3A_805] {strides = array<i32>} : memref<128x16xf32, #tpu.memory_space<vmem>>, vector<1x16xf32>,
        %get3A_807 = vector.shape_cast %get3A_806 : vector<1x16xf32> to vector<16xf32>
        %slice3A_808 = vector.extract_strided_slice %get3A_561 {offsets = [14], sizes = [1], strides = [1]} : vector<16xf32> to vector<1xf32>
        %squeeze3A_809 = vector.extract %slice3A_808[0] : f32 from vector<1xf32>
        %mul3A_810 = vector.broadcast %squeeze3A_809 : f32 to vector<16xf32>
        %mul3A_811 = arith.mulf %get3A_807, %mul3A_810 : vector<16xf32>
        %add3A_812 = arith.constant 14 : i32
        %add3A_813 = arith.addi %mul3A_563, %add3A_812 : i32
        %swap3A_814 = arith.index_cast %add3A_813 : i32 to index
        %swap3A_815 = arith.constant 0 : index
        %swap3A_816 = tpu.vector_load %arg23[%swap3A_814, %swap3A_815] {strides = array<i32>} : memref<128x16xf32, #tpu.memory_space<vmem>>, vector<1x16xf32>,
        %swap3A_817 = vector.shape_cast %swap3A_816 : vector<1x16xf32> to vector<16xf32>
        %swap3A_818 = vector.shape_cast %mul3A_811 : vector<16xf32> to vector<1x16xf32>
        tpu.vector_store %arg23[%swap3A_814, %swap3A_815], %swap3A_818 {strides = array<i32>} : memref<128x16xf32, #tpu.memory_space<vmem>>, vector<1x16xf32>,
        %add3A_819 = arith.constant 15 : i32
        %add3A_820 = arith.addi %mul3A_563, %add3A_819 : i32
        %get3A_821 = arith.index_cast %add3A_820 : i32 to index
        %get3A_822 = arith.constant 0 : index
        %get3A_823 = tpu.vector_load %arg23[%get3A_821, %get3A_822] {strides = array<i32>} : memref<128x16xf32, #tpu.memory_space<vmem>>, vector<1x16xf32>,
        %get3A_824 = vector.shape_cast %get3A_823 : vector<1x16xf32> to vector<16xf32>
        %slice3A_825 = vector.extract_strided_slice %get3A_561 {offsets = [15], sizes = [1], strides = [1]} : vector<16xf32> to vector<1xf32>
        %squeeze3A_826 = vector.extract %slice3A_825[0] : f32 from vector<1xf32>
        %mul3A_827 = vector.broadcast %squeeze3A_826 : f32 to vector<16xf32>
        %mul3A_828 = arith.mulf %get3A_824, %mul3A_827 : vector<16xf32>
        %add3A_829 = arith.constant 15 : i32
        %add3A_830 = arith.addi %mul3A_563, %add3A_829 : i32
        %swap3A_831 = arith.index_cast %add3A_830 : i32 to index
        %swap3A_832 = arith.constant 0 : index
        %swap3A_833 = tpu.vector_load %arg23[%swap3A_831, %swap3A_832] {strides = array<i32>} : memref<128x16xf32, #tpu.memory_space<vmem>>, vector<1x16xf32>,
        %swap3A_834 = vector.shape_cast %swap3A_833 : vector<1x16xf32> to vector<16xf32>
        %swap3A_835 = vector.shape_cast %mul3A_828 : vector<16xf32> to vector<1x16xf32>
        tpu.vector_store %arg23[%swap3A_831, %swap3A_832], %swap3A_835 {strides = array<i32>} : memref<128x16xf32, #tpu.memory_space<vmem>>, vector<1x16xf32>,
      }
      %scan3A_550 = arith.constant 8 : i32
      %dma_start3A_551 = arith.constant 0 : i32
      %dma_start3A_552 = arith.constant 0 : i32
      %dma_start3A_553 = tpu.memref_slice %arg34[%dma_start3A_551, %dma_start3A_552] : memref<100000x16xf32, #tpu.memory_space<vmem_shared>> -> memref<100000x16xf32, #tpu.memory_space<vmem_shared>>
      tpu.enqueue_indirect_dma source(%arg23 : memref<128x16xf32, #tpu.memory_space<vmem>>) target(%dma_start3A_553 : memref<100000x16xf32, #tpu.memory_space<vmem_shared>>) offsets(%arg19 : memref<128xi32, #tpu.memory_space<vmem>>) semaphore(%arg43 : memref<!tpu.dma_semaphore, #tpu.memory_space<semaphore_mem>>) {add = true}
      %dma_start3A_554 = arith.constant 0 : i32
      %dma_start3A_555 = tpu.memref_slice %arg35[%dma_start3A_554] : memref<100000xf32, #tpu.memory_space<vmem_shared>> -> memref<100000xf32, #tpu.memory_space<vmem_shared>>
      tpu.enqueue_indirect_dma source(%arg22 : memref<128xf32, #tpu.memory_space<vmem>>) target(%dma_start3A_555 : memref<100000xf32, #tpu.memory_space<vmem_shared>>) offsets(%arg19 : memref<128xi32, #tpu.memory_space<vmem>>) semaphore(%arg44 : memref<!tpu.dma_semaphore, #tpu.memory_space<semaphore_mem>>) {add = true}
    }
    %scan3A_37 = arith.constant 781 : i32
    %dma_wait3A = arith.constant 0 : i32
    %dma_wait3A_38 = arith.constant 0 : i32
    %dma_wait3A_39 = tpu.memref_slice %arg34[%dma_wait3A, %dma_wait3A_38] : memref<100000x16xf32, #tpu.memory_space<vmem_shared>> -> memref<100000x16xf32, #tpu.memory_space<vmem_shared>>
    tpu.wait_indirect_dma semaphore(%arg41 : memref<!tpu.dma_semaphore, #tpu.memory_space<semaphore_mem>>) src(%arg16 : memref<128x16xf32, #tpu.memory_space<vmem>>) dst(%dma_wait3A_39 : memref<100000x16xf32, #tpu.memory_space<vmem_shared>>)
    %dma_wait3A_40 = arith.constant 0 : i32
    %dma_wait3A_41 = tpu.memref_slice %arg35[%dma_wait3A_40] : memref<100000xf32, #tpu.memory_space<vmem_shared>> -> memref<100000xf32, #tpu.memory_space<vmem_shared>>
    tpu.wait_indirect_dma semaphore(%arg42 : memref<!tpu.dma_semaphore, #tpu.memory_space<semaphore_mem>>) src(%arg15 : memref<128xf32, #tpu.memory_space<vmem>>) dst(%dma_wait3A_41 : memref<100000xf32, #tpu.memory_space<vmem_shared>>)
    %dma_wait3A_42 = arith.constant 0 : i32
    %dma_wait3A_43 = arith.constant 0 : i32
    %dma_wait3A_44 = tpu.memref_slice %arg34[%dma_wait3A_42, %dma_wait3A_43] : memref<100000x16xf32, #tpu.memory_space<vmem_shared>> -> memref<100000x16xf32, #tpu.memory_space<vmem_shared>>
    tpu.wait_indirect_dma semaphore(%arg43 : memref<!tpu.dma_semaphore, #tpu.memory_space<semaphore_mem>>) src(%arg23 : memref<128x16xf32, #tpu.memory_space<vmem>>) dst(%dma_wait3A_44 : memref<100000x16xf32, #tpu.memory_space<vmem_shared>>)
    %dma_wait3A_45 = arith.constant 0 : i32
    %dma_wait3A_46 = tpu.memref_slice %arg35[%dma_wait3A_45] : memref<100000xf32, #tpu.memory_space<vmem_shared>> -> memref<100000xf32, #tpu.memory_space<vmem_shared>>
    tpu.wait_indirect_dma semaphore(%arg44 : memref<!tpu.dma_semaphore, #tpu.memory_space<semaphore_mem>>) src(%arg22 : memref<128xf32, #tpu.memory_space<vmem>>) dst(%dma_wait3A_46 : memref<100000xf32, #tpu.memory_space<vmem_shared>>)
    %add3A_47 = arith.constant 199936 : i32
    %add3A_48 = arith.addi %mul3A_23, %add3A_47 : i32
    "tpu.region"() ({
      %run_scoped3A = tpu.sem_alloc : memref<!tpu.dma_semaphore, #tpu.memory_space<semaphore_mem>>
      %dma_start3A_159 = tpu.memref_slice %arg2[%add3A_48] : memref<6400000xi32, #tpu.memory_space<hbm>> -> memref<64xi32, #tpu.memory_space<hbm>>
      %dma_start3A_160 = tpu.memref_slice %arg2[%add3A_48] : memref<6400000xi32, #tpu.memory_space<hbm>> -> memref<64xi32, #tpu.memory_space<hbm>>
      tpu.enqueue_dma source(%dma_start3A_160 : memref<64xi32, #tpu.memory_space<hbm>>) target(%arg24 : memref<64xi32, #tpu.memory_space<vmem>>) target_semaphore(%run_scoped3A : memref<!tpu.dma_semaphore, #tpu.memory_space<semaphore_mem>>)
      %dma_wait3A_161 = tpu.memref_slice %arg2[%add3A_48] : memref<6400000xi32, #tpu.memory_space<hbm>> -> memref<64xi32, #tpu.memory_space<hbm>>
      %dma_wait3A_162 = tpu.memref_slice %arg2[%add3A_48] : memref<6400000xi32, #tpu.memory_space<hbm>> -> memref<64xi32, #tpu.memory_space<hbm>>
      tpu.wait_dma2 semaphore(%run_scoped3A : memref<!tpu.dma_semaphore, #tpu.memory_space<semaphore_mem>>) src(%dma_wait3A_162 : memref<64xi32, #tpu.memory_space<hbm>>) dst(%arg24 : memref<64xi32, #tpu.memory_space<vmem>>)
      tpu.yield
    }) : () -> ()
    "tpu.region"() ({
      %run_scoped3A = tpu.sem_alloc : memref<!tpu.dma_semaphore, #tpu.memory_space<semaphore_mem>>
      %dma_start3A_159 = tpu.memref_slice %arg3[%add3A_48] : memref<6400000xi32, #tpu.memory_space<hbm>> -> memref<64xi32, #tpu.memory_space<hbm>>
      %dma_start3A_160 = tpu.memref_slice %arg3[%add3A_48] : memref<6400000xi32, #tpu.memory_space<hbm>> -> memref<64xi32, #tpu.memory_space<hbm>>
      tpu.enqueue_dma source(%dma_start3A_160 : memref<64xi32, #tpu.memory_space<hbm>>) target(%arg26 : memref<64xi32, #tpu.memory_space<vmem>>) target_semaphore(%run_scoped3A : memref<!tpu.dma_semaphore, #tpu.memory_space<semaphore_mem>>)
      %dma_wait3A_161 = tpu.memref_slice %arg3[%add3A_48] : memref<6400000xi32, #tpu.memory_space<hbm>> -> memref<64xi32, #tpu.memory_space<hbm>>
      %dma_wait3A_162 = tpu.memref_slice %arg3[%add3A_48] : memref<6400000xi32, #tpu.memory_space<hbm>> -> memref<64xi32, #tpu.memory_space<hbm>>
      tpu.wait_dma2 semaphore(%run_scoped3A : memref<!tpu.dma_semaphore, #tpu.memory_space<semaphore_mem>>) src(%dma_wait3A_162 : memref<64xi32, #tpu.memory_space<hbm>>) dst(%arg26 : memref<64xi32, #tpu.memory_space<vmem>>)
      tpu.yield
    }) : () -> ()
    %dma_start3A_49 = arith.constant 0 : i32
    %dma_start3A_50 = tpu.memref_slice %arg36[%dma_start3A_49] : memref<100000xf32, #tpu.memory_space<vmem_shared>> -> memref<100000xf32, #tpu.memory_space<vmem_shared>>
    tpu.enqueue_indirect_dma source(%dma_start3A_50 : memref<100000xf32, #tpu.memory_space<vmem_shared>>) target(%arg27 : memref<64xf32, #tpu.memory_space<vmem>>) offsets(%arg24 : memref<64xi32, #tpu.memory_space<vmem>>) semaphore(%arg38 : memref<!tpu.dma_semaphore, #tpu.memory_space<semaphore_mem>>)
    %dma_start3A_51 = arith.constant 0 : i32
    %dma_start3A_52 = tpu.memref_slice %arg37[%dma_start3A_51] : memref<100000xf32, #tpu.memory_space<vmem_shared>> -> memref<100000xf32, #tpu.memory_space<vmem_shared>>
    tpu.enqueue_indirect_dma source(%dma_start3A_52 : memref<100000xf32, #tpu.memory_space<vmem_shared>>) target(%arg28 : memref<64xf32, #tpu.memory_space<vmem>>) offsets(%arg26 : memref<64xi32, #tpu.memory_space<vmem>>) semaphore(%arg39 : memref<!tpu.dma_semaphore, #tpu.memory_space<semaphore_mem>>)
    %dma_start3A_53 = arith.constant 0 : i32
    %dma_start3A_54 = arith.constant 0 : i32
    %dma_start3A_55 = tpu.memref_slice %arg4[%dma_start3A_53, %dma_start3A_54] : memref<100000x16xf32, #tpu.memory_space<hbm>> -> memref<100000x16xf32, #tpu.memory_space<hbm>>
    tpu.enqueue_indirect_dma source(%dma_start3A_55 : memref<100000x16xf32, #tpu.memory_space<hbm>>) target(%arg30 : memref<64x16xf32, #tpu.memory_space<vmem>>) offsets(%arg24 : memref<64xi32, #tpu.memory_space<vmem>>) semaphore(%arg40 : memref<!tpu.dma_semaphore, #tpu.memory_space<semaphore_mem>>)
    %dma_wait3A_56 = arith.constant 0 : i32
    %dma_wait3A_57 = tpu.memref_slice %arg36[%dma_wait3A_56] : memref<100000xf32, #tpu.memory_space<vmem_shared>> -> memref<100000xf32, #tpu.memory_space<vmem_shared>>
    tpu.wait_indirect_dma semaphore(%arg38 : memref<!tpu.dma_semaphore, #tpu.memory_space<semaphore_mem>>) src(%dma_wait3A_57 : memref<100000xf32, #tpu.memory_space<vmem_shared>>) dst(%arg27 : memref<64xf32, #tpu.memory_space<vmem>>)
    %dma_wait3A_58 = arith.constant 0 : i32
    %dma_wait3A_59 = tpu.memref_slice %arg37[%dma_wait3A_58] : memref<100000xf32, #tpu.memory_space<vmem_shared>> -> memref<100000xf32, #tpu.memory_space<vmem_shared>>
    tpu.wait_indirect_dma semaphore(%arg39 : memref<!tpu.dma_semaphore, #tpu.memory_space<semaphore_mem>>) src(%dma_wait3A_59 : memref<100000xf32, #tpu.memory_space<vmem_shared>>) dst(%arg28 : memref<64xf32, #tpu.memory_space<vmem>>)
    %dma_wait3A_60 = arith.constant 0 : i32
    %dma_wait3A_61 = arith.constant 0 : i32
    %dma_wait3A_62 = tpu.memref_slice %arg4[%dma_wait3A_60, %dma_wait3A_61] : memref<100000x16xf32, #tpu.memory_space<hbm>> -> memref<100000x16xf32, #tpu.memory_space<hbm>>
    tpu.wait_indirect_dma semaphore(%arg40 : memref<!tpu.dma_semaphore, #tpu.memory_space<semaphore_mem>>) src(%dma_wait3A_62 : memref<100000x16xf32, #tpu.memory_space<hbm>>) dst(%arg30 : memref<64x16xf32, #tpu.memory_space<vmem>>)
    %get3A_63 = arith.constant 0 : index
    %get3A_64 = tpu.vector_load %arg27[%get3A_63] {strides = array<i32>} : memref<64xf32, #tpu.memory_space<vmem>>, vector<16xf32>,
    %get3A_65 = vector.shape_cast %get3A_64 : vector<16xf32> to vector<16xf32>
    %get3A_66 = arith.constant 0 : index
    %get3A_67 = tpu.vector_load %arg28[%get3A_66] {strides = array<i32>} : memref<64xf32, #tpu.memory_space<vmem>>, vector<16xf32>,
    %get3A_68 = vector.shape_cast %get3A_67 : vector<16xf32> to vector<16xf32>
    %add3A_69 = arith.addf %get3A_65, %get3A_68 : vector<16xf32>
    %gt3A = arith.constant 0.000000e+00 : f32
    %gt3A_70 = vector.broadcast %gt3A : f32 to vector<16xf32>
    %gt3A_71 = arith.cmpf ogt, %add3A_69, %gt3A_70 : vector<16xf32>
    %mul3A_72 = arith.constant 2.000000e-01 : f32
    %mul3A_73 = vector.broadcast %mul3A_72 : f32 to vector<16xf32>
    %mul3A_74 = arith.mulf %mul3A_73, %add3A_69 : vector<16xf32>
    %select_n3A = arith.select %gt3A_71, %add3A_69, %mul3A_74 : vector<16xi1>, vector<16xf32>
    %sub3A = vector.broadcast %squeeze3A : f32 to vector<16xf32>
    %sub3A_75 = arith.subf %select_n3A, %sub3A : vector<16xf32>
    %exp3A = math.exp %sub3A_75 : vector<16xf32>
    %swap3A = arith.constant 0 : index
    %swap3A_76 = tpu.vector_load %arg29[%swap3A] {strides = array<i32>} : memref<64xf32, #tpu.memory_space<vmem>>, vector<16xf32>,
    %swap3A_77 = vector.shape_cast %swap3A_76 : vector<16xf32> to vector<16xf32>
    %swap3A_78 = vector.shape_cast %exp3A : vector<16xf32> to vector<16xf32>
    tpu.vector_store %arg29[%swap3A], %swap3A_78 {strides = array<i32>} : memref<64xf32, #tpu.memory_space<vmem>>, vector<16xf32>,
    %get3A_79 = arith.constant 16 : index
    %get3A_80 = tpu.vector_load %arg27[%get3A_79] {strides = array<i32>} : memref<64xf32, #tpu.memory_space<vmem>>, vector<16xf32>,
    %get3A_81 = vector.shape_cast %get3A_80 : vector<16xf32> to vector<16xf32>
    %get3A_82 = arith.constant 16 : index
    %get3A_83 = tpu.vector_load %arg28[%get3A_82] {strides = array<i32>} : memref<64xf32, #tpu.memory_space<vmem>>, vector<16xf32>,
    %get3A_84 = vector.shape_cast %get3A_83 : vector<16xf32> to vector<16xf32>
    %add3A_85 = arith.addf %get3A_81, %get3A_84 : vector<16xf32>
    %gt3A_86 = arith.constant 0.000000e+00 : f32
    %gt3A_87 = vector.broadcast %gt3A_86 : f32 to vector<16xf32>
    %gt3A_88 = arith.cmpf ogt, %add3A_85, %gt3A_87 : vector<16xf32>
    %mul3A_89 = arith.constant 2.000000e-01 : f32
    %mul3A_90 = vector.broadcast %mul3A_89 : f32 to vector<16xf32>
    %mul3A_91 = arith.mulf %mul3A_90, %add3A_85 : vector<16xf32>
    %select_n3A_92 = arith.select %gt3A_88, %add3A_85, %mul3A_91 : vector<16xi1>, vector<16xf32>
    %sub3A_93 = vector.broadcast %squeeze3A : f32 to vector<16xf32>
    %sub3A_94 = arith.subf %select_n3A_92, %sub3A_93 : vector<16xf32>
    %exp3A_95 = math.exp %sub3A_94 : vector<16xf32>
    %swap3A_96 = arith.constant 16 : index
    %swap3A_97 = tpu.vector_load %arg29[%swap3A_96] {strides = array<i32>} : memref<64xf32, #tpu.memory_space<vmem>>, vector<16xf32>,
    %swap3A_98 = vector.shape_cast %swap3A_97 : vector<16xf32> to vector<16xf32>
    %swap3A_99 = vector.shape_cast %exp3A_95 : vector<16xf32> to vector<16xf32>
    tpu.vector_store %arg29[%swap3A_96], %swap3A_99 {strides = array<i32>} : memref<64xf32, #tpu.memory_space<vmem>>, vector<16xf32>,
    %get3A_100 = arith.constant 32 : index
    %get3A_101 = tpu.vector_load %arg27[%get3A_100] {strides = array<i32>} : memref<64xf32, #tpu.memory_space<vmem>>, vector<16xf32>,
    %get3A_102 = vector.shape_cast %get3A_101 : vector<16xf32> to vector<16xf32>
    %get3A_103 = arith.constant 32 : index
    %get3A_104 = tpu.vector_load %arg28[%get3A_103] {strides = array<i32>} : memref<64xf32, #tpu.memory_space<vmem>>, vector<16xf32>,
    %get3A_105 = vector.shape_cast %get3A_104 : vector<16xf32> to vector<16xf32>
    %add3A_106 = arith.addf %get3A_102, %get3A_105 : vector<16xf32>
    %gt3A_107 = arith.constant 0.000000e+00 : f32
    %gt3A_108 = vector.broadcast %gt3A_107 : f32 to vector<16xf32>
    %gt3A_109 = arith.cmpf ogt, %add3A_106, %gt3A_108 : vector<16xf32>
    %mul3A_110 = arith.constant 2.000000e-01 : f32
    %mul3A_111 = vector.broadcast %mul3A_110 : f32 to vector<16xf32>
    %mul3A_112 = arith.mulf %mul3A_111, %add3A_106 : vector<16xf32>
    %select_n3A_113 = arith.select %gt3A_109, %add3A_106, %mul3A_112 : vector<16xi1>, vector<16xf32>
    %sub3A_114 = vector.broadcast %squeeze3A : f32 to vector<16xf32>
    %sub3A_115 = arith.subf %select_n3A_113, %sub3A_114 : vector<16xf32>
    %exp3A_116 = math.exp %sub3A_115 : vector<16xf32>
    %swap3A_117 = arith.constant 32 : index
    %swap3A_118 = tpu.vector_load %arg29[%swap3A_117] {strides = array<i32>} : memref<64xf32, #tpu.memory_space<vmem>>, vector<16xf32>,
    %swap3A_119 = vector.shape_cast %swap3A_118 : vector<16xf32> to vector<16xf32>
    %swap3A_120 = vector.shape_cast %exp3A_116 : vector<16xf32> to vector<16xf32>
    tpu.vector_store %arg29[%swap3A_117], %swap3A_120 {strides = array<i32>} : memref<64xf32, #tpu.memory_space<vmem>>, vector<16xf32>,
    %get3A_121 = arith.constant 48 : index
    %get3A_122 = tpu.vector_load %arg27[%get3A_121] {strides = array<i32>} : memref<64xf32, #tpu.memory_space<vmem>>, vector<16xf32>,
    %get3A_123 = vector.shape_cast %get3A_122 : vector<16xf32> to vector<16xf32>
    %get3A_124 = arith.constant 48 : index
    %get3A_125 = tpu.vector_load %arg28[%get3A_124] {strides = array<i32>} : memref<64xf32, #tpu.memory_space<vmem>>, vector<16xf32>,
    %get3A_126 = vector.shape_cast %get3A_125 : vector<16xf32> to vector<16xf32>
    %add3A_127 = arith.addf %get3A_123, %get3A_126 : vector<16xf32>
    %gt3A_128 = arith.constant 0.000000e+00 : f32
    %gt3A_129 = vector.broadcast %gt3A_128 : f32 to vector<16xf32>
    %gt3A_130 = arith.cmpf ogt, %add3A_127, %gt3A_129 : vector<16xf32>
    %mul3A_131 = arith.constant 2.000000e-01 : f32
    %mul3A_132 = vector.broadcast %mul3A_131 : f32 to vector<16xf32>
    %mul3A_133 = arith.mulf %mul3A_132, %add3A_127 : vector<16xf32>
    %select_n3A_134 = arith.select %gt3A_130, %add3A_127, %mul3A_133 : vector<16xi1>, vector<16xf32>
    %sub3A_135 = vector.broadcast %squeeze3A : f32 to vector<16xf32>
    %sub3A_136 = arith.subf %select_n3A_134, %sub3A_135 : vector<16xf32>
    %exp3A_137 = math.exp %sub3A_136 : vector<16xf32>
    %swap3A_138 = arith.constant 48 : index
    %swap3A_139 = tpu.vector_load %arg29[%swap3A_138] {strides = array<i32>} : memref<64xf32, #tpu.memory_space<vmem>>, vector<16xf32>,
    %swap3A_140 = vector.shape_cast %swap3A_139 : vector<16xf32> to vector<16xf32>
    %swap3A_141 = vector.shape_cast %exp3A_137 : vector<16xf32> to vector<16xf32>
    tpu.vector_store %arg29[%swap3A_138], %swap3A_141 {strides = array<i32>} : memref<64xf32, #tpu.memory_space<vmem>>, vector<16xf32>,
    %scan3A_142 = arith.constant 0 : i32
    %scan3A_143 = arith.constant 0 : i32
    %scan3A_144 = arith.constant 4 : i32
    %scan3A_145 = arith.addi %scan3A_143, %scan3A_144 : i32
    %scan3A_146 = arith.constant 1 : i32
    scf.for %scan3A_159 = %scan3A_143 to %scan3A_145 step %scan3A_146  : i32 {
      %mul3A_160 = arith.constant 16 : i32
      %mul3A_161 = arith.muli %scan3A_159, %mul3A_160 : i32
      %get3A_162 = arith.index_cast %mul3A_161 : i32 to index
      %get3A_163 = tpu.vector_load %arg29[%get3A_162] {strides = array<i32>} : memref<64xf32, #tpu.memory_space<vmem>>, vector<16xf32>,
      %get3A_164 = vector.shape_cast %get3A_163 : vector<16xf32> to vector<16xf32>
      %mul3A_165 = arith.constant 16 : i32
      %mul3A_166 = arith.muli %scan3A_159, %mul3A_165 : i32
      %add3A_167 = arith.constant 0 : i32
      %add3A_168 = arith.addi %mul3A_166, %add3A_167 : i32
      %get3A_169 = arith.index_cast %add3A_168 : i32 to index
      %get3A_170 = arith.constant 0 : index
      %get3A_171 = tpu.vector_load %arg30[%get3A_169, %get3A_170] {strides = array<i32>} : memref<64x16xf32, #tpu.memory_space<vmem>>, vector<1x16xf32>,
      %get3A_172 = vector.shape_cast %get3A_171 : vector<1x16xf32> to vector<16xf32>
      %slice3A_173 = vector.extract_strided_slice %get3A_164 {offsets = [0], sizes = [1], strides = [1]} : vector<16xf32> to vector<1xf32>
      %squeeze3A_174 = vector.extract %slice3A_173[0] : f32 from vector<1xf32>
      %mul3A_175 = vector.broadcast %squeeze3A_174 : f32 to vector<16xf32>
      %mul3A_176 = arith.mulf %get3A_172, %mul3A_175 : vector<16xf32>
      %add3A_177 = arith.constant 0 : i32
      %add3A_178 = arith.addi %mul3A_166, %add3A_177 : i32
      %swap3A_179 = arith.index_cast %add3A_178 : i32 to index
      %swap3A_180 = arith.constant 0 : index
      %swap3A_181 = tpu.vector_load %arg30[%swap3A_179, %swap3A_180] {strides = array<i32>} : memref<64x16xf32, #tpu.memory_space<vmem>>, vector<1x16xf32>,
      %swap3A_182 = vector.shape_cast %swap3A_181 : vector<1x16xf32> to vector<16xf32>
      %swap3A_183 = vector.shape_cast %mul3A_176 : vector<16xf32> to vector<1x16xf32>
      tpu.vector_store %arg30[%swap3A_179, %swap3A_180], %swap3A_183 {strides = array<i32>} : memref<64x16xf32, #tpu.memory_space<vmem>>, vector<1x16xf32>,
      %add3A_184 = arith.constant 1 : i32
      %add3A_185 = arith.addi %mul3A_166, %add3A_184 : i32
      %get3A_186 = arith.index_cast %add3A_185 : i32 to index
      %get3A_187 = arith.constant 0 : index
      %get3A_188 = tpu.vector_load %arg30[%get3A_186, %get3A_187] {strides = array<i32>} : memref<64x16xf32, #tpu.memory_space<vmem>>, vector<1x16xf32>,
      %get3A_189 = vector.shape_cast %get3A_188 : vector<1x16xf32> to vector<16xf32>
      %slice3A_190 = vector.extract_strided_slice %get3A_164 {offsets = [1], sizes = [1], strides = [1]} : vector<16xf32> to vector<1xf32>
      %squeeze3A_191 = vector.extract %slice3A_190[0] : f32 from vector<1xf32>
      %mul3A_192 = vector.broadcast %squeeze3A_191 : f32 to vector<16xf32>
      %mul3A_193 = arith.mulf %get3A_189, %mul3A_192 : vector<16xf32>
      %add3A_194 = arith.constant 1 : i32
      %add3A_195 = arith.addi %mul3A_166, %add3A_194 : i32
      %swap3A_196 = arith.index_cast %add3A_195 : i32 to index
      %swap3A_197 = arith.constant 0 : index
      %swap3A_198 = tpu.vector_load %arg30[%swap3A_196, %swap3A_197] {strides = array<i32>} : memref<64x16xf32, #tpu.memory_space<vmem>>, vector<1x16xf32>,
      %swap3A_199 = vector.shape_cast %swap3A_198 : vector<1x16xf32> to vector<16xf32>
      %swap3A_200 = vector.shape_cast %mul3A_193 : vector<16xf32> to vector<1x16xf32>
      tpu.vector_store %arg30[%swap3A_196, %swap3A_197], %swap3A_200 {strides = array<i32>} : memref<64x16xf32, #tpu.memory_space<vmem>>, vector<1x16xf32>,
      %add3A_201 = arith.constant 2 : i32
      %add3A_202 = arith.addi %mul3A_166, %add3A_201 : i32
      %get3A_203 = arith.index_cast %add3A_202 : i32 to index
      %get3A_204 = arith.constant 0 : index
      %get3A_205 = tpu.vector_load %arg30[%get3A_203, %get3A_204] {strides = array<i32>} : memref<64x16xf32, #tpu.memory_space<vmem>>, vector<1x16xf32>,
      %get3A_206 = vector.shape_cast %get3A_205 : vector<1x16xf32> to vector<16xf32>
      %slice3A_207 = vector.extract_strided_slice %get3A_164 {offsets = [2], sizes = [1], strides = [1]} : vector<16xf32> to vector<1xf32>
      %squeeze3A_208 = vector.extract %slice3A_207[0] : f32 from vector<1xf32>
      %mul3A_209 = vector.broadcast %squeeze3A_208 : f32 to vector<16xf32>
      %mul3A_210 = arith.mulf %get3A_206, %mul3A_209 : vector<16xf32>
      %add3A_211 = arith.constant 2 : i32
      %add3A_212 = arith.addi %mul3A_166, %add3A_211 : i32
      %swap3A_213 = arith.index_cast %add3A_212 : i32 to index
      %swap3A_214 = arith.constant 0 : index
      %swap3A_215 = tpu.vector_load %arg30[%swap3A_213, %swap3A_214] {strides = array<i32>} : memref<64x16xf32, #tpu.memory_space<vmem>>, vector<1x16xf32>,
      %swap3A_216 = vector.shape_cast %swap3A_215 : vector<1x16xf32> to vector<16xf32>
      %swap3A_217 = vector.shape_cast %mul3A_210 : vector<16xf32> to vector<1x16xf32>
      tpu.vector_store %arg30[%swap3A_213, %swap3A_214], %swap3A_217 {strides = array<i32>} : memref<64x16xf32, #tpu.memory_space<vmem>>, vector<1x16xf32>,
      %add3A_218 = arith.constant 3 : i32
      %add3A_219 = arith.addi %mul3A_166, %add3A_218 : i32
      %get3A_220 = arith.index_cast %add3A_219 : i32 to index
      %get3A_221 = arith.constant 0 : index
      %get3A_222 = tpu.vector_load %arg30[%get3A_220, %get3A_221] {strides = array<i32>} : memref<64x16xf32, #tpu.memory_space<vmem>>, vector<1x16xf32>,
      %get3A_223 = vector.shape_cast %get3A_222 : vector<1x16xf32> to vector<16xf32>
      %slice3A_224 = vector.extract_strided_slice %get3A_164 {offsets = [3], sizes = [1], strides = [1]} : vector<16xf32> to vector<1xf32>
      %squeeze3A_225 = vector.extract %slice3A_224[0] : f32 from vector<1xf32>
      %mul3A_226 = vector.broadcast %squeeze3A_225 : f32 to vector<16xf32>
      %mul3A_227 = arith.mulf %get3A_223, %mul3A_226 : vector<16xf32>
      %add3A_228 = arith.constant 3 : i32
      %add3A_229 = arith.addi %mul3A_166, %add3A_228 : i32
      %swap3A_230 = arith.index_cast %add3A_229 : i32 to index
      %swap3A_231 = arith.constant 0 : index
      %swap3A_232 = tpu.vector_load %arg30[%swap3A_230, %swap3A_231] {strides = array<i32>} : memref<64x16xf32, #tpu.memory_space<vmem>>, vector<1x16xf32>,
      %swap3A_233 = vector.shape_cast %swap3A_232 : vector<1x16xf32> to vector<16xf32>
      %swap3A_234 = vector.shape_cast %mul3A_227 : vector<16xf32> to vector<1x16xf32>
      tpu.vector_store %arg30[%swap3A_230, %swap3A_231], %swap3A_234 {strides = array<i32>} : memref<64x16xf32, #tpu.memory_space<vmem>>, vector<1x16xf32>,
      %add3A_235 = arith.constant 4 : i32
      %add3A_236 = arith.addi %mul3A_166, %add3A_235 : i32
      %get3A_237 = arith.index_cast %add3A_236 : i32 to index
      %get3A_238 = arith.constant 0 : index
      %get3A_239 = tpu.vector_load %arg30[%get3A_237, %get3A_238] {strides = array<i32>} : memref<64x16xf32, #tpu.memory_space<vmem>>, vector<1x16xf32>,
      %get3A_240 = vector.shape_cast %get3A_239 : vector<1x16xf32> to vector<16xf32>
      %slice3A_241 = vector.extract_strided_slice %get3A_164 {offsets = [4], sizes = [1], strides = [1]} : vector<16xf32> to vector<1xf32>
      %squeeze3A_242 = vector.extract %slice3A_241[0] : f32 from vector<1xf32>
      %mul3A_243 = vector.broadcast %squeeze3A_242 : f32 to vector<16xf32>
      %mul3A_244 = arith.mulf %get3A_240, %mul3A_243 : vector<16xf32>
      %add3A_245 = arith.constant 4 : i32
      %add3A_246 = arith.addi %mul3A_166, %add3A_245 : i32
      %swap3A_247 = arith.index_cast %add3A_246 : i32 to index
      %swap3A_248 = arith.constant 0 : index
      %swap3A_249 = tpu.vector_load %arg30[%swap3A_247, %swap3A_248] {strides = array<i32>} : memref<64x16xf32, #tpu.memory_space<vmem>>, vector<1x16xf32>,
      %swap3A_250 = vector.shape_cast %swap3A_249 : vector<1x16xf32> to vector<16xf32>
      %swap3A_251 = vector.shape_cast %mul3A_244 : vector<16xf32> to vector<1x16xf32>
      tpu.vector_store %arg30[%swap3A_247, %swap3A_248], %swap3A_251 {strides = array<i32>} : memref<64x16xf32, #tpu.memory_space<vmem>>, vector<1x16xf32>,
      %add3A_252 = arith.constant 5 : i32
      %add3A_253 = arith.addi %mul3A_166, %add3A_252 : i32
      %get3A_254 = arith.index_cast %add3A_253 : i32 to index
      %get3A_255 = arith.constant 0 : index
      %get3A_256 = tpu.vector_load %arg30[%get3A_254, %get3A_255] {strides = array<i32>} : memref<64x16xf32, #tpu.memory_space<vmem>>, vector<1x16xf32>,
      %get3A_257 = vector.shape_cast %get3A_256 : vector<1x16xf32> to vector<16xf32>
      %slice3A_258 = vector.extract_strided_slice %get3A_164 {offsets = [5], sizes = [1], strides = [1]} : vector<16xf32> to vector<1xf32>
      %squeeze3A_259 = vector.extract %slice3A_258[0] : f32 from vector<1xf32>
      %mul3A_260 = vector.broadcast %squeeze3A_259 : f32 to vector<16xf32>
      %mul3A_261 = arith.mulf %get3A_257, %mul3A_260 : vector<16xf32>
      %add3A_262 = arith.constant 5 : i32
      %add3A_263 = arith.addi %mul3A_166, %add3A_262 : i32
      %swap3A_264 = arith.index_cast %add3A_263 : i32 to index
      %swap3A_265 = arith.constant 0 : index
      %swap3A_266 = tpu.vector_load %arg30[%swap3A_264, %swap3A_265] {strides = array<i32>} : memref<64x16xf32, #tpu.memory_space<vmem>>, vector<1x16xf32>,
      %swap3A_267 = vector.shape_cast %swap3A_266 : vector<1x16xf32> to vector<16xf32>
      %swap3A_268 = vector.shape_cast %mul3A_261 : vector<16xf32> to vector<1x16xf32>
      tpu.vector_store %arg30[%swap3A_264, %swap3A_265], %swap3A_268 {strides = array<i32>} : memref<64x16xf32, #tpu.memory_space<vmem>>, vector<1x16xf32>,
      %add3A_269 = arith.constant 6 : i32
      %add3A_270 = arith.addi %mul3A_166, %add3A_269 : i32
      %get3A_271 = arith.index_cast %add3A_270 : i32 to index
      %get3A_272 = arith.constant 0 : index
      %get3A_273 = tpu.vector_load %arg30[%get3A_271, %get3A_272] {strides = array<i32>} : memref<64x16xf32, #tpu.memory_space<vmem>>, vector<1x16xf32>,
      %get3A_274 = vector.shape_cast %get3A_273 : vector<1x16xf32> to vector<16xf32>
      %slice3A_275 = vector.extract_strided_slice %get3A_164 {offsets = [6], sizes = [1], strides = [1]} : vector<16xf32> to vector<1xf32>
      %squeeze3A_276 = vector.extract %slice3A_275[0] : f32 from vector<1xf32>
      %mul3A_277 = vector.broadcast %squeeze3A_276 : f32 to vector<16xf32>
      %mul3A_278 = arith.mulf %get3A_274, %mul3A_277 : vector<16xf32>
      %add3A_279 = arith.constant 6 : i32
      %add3A_280 = arith.addi %mul3A_166, %add3A_279 : i32
      %swap3A_281 = arith.index_cast %add3A_280 : i32 to index
      %swap3A_282 = arith.constant 0 : index
      %swap3A_283 = tpu.vector_load %arg30[%swap3A_281, %swap3A_282] {strides = array<i32>} : memref<64x16xf32, #tpu.memory_space<vmem>>, vector<1x16xf32>,
      %swap3A_284 = vector.shape_cast %swap3A_283 : vector<1x16xf32> to vector<16xf32>
      %swap3A_285 = vector.shape_cast %mul3A_278 : vector<16xf32> to vector<1x16xf32>
      tpu.vector_store %arg30[%swap3A_281, %swap3A_282], %swap3A_285 {strides = array<i32>} : memref<64x16xf32, #tpu.memory_space<vmem>>, vector<1x16xf32>,
      %add3A_286 = arith.constant 7 : i32
      %add3A_287 = arith.addi %mul3A_166, %add3A_286 : i32
      %get3A_288 = arith.index_cast %add3A_287 : i32 to index
      %get3A_289 = arith.constant 0 : index
      %get3A_290 = tpu.vector_load %arg30[%get3A_288, %get3A_289] {strides = array<i32>} : memref<64x16xf32, #tpu.memory_space<vmem>>, vector<1x16xf32>,
      %get3A_291 = vector.shape_cast %get3A_290 : vector<1x16xf32> to vector<16xf32>
      %slice3A_292 = vector.extract_strided_slice %get3A_164 {offsets = [7], sizes = [1], strides = [1]} : vector<16xf32> to vector<1xf32>
      %squeeze3A_293 = vector.extract %slice3A_292[0] : f32 from vector<1xf32>
      %mul3A_294 = vector.broadcast %squeeze3A_293 : f32 to vector<16xf32>
      %mul3A_295 = arith.mulf %get3A_291, %mul3A_294 : vector<16xf32>
      %add3A_296 = arith.constant 7 : i32
      %add3A_297 = arith.addi %mul3A_166, %add3A_296 : i32
      %swap3A_298 = arith.index_cast %add3A_297 : i32 to index
      %swap3A_299 = arith.constant 0 : index
      %swap3A_300 = tpu.vector_load %arg30[%swap3A_298, %swap3A_299] {strides = array<i32>} : memref<64x16xf32, #tpu.memory_space<vmem>>, vector<1x16xf32>,
      %swap3A_301 = vector.shape_cast %swap3A_300 : vector<1x16xf32> to vector<16xf32>
      %swap3A_302 = vector.shape_cast %mul3A_295 : vector<16xf32> to vector<1x16xf32>
      tpu.vector_store %arg30[%swap3A_298, %swap3A_299], %swap3A_302 {strides = array<i32>} : memref<64x16xf32, #tpu.memory_space<vmem>>, vector<1x16xf32>,
      %add3A_303 = arith.constant 8 : i32
      %add3A_304 = arith.addi %mul3A_166, %add3A_303 : i32
      %get3A_305 = arith.index_cast %add3A_304 : i32 to index
      %get3A_306 = arith.constant 0 : index
      %get3A_307 = tpu.vector_load %arg30[%get3A_305, %get3A_306] {strides = array<i32>} : memref<64x16xf32, #tpu.memory_space<vmem>>, vector<1x16xf32>,
      %get3A_308 = vector.shape_cast %get3A_307 : vector<1x16xf32> to vector<16xf32>
      %slice3A_309 = vector.extract_strided_slice %get3A_164 {offsets = [8], sizes = [1], strides = [1]} : vector<16xf32> to vector<1xf32>
      %squeeze3A_310 = vector.extract %slice3A_309[0] : f32 from vector<1xf32>
      %mul3A_311 = vector.broadcast %squeeze3A_310 : f32 to vector<16xf32>
      %mul3A_312 = arith.mulf %get3A_308, %mul3A_311 : vector<16xf32>
      %add3A_313 = arith.constant 8 : i32
      %add3A_314 = arith.addi %mul3A_166, %add3A_313 : i32
      %swap3A_315 = arith.index_cast %add3A_314 : i32 to index
      %swap3A_316 = arith.constant 0 : index
      %swap3A_317 = tpu.vector_load %arg30[%swap3A_315, %swap3A_316] {strides = array<i32>} : memref<64x16xf32, #tpu.memory_space<vmem>>, vector<1x16xf32>,
      %swap3A_318 = vector.shape_cast %swap3A_317 : vector<1x16xf32> to vector<16xf32>
      %swap3A_319 = vector.shape_cast %mul3A_312 : vector<16xf32> to vector<1x16xf32>
      tpu.vector_store %arg30[%swap3A_315, %swap3A_316], %swap3A_319 {strides = array<i32>} : memref<64x16xf32, #tpu.memory_space<vmem>>, vector<1x16xf32>,
      %add3A_320 = arith.constant 9 : i32
      %add3A_321 = arith.addi %mul3A_166, %add3A_320 : i32
      %get3A_322 = arith.index_cast %add3A_321 : i32 to index
      %get3A_323 = arith.constant 0 : index
      %get3A_324 = tpu.vector_load %arg30[%get3A_322, %get3A_323] {strides = array<i32>} : memref<64x16xf32, #tpu.memory_space<vmem>>, vector<1x16xf32>,
      %get3A_325 = vector.shape_cast %get3A_324 : vector<1x16xf32> to vector<16xf32>
      %slice3A_326 = vector.extract_strided_slice %get3A_164 {offsets = [9], sizes = [1], strides = [1]} : vector<16xf32> to vector<1xf32>
      %squeeze3A_327 = vector.extract %slice3A_326[0] : f32 from vector<1xf32>
      %mul3A_328 = vector.broadcast %squeeze3A_327 : f32 to vector<16xf32>
      %mul3A_329 = arith.mulf %get3A_325, %mul3A_328 : vector<16xf32>
      %add3A_330 = arith.constant 9 : i32
      %add3A_331 = arith.addi %mul3A_166, %add3A_330 : i32
      %swap3A_332 = arith.index_cast %add3A_331 : i32 to index
      %swap3A_333 = arith.constant 0 : index
      %swap3A_334 = tpu.vector_load %arg30[%swap3A_332, %swap3A_333] {strides = array<i32>} : memref<64x16xf32, #tpu.memory_space<vmem>>, vector<1x16xf32>,
      %swap3A_335 = vector.shape_cast %swap3A_334 : vector<1x16xf32> to vector<16xf32>
      %swap3A_336 = vector.shape_cast %mul3A_329 : vector<16xf32> to vector<1x16xf32>
      tpu.vector_store %arg30[%swap3A_332, %swap3A_333], %swap3A_336 {strides = array<i32>} : memref<64x16xf32, #tpu.memory_space<vmem>>, vector<1x16xf32>,
      %add3A_337 = arith.constant 10 : i32
      %add3A_338 = arith.addi %mul3A_166, %add3A_337 : i32
      %get3A_339 = arith.index_cast %add3A_338 : i32 to index
      %get3A_340 = arith.constant 0 : index
      %get3A_341 = tpu.vector_load %arg30[%get3A_339, %get3A_340] {strides = array<i32>} : memref<64x16xf32, #tpu.memory_space<vmem>>, vector<1x16xf32>,
      %get3A_342 = vector.shape_cast %get3A_341 : vector<1x16xf32> to vector<16xf32>
      %slice3A_343 = vector.extract_strided_slice %get3A_164 {offsets = [10], sizes = [1], strides = [1]} : vector<16xf32> to vector<1xf32>
      %squeeze3A_344 = vector.extract %slice3A_343[0] : f32 from vector<1xf32>
      %mul3A_345 = vector.broadcast %squeeze3A_344 : f32 to vector<16xf32>
      %mul3A_346 = arith.mulf %get3A_342, %mul3A_345 : vector<16xf32>
      %add3A_347 = arith.constant 10 : i32
      %add3A_348 = arith.addi %mul3A_166, %add3A_347 : i32
      %swap3A_349 = arith.index_cast %add3A_348 : i32 to index
      %swap3A_350 = arith.constant 0 : index
      %swap3A_351 = tpu.vector_load %arg30[%swap3A_349, %swap3A_350] {strides = array<i32>} : memref<64x16xf32, #tpu.memory_space<vmem>>, vector<1x16xf32>,
      %swap3A_352 = vector.shape_cast %swap3A_351 : vector<1x16xf32> to vector<16xf32>
      %swap3A_353 = vector.shape_cast %mul3A_346 : vector<16xf32> to vector<1x16xf32>
      tpu.vector_store %arg30[%swap3A_349, %swap3A_350], %swap3A_353 {strides = array<i32>} : memref<64x16xf32, #tpu.memory_space<vmem>>, vector<1x16xf32>,
      %add3A_354 = arith.constant 11 : i32
      %add3A_355 = arith.addi %mul3A_166, %add3A_354 : i32
      %get3A_356 = arith.index_cast %add3A_355 : i32 to index
      %get3A_357 = arith.constant 0 : index
      %get3A_358 = tpu.vector_load %arg30[%get3A_356, %get3A_357] {strides = array<i32>} : memref<64x16xf32, #tpu.memory_space<vmem>>, vector<1x16xf32>,
      %get3A_359 = vector.shape_cast %get3A_358 : vector<1x16xf32> to vector<16xf32>
      %slice3A_360 = vector.extract_strided_slice %get3A_164 {offsets = [11], sizes = [1], strides = [1]} : vector<16xf32> to vector<1xf32>
      %squeeze3A_361 = vector.extract %slice3A_360[0] : f32 from vector<1xf32>
      %mul3A_362 = vector.broadcast %squeeze3A_361 : f32 to vector<16xf32>
      %mul3A_363 = arith.mulf %get3A_359, %mul3A_362 : vector<16xf32>
      %add3A_364 = arith.constant 11 : i32
      %add3A_365 = arith.addi %mul3A_166, %add3A_364 : i32
      %swap3A_366 = arith.index_cast %add3A_365 : i32 to index
      %swap3A_367 = arith.constant 0 : index
      %swap3A_368 = tpu.vector_load %arg30[%swap3A_366, %swap3A_367] {strides = array<i32>} : memref<64x16xf32, #tpu.memory_space<vmem>>, vector<1x16xf32>,
      %swap3A_369 = vector.shape_cast %swap3A_368 : vector<1x16xf32> to vector<16xf32>
      %swap3A_370 = vector.shape_cast %mul3A_363 : vector<16xf32> to vector<1x16xf32>
      tpu.vector_store %arg30[%swap3A_366, %swap3A_367], %swap3A_370 {strides = array<i32>} : memref<64x16xf32, #tpu.memory_space<vmem>>, vector<1x16xf32>,
      %add3A_371 = arith.constant 12 : i32
      %add3A_372 = arith.addi %mul3A_166, %add3A_371 : i32
      %get3A_373 = arith.index_cast %add3A_372 : i32 to index
      %get3A_374 = arith.constant 0 : index
      %get3A_375 = tpu.vector_load %arg30[%get3A_373, %get3A_374] {strides = array<i32>} : memref<64x16xf32, #tpu.memory_space<vmem>>, vector<1x16xf32>,
      %get3A_376 = vector.shape_cast %get3A_375 : vector<1x16xf32> to vector<16xf32>
      %slice3A_377 = vector.extract_strided_slice %get3A_164 {offsets = [12], sizes = [1], strides = [1]} : vector<16xf32> to vector<1xf32>
      %squeeze3A_378 = vector.extract %slice3A_377[0] : f32 from vector<1xf32>
      %mul3A_379 = vector.broadcast %squeeze3A_378 : f32 to vector<16xf32>
      %mul3A_380 = arith.mulf %get3A_376, %mul3A_379 : vector<16xf32>
      %add3A_381 = arith.constant 12 : i32
      %add3A_382 = arith.addi %mul3A_166, %add3A_381 : i32
      %swap3A_383 = arith.index_cast %add3A_382 : i32 to index
      %swap3A_384 = arith.constant 0 : index
      %swap3A_385 = tpu.vector_load %arg30[%swap3A_383, %swap3A_384] {strides = array<i32>} : memref<64x16xf32, #tpu.memory_space<vmem>>, vector<1x16xf32>,
      %swap3A_386 = vector.shape_cast %swap3A_385 : vector<1x16xf32> to vector<16xf32>
      %swap3A_387 = vector.shape_cast %mul3A_380 : vector<16xf32> to vector<1x16xf32>
      tpu.vector_store %arg30[%swap3A_383, %swap3A_384], %swap3A_387 {strides = array<i32>} : memref<64x16xf32, #tpu.memory_space<vmem>>, vector<1x16xf32>,
      %add3A_388 = arith.constant 13 : i32
      %add3A_389 = arith.addi %mul3A_166, %add3A_388 : i32
      %get3A_390 = arith.index_cast %add3A_389 : i32 to index
      %get3A_391 = arith.constant 0 : index
      %get3A_392 = tpu.vector_load %arg30[%get3A_390, %get3A_391] {strides = array<i32>} : memref<64x16xf32, #tpu.memory_space<vmem>>, vector<1x16xf32>,
      %get3A_393 = vector.shape_cast %get3A_392 : vector<1x16xf32> to vector<16xf32>
      %slice3A_394 = vector.extract_strided_slice %get3A_164 {offsets = [13], sizes = [1], strides = [1]} : vector<16xf32> to vector<1xf32>
      %squeeze3A_395 = vector.extract %slice3A_394[0] : f32 from vector<1xf32>
      %mul3A_396 = vector.broadcast %squeeze3A_395 : f32 to vector<16xf32>
      %mul3A_397 = arith.mulf %get3A_393, %mul3A_396 : vector<16xf32>
      %add3A_398 = arith.constant 13 : i32
      %add3A_399 = arith.addi %mul3A_166, %add3A_398 : i32
      %swap3A_400 = arith.index_cast %add3A_399 : i32 to index
      %swap3A_401 = arith.constant 0 : index
      %swap3A_402 = tpu.vector_load %arg30[%swap3A_400, %swap3A_401] {strides = array<i32>} : memref<64x16xf32, #tpu.memory_space<vmem>>, vector<1x16xf32>,
      %swap3A_403 = vector.shape_cast %swap3A_402 : vector<1x16xf32> to vector<16xf32>
      %swap3A_404 = vector.shape_cast %mul3A_397 : vector<16xf32> to vector<1x16xf32>
      tpu.vector_store %arg30[%swap3A_400, %swap3A_401], %swap3A_404 {strides = array<i32>} : memref<64x16xf32, #tpu.memory_space<vmem>>, vector<1x16xf32>,
      %add3A_405 = arith.constant 14 : i32
      %add3A_406 = arith.addi %mul3A_166, %add3A_405 : i32
      %get3A_407 = arith.index_cast %add3A_406 : i32 to index
      %get3A_408 = arith.constant 0 : index
      %get3A_409 = tpu.vector_load %arg30[%get3A_407, %get3A_408] {strides = array<i32>} : memref<64x16xf32, #tpu.memory_space<vmem>>, vector<1x16xf32>,
      %get3A_410 = vector.shape_cast %get3A_409 : vector<1x16xf32> to vector<16xf32>
      %slice3A_411 = vector.extract_strided_slice %get3A_164 {offsets = [14], sizes = [1], strides = [1]} : vector<16xf32> to vector<1xf32>
      %squeeze3A_412 = vector.extract %slice3A_411[0] : f32 from vector<1xf32>
      %mul3A_413 = vector.broadcast %squeeze3A_412 : f32 to vector<16xf32>
      %mul3A_414 = arith.mulf %get3A_410, %mul3A_413 : vector<16xf32>
      %add3A_415 = arith.constant 14 : i32
      %add3A_416 = arith.addi %mul3A_166, %add3A_415 : i32
      %swap3A_417 = arith.index_cast %add3A_416 : i32 to index
      %swap3A_418 = arith.constant 0 : index
      %swap3A_419 = tpu.vector_load %arg30[%swap3A_417, %swap3A_418] {strides = array<i32>} : memref<64x16xf32, #tpu.memory_space<vmem>>, vector<1x16xf32>,
      %swap3A_420 = vector.shape_cast %swap3A_419 : vector<1x16xf32> to vector<16xf32>
      %swap3A_421 = vector.shape_cast %mul3A_414 : vector<16xf32> to vector<1x16xf32>
      tpu.vector_store %arg30[%swap3A_417, %swap3A_418], %swap3A_421 {strides = array<i32>} : memref<64x16xf32, #tpu.memory_space<vmem>>, vector<1x16xf32>,
      %add3A_422 = arith.constant 15 : i32
      %add3A_423 = arith.addi %mul3A_166, %add3A_422 : i32
      %get3A_424 = arith.index_cast %add3A_423 : i32 to index
      %get3A_425 = arith.constant 0 : index
      %get3A_426 = tpu.vector_load %arg30[%get3A_424, %get3A_425] {strides = array<i32>} : memref<64x16xf32, #tpu.memory_space<vmem>>, vector<1x16xf32>,
      %get3A_427 = vector.shape_cast %get3A_426 : vector<1x16xf32> to vector<16xf32>
      %slice3A_428 = vector.extract_strided_slice %get3A_164 {offsets = [15], sizes = [1], strides = [1]} : vector<16xf32> to vector<1xf32>
      %squeeze3A_429 = vector.extract %slice3A_428[0] : f32 from vector<1xf32>
      %mul3A_430 = vector.broadcast %squeeze3A_429 : f32 to vector<16xf32>
      %mul3A_431 = arith.mulf %get3A_427, %mul3A_430 : vector<16xf32>
      %add3A_432 = arith.constant 15 : i32
      %add3A_433 = arith.addi %mul3A_166, %add3A_432 : i32
      %swap3A_434 = arith.index_cast %add3A_433 : i32 to index
      %swap3A_435 = arith.constant 0 : index
      %swap3A_436 = tpu.vector_load %arg30[%swap3A_434, %swap3A_435] {strides = array<i32>} : memref<64x16xf32, #tpu.memory_space<vmem>>, vector<1x16xf32>,
      %swap3A_437 = vector.shape_cast %swap3A_436 : vector<1x16xf32> to vector<16xf32>
      %swap3A_438 = vector.shape_cast %mul3A_431 : vector<16xf32> to vector<1x16xf32>
      tpu.vector_store %arg30[%swap3A_434, %swap3A_435], %swap3A_438 {strides = array<i32>} : memref<64x16xf32, #tpu.memory_space<vmem>>, vector<1x16xf32>,
    }
    %scan3A_147 = arith.constant 4 : i32
    "tpu.region"() ({
      %run_scoped3A = tpu.sem_alloc : memref<!tpu.dma_semaphore, #tpu.memory_space<semaphore_mem>>
      %dma_start3A_159 = arith.constant 0 : i32
      %dma_start3A_160 = arith.constant 0 : i32
      %dma_start3A_161 = tpu.memref_slice %arg34[%dma_start3A_159, %dma_start3A_160] : memref<100000x16xf32, #tpu.memory_space<vmem_shared>> -> memref<100000x16xf32, #tpu.memory_space<vmem_shared>>
      tpu.enqueue_indirect_dma source(%arg30 : memref<64x16xf32, #tpu.memory_space<vmem>>) target(%dma_start3A_161 : memref<100000x16xf32, #tpu.memory_space<vmem_shared>>) offsets(%arg26 : memref<64xi32, #tpu.memory_space<vmem>>) semaphore(%run_scoped3A : memref<!tpu.dma_semaphore, #tpu.memory_space<semaphore_mem>>) {add = true}
      %dma_wait3A_162 = arith.constant 0 : i32
      %dma_wait3A_163 = arith.constant 0 : i32
      %dma_wait3A_164 = tpu.memref_slice %arg34[%dma_wait3A_162, %dma_wait3A_163] : memref<100000x16xf32, #tpu.memory_space<vmem_shared>> -> memref<100000x16xf32, #tpu.memory_space<vmem_shared>>
      tpu.wait_indirect_dma semaphore(%run_scoped3A : memref<!tpu.dma_semaphore, #tpu.memory_space<semaphore_mem>>) src(%arg30 : memref<64x16xf32, #tpu.memory_space<vmem>>) dst(%dma_wait3A_164 : memref<100000x16xf32, #tpu.memory_space<vmem_shared>>)
      tpu.yield
    }) : () -> ()
    "tpu.region"() ({
      %run_scoped3A = tpu.sem_alloc : memref<!tpu.dma_semaphore, #tpu.memory_space<semaphore_mem>>
      %dma_start3A_159 = arith.constant 0 : i32
      %dma_start3A_160 = tpu.memref_slice %arg35[%dma_start3A_159] : memref<100000xf32, #tpu.memory_space<vmem_shared>> -> memref<100000xf32, #tpu.memory_space<vmem_shared>>
      tpu.enqueue_indirect_dma source(%arg29 : memref<64xf32, #tpu.memory_space<vmem>>) target(%dma_start3A_160 : memref<100000xf32, #tpu.memory_space<vmem_shared>>) offsets(%arg26 : memref<64xi32, #tpu.memory_space<vmem>>) semaphore(%run_scoped3A : memref<!tpu.dma_semaphore, #tpu.memory_space<semaphore_mem>>) {add = true}
      %dma_wait3A_161 = arith.constant 0 : i32
      %dma_wait3A_162 = tpu.memref_slice %arg35[%dma_wait3A_161] : memref<100000xf32, #tpu.memory_space<vmem_shared>> -> memref<100000xf32, #tpu.memory_space<vmem_shared>>
      tpu.wait_indirect_dma semaphore(%run_scoped3A : memref<!tpu.dma_semaphore, #tpu.memory_space<semaphore_mem>>) src(%arg29 : memref<64xf32, #tpu.memory_space<vmem>>) dst(%dma_wait3A_162 : memref<100000xf32, #tpu.memory_space<vmem_shared>>)
      tpu.yield
    }) : () -> ()
    %barrier3A_148 = arith.constant 0 : index
    tpu.barrier barrier_id(%barrier3A_148)
    %lt3A_149 = arith.constant 10 : i32
    %lt3A_150 = arith.cmpi slt, %arg1, %lt3A_149 : i32
    %convert_element_type3A_151 = arith.extui %lt3A_150 : i1 to i32
    %cond3A_152 = arith.constant 0 : i32
    %cond3A_153 = arith.cmpi ne, %convert_element_type3A_151, %cond3A_152 : i32
    scf.if %cond3A_153 {
      %mul3A_159 = arith.constant 10000 : i32
      %mul3A_160 = arith.muli %arg1, %mul3A_159 : i32
      %mul3A_161 = arith.constant 100000 : i32
      %mul3A_162 = arith.muli %arg0, %mul3A_161 : i32
      %add3A_163 = arith.addi %mul3A_162, %mul3A_160 : i32
      "tpu.region"() ({
        %run_scoped3A = tpu.sem_alloc : memref<!tpu.dma_semaphore, #tpu.memory_space<semaphore_mem>>
        %dma_start3A_164 = arith.constant 0 : i32
        %dma_start3A_165 = tpu.memref_slice %arg8[%add3A_163, %dma_start3A_164] : memref<200000x16xf32, #tpu.memory_space<hbm>> -> memref<10000x16xf32, #tpu.memory_space<hbm>>
        %dma_start3A_166 = arith.constant 0 : i32
        %dma_start3A_167 = tpu.memref_slice %arg34[%mul3A_160, %dma_start3A_166] : memref<100000x16xf32, #tpu.memory_space<vmem_shared>> -> memref<10000x16xf32, #tpu.memory_space<vmem_shared>>
        tpu.enqueue_dma source(%dma_start3A_167 : memref<10000x16xf32, #tpu.memory_space<vmem_shared>>) target(%dma_start3A_165 : memref<10000x16xf32, #tpu.memory_space<hbm>>) target_semaphore(%run_scoped3A : memref<!tpu.dma_semaphore, #tpu.memory_space<semaphore_mem>>)
        %dma_wait3A_168 = arith.constant 0 : i32
        %dma_wait3A_169 = tpu.memref_slice %arg8[%add3A_163, %dma_wait3A_168] : memref<200000x16xf32, #tpu.memory_space<hbm>> -> memref<10000x16xf32, #tpu.memory_space<hbm>>
        %dma_wait3A_170 = arith.constant 0 : i32
        %dma_wait3A_171 = tpu.memref_slice %arg34[%mul3A_160, %dma_wait3A_170] : memref<100000x16xf32, #tpu.memory_space<vmem_shared>> -> memref<10000x16xf32, #tpu.memory_space<vmem_shared>>
        tpu.wait_dma2 semaphore(%run_scoped3A : memref<!tpu.dma_semaphore, #tpu.memory_space<semaphore_mem>>) src(%dma_wait3A_171 : memref<10000x16xf32, #tpu.memory_space<vmem_shared>>) dst(%dma_wait3A_169 : memref<10000x16xf32, #tpu.memory_space<hbm>>)
        tpu.yield
      }) : () -> ()
    } else {
    }
    %lt3A_154 = arith.constant 10 : i32
    %lt3A_155 = arith.cmpi slt, %arg1, %lt3A_154 : i32
    %convert_element_type3A_156 = arith.extui %lt3A_155 : i1 to i32
    %cond3A_157 = arith.constant 0 : i32
    %cond3A_158 = arith.cmpi ne, %convert_element_type3A_156, %cond3A_157 : i32
    scf.if %cond3A_158 {
      %mul3A_159 = arith.constant 10000 : i32
      %mul3A_160 = arith.muli %arg1, %mul3A_159 : i32
      %mul3A_161 = arith.constant 100000 : i32
      %mul3A_162 = arith.muli %arg0, %mul3A_161 : i32
      %add3A_163 = arith.addi %mul3A_162, %mul3A_160 : i32
      "tpu.region"() ({
        %run_scoped3A = tpu.sem_alloc : memref<!tpu.dma_semaphore, #tpu.memory_space<semaphore_mem>>
        %dma_start3A_164 = tpu.memref_slice %arg9[%add3A_163] : memref<200000xf32, #tpu.memory_space<hbm>> -> memref<10000xf32, #tpu.memory_space<hbm>>
        %dma_start3A_165 = tpu.memref_slice %arg35[%mul3A_160] : memref<100000xf32, #tpu.memory_space<vmem_shared>> -> memref<10000xf32, #tpu.memory_space<vmem_shared>>
        tpu.enqueue_dma source(%dma_start3A_165 : memref<10000xf32, #tpu.memory_space<vmem_shared>>) target(%dma_start3A_164 : memref<10000xf32, #tpu.memory_space<hbm>>) target_semaphore(%run_scoped3A : memref<!tpu.dma_semaphore, #tpu.memory_space<semaphore_mem>>)
        %dma_wait3A_166 = tpu.memref_slice %arg9[%add3A_163] : memref<200000xf32, #tpu.memory_space<hbm>> -> memref<10000xf32, #tpu.memory_space<hbm>>
        %dma_wait3A_167 = tpu.memref_slice %arg35[%mul3A_160] : memref<100000xf32, #tpu.memory_space<vmem_shared>> -> memref<10000xf32, #tpu.memory_space<vmem_shared>>
        tpu.wait_dma2 semaphore(%run_scoped3A : memref<!tpu.dma_semaphore, #tpu.memory_space<semaphore_mem>>) src(%dma_wait3A_167 : memref<10000xf32, #tpu.memory_space<vmem_shared>>) dst(%dma_wait3A_166 : memref<10000xf32, #tpu.memory_space<hbm>>)
        tpu.yield
      }) : () -> ()
    } else {
    }
    return
  }
}

#map = affine_map<(d0, d1) -> (0)>
#map1 = affine_map<(d0, d1) -> (0, 0)>
module attributes {stable_mosaic.version = 14 : i64} {
  func.func @body(%arg0: i32, %arg1: i32, %arg2: memref<6400000xi32, #tpu.memory_space<hbm>>, %arg3: memref<6400000xi32, #tpu.memory_space<hbm>>, %arg4: memref<200000x16xf32, #tpu.memory_space<hbm>>, %arg5: memref<100000xf32, #tpu.memory_space<hbm>>, %arg6: memref<100000xf32, #tpu.memory_space<hbm>>, %arg7: memref<16xf32, #tpu.memory_space<hbm>>, %arg8: memref<200000x16xf32, #tpu.memory_space<hbm>>, %arg9: memref<200000xf32, #tpu.memory_space<hbm>>, %arg10: memref<128xi32, #tpu.memory_space<vmem>>, %arg11: memref<128xi32, #tpu.memory_space<vmem>>, %arg12: memref<128xi32, #tpu.memory_space<vmem>>, %arg13: memref<128xf32, #tpu.memory_space<vmem>>, %arg14: memref<128xf32, #tpu.memory_space<vmem>>, %arg15: memref<128xf32, #tpu.memory_space<vmem>>, %arg16: memref<128x16xf32, #tpu.memory_space<vmem>>, %arg17: memref<128xi32, #tpu.memory_space<vmem>>, %arg18: memref<128xi32, #tpu.memory_space<vmem>>, %arg19: memref<128xi32, #tpu.memory_space<vmem>>, %arg20: memref<128xf32, #tpu.memory_space<vmem>>, %arg21: memref<128xf32, #tpu.memory_space<vmem>>, %arg22: memref<128xf32, #tpu.memory_space<vmem>>, %arg23: memref<128x16xf32, #tpu.memory_space<vmem>>, %arg24: memref<8xi32, #tpu.memory_space<vmem>>, %arg25: memref<8xi32, #tpu.memory_space<vmem>>, %arg26: memref<8xi32, #tpu.memory_space<vmem>>, %arg27: memref<8xf32, #tpu.memory_space<vmem>>, %arg28: memref<8xf32, #tpu.memory_space<vmem>>, %arg29: memref<8xf32, #tpu.memory_space<vmem>>, %arg30: memref<8x16xf32, #tpu.memory_space<vmem>>, %arg31: memref<16xf32, #tpu.memory_space<vmem>>, %arg32: memref<125x16xf32, #tpu.memory_space<vmem>>, %arg33: memref<2000xf32, #tpu.memory_space<vmem>>, %arg34: memref<100000x16xf32, #tpu.memory_space<vmem_shared>>, %arg35: memref<100000xf32, #tpu.memory_space<vmem_shared>>, %arg36: memref<100000xf32, #tpu.memory_space<vmem_shared>>, %arg37: memref<100000xf32, #tpu.memory_space<vmem_shared>>, %arg38: memref<!tpu.dma_semaphore, #tpu.memory_space<semaphore_mem>>, %arg39: memref<!tpu.dma_semaphore, #tpu.memory_space<semaphore_mem>>, %arg40: memref<!tpu.dma_semaphore, #tpu.memory_space<semaphore_mem>>, %arg41: memref<!tpu.dma_semaphore, #tpu.memory_space<semaphore_mem>>, %arg42: memref<!tpu.dma_semaphore, #tpu.memory_space<semaphore_mem>>, %arg43: memref<!tpu.dma_semaphore, #tpu.memory_space<semaphore_mem>>, %arg44: memref<!tpu.dma_semaphore, #tpu.memory_space<semaphore_mem>>) attributes {dimension_semantics = [#tpu.dimension_semantics<core_parallel>, #tpu.dimension_semantics<subcore_parallel>], iteration_bounds = array<i64: 2, 16>, scalar_prefetch = 0 : i64, scratch_operands = 35 : i64, tpu.core_type = #tpu.core_type<sc_vector_subcore>, window_params = [{transform_indices = #map}, {transform_indices = #map}, {transform_indices = #map1}, {transform_indices = #map}, {transform_indices = #map}, {transform_indices = #map}, {transform_indices = #map1}, {transform_indices = #map}]} {
    %scan3A = arith.constant 0 : i32
    %scan3A_0 = arith.constant 0 : i32
    %scan3A_1 = arith.constant 125 : i32
    %scan3A_2 = arith.addi %scan3A_0, %scan3A_1 : i32
    %scan3A_3 = arith.constant 1 : i32
    scf.for %scan3A_396 = %scan3A_0 to %scan3A_2 step %scan3A_3  : i32 {
      %broadcast_in_dim3A = arith.constant 0.000000e+00 : f32
      %broadcast_in_dim3A_397 = vector.broadcast %broadcast_in_dim3A : f32 to vector<16xf32>
      %swap3A_398 = arith.index_cast %scan3A_396 : i32 to index
      %swap3A_399 = arith.constant 0 : index
      %swap3A_400 = tpu.vector_load %arg32[%swap3A_398, %swap3A_399] {strides = array<i32>} : memref<125x16xf32, #tpu.memory_space<vmem>>, vector<1x16xf32>,
      %swap3A_401 = vector.shape_cast %swap3A_400 : vector<1x16xf32> to vector<16xf32>
      %swap3A_402 = vector.shape_cast %broadcast_in_dim3A_397 : vector<16xf32> to vector<1x16xf32>
      tpu.vector_store %arg32[%swap3A_398, %swap3A_399], %swap3A_402 {strides = array<i32>} : memref<125x16xf32, #tpu.memory_space<vmem>>, vector<1x16xf32>,
    }
    %scan3A_4 = arith.constant 125 : i32
    %scan3A_5 = arith.constant 0 : i32
    %scan3A_6 = arith.constant 0 : i32
    %scan3A_7 = arith.constant 125 : i32
    %scan3A_8 = arith.addi %scan3A_6, %scan3A_7 : i32
    %scan3A_9 = arith.constant 1 : i32
    scf.for %scan3A_396 = %scan3A_6 to %scan3A_8 step %scan3A_9  : i32 {
      %broadcast_in_dim3A = arith.constant 0.000000e+00 : f32
      %broadcast_in_dim3A_397 = vector.broadcast %broadcast_in_dim3A : f32 to vector<16xf32>
      %mul3A_398 = arith.constant 16 : i32
      %mul3A_399 = arith.muli %scan3A_396, %mul3A_398 : i32
      %swap3A_400 = arith.index_cast %mul3A_399 : i32 to index
      %swap3A_401 = tpu.vector_load %arg33[%swap3A_400] {strides = array<i32>} : memref<2000xf32, #tpu.memory_space<vmem>>, vector<16xf32>,
      %swap3A_402 = vector.shape_cast %swap3A_401 : vector<16xf32> to vector<16xf32>
      %swap3A_403 = vector.shape_cast %broadcast_in_dim3A_397 : vector<16xf32> to vector<16xf32>
      tpu.vector_store %arg33[%swap3A_400], %swap3A_403 {strides = array<i32>} : memref<2000xf32, #tpu.memory_space<vmem>>, vector<16xf32>,
    }
    %scan3A_10 = arith.constant 125 : i32
    %scan3A_11 = arith.constant 0 : i32
    %scan3A_12 = arith.constant 0 : i32
    %scan3A_13 = arith.constant 50 : i32
    %scan3A_14 = arith.addi %scan3A_12, %scan3A_13 : i32
    %scan3A_15 = arith.constant 1 : i32
    scf.for %scan3A_396 = %scan3A_12 to %scan3A_14 step %scan3A_15  : i32 {
      %mul3A_397 = arith.constant 6250 : i32
      %mul3A_398 = arith.muli %arg1, %mul3A_397 : i32
      %mul3A_399 = arith.constant 125 : i32
      %mul3A_400 = arith.muli %scan3A_396, %mul3A_399 : i32
      %add3A_401 = arith.addi %mul3A_398, %mul3A_400 : i32
      "tpu.region"() ({
        %run_scoped3A = tpu.sem_alloc : memref<!tpu.dma_semaphore, #tpu.memory_space<semaphore_mem>>
        %dma_start3A_402 = arith.constant 0 : i32
        %dma_start3A_403 = tpu.memref_slice %arg34[%add3A_401, %dma_start3A_402] : memref<100000x16xf32, #tpu.memory_space<vmem_shared>> -> memref<125x16xf32, #tpu.memory_space<vmem_shared>>
        %dma_start3A_404 = arith.constant 0 : i32
        %dma_start3A_405 = tpu.memref_slice %arg34[%add3A_401, %dma_start3A_404] : memref<100000x16xf32, #tpu.memory_space<vmem_shared>> -> memref<125x16xf32, #tpu.memory_space<vmem_shared>>
        tpu.enqueue_dma source(%arg32 : memref<125x16xf32, #tpu.memory_space<vmem>>) target(%dma_start3A_405 : memref<125x16xf32, #tpu.memory_space<vmem_shared>>) target_semaphore(%run_scoped3A : memref<!tpu.dma_semaphore, #tpu.memory_space<semaphore_mem>>)
        %dma_wait3A_406 = arith.constant 0 : i32
        %dma_wait3A_407 = tpu.memref_slice %arg34[%add3A_401, %dma_wait3A_406] : memref<100000x16xf32, #tpu.memory_space<vmem_shared>> -> memref<125x16xf32, #tpu.memory_space<vmem_shared>>
        %dma_wait3A_408 = arith.constant 0 : i32
        %dma_wait3A_409 = tpu.memref_slice %arg34[%add3A_401, %dma_wait3A_408] : memref<100000x16xf32, #tpu.memory_space<vmem_shared>> -> memref<125x16xf32, #tpu.memory_space<vmem_shared>>
        tpu.wait_dma2 semaphore(%run_scoped3A : memref<!tpu.dma_semaphore, #tpu.memory_space<semaphore_mem>>) src(%arg32 : memref<125x16xf32, #tpu.memory_space<vmem>>) dst(%dma_wait3A_409 : memref<125x16xf32, #tpu.memory_space<vmem_shared>>)
        tpu.yield
      }) : () -> ()
    }
    %scan3A_16 = arith.constant 50 : i32
    %lt3A = arith.constant 10 : i32
    %lt3A_17 = arith.cmpi slt, %arg1, %lt3A : i32
    %convert_element_type3A = arith.extui %lt3A_17 : i1 to i32
    %cond3A = arith.constant 0 : i32
    %cond3A_18 = arith.cmpi ne, %convert_element_type3A, %cond3A : i32
    scf.if %cond3A_18 {
      %mul3A_396 = arith.constant 10000 : i32
      %mul3A_397 = arith.muli %arg1, %mul3A_396 : i32
      %add3A_398 = arith.constant 0 : i32
      %add3A_399 = arith.addi %mul3A_397, %add3A_398 : i32
      "tpu.region"() ({
        %run_scoped3A = tpu.sem_alloc : memref<!tpu.dma_semaphore, #tpu.memory_space<semaphore_mem>>
        %dma_start3A_408 = tpu.memref_slice %arg35[%add3A_399] : memref<100000xf32, #tpu.memory_space<vmem_shared>> -> memref<2000xf32, #tpu.memory_space<vmem_shared>>
        %dma_start3A_409 = tpu.memref_slice %arg35[%add3A_399] : memref<100000xf32, #tpu.memory_space<vmem_shared>> -> memref<2000xf32, #tpu.memory_space<vmem_shared>>
        tpu.enqueue_dma source(%arg33 : memref<2000xf32, #tpu.memory_space<vmem>>) target(%dma_start3A_409 : memref<2000xf32, #tpu.memory_space<vmem_shared>>) target_semaphore(%run_scoped3A : memref<!tpu.dma_semaphore, #tpu.memory_space<semaphore_mem>>)
        %dma_wait3A_410 = tpu.memref_slice %arg35[%add3A_399] : memref<100000xf32, #tpu.memory_space<vmem_shared>> -> memref<2000xf32, #tpu.memory_space<vmem_shared>>
        %dma_wait3A_411 = tpu.memref_slice %arg35[%add3A_399] : memref<100000xf32, #tpu.memory_space<vmem_shared>> -> memref<2000xf32, #tpu.memory_space<vmem_shared>>
        tpu.wait_dma2 semaphore(%run_scoped3A : memref<!tpu.dma_semaphore, #tpu.memory_space<semaphore_mem>>) src(%arg33 : memref<2000xf32, #tpu.memory_space<vmem>>) dst(%dma_wait3A_411 : memref<2000xf32, #tpu.memory_space<vmem_shared>>)
        tpu.yield
      }) : () -> ()
      %add3A_400 = arith.constant 2000 : i32
      %add3A_401 = arith.addi %mul3A_397, %add3A_400 : i32
      "tpu.region"() ({
        %run_scoped3A = tpu.sem_alloc : memref<!tpu.dma_semaphore, #tpu.memory_space<semaphore_mem>>
        %dma_start3A_408 = tpu.memref_slice %arg35[%add3A_401] : memref<100000xf32, #tpu.memory_space<vmem_shared>> -> memref<2000xf32, #tpu.memory_space<vmem_shared>>
        %dma_start3A_409 = tpu.memref_slice %arg35[%add3A_401] : memref<100000xf32, #tpu.memory_space<vmem_shared>> -> memref<2000xf32, #tpu.memory_space<vmem_shared>>
        tpu.enqueue_dma source(%arg33 : memref<2000xf32, #tpu.memory_space<vmem>>) target(%dma_start3A_409 : memref<2000xf32, #tpu.memory_space<vmem_shared>>) target_semaphore(%run_scoped3A : memref<!tpu.dma_semaphore, #tpu.memory_space<semaphore_mem>>)
        %dma_wait3A_410 = tpu.memref_slice %arg35[%add3A_401] : memref<100000xf32, #tpu.memory_space<vmem_shared>> -> memref<2000xf32, #tpu.memory_space<vmem_shared>>
        %dma_wait3A_411 = tpu.memref_slice %arg35[%add3A_401] : memref<100000xf32, #tpu.memory_space<vmem_shared>> -> memref<2000xf32, #tpu.memory_space<vmem_shared>>
        tpu.wait_dma2 semaphore(%run_scoped3A : memref<!tpu.dma_semaphore, #tpu.memory_space<semaphore_mem>>) src(%arg33 : memref<2000xf32, #tpu.memory_space<vmem>>) dst(%dma_wait3A_411 : memref<2000xf32, #tpu.memory_space<vmem_shared>>)
        tpu.yield
      }) : () -> ()
      %add3A_402 = arith.constant 4000 : i32
      %add3A_403 = arith.addi %mul3A_397, %add3A_402 : i32
      "tpu.region"() ({
        %run_scoped3A = tpu.sem_alloc : memref<!tpu.dma_semaphore, #tpu.memory_space<semaphore_mem>>
        %dma_start3A_408 = tpu.memref_slice %arg35[%add3A_403] : memref<100000xf32, #tpu.memory_space<vmem_shared>> -> memref<2000xf32, #tpu.memory_space<vmem_shared>>
        %dma_start3A_409 = tpu.memref_slice %arg35[%add3A_403] : memref<100000xf32, #tpu.memory_space<vmem_shared>> -> memref<2000xf32, #tpu.memory_space<vmem_shared>>
        tpu.enqueue_dma source(%arg33 : memref<2000xf32, #tpu.memory_space<vmem>>) target(%dma_start3A_409 : memref<2000xf32, #tpu.memory_space<vmem_shared>>) target_semaphore(%run_scoped3A : memref<!tpu.dma_semaphore, #tpu.memory_space<semaphore_mem>>)
        %dma_wait3A_410 = tpu.memref_slice %arg35[%add3A_403] : memref<100000xf32, #tpu.memory_space<vmem_shared>> -> memref<2000xf32, #tpu.memory_space<vmem_shared>>
        %dma_wait3A_411 = tpu.memref_slice %arg35[%add3A_403] : memref<100000xf32, #tpu.memory_space<vmem_shared>> -> memref<2000xf32, #tpu.memory_space<vmem_shared>>
        tpu.wait_dma2 semaphore(%run_scoped3A : memref<!tpu.dma_semaphore, #tpu.memory_space<semaphore_mem>>) src(%arg33 : memref<2000xf32, #tpu.memory_space<vmem>>) dst(%dma_wait3A_411 : memref<2000xf32, #tpu.memory_space<vmem_shared>>)
        tpu.yield
      }) : () -> ()
      %add3A_404 = arith.constant 6000 : i32
      %add3A_405 = arith.addi %mul3A_397, %add3A_404 : i32
      "tpu.region"() ({
        %run_scoped3A = tpu.sem_alloc : memref<!tpu.dma_semaphore, #tpu.memory_space<semaphore_mem>>
        %dma_start3A_408 = tpu.memref_slice %arg35[%add3A_405] : memref<100000xf32, #tpu.memory_space<vmem_shared>> -> memref<2000xf32, #tpu.memory_space<vmem_shared>>
        %dma_start3A_409 = tpu.memref_slice %arg35[%add3A_405] : memref<100000xf32, #tpu.memory_space<vmem_shared>> -> memref<2000xf32, #tpu.memory_space<vmem_shared>>
        tpu.enqueue_dma source(%arg33 : memref<2000xf32, #tpu.memory_space<vmem>>) target(%dma_start3A_409 : memref<2000xf32, #tpu.memory_space<vmem_shared>>) target_semaphore(%run_scoped3A : memref<!tpu.dma_semaphore, #tpu.memory_space<semaphore_mem>>)
        %dma_wait3A_410 = tpu.memref_slice %arg35[%add3A_405] : memref<100000xf32, #tpu.memory_space<vmem_shared>> -> memref<2000xf32, #tpu.memory_space<vmem_shared>>
        %dma_wait3A_411 = tpu.memref_slice %arg35[%add3A_405] : memref<100000xf32, #tpu.memory_space<vmem_shared>> -> memref<2000xf32, #tpu.memory_space<vmem_shared>>
        tpu.wait_dma2 semaphore(%run_scoped3A : memref<!tpu.dma_semaphore, #tpu.memory_space<semaphore_mem>>) src(%arg33 : memref<2000xf32, #tpu.memory_space<vmem>>) dst(%dma_wait3A_411 : memref<2000xf32, #tpu.memory_space<vmem_shared>>)
        tpu.yield
      }) : () -> ()
      %add3A_406 = arith.constant 8000 : i32
      %add3A_407 = arith.addi %mul3A_397, %add3A_406 : i32
      "tpu.region"() ({
        %run_scoped3A = tpu.sem_alloc : memref<!tpu.dma_semaphore, #tpu.memory_space<semaphore_mem>>
        %dma_start3A_408 = tpu.memref_slice %arg35[%add3A_407] : memref<100000xf32, #tpu.memory_space<vmem_shared>> -> memref<2000xf32, #tpu.memory_space<vmem_shared>>
        %dma_start3A_409 = tpu.memref_slice %arg35[%add3A_407] : memref<100000xf32, #tpu.memory_space<vmem_shared>> -> memref<2000xf32, #tpu.memory_space<vmem_shared>>
        tpu.enqueue_dma source(%arg33 : memref<2000xf32, #tpu.memory_space<vmem>>) target(%dma_start3A_409 : memref<2000xf32, #tpu.memory_space<vmem_shared>>) target_semaphore(%run_scoped3A : memref<!tpu.dma_semaphore, #tpu.memory_space<semaphore_mem>>)
        %dma_wait3A_410 = tpu.memref_slice %arg35[%add3A_407] : memref<100000xf32, #tpu.memory_space<vmem_shared>> -> memref<2000xf32, #tpu.memory_space<vmem_shared>>
        %dma_wait3A_411 = tpu.memref_slice %arg35[%add3A_407] : memref<100000xf32, #tpu.memory_space<vmem_shared>> -> memref<2000xf32, #tpu.memory_space<vmem_shared>>
        tpu.wait_dma2 semaphore(%run_scoped3A : memref<!tpu.dma_semaphore, #tpu.memory_space<semaphore_mem>>) src(%arg33 : memref<2000xf32, #tpu.memory_space<vmem>>) dst(%dma_wait3A_411 : memref<2000xf32, #tpu.memory_space<vmem_shared>>)
        tpu.yield
      }) : () -> ()
      "tpu.region"() ({
        %run_scoped3A = tpu.sem_alloc : memref<!tpu.dma_semaphore, #tpu.memory_space<semaphore_mem>>
        %dma_start3A_408 = tpu.memref_slice %arg36[%mul3A_397] : memref<100000xf32, #tpu.memory_space<vmem_shared>> -> memref<10000xf32, #tpu.memory_space<vmem_shared>>
        %dma_start3A_409 = tpu.memref_slice %arg5[%mul3A_397] : memref<100000xf32, #tpu.memory_space<hbm>> -> memref<10000xf32, #tpu.memory_space<hbm>>
        tpu.enqueue_dma source(%dma_start3A_409 : memref<10000xf32, #tpu.memory_space<hbm>>) target(%dma_start3A_408 : memref<10000xf32, #tpu.memory_space<vmem_shared>>) target_semaphore(%run_scoped3A : memref<!tpu.dma_semaphore, #tpu.memory_space<semaphore_mem>>)
        %dma_wait3A_410 = tpu.memref_slice %arg36[%mul3A_397] : memref<100000xf32, #tpu.memory_space<vmem_shared>> -> memref<10000xf32, #tpu.memory_space<vmem_shared>>
        %dma_wait3A_411 = tpu.memref_slice %arg5[%mul3A_397] : memref<100000xf32, #tpu.memory_space<hbm>> -> memref<10000xf32, #tpu.memory_space<hbm>>
        tpu.wait_dma2 semaphore(%run_scoped3A : memref<!tpu.dma_semaphore, #tpu.memory_space<semaphore_mem>>) src(%dma_wait3A_411 : memref<10000xf32, #tpu.memory_space<hbm>>) dst(%dma_wait3A_410 : memref<10000xf32, #tpu.memory_space<vmem_shared>>)
        tpu.yield
      }) : () -> ()
      "tpu.region"() ({
        %run_scoped3A = tpu.sem_alloc : memref<!tpu.dma_semaphore, #tpu.memory_space<semaphore_mem>>
        %dma_start3A_408 = tpu.memref_slice %arg37[%mul3A_397] : memref<100000xf32, #tpu.memory_space<vmem_shared>> -> memref<10000xf32, #tpu.memory_space<vmem_shared>>
        %dma_start3A_409 = tpu.memref_slice %arg6[%mul3A_397] : memref<100000xf32, #tpu.memory_space<hbm>> -> memref<10000xf32, #tpu.memory_space<hbm>>
        tpu.enqueue_dma source(%dma_start3A_409 : memref<10000xf32, #tpu.memory_space<hbm>>) target(%dma_start3A_408 : memref<10000xf32, #tpu.memory_space<vmem_shared>>) target_semaphore(%run_scoped3A : memref<!tpu.dma_semaphore, #tpu.memory_space<semaphore_mem>>)
        %dma_wait3A_410 = tpu.memref_slice %arg37[%mul3A_397] : memref<100000xf32, #tpu.memory_space<vmem_shared>> -> memref<10000xf32, #tpu.memory_space<vmem_shared>>
        %dma_wait3A_411 = tpu.memref_slice %arg6[%mul3A_397] : memref<100000xf32, #tpu.memory_space<hbm>> -> memref<10000xf32, #tpu.memory_space<hbm>>
        tpu.wait_dma2 semaphore(%run_scoped3A : memref<!tpu.dma_semaphore, #tpu.memory_space<semaphore_mem>>) src(%dma_wait3A_411 : memref<10000xf32, #tpu.memory_space<hbm>>) dst(%dma_wait3A_410 : memref<10000xf32, #tpu.memory_space<vmem_shared>>)
        tpu.yield
      }) : () -> ()
    } else {
    }
    "tpu.region"() ({
      %run_scoped3A = tpu.sem_alloc : memref<!tpu.dma_semaphore, #tpu.memory_space<semaphore_mem>>
      tpu.enqueue_dma source(%arg7 : memref<16xf32, #tpu.memory_space<hbm>>) target(%arg31 : memref<16xf32, #tpu.memory_space<vmem>>) target_semaphore(%run_scoped3A : memref<!tpu.dma_semaphore, #tpu.memory_space<semaphore_mem>>)
      tpu.wait_dma2 semaphore(%run_scoped3A : memref<!tpu.dma_semaphore, #tpu.memory_space<semaphore_mem>>) src(%arg7 : memref<16xf32, #tpu.memory_space<hbm>>) dst(%arg31 : memref<16xf32, #tpu.memory_space<vmem>>)
      tpu.yield
    }) : () -> ()
    %barrier3A = arith.constant 0 : index
    tpu.barrier barrier_id(%barrier3A)
    %get3A = arith.constant 0 : index
    %get3A_19 = tpu.vector_load %arg31[%get3A] {strides = array<i32>} : memref<16xf32, #tpu.memory_space<vmem>>, vector<16xf32>,
    %get3A_20 = vector.shape_cast %get3A_19 : vector<16xf32> to vector<16xf32>
    %slice3A = vector.extract_strided_slice %get3A_20 {offsets = [0], sizes = [1], strides = [1]} : vector<16xf32> to vector<1xf32>
    %squeeze3A = vector.extract %slice3A[0] : f32 from vector<1xf32>
    %mul3A = arith.constant 400000 : i32
    %mul3A_21 = arith.muli %arg1, %mul3A : i32
    %mul3A_22 = arith.constant 100000 : i32
    %mul3A_23 = arith.muli %arg0, %mul3A_22 : i32
    "tpu.region"() ({
      %run_scoped3A = tpu.sem_alloc : memref<!tpu.dma_semaphore, #tpu.memory_space<semaphore_mem>>
      %dma_start3A_396 = tpu.memref_slice %arg2[%mul3A_21] : memref<6400000xi32, #tpu.memory_space<hbm>> -> memref<128xi32, #tpu.memory_space<hbm>>
      %dma_start3A_397 = tpu.memref_slice %arg2[%mul3A_21] : memref<6400000xi32, #tpu.memory_space<hbm>> -> memref<128xi32, #tpu.memory_space<hbm>>
      tpu.enqueue_dma source(%dma_start3A_397 : memref<128xi32, #tpu.memory_space<hbm>>) target(%arg10 : memref<128xi32, #tpu.memory_space<vmem>>) target_semaphore(%run_scoped3A : memref<!tpu.dma_semaphore, #tpu.memory_space<semaphore_mem>>)
      %dma_wait3A_398 = tpu.memref_slice %arg2[%mul3A_21] : memref<6400000xi32, #tpu.memory_space<hbm>> -> memref<128xi32, #tpu.memory_space<hbm>>
      %dma_wait3A_399 = tpu.memref_slice %arg2[%mul3A_21] : memref<6400000xi32, #tpu.memory_space<hbm>> -> memref<128xi32, #tpu.memory_space<hbm>>
      tpu.wait_dma2 semaphore(%run_scoped3A : memref<!tpu.dma_semaphore, #tpu.memory_space<semaphore_mem>>) src(%dma_wait3A_399 : memref<128xi32, #tpu.memory_space<hbm>>) dst(%arg10 : memref<128xi32, #tpu.memory_space<vmem>>)
      tpu.yield
    }) : () -> ()
    "tpu.region"() ({
      %run_scoped3A = tpu.sem_alloc : memref<!tpu.dma_semaphore, #tpu.memory_space<semaphore_mem>>
      %dma_start3A_396 = tpu.memref_slice %arg3[%mul3A_21] : memref<6400000xi32, #tpu.memory_space<hbm>> -> memref<128xi32, #tpu.memory_space<hbm>>
      %dma_start3A_397 = tpu.memref_slice %arg3[%mul3A_21] : memref<6400000xi32, #tpu.memory_space<hbm>> -> memref<128xi32, #tpu.memory_space<hbm>>
      tpu.enqueue_dma source(%dma_start3A_397 : memref<128xi32, #tpu.memory_space<hbm>>) target(%arg12 : memref<128xi32, #tpu.memory_space<vmem>>) target_semaphore(%run_scoped3A : memref<!tpu.dma_semaphore, #tpu.memory_space<semaphore_mem>>)
      %dma_wait3A_398 = tpu.memref_slice %arg3[%mul3A_21] : memref<6400000xi32, #tpu.memory_space<hbm>> -> memref<128xi32, #tpu.memory_space<hbm>>
      %dma_wait3A_399 = tpu.memref_slice %arg3[%mul3A_21] : memref<6400000xi32, #tpu.memory_space<hbm>> -> memref<128xi32, #tpu.memory_space<hbm>>
      tpu.wait_dma2 semaphore(%run_scoped3A : memref<!tpu.dma_semaphore, #tpu.memory_space<semaphore_mem>>) src(%dma_wait3A_399 : memref<128xi32, #tpu.memory_space<hbm>>) dst(%arg12 : memref<128xi32, #tpu.memory_space<vmem>>)
      tpu.yield
    }) : () -> ()
    %get3A_24 = arith.constant 0 : index
    %get3A_25 = tpu.vector_load %arg10[%get3A_24] {strides = array<i32>} : memref<128xi32, #tpu.memory_space<vmem>>, vector<16xi32>,
    %get3A_26 = vector.shape_cast %get3A_25 : vector<16xi32> to vector<16xi32>
    %add3A = vector.broadcast %mul3A_23 : i32 to vector<16xi32>
    %add3A_27 = arith.addi %get3A_26, %add3A : vector<16xi32>
    %swap3A = arith.constant 0 : index
    %swap3A_28 = tpu.vector_load %arg11[%swap3A] {strides = array<i32>} : memref<128xi32, #tpu.memory_space<vmem>>, vector<16xi32>,
    %swap3A_29 = vector.shape_cast %swap3A_28 : vector<16xi32> to vector<16xi32>
    %swap3A_30 = vector.shape_cast %add3A_27 : vector<16xi32> to vector<16xi32>
    tpu.vector_store %arg11[%swap3A], %swap3A_30 {strides = array<i32>} : memref<128xi32, #tpu.memory_space<vmem>>, vector<16xi32>,
    %get3A_31 = arith.constant 16 : index
    %get3A_32 = tpu.vector_load %arg10[%get3A_31] {strides = array<i32>} : memref<128xi32, #tpu.memory_space<vmem>>, vector<16xi32>,
    %get3A_33 = vector.shape_cast %get3A_32 : vector<16xi32> to vector<16xi32>
    %add3A_34 = vector.broadcast %mul3A_23 : i32 to vector<16xi32>
    %add3A_35 = arith.addi %get3A_33, %add3A_34 : vector<16xi32>
    %swap3A_36 = arith.constant 16 : index
    %swap3A_37 = tpu.vector_load %arg11[%swap3A_36] {strides = array<i32>} : memref<128xi32, #tpu.memory_space<vmem>>, vector<16xi32>,
    %swap3A_38 = vector.shape_cast %swap3A_37 : vector<16xi32> to vector<16xi32>
    %swap3A_39 = vector.shape_cast %add3A_35 : vector<16xi32> to vector<16xi32>
    tpu.vector_store %arg11[%swap3A_36], %swap3A_39 {strides = array<i32>} : memref<128xi32, #tpu.memory_space<vmem>>, vector<16xi32>,
    %get3A_40 = arith.constant 32 : index
    %get3A_41 = tpu.vector_load %arg10[%get3A_40] {strides = array<i32>} : memref<128xi32, #tpu.memory_space<vmem>>, vector<16xi32>,
    %get3A_42 = vector.shape_cast %get3A_41 : vector<16xi32> to vector<16xi32>
    %add3A_43 = vector.broadcast %mul3A_23 : i32 to vector<16xi32>
    %add3A_44 = arith.addi %get3A_42, %add3A_43 : vector<16xi32>
    %swap3A_45 = arith.constant 32 : index
    %swap3A_46 = tpu.vector_load %arg11[%swap3A_45] {strides = array<i32>} : memref<128xi32, #tpu.memory_space<vmem>>, vector<16xi32>,
    %swap3A_47 = vector.shape_cast %swap3A_46 : vector<16xi32> to vector<16xi32>
    %swap3A_48 = vector.shape_cast %add3A_44 : vector<16xi32> to vector<16xi32>
    tpu.vector_store %arg11[%swap3A_45], %swap3A_48 {strides = array<i32>} : memref<128xi32, #tpu.memory_space<vmem>>, vector<16xi32>,
    %get3A_49 = arith.constant 48 : index
    %get3A_50 = tpu.vector_load %arg10[%get3A_49] {strides = array<i32>} : memref<128xi32, #tpu.memory_space<vmem>>, vector<16xi32>,
    %get3A_51 = vector.shape_cast %get3A_50 : vector<16xi32> to vector<16xi32>
    %add3A_52 = vector.broadcast %mul3A_23 : i32 to vector<16xi32>
    %add3A_53 = arith.addi %get3A_51, %add3A_52 : vector<16xi32>
    %swap3A_54 = arith.constant 48 : index
    %swap3A_55 = tpu.vector_load %arg11[%swap3A_54] {strides = array<i32>} : memref<128xi32, #tpu.memory_space<vmem>>, vector<16xi32>,
    %swap3A_56 = vector.shape_cast %swap3A_55 : vector<16xi32> to vector<16xi32>
    %swap3A_57 = vector.shape_cast %add3A_53 : vector<16xi32> to vector<16xi32>
    tpu.vector_store %arg11[%swap3A_54], %swap3A_57 {strides = array<i32>} : memref<128xi32, #tpu.memory_space<vmem>>, vector<16xi32>,
    %get3A_58 = arith.constant 64 : index
    %get3A_59 = tpu.vector_load %arg10[%get3A_58] {strides = array<i32>} : memref<128xi32, #tpu.memory_space<vmem>>, vector<16xi32>,
    %get3A_60 = vector.shape_cast %get3A_59 : vector<16xi32> to vector<16xi32>
    %add3A_61 = vector.broadcast %mul3A_23 : i32 to vector<16xi32>
    %add3A_62 = arith.addi %get3A_60, %add3A_61 : vector<16xi32>
    %swap3A_63 = arith.constant 64 : index
    %swap3A_64 = tpu.vector_load %arg11[%swap3A_63] {strides = array<i32>} : memref<128xi32, #tpu.memory_space<vmem>>, vector<16xi32>,
    %swap3A_65 = vector.shape_cast %swap3A_64 : vector<16xi32> to vector<16xi32>
    %swap3A_66 = vector.shape_cast %add3A_62 : vector<16xi32> to vector<16xi32>
    tpu.vector_store %arg11[%swap3A_63], %swap3A_66 {strides = array<i32>} : memref<128xi32, #tpu.memory_space<vmem>>, vector<16xi32>,
    %get3A_67 = arith.constant 80 : index
    %get3A_68 = tpu.vector_load %arg10[%get3A_67] {strides = array<i32>} : memref<128xi32, #tpu.memory_space<vmem>>, vector<16xi32>,
    %get3A_69 = vector.shape_cast %get3A_68 : vector<16xi32> to vector<16xi32>
    %add3A_70 = vector.broadcast %mul3A_23 : i32 to vector<16xi32>
    %add3A_71 = arith.addi %get3A_69, %add3A_70 : vector<16xi32>
    %swap3A_72 = arith.constant 80 : index
    %swap3A_73 = tpu.vector_load %arg11[%swap3A_72] {strides = array<i32>} : memref<128xi32, #tpu.memory_space<vmem>>, vector<16xi32>,
    %swap3A_74 = vector.shape_cast %swap3A_73 : vector<16xi32> to vector<16xi32>
    %swap3A_75 = vector.shape_cast %add3A_71 : vector<16xi32> to vector<16xi32>
    tpu.vector_store %arg11[%swap3A_72], %swap3A_75 {strides = array<i32>} : memref<128xi32, #tpu.memory_space<vmem>>, vector<16xi32>,
    %get3A_76 = arith.constant 96 : index
    %get3A_77 = tpu.vector_load %arg10[%get3A_76] {strides = array<i32>} : memref<128xi32, #tpu.memory_space<vmem>>, vector<16xi32>,
    %get3A_78 = vector.shape_cast %get3A_77 : vector<16xi32> to vector<16xi32>
    %add3A_79 = vector.broadcast %mul3A_23 : i32 to vector<16xi32>
    %add3A_80 = arith.addi %get3A_78, %add3A_79 : vector<16xi32>
    %swap3A_81 = arith.constant 96 : index
    %swap3A_82 = tpu.vector_load %arg11[%swap3A_81] {strides = array<i32>} : memref<128xi32, #tpu.memory_space<vmem>>, vector<16xi32>,
    %swap3A_83 = vector.shape_cast %swap3A_82 : vector<16xi32> to vector<16xi32>
    %swap3A_84 = vector.shape_cast %add3A_80 : vector<16xi32> to vector<16xi32>
    tpu.vector_store %arg11[%swap3A_81], %swap3A_84 {strides = array<i32>} : memref<128xi32, #tpu.memory_space<vmem>>, vector<16xi32>,
    %get3A_85 = arith.constant 112 : index
    %get3A_86 = tpu.vector_load %arg10[%get3A_85] {strides = array<i32>} : memref<128xi32, #tpu.memory_space<vmem>>, vector<16xi32>,
    %get3A_87 = vector.shape_cast %get3A_86 : vector<16xi32> to vector<16xi32>
    %add3A_88 = vector.broadcast %mul3A_23 : i32 to vector<16xi32>
    %add3A_89 = arith.addi %get3A_87, %add3A_88 : vector<16xi32>
    %swap3A_90 = arith.constant 112 : index
    %swap3A_91 = tpu.vector_load %arg11[%swap3A_90] {strides = array<i32>} : memref<128xi32, #tpu.memory_space<vmem>>, vector<16xi32>,
    %swap3A_92 = vector.shape_cast %swap3A_91 : vector<16xi32> to vector<16xi32>
    %swap3A_93 = vector.shape_cast %add3A_89 : vector<16xi32> to vector<16xi32>
    tpu.vector_store %arg11[%swap3A_90], %swap3A_93 {strides = array<i32>} : memref<128xi32, #tpu.memory_space<vmem>>, vector<16xi32>,
    %dma_start3A = arith.constant 0 : i32
    %dma_start3A_94 = tpu.memref_slice %arg36[%dma_start3A] : memref<100000xf32, #tpu.memory_space<vmem_shared>> -> memref<100000xf32, #tpu.memory_space<vmem_shared>>
    tpu.enqueue_indirect_dma source(%dma_start3A_94 : memref<100000xf32, #tpu.memory_space<vmem_shared>>) target(%arg13 : memref<128xf32, #tpu.memory_space<vmem>>) offsets(%arg10 : memref<128xi32, #tpu.memory_space<vmem>>) semaphore(%arg38 : memref<!tpu.dma_semaphore, #tpu.memory_space<semaphore_mem>>)
    %dma_start3A_95 = arith.constant 0 : i32
    %dma_start3A_96 = tpu.memref_slice %arg37[%dma_start3A_95] : memref<100000xf32, #tpu.memory_space<vmem_shared>> -> memref<100000xf32, #tpu.memory_space<vmem_shared>>
    tpu.enqueue_indirect_dma source(%dma_start3A_96 : memref<100000xf32, #tpu.memory_space<vmem_shared>>) target(%arg14 : memref<128xf32, #tpu.memory_space<vmem>>) offsets(%arg12 : memref<128xi32, #tpu.memory_space<vmem>>) semaphore(%arg39 : memref<!tpu.dma_semaphore, #tpu.memory_space<semaphore_mem>>)
    %dma_start3A_97 = arith.constant 0 : i32
    %dma_start3A_98 = arith.constant 0 : i32
    %dma_start3A_99 = tpu.memref_slice %arg4[%dma_start3A_97, %dma_start3A_98] : memref<200000x16xf32, #tpu.memory_space<hbm>> -> memref<200000x16xf32, #tpu.memory_space<hbm>>
    tpu.enqueue_indirect_dma source(%dma_start3A_99 : memref<200000x16xf32, #tpu.memory_space<hbm>>) target(%arg16 : memref<128x16xf32, #tpu.memory_space<vmem>>) offsets(%arg11 : memref<128xi32, #tpu.memory_space<vmem>>) semaphore(%arg40 : memref<!tpu.dma_semaphore, #tpu.memory_space<semaphore_mem>>)
    %scan3A_100 = arith.constant 0 : i32
    %scan3A_101 = arith.constant 0 : i32
    %scan3A_102 = arith.constant 1562 : i32
    %scan3A_103 = arith.addi %scan3A_101, %scan3A_102 : i32
    %scan3A_104 = arith.constant 1 : i32
    scf.for %scan3A_396 = %scan3A_101 to %scan3A_103 step %scan3A_104  : i32 {
      %mul3A_397 = arith.constant 2 : i32
      %mul3A_398 = arith.muli %mul3A_397, %scan3A_396 : i32
      %mul3A_399 = arith.constant 128 : i32
      %mul3A_400 = arith.muli %mul3A_398, %mul3A_399 : i32
      %add3A_401 = arith.addi %mul3A_21, %mul3A_400 : i32
      %gt3A_402 = arith.constant 0 : i32
      %gt3A_403 = arith.cmpi sgt, %scan3A_396, %gt3A_402 : i32
      %convert_element_type3A_404 = arith.extui %gt3A_403 : i1 to i32
      %cond3A_405 = arith.constant 0 : i32
      %cond3A_406 = arith.cmpi ne, %convert_element_type3A_404, %cond3A_405 : i32
      scf.if %cond3A_406 {
        %dma_wait3A_871 = arith.constant 0 : i32
        %dma_wait3A_872 = arith.constant 0 : i32
        %dma_wait3A_873 = tpu.memref_slice %arg34[%dma_wait3A_871, %dma_wait3A_872] : memref<100000x16xf32, #tpu.memory_space<vmem_shared>> -> memref<100000x16xf32, #tpu.memory_space<vmem_shared>>
        tpu.wait_indirect_dma semaphore(%arg43 : memref<!tpu.dma_semaphore, #tpu.memory_space<semaphore_mem>>) src(%arg23 : memref<128x16xf32, #tpu.memory_space<vmem>>) dst(%dma_wait3A_873 : memref<100000x16xf32, #tpu.memory_space<vmem_shared>>)
        %eq3A_874 = arith.constant 0 : i32
        %eq3A_875 = arith.cmpi eq, %arg0, %eq3A_874 : i32
        %convert_element_type3A_876 = arith.extui %eq3A_875 : i1 to i32
        %cond3A_877 = arith.constant 0 : i32
        %cond3A_878 = arith.cmpi ne, %convert_element_type3A_876, %cond3A_877 : i32
        scf.if %cond3A_878 {
          %dma_wait3A_879 = arith.constant 0 : i32
          %dma_wait3A_880 = tpu.memref_slice %arg35[%dma_wait3A_879] : memref<100000xf32, #tpu.memory_space<vmem_shared>> -> memref<100000xf32, #tpu.memory_space<vmem_shared>>
          tpu.wait_indirect_dma semaphore(%arg44 : memref<!tpu.dma_semaphore, #tpu.memory_space<semaphore_mem>>) src(%arg22 : memref<128xf32, #tpu.memory_space<vmem>>) dst(%dma_wait3A_880 : memref<100000xf32, #tpu.memory_space<vmem_shared>>)
        } else {
        }
      } else {
      }
      %add3A_407 = arith.constant 128 : i32
      %add3A_408 = arith.addi %add3A_401, %add3A_407 : i32
      "tpu.region"() ({
        %run_scoped3A = tpu.sem_alloc : memref<!tpu.dma_semaphore, #tpu.memory_space<semaphore_mem>>
        %dma_start3A_871 = tpu.memref_slice %arg2[%add3A_408] : memref<6400000xi32, #tpu.memory_space<hbm>> -> memref<128xi32, #tpu.memory_space<hbm>>
        %dma_start3A_872 = tpu.memref_slice %arg2[%add3A_408] : memref<6400000xi32, #tpu.memory_space<hbm>> -> memref<128xi32, #tpu.memory_space<hbm>>
        tpu.enqueue_dma source(%dma_start3A_872 : memref<128xi32, #tpu.memory_space<hbm>>) target(%arg17 : memref<128xi32, #tpu.memory_space<vmem>>) target_semaphore(%run_scoped3A : memref<!tpu.dma_semaphore, #tpu.memory_space<semaphore_mem>>)
        %dma_wait3A_873 = tpu.memref_slice %arg2[%add3A_408] : memref<6400000xi32, #tpu.memory_space<hbm>> -> memref<128xi32, #tpu.memory_space<hbm>>
        %dma_wait3A_874 = tpu.memref_slice %arg2[%add3A_408] : memref<6400000xi32, #tpu.memory_space<hbm>> -> memref<128xi32, #tpu.memory_space<hbm>>
        tpu.wait_dma2 semaphore(%run_scoped3A : memref<!tpu.dma_semaphore, #tpu.memory_space<semaphore_mem>>) src(%dma_wait3A_874 : memref<128xi32, #tpu.memory_space<hbm>>) dst(%arg17 : memref<128xi32, #tpu.memory_space<vmem>>)
        tpu.yield
      }) : () -> ()
      "tpu.region"() ({
        %run_scoped3A = tpu.sem_alloc : memref<!tpu.dma_semaphore, #tpu.memory_space<semaphore_mem>>
        %dma_start3A_871 = tpu.memref_slice %arg3[%add3A_408] : memref<6400000xi32, #tpu.memory_space<hbm>> -> memref<128xi32, #tpu.memory_space<hbm>>
        %dma_start3A_872 = tpu.memref_slice %arg3[%add3A_408] : memref<6400000xi32, #tpu.memory_space<hbm>> -> memref<128xi32, #tpu.memory_space<hbm>>
        tpu.enqueue_dma source(%dma_start3A_872 : memref<128xi32, #tpu.memory_space<hbm>>) target(%arg19 : memref<128xi32, #tpu.memory_space<vmem>>) target_semaphore(%run_scoped3A : memref<!tpu.dma_semaphore, #tpu.memory_space<semaphore_mem>>)
        %dma_wait3A_873 = tpu.memref_slice %arg3[%add3A_408] : memref<6400000xi32, #tpu.memory_space<hbm>> -> memref<128xi32, #tpu.memory_space<hbm>>
        %dma_wait3A_874 = tpu.memref_slice %arg3[%add3A_408] : memref<6400000xi32, #tpu.memory_space<hbm>> -> memref<128xi32, #tpu.memory_space<hbm>>
        tpu.wait_dma2 semaphore(%run_scoped3A : memref<!tpu.dma_semaphore, #tpu.memory_space<semaphore_mem>>) src(%dma_wait3A_874 : memref<128xi32, #tpu.memory_space<hbm>>) dst(%arg19 : memref<128xi32, #tpu.memory_space<vmem>>)
        tpu.yield
      }) : () -> ()
      %get3A_409 = arith.constant 0 : index
      %get3A_410 = tpu.vector_load %arg17[%get3A_409] {strides = array<i32>} : memref<128xi32, #tpu.memory_space<vmem>>, vector<16xi32>,
      %get3A_411 = vector.shape_cast %get3A_410 : vector<16xi32> to vector<16xi32>
      %add3A_412 = vector.broadcast %mul3A_23 : i32 to vector<16xi32>
      %add3A_413 = arith.addi %get3A_411, %add3A_412 : vector<16xi32>
      %swap3A_414 = arith.constant 0 : index
      %swap3A_415 = tpu.vector_load %arg18[%swap3A_414] {strides = array<i32>} : memref<128xi32, #tpu.memory_space<vmem>>, vector<16xi32>,
      %swap3A_416 = vector.shape_cast %swap3A_415 : vector<16xi32> to vector<16xi32>
      %swap3A_417 = vector.shape_cast %add3A_413 : vector<16xi32> to vector<16xi32>
      tpu.vector_store %arg18[%swap3A_414], %swap3A_417 {strides = array<i32>} : memref<128xi32, #tpu.memory_space<vmem>>, vector<16xi32>,
      %get3A_418 = arith.constant 16 : index
      %get3A_419 = tpu.vector_load %arg17[%get3A_418] {strides = array<i32>} : memref<128xi32, #tpu.memory_space<vmem>>, vector<16xi32>,
      %get3A_420 = vector.shape_cast %get3A_419 : vector<16xi32> to vector<16xi32>
      %add3A_421 = vector.broadcast %mul3A_23 : i32 to vector<16xi32>
      %add3A_422 = arith.addi %get3A_420, %add3A_421 : vector<16xi32>
      %swap3A_423 = arith.constant 16 : index
      %swap3A_424 = tpu.vector_load %arg18[%swap3A_423] {strides = array<i32>} : memref<128xi32, #tpu.memory_space<vmem>>, vector<16xi32>,
      %swap3A_425 = vector.shape_cast %swap3A_424 : vector<16xi32> to vector<16xi32>
      %swap3A_426 = vector.shape_cast %add3A_422 : vector<16xi32> to vector<16xi32>
      tpu.vector_store %arg18[%swap3A_423], %swap3A_426 {strides = array<i32>} : memref<128xi32, #tpu.memory_space<vmem>>, vector<16xi32>,
      %get3A_427 = arith.constant 32 : index
      %get3A_428 = tpu.vector_load %arg17[%get3A_427] {strides = array<i32>} : memref<128xi32, #tpu.memory_space<vmem>>, vector<16xi32>,
      %get3A_429 = vector.shape_cast %get3A_428 : vector<16xi32> to vector<16xi32>
      %add3A_430 = vector.broadcast %mul3A_23 : i32 to vector<16xi32>
      %add3A_431 = arith.addi %get3A_429, %add3A_430 : vector<16xi32>
      %swap3A_432 = arith.constant 32 : index
      %swap3A_433 = tpu.vector_load %arg18[%swap3A_432] {strides = array<i32>} : memref<128xi32, #tpu.memory_space<vmem>>, vector<16xi32>,
      %swap3A_434 = vector.shape_cast %swap3A_433 : vector<16xi32> to vector<16xi32>
      %swap3A_435 = vector.shape_cast %add3A_431 : vector<16xi32> to vector<16xi32>
      tpu.vector_store %arg18[%swap3A_432], %swap3A_435 {strides = array<i32>} : memref<128xi32, #tpu.memory_space<vmem>>, vector<16xi32>,
      %get3A_436 = arith.constant 48 : index
      %get3A_437 = tpu.vector_load %arg17[%get3A_436] {strides = array<i32>} : memref<128xi32, #tpu.memory_space<vmem>>, vector<16xi32>,
      %get3A_438 = vector.shape_cast %get3A_437 : vector<16xi32> to vector<16xi32>
      %add3A_439 = vector.broadcast %mul3A_23 : i32 to vector<16xi32>
      %add3A_440 = arith.addi %get3A_438, %add3A_439 : vector<16xi32>
      %swap3A_441 = arith.constant 48 : index
      %swap3A_442 = tpu.vector_load %arg18[%swap3A_441] {strides = array<i32>} : memref<128xi32, #tpu.memory_space<vmem>>, vector<16xi32>,
      %swap3A_443 = vector.shape_cast %swap3A_442 : vector<16xi32> to vector<16xi32>
      %swap3A_444 = vector.shape_cast %add3A_440 : vector<16xi32> to vector<16xi32>
      tpu.vector_store %arg18[%swap3A_441], %swap3A_444 {strides = array<i32>} : memref<128xi32, #tpu.memory_space<vmem>>, vector<16xi32>,
      %get3A_445 = arith.constant 64 : index
      %get3A_446 = tpu.vector_load %arg17[%get3A_445] {strides = array<i32>} : memref<128xi32, #tpu.memory_space<vmem>>, vector<16xi32>,
      %get3A_447 = vector.shape_cast %get3A_446 : vector<16xi32> to vector<16xi32>
      %add3A_448 = vector.broadcast %mul3A_23 : i32 to vector<16xi32>
      %add3A_449 = arith.addi %get3A_447, %add3A_448 : vector<16xi32>
      %swap3A_450 = arith.constant 64 : index
      %swap3A_451 = tpu.vector_load %arg18[%swap3A_450] {strides = array<i32>} : memref<128xi32, #tpu.memory_space<vmem>>, vector<16xi32>,
      %swap3A_452 = vector.shape_cast %swap3A_451 : vector<16xi32> to vector<16xi32>
      %swap3A_453 = vector.shape_cast %add3A_449 : vector<16xi32> to vector<16xi32>
      tpu.vector_store %arg18[%swap3A_450], %swap3A_453 {strides = array<i32>} : memref<128xi32, #tpu.memory_space<vmem>>, vector<16xi32>,
      %get3A_454 = arith.constant 80 : index
      %get3A_455 = tpu.vector_load %arg17[%get3A_454] {strides = array<i32>} : memref<128xi32, #tpu.memory_space<vmem>>, vector<16xi32>,
      %get3A_456 = vector.shape_cast %get3A_455 : vector<16xi32> to vector<16xi32>
      %add3A_457 = vector.broadcast %mul3A_23 : i32 to vector<16xi32>
      %add3A_458 = arith.addi %get3A_456, %add3A_457 : vector<16xi32>
      %swap3A_459 = arith.constant 80 : index
      %swap3A_460 = tpu.vector_load %arg18[%swap3A_459] {strides = array<i32>} : memref<128xi32, #tpu.memory_space<vmem>>, vector<16xi32>,
      %swap3A_461 = vector.shape_cast %swap3A_460 : vector<16xi32> to vector<16xi32>
      %swap3A_462 = vector.shape_cast %add3A_458 : vector<16xi32> to vector<16xi32>
      tpu.vector_store %arg18[%swap3A_459], %swap3A_462 {strides = array<i32>} : memref<128xi32, #tpu.memory_space<vmem>>, vector<16xi32>,
      %get3A_463 = arith.constant 96 : index
      %get3A_464 = tpu.vector_load %arg17[%get3A_463] {strides = array<i32>} : memref<128xi32, #tpu.memory_space<vmem>>, vector<16xi32>,
      %get3A_465 = vector.shape_cast %get3A_464 : vector<16xi32> to vector<16xi32>
      %add3A_466 = vector.broadcast %mul3A_23 : i32 to vector<16xi32>
      %add3A_467 = arith.addi %get3A_465, %add3A_466 : vector<16xi32>
      %swap3A_468 = arith.constant 96 : index
      %swap3A_469 = tpu.vector_load %arg18[%swap3A_468] {strides = array<i32>} : memref<128xi32, #tpu.memory_space<vmem>>, vector<16xi32>,
      %swap3A_470 = vector.shape_cast %swap3A_469 : vector<16xi32> to vector<16xi32>
      %swap3A_471 = vector.shape_cast %add3A_467 : vector<16xi32> to vector<16xi32>
      tpu.vector_store %arg18[%swap3A_468], %swap3A_471 {strides = array<i32>} : memref<128xi32, #tpu.memory_space<vmem>>, vector<16xi32>,
      %get3A_472 = arith.constant 112 : index
      %get3A_473 = tpu.vector_load %arg17[%get3A_472] {strides = array<i32>} : memref<128xi32, #tpu.memory_space<vmem>>, vector<16xi32>,
      %get3A_474 = vector.shape_cast %get3A_473 : vector<16xi32> to vector<16xi32>
      %add3A_475 = vector.broadcast %mul3A_23 : i32 to vector<16xi32>
      %add3A_476 = arith.addi %get3A_474, %add3A_475 : vector<16xi32>
      %swap3A_477 = arith.constant 112 : index
      %swap3A_478 = tpu.vector_load %arg18[%swap3A_477] {strides = array<i32>} : memref<128xi32, #tpu.memory_space<vmem>>, vector<16xi32>,
      %swap3A_479 = vector.shape_cast %swap3A_478 : vector<16xi32> to vector<16xi32>
      %swap3A_480 = vector.shape_cast %add3A_476 : vector<16xi32> to vector<16xi32>
      tpu.vector_store %arg18[%swap3A_477], %swap3A_480 {strides = array<i32>} : memref<128xi32, #tpu.memory_space<vmem>>, vector<16xi32>,
      %dma_wait3A_481 = arith.constant 0 : i32
      %dma_wait3A_482 = tpu.memref_slice %arg36[%dma_wait3A_481] : memref<100000xf32, #tpu.memory_space<vmem_shared>> -> memref<100000xf32, #tpu.memory_space<vmem_shared>>
      tpu.wait_indirect_dma semaphore(%arg38 : memref<!tpu.dma_semaphore, #tpu.memory_space<semaphore_mem>>) src(%dma_wait3A_482 : memref<100000xf32, #tpu.memory_space<vmem_shared>>) dst(%arg13 : memref<128xf32, #tpu.memory_space<vmem>>)
      %dma_wait3A_483 = arith.constant 0 : i32
      %dma_wait3A_484 = tpu.memref_slice %arg37[%dma_wait3A_483] : memref<100000xf32, #tpu.memory_space<vmem_shared>> -> memref<100000xf32, #tpu.memory_space<vmem_shared>>
      tpu.wait_indirect_dma semaphore(%arg39 : memref<!tpu.dma_semaphore, #tpu.memory_space<semaphore_mem>>) src(%dma_wait3A_484 : memref<100000xf32, #tpu.memory_space<vmem_shared>>) dst(%arg14 : memref<128xf32, #tpu.memory_space<vmem>>)
      %dma_wait3A_485 = arith.constant 0 : i32
      %dma_wait3A_486 = arith.constant 0 : i32
      %dma_wait3A_487 = tpu.memref_slice %arg4[%dma_wait3A_485, %dma_wait3A_486] : memref<200000x16xf32, #tpu.memory_space<hbm>> -> memref<200000x16xf32, #tpu.memory_space<hbm>>
      tpu.wait_indirect_dma semaphore(%arg40 : memref<!tpu.dma_semaphore, #tpu.memory_space<semaphore_mem>>) src(%dma_wait3A_487 : memref<200000x16xf32, #tpu.memory_space<hbm>>) dst(%arg16 : memref<128x16xf32, #tpu.memory_space<vmem>>)
      %dma_start3A_488 = arith.constant 0 : i32
      %dma_start3A_489 = tpu.memref_slice %arg36[%dma_start3A_488] : memref<100000xf32, #tpu.memory_space<vmem_shared>> -> memref<100000xf32, #tpu.memory_space<vmem_shared>>
      tpu.enqueue_indirect_dma source(%dma_start3A_489 : memref<100000xf32, #tpu.memory_space<vmem_shared>>) target(%arg20 : memref<128xf32, #tpu.memory_space<vmem>>) offsets(%arg17 : memref<128xi32, #tpu.memory_space<vmem>>) semaphore(%arg38 : memref<!tpu.dma_semaphore, #tpu.memory_space<semaphore_mem>>)
      %dma_start3A_490 = arith.constant 0 : i32
      %dma_start3A_491 = tpu.memref_slice %arg37[%dma_start3A_490] : memref<100000xf32, #tpu.memory_space<vmem_shared>> -> memref<100000xf32, #tpu.memory_space<vmem_shared>>
      tpu.enqueue_indirect_dma source(%dma_start3A_491 : memref<100000xf32, #tpu.memory_space<vmem_shared>>) target(%arg21 : memref<128xf32, #tpu.memory_space<vmem>>) offsets(%arg19 : memref<128xi32, #tpu.memory_space<vmem>>) semaphore(%arg39 : memref<!tpu.dma_semaphore, #tpu.memory_space<semaphore_mem>>)
      %dma_start3A_492 = arith.constant 0 : i32
      %dma_start3A_493 = arith.constant 0 : i32
      %dma_start3A_494 = tpu.memref_slice %arg4[%dma_start3A_492, %dma_start3A_493] : memref<200000x16xf32, #tpu.memory_space<hbm>> -> memref<200000x16xf32, #tpu.memory_space<hbm>>
      tpu.enqueue_indirect_dma source(%dma_start3A_494 : memref<200000x16xf32, #tpu.memory_space<hbm>>) target(%arg23 : memref<128x16xf32, #tpu.memory_space<vmem>>) offsets(%arg18 : memref<128xi32, #tpu.memory_space<vmem>>) semaphore(%arg40 : memref<!tpu.dma_semaphore, #tpu.memory_space<semaphore_mem>>)
      %get3A_495 = arith.constant 0 : index
      %get3A_496 = tpu.vector_load %arg13[%get3A_495] {strides = array<i32>} : memref<128xf32, #tpu.memory_space<vmem>>, vector<16xf32>,
      %get3A_497 = vector.shape_cast %get3A_496 : vector<16xf32> to vector<16xf32>
      %get3A_498 = arith.constant 0 : index
      %get3A_499 = tpu.vector_load %arg14[%get3A_498] {strides = array<i32>} : memref<128xf32, #tpu.memory_space<vmem>>, vector<16xf32>,
      %get3A_500 = vector.shape_cast %get3A_499 : vector<16xf32> to vector<16xf32>
      %add3A_501 = arith.addf %get3A_497, %get3A_500 : vector<16xf32>
      %gt3A_502 = arith.constant 0.000000e+00 : f32
      %gt3A_503 = vector.broadcast %gt3A_502 : f32 to vector<16xf32>
      %gt3A_504 = arith.cmpf ogt, %add3A_501, %gt3A_503 : vector<16xf32>
      %mul3A_505 = arith.constant 2.000000e-01 : f32
      %mul3A_506 = vector.broadcast %mul3A_505 : f32 to vector<16xf32>
      %mul3A_507 = arith.mulf %mul3A_506, %add3A_501 : vector<16xf32>
      %select_n3A_508 = arith.select %gt3A_504, %add3A_501, %mul3A_507 : vector<16xi1>, vector<16xf32>
      %sub3A_509 = vector.broadcast %squeeze3A : f32 to vector<16xf32>
      %sub3A_510 = arith.subf %select_n3A_508, %sub3A_509 : vector<16xf32>
      %exp3A_511 = math.exp %sub3A_510 : vector<16xf32>
      %swap3A_512 = arith.constant 0 : index
      %swap3A_513 = tpu.vector_load %arg15[%swap3A_512] {strides = array<i32>} : memref<128xf32, #tpu.memory_space<vmem>>, vector<16xf32>,
      %swap3A_514 = vector.shape_cast %swap3A_513 : vector<16xf32> to vector<16xf32>
      %swap3A_515 = vector.shape_cast %exp3A_511 : vector<16xf32> to vector<16xf32>
      tpu.vector_store %arg15[%swap3A_512], %swap3A_515 {strides = array<i32>} : memref<128xf32, #tpu.memory_space<vmem>>, vector<16xf32>,
      %get3A_516 = arith.constant 16 : index
      %get3A_517 = tpu.vector_load %arg13[%get3A_516] {strides = array<i32>} : memref<128xf32, #tpu.memory_space<vmem>>, vector<16xf32>,
      %get3A_518 = vector.shape_cast %get3A_517 : vector<16xf32> to vector<16xf32>
      %get3A_519 = arith.constant 16 : index
      %get3A_520 = tpu.vector_load %arg14[%get3A_519] {strides = array<i32>} : memref<128xf32, #tpu.memory_space<vmem>>, vector<16xf32>,
      %get3A_521 = vector.shape_cast %get3A_520 : vector<16xf32> to vector<16xf32>
      %add3A_522 = arith.addf %get3A_518, %get3A_521 : vector<16xf32>
      %gt3A_523 = arith.constant 0.000000e+00 : f32
      %gt3A_524 = vector.broadcast %gt3A_523 : f32 to vector<16xf32>
      %gt3A_525 = arith.cmpf ogt, %add3A_522, %gt3A_524 : vector<16xf32>
      %mul3A_526 = arith.constant 2.000000e-01 : f32
      %mul3A_527 = vector.broadcast %mul3A_526 : f32 to vector<16xf32>
      %mul3A_528 = arith.mulf %mul3A_527, %add3A_522 : vector<16xf32>
      %select_n3A_529 = arith.select %gt3A_525, %add3A_522, %mul3A_528 : vector<16xi1>, vector<16xf32>
      %sub3A_530 = vector.broadcast %squeeze3A : f32 to vector<16xf32>
      %sub3A_531 = arith.subf %select_n3A_529, %sub3A_530 : vector<16xf32>
      %exp3A_532 = math.exp %sub3A_531 : vector<16xf32>
      %swap3A_533 = arith.constant 16 : index
      %swap3A_534 = tpu.vector_load %arg15[%swap3A_533] {strides = array<i32>} : memref<128xf32, #tpu.memory_space<vmem>>, vector<16xf32>,
      %swap3A_535 = vector.shape_cast %swap3A_534 : vector<16xf32> to vector<16xf32>
      %swap3A_536 = vector.shape_cast %exp3A_532 : vector<16xf32> to vector<16xf32>
      tpu.vector_store %arg15[%swap3A_533], %swap3A_536 {strides = array<i32>} : memref<128xf32, #tpu.memory_space<vmem>>, vector<16xf32>,
      %get3A_537 = arith.constant 32 : index
      %get3A_538 = tpu.vector_load %arg13[%get3A_537] {strides = array<i32>} : memref<128xf32, #tpu.memory_space<vmem>>, vector<16xf32>,
      %get3A_539 = vector.shape_cast %get3A_538 : vector<16xf32> to vector<16xf32>
      %get3A_540 = arith.constant 32 : index
      %get3A_541 = tpu.vector_load %arg14[%get3A_540] {strides = array<i32>} : memref<128xf32, #tpu.memory_space<vmem>>, vector<16xf32>,
      %get3A_542 = vector.shape_cast %get3A_541 : vector<16xf32> to vector<16xf32>
      %add3A_543 = arith.addf %get3A_539, %get3A_542 : vector<16xf32>
      %gt3A_544 = arith.constant 0.000000e+00 : f32
      %gt3A_545 = vector.broadcast %gt3A_544 : f32 to vector<16xf32>
      %gt3A_546 = arith.cmpf ogt, %add3A_543, %gt3A_545 : vector<16xf32>
      %mul3A_547 = arith.constant 2.000000e-01 : f32
      %mul3A_548 = vector.broadcast %mul3A_547 : f32 to vector<16xf32>
      %mul3A_549 = arith.mulf %mul3A_548, %add3A_543 : vector<16xf32>
      %select_n3A_550 = arith.select %gt3A_546, %add3A_543, %mul3A_549 : vector<16xi1>, vector<16xf32>
      %sub3A_551 = vector.broadcast %squeeze3A : f32 to vector<16xf32>
      %sub3A_552 = arith.subf %select_n3A_550, %sub3A_551 : vector<16xf32>
      %exp3A_553 = math.exp %sub3A_552 : vector<16xf32>
      %swap3A_554 = arith.constant 32 : index
      %swap3A_555 = tpu.vector_load %arg15[%swap3A_554] {strides = array<i32>} : memref<128xf32, #tpu.memory_space<vmem>>, vector<16xf32>,
      %swap3A_556 = vector.shape_cast %swap3A_555 : vector<16xf32> to vector<16xf32>
      %swap3A_557 = vector.shape_cast %exp3A_553 : vector<16xf32> to vector<16xf32>
      tpu.vector_store %arg15[%swap3A_554], %swap3A_557 {strides = array<i32>} : memref<128xf32, #tpu.memory_space<vmem>>, vector<16xf32>,
      %get3A_558 = arith.constant 48 : index
      %get3A_559 = tpu.vector_load %arg13[%get3A_558] {strides = array<i32>} : memref<128xf32, #tpu.memory_space<vmem>>, vector<16xf32>,
      %get3A_560 = vector.shape_cast %get3A_559 : vector<16xf32> to vector<16xf32>
      %get3A_561 = arith.constant 48 : index
      %get3A_562 = tpu.vector_load %arg14[%get3A_561] {strides = array<i32>} : memref<128xf32, #tpu.memory_space<vmem>>, vector<16xf32>,
      %get3A_563 = vector.shape_cast %get3A_562 : vector<16xf32> to vector<16xf32>
      %add3A_564 = arith.addf %get3A_560, %get3A_563 : vector<16xf32>
      %gt3A_565 = arith.constant 0.000000e+00 : f32
      %gt3A_566 = vector.broadcast %gt3A_565 : f32 to vector<16xf32>
      %gt3A_567 = arith.cmpf ogt, %add3A_564, %gt3A_566 : vector<16xf32>
      %mul3A_568 = arith.constant 2.000000e-01 : f32
      %mul3A_569 = vector.broadcast %mul3A_568 : f32 to vector<16xf32>
      %mul3A_570 = arith.mulf %mul3A_569, %add3A_564 : vector<16xf32>
      %select_n3A_571 = arith.select %gt3A_567, %add3A_564, %mul3A_570 : vector<16xi1>, vector<16xf32>
      %sub3A_572 = vector.broadcast %squeeze3A : f32 to vector<16xf32>
      %sub3A_573 = arith.subf %select_n3A_571, %sub3A_572 : vector<16xf32>
      %exp3A_574 = math.exp %sub3A_573 : vector<16xf32>
      %swap3A_575 = arith.constant 48 : index
      %swap3A_576 = tpu.vector_load %arg15[%swap3A_575] {strides = array<i32>} : memref<128xf32, #tpu.memory_space<vmem>>, vector<16xf32>,
      %swap3A_577 = vector.shape_cast %swap3A_576 : vector<16xf32> to vector<16xf32>
      %swap3A_578 = vector.shape_cast %exp3A_574 : vector<16xf32> to vector<16xf32>
      tpu.vector_store %arg15[%swap3A_575], %swap3A_578 {strides = array<i32>} : memref<128xf32, #tpu.memory_space<vmem>>, vector<16xf32>,
      %get3A_579 = arith.constant 64 : index
      %get3A_580 = tpu.vector_load %arg13[%get3A_579] {strides = array<i32>} : memref<128xf32, #tpu.memory_space<vmem>>, vector<16xf32>,
      %get3A_581 = vector.shape_cast %get3A_580 : vector<16xf32> to vector<16xf32>
      %get3A_582 = arith.constant 64 : index
      %get3A_583 = tpu.vector_load %arg14[%get3A_582] {strides = array<i32>} : memref<128xf32, #tpu.memory_space<vmem>>, vector<16xf32>,
      %get3A_584 = vector.shape_cast %get3A_583 : vector<16xf32> to vector<16xf32>
      %add3A_585 = arith.addf %get3A_581, %get3A_584 : vector<16xf32>
      %gt3A_586 = arith.constant 0.000000e+00 : f32
      %gt3A_587 = vector.broadcast %gt3A_586 : f32 to vector<16xf32>
      %gt3A_588 = arith.cmpf ogt, %add3A_585, %gt3A_587 : vector<16xf32>
      %mul3A_589 = arith.constant 2.000000e-01 : f32
      %mul3A_590 = vector.broadcast %mul3A_589 : f32 to vector<16xf32>
      %mul3A_591 = arith.mulf %mul3A_590, %add3A_585 : vector<16xf32>
      %select_n3A_592 = arith.select %gt3A_588, %add3A_585, %mul3A_591 : vector<16xi1>, vector<16xf32>
      %sub3A_593 = vector.broadcast %squeeze3A : f32 to vector<16xf32>
      %sub3A_594 = arith.subf %select_n3A_592, %sub3A_593 : vector<16xf32>
      %exp3A_595 = math.exp %sub3A_594 : vector<16xf32>
      %swap3A_596 = arith.constant 64 : index
      %swap3A_597 = tpu.vector_load %arg15[%swap3A_596] {strides = array<i32>} : memref<128xf32, #tpu.memory_space<vmem>>, vector<16xf32>,
      %swap3A_598 = vector.shape_cast %swap3A_597 : vector<16xf32> to vector<16xf32>
      %swap3A_599 = vector.shape_cast %exp3A_595 : vector<16xf32> to vector<16xf32>
      tpu.vector_store %arg15[%swap3A_596], %swap3A_599 {strides = array<i32>} : memref<128xf32, #tpu.memory_space<vmem>>, vector<16xf32>,
      %get3A_600 = arith.constant 80 : index
      %get3A_601 = tpu.vector_load %arg13[%get3A_600] {strides = array<i32>} : memref<128xf32, #tpu.memory_space<vmem>>, vector<16xf32>,
      %get3A_602 = vector.shape_cast %get3A_601 : vector<16xf32> to vector<16xf32>
      %get3A_603 = arith.constant 80 : index
      %get3A_604 = tpu.vector_load %arg14[%get3A_603] {strides = array<i32>} : memref<128xf32, #tpu.memory_space<vmem>>, vector<16xf32>,
      %get3A_605 = vector.shape_cast %get3A_604 : vector<16xf32> to vector<16xf32>
      %add3A_606 = arith.addf %get3A_602, %get3A_605 : vector<16xf32>
      %gt3A_607 = arith.constant 0.000000e+00 : f32
      %gt3A_608 = vector.broadcast %gt3A_607 : f32 to vector<16xf32>
      %gt3A_609 = arith.cmpf ogt, %add3A_606, %gt3A_608 : vector<16xf32>
      %mul3A_610 = arith.constant 2.000000e-01 : f32
      %mul3A_611 = vector.broadcast %mul3A_610 : f32 to vector<16xf32>
      %mul3A_612 = arith.mulf %mul3A_611, %add3A_606 : vector<16xf32>
      %select_n3A_613 = arith.select %gt3A_609, %add3A_606, %mul3A_612 : vector<16xi1>, vector<16xf32>
      %sub3A_614 = vector.broadcast %squeeze3A : f32 to vector<16xf32>
      %sub3A_615 = arith.subf %select_n3A_613, %sub3A_614 : vector<16xf32>
      %exp3A_616 = math.exp %sub3A_615 : vector<16xf32>
      %swap3A_617 = arith.constant 80 : index
      %swap3A_618 = tpu.vector_load %arg15[%swap3A_617] {strides = array<i32>} : memref<128xf32, #tpu.memory_space<vmem>>, vector<16xf32>,
      %swap3A_619 = vector.shape_cast %swap3A_618 : vector<16xf32> to vector<16xf32>
      %swap3A_620 = vector.shape_cast %exp3A_616 : vector<16xf32> to vector<16xf32>
      tpu.vector_store %arg15[%swap3A_617], %swap3A_620 {strides = array<i32>} : memref<128xf32, #tpu.memory_space<vmem>>, vector<16xf32>,
      %get3A_621 = arith.constant 96 : index
      %get3A_622 = tpu.vector_load %arg13[%get3A_621] {strides = array<i32>} : memref<128xf32, #tpu.memory_space<vmem>>, vector<16xf32>,
      %get3A_623 = vector.shape_cast %get3A_622 : vector<16xf32> to vector<16xf32>
      %get3A_624 = arith.constant 96 : index
      %get3A_625 = tpu.vector_load %arg14[%get3A_624] {strides = array<i32>} : memref<128xf32, #tpu.memory_space<vmem>>, vector<16xf32>,
      %get3A_626 = vector.shape_cast %get3A_625 : vector<16xf32> to vector<16xf32>
      %add3A_627 = arith.addf %get3A_623, %get3A_626 : vector<16xf32>
      %gt3A_628 = arith.constant 0.000000e+00 : f32
      %gt3A_629 = vector.broadcast %gt3A_628 : f32 to vector<16xf32>
      %gt3A_630 = arith.cmpf ogt, %add3A_627, %gt3A_629 : vector<16xf32>
      %mul3A_631 = arith.constant 2.000000e-01 : f32
      %mul3A_632 = vector.broadcast %mul3A_631 : f32 to vector<16xf32>
      %mul3A_633 = arith.mulf %mul3A_632, %add3A_627 : vector<16xf32>
      %select_n3A_634 = arith.select %gt3A_630, %add3A_627, %mul3A_633 : vector<16xi1>, vector<16xf32>
      %sub3A_635 = vector.broadcast %squeeze3A : f32 to vector<16xf32>
      %sub3A_636 = arith.subf %select_n3A_634, %sub3A_635 : vector<16xf32>
      %exp3A_637 = math.exp %sub3A_636 : vector<16xf32>
      %swap3A_638 = arith.constant 96 : index
      %swap3A_639 = tpu.vector_load %arg15[%swap3A_638] {strides = array<i32>} : memref<128xf32, #tpu.memory_space<vmem>>, vector<16xf32>,
      %swap3A_640 = vector.shape_cast %swap3A_639 : vector<16xf32> to vector<16xf32>
      %swap3A_641 = vector.shape_cast %exp3A_637 : vector<16xf32> to vector<16xf32>
      tpu.vector_store %arg15[%swap3A_638], %swap3A_641 {strides = array<i32>} : memref<128xf32, #tpu.memory_space<vmem>>, vector<16xf32>,
      %get3A_642 = arith.constant 112 : index
      %get3A_643 = tpu.vector_load %arg13[%get3A_642] {strides = array<i32>} : memref<128xf32, #tpu.memory_space<vmem>>, vector<16xf32>,
      %get3A_644 = vector.shape_cast %get3A_643 : vector<16xf32> to vector<16xf32>
      %get3A_645 = arith.constant 112 : index
      %get3A_646 = tpu.vector_load %arg14[%get3A_645] {strides = array<i32>} : memref<128xf32, #tpu.memory_space<vmem>>, vector<16xf32>,
      %get3A_647 = vector.shape_cast %get3A_646 : vector<16xf32> to vector<16xf32>
      %add3A_648 = arith.addf %get3A_644, %get3A_647 : vector<16xf32>
      %gt3A_649 = arith.constant 0.000000e+00 : f32
      %gt3A_650 = vector.broadcast %gt3A_649 : f32 to vector<16xf32>
      %gt3A_651 = arith.cmpf ogt, %add3A_648, %gt3A_650 : vector<16xf32>
      %mul3A_652 = arith.constant 2.000000e-01 : f32
      %mul3A_653 = vector.broadcast %mul3A_652 : f32 to vector<16xf32>
      %mul3A_654 = arith.mulf %mul3A_653, %add3A_648 : vector<16xf32>
      %select_n3A_655 = arith.select %gt3A_651, %add3A_648, %mul3A_654 : vector<16xi1>, vector<16xf32>
      %sub3A_656 = vector.broadcast %squeeze3A : f32 to vector<16xf32>
      %sub3A_657 = arith.subf %select_n3A_655, %sub3A_656 : vector<16xf32>
      %exp3A_658 = math.exp %sub3A_657 : vector<16xf32>
      %swap3A_659 = arith.constant 112 : index
      %swap3A_660 = tpu.vector_load %arg15[%swap3A_659] {strides = array<i32>} : memref<128xf32, #tpu.memory_space<vmem>>, vector<16xf32>,
      %swap3A_661 = vector.shape_cast %swap3A_660 : vector<16xf32> to vector<16xf32>
      %swap3A_662 = vector.shape_cast %exp3A_658 : vector<16xf32> to vector<16xf32>
      tpu.vector_store %arg15[%swap3A_659], %swap3A_662 {strides = array<i32>} : memref<128xf32, #tpu.memory_space<vmem>>, vector<16xf32>,
      %scan3A_663 = arith.constant 0 : i32
      %scan3A_664 = arith.constant 0 : i32
      %scan3A_665 = arith.constant 8 : i32
      %scan3A_666 = arith.addi %scan3A_664, %scan3A_665 : i32
      %scan3A_667 = arith.constant 1 : i32
      scf.for %scan3A_871 = %scan3A_664 to %scan3A_666 step %scan3A_667  : i32 {
        %mul3A_872 = arith.constant 16 : i32
        %mul3A_873 = arith.muli %scan3A_871, %mul3A_872 : i32
        %get3A_874 = arith.index_cast %mul3A_873 : i32 to index
        %get3A_875 = tpu.vector_load %arg15[%get3A_874] {strides = array<i32>} : memref<128xf32, #tpu.memory_space<vmem>>, vector<16xf32>,
        %get3A_876 = vector.shape_cast %get3A_875 : vector<16xf32> to vector<16xf32>
        %mul3A_877 = arith.constant 16 : i32
        %mul3A_878 = arith.muli %scan3A_871, %mul3A_877 : i32
        %add3A_879 = arith.constant 0 : i32
        %add3A_880 = arith.addi %mul3A_878, %add3A_879 : i32
        %get3A_881 = arith.index_cast %add3A_880 : i32 to index
        %get3A_882 = arith.constant 0 : index
        %get3A_883 = tpu.vector_load %arg16[%get3A_881, %get3A_882] {strides = array<i32>} : memref<128x16xf32, #tpu.memory_space<vmem>>, vector<1x16xf32>,
        %get3A_884 = vector.shape_cast %get3A_883 : vector<1x16xf32> to vector<16xf32>
        %slice3A_885 = vector.extract_strided_slice %get3A_876 {offsets = [0], sizes = [1], strides = [1]} : vector<16xf32> to vector<1xf32>
        %squeeze3A_886 = vector.extract %slice3A_885[0] : f32 from vector<1xf32>
        %mul3A_887 = vector.broadcast %squeeze3A_886 : f32 to vector<16xf32>
        %mul3A_888 = arith.mulf %get3A_884, %mul3A_887 : vector<16xf32>
        %add3A_889 = arith.constant 0 : i32
        %add3A_890 = arith.addi %mul3A_878, %add3A_889 : i32
        %swap3A_891 = arith.index_cast %add3A_890 : i32 to index
        %swap3A_892 = arith.constant 0 : index
        %swap3A_893 = tpu.vector_load %arg16[%swap3A_891, %swap3A_892] {strides = array<i32>} : memref<128x16xf32, #tpu.memory_space<vmem>>, vector<1x16xf32>,
        %swap3A_894 = vector.shape_cast %swap3A_893 : vector<1x16xf32> to vector<16xf32>
        %swap3A_895 = vector.shape_cast %mul3A_888 : vector<16xf32> to vector<1x16xf32>
        tpu.vector_store %arg16[%swap3A_891, %swap3A_892], %swap3A_895 {strides = array<i32>} : memref<128x16xf32, #tpu.memory_space<vmem>>, vector<1x16xf32>,
        %add3A_896 = arith.constant 1 : i32
        %add3A_897 = arith.addi %mul3A_878, %add3A_896 : i32
        %get3A_898 = arith.index_cast %add3A_897 : i32 to index
        %get3A_899 = arith.constant 0 : index
        %get3A_900 = tpu.vector_load %arg16[%get3A_898, %get3A_899] {strides = array<i32>} : memref<128x16xf32, #tpu.memory_space<vmem>>, vector<1x16xf32>,
        %get3A_901 = vector.shape_cast %get3A_900 : vector<1x16xf32> to vector<16xf32>
        %slice3A_902 = vector.extract_strided_slice %get3A_876 {offsets = [1], sizes = [1], strides = [1]} : vector<16xf32> to vector<1xf32>
        %squeeze3A_903 = vector.extract %slice3A_902[0] : f32 from vector<1xf32>
        %mul3A_904 = vector.broadcast %squeeze3A_903 : f32 to vector<16xf32>
        %mul3A_905 = arith.mulf %get3A_901, %mul3A_904 : vector<16xf32>
        %add3A_906 = arith.constant 1 : i32
        %add3A_907 = arith.addi %mul3A_878, %add3A_906 : i32
        %swap3A_908 = arith.index_cast %add3A_907 : i32 to index
        %swap3A_909 = arith.constant 0 : index
        %swap3A_910 = tpu.vector_load %arg16[%swap3A_908, %swap3A_909] {strides = array<i32>} : memref<128x16xf32, #tpu.memory_space<vmem>>, vector<1x16xf32>,
        %swap3A_911 = vector.shape_cast %swap3A_910 : vector<1x16xf32> to vector<16xf32>
        %swap3A_912 = vector.shape_cast %mul3A_905 : vector<16xf32> to vector<1x16xf32>
        tpu.vector_store %arg16[%swap3A_908, %swap3A_909], %swap3A_912 {strides = array<i32>} : memref<128x16xf32, #tpu.memory_space<vmem>>, vector<1x16xf32>,
        %add3A_913 = arith.constant 2 : i32
        %add3A_914 = arith.addi %mul3A_878, %add3A_913 : i32
        %get3A_915 = arith.index_cast %add3A_914 : i32 to index
        %get3A_916 = arith.constant 0 : index
        %get3A_917 = tpu.vector_load %arg16[%get3A_915, %get3A_916] {strides = array<i32>} : memref<128x16xf32, #tpu.memory_space<vmem>>, vector<1x16xf32>,
        %get3A_918 = vector.shape_cast %get3A_917 : vector<1x16xf32> to vector<16xf32>
        %slice3A_919 = vector.extract_strided_slice %get3A_876 {offsets = [2], sizes = [1], strides = [1]} : vector<16xf32> to vector<1xf32>
        %squeeze3A_920 = vector.extract %slice3A_919[0] : f32 from vector<1xf32>
        %mul3A_921 = vector.broadcast %squeeze3A_920 : f32 to vector<16xf32>
        %mul3A_922 = arith.mulf %get3A_918, %mul3A_921 : vector<16xf32>
        %add3A_923 = arith.constant 2 : i32
        %add3A_924 = arith.addi %mul3A_878, %add3A_923 : i32
        %swap3A_925 = arith.index_cast %add3A_924 : i32 to index
        %swap3A_926 = arith.constant 0 : index
        %swap3A_927 = tpu.vector_load %arg16[%swap3A_925, %swap3A_926] {strides = array<i32>} : memref<128x16xf32, #tpu.memory_space<vmem>>, vector<1x16xf32>,
        %swap3A_928 = vector.shape_cast %swap3A_927 : vector<1x16xf32> to vector<16xf32>
        %swap3A_929 = vector.shape_cast %mul3A_922 : vector<16xf32> to vector<1x16xf32>
        tpu.vector_store %arg16[%swap3A_925, %swap3A_926], %swap3A_929 {strides = array<i32>} : memref<128x16xf32, #tpu.memory_space<vmem>>, vector<1x16xf32>,
        %add3A_930 = arith.constant 3 : i32
        %add3A_931 = arith.addi %mul3A_878, %add3A_930 : i32
        %get3A_932 = arith.index_cast %add3A_931 : i32 to index
        %get3A_933 = arith.constant 0 : index
        %get3A_934 = tpu.vector_load %arg16[%get3A_932, %get3A_933] {strides = array<i32>} : memref<128x16xf32, #tpu.memory_space<vmem>>, vector<1x16xf32>,
        %get3A_935 = vector.shape_cast %get3A_934 : vector<1x16xf32> to vector<16xf32>
        %slice3A_936 = vector.extract_strided_slice %get3A_876 {offsets = [3], sizes = [1], strides = [1]} : vector<16xf32> to vector<1xf32>
        %squeeze3A_937 = vector.extract %slice3A_936[0] : f32 from vector<1xf32>
        %mul3A_938 = vector.broadcast %squeeze3A_937 : f32 to vector<16xf32>
        %mul3A_939 = arith.mulf %get3A_935, %mul3A_938 : vector<16xf32>
        %add3A_940 = arith.constant 3 : i32
        %add3A_941 = arith.addi %mul3A_878, %add3A_940 : i32
        %swap3A_942 = arith.index_cast %add3A_941 : i32 to index
        %swap3A_943 = arith.constant 0 : index
        %swap3A_944 = tpu.vector_load %arg16[%swap3A_942, %swap3A_943] {strides = array<i32>} : memref<128x16xf32, #tpu.memory_space<vmem>>, vector<1x16xf32>,
        %swap3A_945 = vector.shape_cast %swap3A_944 : vector<1x16xf32> to vector<16xf32>
        %swap3A_946 = vector.shape_cast %mul3A_939 : vector<16xf32> to vector<1x16xf32>
        tpu.vector_store %arg16[%swap3A_942, %swap3A_943], %swap3A_946 {strides = array<i32>} : memref<128x16xf32, #tpu.memory_space<vmem>>, vector<1x16xf32>,
        %add3A_947 = arith.constant 4 : i32
        %add3A_948 = arith.addi %mul3A_878, %add3A_947 : i32
        %get3A_949 = arith.index_cast %add3A_948 : i32 to index
        %get3A_950 = arith.constant 0 : index
        %get3A_951 = tpu.vector_load %arg16[%get3A_949, %get3A_950] {strides = array<i32>} : memref<128x16xf32, #tpu.memory_space<vmem>>, vector<1x16xf32>,
        %get3A_952 = vector.shape_cast %get3A_951 : vector<1x16xf32> to vector<16xf32>
        %slice3A_953 = vector.extract_strided_slice %get3A_876 {offsets = [4], sizes = [1], strides = [1]} : vector<16xf32> to vector<1xf32>
        %squeeze3A_954 = vector.extract %slice3A_953[0] : f32 from vector<1xf32>
        %mul3A_955 = vector.broadcast %squeeze3A_954 : f32 to vector<16xf32>
        %mul3A_956 = arith.mulf %get3A_952, %mul3A_955 : vector<16xf32>
        %add3A_957 = arith.constant 4 : i32
        %add3A_958 = arith.addi %mul3A_878, %add3A_957 : i32
        %swap3A_959 = arith.index_cast %add3A_958 : i32 to index
        %swap3A_960 = arith.constant 0 : index
        %swap3A_961 = tpu.vector_load %arg16[%swap3A_959, %swap3A_960] {strides = array<i32>} : memref<128x16xf32, #tpu.memory_space<vmem>>, vector<1x16xf32>,
        %swap3A_962 = vector.shape_cast %swap3A_961 : vector<1x16xf32> to vector<16xf32>
        %swap3A_963 = vector.shape_cast %mul3A_956 : vector<16xf32> to vector<1x16xf32>
        tpu.vector_store %arg16[%swap3A_959, %swap3A_960], %swap3A_963 {strides = array<i32>} : memref<128x16xf32, #tpu.memory_space<vmem>>, vector<1x16xf32>,
        %add3A_964 = arith.constant 5 : i32
        %add3A_965 = arith.addi %mul3A_878, %add3A_964 : i32
        %get3A_966 = arith.index_cast %add3A_965 : i32 to index
        %get3A_967 = arith.constant 0 : index
        %get3A_968 = tpu.vector_load %arg16[%get3A_966, %get3A_967] {strides = array<i32>} : memref<128x16xf32, #tpu.memory_space<vmem>>, vector<1x16xf32>,
        %get3A_969 = vector.shape_cast %get3A_968 : vector<1x16xf32> to vector<16xf32>
        %slice3A_970 = vector.extract_strided_slice %get3A_876 {offsets = [5], sizes = [1], strides = [1]} : vector<16xf32> to vector<1xf32>
        %squeeze3A_971 = vector.extract %slice3A_970[0] : f32 from vector<1xf32>
        %mul3A_972 = vector.broadcast %squeeze3A_971 : f32 to vector<16xf32>
        %mul3A_973 = arith.mulf %get3A_969, %mul3A_972 : vector<16xf32>
        %add3A_974 = arith.constant 5 : i32
        %add3A_975 = arith.addi %mul3A_878, %add3A_974 : i32
        %swap3A_976 = arith.index_cast %add3A_975 : i32 to index
        %swap3A_977 = arith.constant 0 : index
        %swap3A_978 = tpu.vector_load %arg16[%swap3A_976, %swap3A_977] {strides = array<i32>} : memref<128x16xf32, #tpu.memory_space<vmem>>, vector<1x16xf32>,
        %swap3A_979 = vector.shape_cast %swap3A_978 : vector<1x16xf32> to vector<16xf32>
        %swap3A_980 = vector.shape_cast %mul3A_973 : vector<16xf32> to vector<1x16xf32>
        tpu.vector_store %arg16[%swap3A_976, %swap3A_977], %swap3A_980 {strides = array<i32>} : memref<128x16xf32, #tpu.memory_space<vmem>>, vector<1x16xf32>,
        %add3A_981 = arith.constant 6 : i32
        %add3A_982 = arith.addi %mul3A_878, %add3A_981 : i32
        %get3A_983 = arith.index_cast %add3A_982 : i32 to index
        %get3A_984 = arith.constant 0 : index
        %get3A_985 = tpu.vector_load %arg16[%get3A_983, %get3A_984] {strides = array<i32>} : memref<128x16xf32, #tpu.memory_space<vmem>>, vector<1x16xf32>,
        %get3A_986 = vector.shape_cast %get3A_985 : vector<1x16xf32> to vector<16xf32>
        %slice3A_987 = vector.extract_strided_slice %get3A_876 {offsets = [6], sizes = [1], strides = [1]} : vector<16xf32> to vector<1xf32>
        %squeeze3A_988 = vector.extract %slice3A_987[0] : f32 from vector<1xf32>
        %mul3A_989 = vector.broadcast %squeeze3A_988 : f32 to vector<16xf32>
        %mul3A_990 = arith.mulf %get3A_986, %mul3A_989 : vector<16xf32>
        %add3A_991 = arith.constant 6 : i32
        %add3A_992 = arith.addi %mul3A_878, %add3A_991 : i32
        %swap3A_993 = arith.index_cast %add3A_992 : i32 to index
        %swap3A_994 = arith.constant 0 : index
        %swap3A_995 = tpu.vector_load %arg16[%swap3A_993, %swap3A_994] {strides = array<i32>} : memref<128x16xf32, #tpu.memory_space<vmem>>, vector<1x16xf32>,
        %swap3A_996 = vector.shape_cast %swap3A_995 : vector<1x16xf32> to vector<16xf32>
        %swap3A_997 = vector.shape_cast %mul3A_990 : vector<16xf32> to vector<1x16xf32>
        tpu.vector_store %arg16[%swap3A_993, %swap3A_994], %swap3A_997 {strides = array<i32>} : memref<128x16xf32, #tpu.memory_space<vmem>>, vector<1x16xf32>,
        %add3A_998 = arith.constant 7 : i32
        %add3A_999 = arith.addi %mul3A_878, %add3A_998 : i32
        %get3A_1000 = arith.index_cast %add3A_999 : i32 to index
        %get3A_1001 = arith.constant 0 : index
        %get3A_1002 = tpu.vector_load %arg16[%get3A_1000, %get3A_1001] {strides = array<i32>} : memref<128x16xf32, #tpu.memory_space<vmem>>, vector<1x16xf32>,
        %get3A_1003 = vector.shape_cast %get3A_1002 : vector<1x16xf32> to vector<16xf32>
        %slice3A_1004 = vector.extract_strided_slice %get3A_876 {offsets = [7], sizes = [1], strides = [1]} : vector<16xf32> to vector<1xf32>
        %squeeze3A_1005 = vector.extract %slice3A_1004[0] : f32 from vector<1xf32>
        %mul3A_1006 = vector.broadcast %squeeze3A_1005 : f32 to vector<16xf32>
        %mul3A_1007 = arith.mulf %get3A_1003, %mul3A_1006 : vector<16xf32>
        %add3A_1008 = arith.constant 7 : i32
        %add3A_1009 = arith.addi %mul3A_878, %add3A_1008 : i32
        %swap3A_1010 = arith.index_cast %add3A_1009 : i32 to index
        %swap3A_1011 = arith.constant 0 : index
        %swap3A_1012 = tpu.vector_load %arg16[%swap3A_1010, %swap3A_1011] {strides = array<i32>} : memref<128x16xf32, #tpu.memory_space<vmem>>, vector<1x16xf32>,
        %swap3A_1013 = vector.shape_cast %swap3A_1012 : vector<1x16xf32> to vector<16xf32>
        %swap3A_1014 = vector.shape_cast %mul3A_1007 : vector<16xf32> to vector<1x16xf32>
        tpu.vector_store %arg16[%swap3A_1010, %swap3A_1011], %swap3A_1014 {strides = array<i32>} : memref<128x16xf32, #tpu.memory_space<vmem>>, vector<1x16xf32>,
        %add3A_1015 = arith.constant 8 : i32
        %add3A_1016 = arith.addi %mul3A_878, %add3A_1015 : i32
        %get3A_1017 = arith.index_cast %add3A_1016 : i32 to index
        %get3A_1018 = arith.constant 0 : index
        %get3A_1019 = tpu.vector_load %arg16[%get3A_1017, %get3A_1018] {strides = array<i32>} : memref<128x16xf32, #tpu.memory_space<vmem>>, vector<1x16xf32>,
        %get3A_1020 = vector.shape_cast %get3A_1019 : vector<1x16xf32> to vector<16xf32>
        %slice3A_1021 = vector.extract_strided_slice %get3A_876 {offsets = [8], sizes = [1], strides = [1]} : vector<16xf32> to vector<1xf32>
        %squeeze3A_1022 = vector.extract %slice3A_1021[0] : f32 from vector<1xf32>
        %mul3A_1023 = vector.broadcast %squeeze3A_1022 : f32 to vector<16xf32>
        %mul3A_1024 = arith.mulf %get3A_1020, %mul3A_1023 : vector<16xf32>
        %add3A_1025 = arith.constant 8 : i32
        %add3A_1026 = arith.addi %mul3A_878, %add3A_1025 : i32
        %swap3A_1027 = arith.index_cast %add3A_1026 : i32 to index
        %swap3A_1028 = arith.constant 0 : index
        %swap3A_1029 = tpu.vector_load %arg16[%swap3A_1027, %swap3A_1028] {strides = array<i32>} : memref<128x16xf32, #tpu.memory_space<vmem>>, vector<1x16xf32>,
        %swap3A_1030 = vector.shape_cast %swap3A_1029 : vector<1x16xf32> to vector<16xf32>
        %swap3A_1031 = vector.shape_cast %mul3A_1024 : vector<16xf32> to vector<1x16xf32>
        tpu.vector_store %arg16[%swap3A_1027, %swap3A_1028], %swap3A_1031 {strides = array<i32>} : memref<128x16xf32, #tpu.memory_space<vmem>>, vector<1x16xf32>,
        %add3A_1032 = arith.constant 9 : i32
        %add3A_1033 = arith.addi %mul3A_878, %add3A_1032 : i32
        %get3A_1034 = arith.index_cast %add3A_1033 : i32 to index
        %get3A_1035 = arith.constant 0 : index
        %get3A_1036 = tpu.vector_load %arg16[%get3A_1034, %get3A_1035] {strides = array<i32>} : memref<128x16xf32, #tpu.memory_space<vmem>>, vector<1x16xf32>,
        %get3A_1037 = vector.shape_cast %get3A_1036 : vector<1x16xf32> to vector<16xf32>
        %slice3A_1038 = vector.extract_strided_slice %get3A_876 {offsets = [9], sizes = [1], strides = [1]} : vector<16xf32> to vector<1xf32>
        %squeeze3A_1039 = vector.extract %slice3A_1038[0] : f32 from vector<1xf32>
        %mul3A_1040 = vector.broadcast %squeeze3A_1039 : f32 to vector<16xf32>
        %mul3A_1041 = arith.mulf %get3A_1037, %mul3A_1040 : vector<16xf32>
        %add3A_1042 = arith.constant 9 : i32
        %add3A_1043 = arith.addi %mul3A_878, %add3A_1042 : i32
        %swap3A_1044 = arith.index_cast %add3A_1043 : i32 to index
        %swap3A_1045 = arith.constant 0 : index
        %swap3A_1046 = tpu.vector_load %arg16[%swap3A_1044, %swap3A_1045] {strides = array<i32>} : memref<128x16xf32, #tpu.memory_space<vmem>>, vector<1x16xf32>,
        %swap3A_1047 = vector.shape_cast %swap3A_1046 : vector<1x16xf32> to vector<16xf32>
        %swap3A_1048 = vector.shape_cast %mul3A_1041 : vector<16xf32> to vector<1x16xf32>
        tpu.vector_store %arg16[%swap3A_1044, %swap3A_1045], %swap3A_1048 {strides = array<i32>} : memref<128x16xf32, #tpu.memory_space<vmem>>, vector<1x16xf32>,
        %add3A_1049 = arith.constant 10 : i32
        %add3A_1050 = arith.addi %mul3A_878, %add3A_1049 : i32
        %get3A_1051 = arith.index_cast %add3A_1050 : i32 to index
        %get3A_1052 = arith.constant 0 : index
        %get3A_1053 = tpu.vector_load %arg16[%get3A_1051, %get3A_1052] {strides = array<i32>} : memref<128x16xf32, #tpu.memory_space<vmem>>, vector<1x16xf32>,
        %get3A_1054 = vector.shape_cast %get3A_1053 : vector<1x16xf32> to vector<16xf32>
        %slice3A_1055 = vector.extract_strided_slice %get3A_876 {offsets = [10], sizes = [1], strides = [1]} : vector<16xf32> to vector<1xf32>
        %squeeze3A_1056 = vector.extract %slice3A_1055[0] : f32 from vector<1xf32>
        %mul3A_1057 = vector.broadcast %squeeze3A_1056 : f32 to vector<16xf32>
        %mul3A_1058 = arith.mulf %get3A_1054, %mul3A_1057 : vector<16xf32>
        %add3A_1059 = arith.constant 10 : i32
        %add3A_1060 = arith.addi %mul3A_878, %add3A_1059 : i32
        %swap3A_1061 = arith.index_cast %add3A_1060 : i32 to index
        %swap3A_1062 = arith.constant 0 : index
        %swap3A_1063 = tpu.vector_load %arg16[%swap3A_1061, %swap3A_1062] {strides = array<i32>} : memref<128x16xf32, #tpu.memory_space<vmem>>, vector<1x16xf32>,
        %swap3A_1064 = vector.shape_cast %swap3A_1063 : vector<1x16xf32> to vector<16xf32>
        %swap3A_1065 = vector.shape_cast %mul3A_1058 : vector<16xf32> to vector<1x16xf32>
        tpu.vector_store %arg16[%swap3A_1061, %swap3A_1062], %swap3A_1065 {strides = array<i32>} : memref<128x16xf32, #tpu.memory_space<vmem>>, vector<1x16xf32>,
        %add3A_1066 = arith.constant 11 : i32
        %add3A_1067 = arith.addi %mul3A_878, %add3A_1066 : i32
        %get3A_1068 = arith.index_cast %add3A_1067 : i32 to index
        %get3A_1069 = arith.constant 0 : index
        %get3A_1070 = tpu.vector_load %arg16[%get3A_1068, %get3A_1069] {strides = array<i32>} : memref<128x16xf32, #tpu.memory_space<vmem>>, vector<1x16xf32>,
        %get3A_1071 = vector.shape_cast %get3A_1070 : vector<1x16xf32> to vector<16xf32>
        %slice3A_1072 = vector.extract_strided_slice %get3A_876 {offsets = [11], sizes = [1], strides = [1]} : vector<16xf32> to vector<1xf32>
        %squeeze3A_1073 = vector.extract %slice3A_1072[0] : f32 from vector<1xf32>
        %mul3A_1074 = vector.broadcast %squeeze3A_1073 : f32 to vector<16xf32>
        %mul3A_1075 = arith.mulf %get3A_1071, %mul3A_1074 : vector<16xf32>
        %add3A_1076 = arith.constant 11 : i32
        %add3A_1077 = arith.addi %mul3A_878, %add3A_1076 : i32
        %swap3A_1078 = arith.index_cast %add3A_1077 : i32 to index
        %swap3A_1079 = arith.constant 0 : index
        %swap3A_1080 = tpu.vector_load %arg16[%swap3A_1078, %swap3A_1079] {strides = array<i32>} : memref<128x16xf32, #tpu.memory_space<vmem>>, vector<1x16xf32>,
        %swap3A_1081 = vector.shape_cast %swap3A_1080 : vector<1x16xf32> to vector<16xf32>
        %swap3A_1082 = vector.shape_cast %mul3A_1075 : vector<16xf32> to vector<1x16xf32>
        tpu.vector_store %arg16[%swap3A_1078, %swap3A_1079], %swap3A_1082 {strides = array<i32>} : memref<128x16xf32, #tpu.memory_space<vmem>>, vector<1x16xf32>,
        %add3A_1083 = arith.constant 12 : i32
        %add3A_1084 = arith.addi %mul3A_878, %add3A_1083 : i32
        %get3A_1085 = arith.index_cast %add3A_1084 : i32 to index
        %get3A_1086 = arith.constant 0 : index
        %get3A_1087 = tpu.vector_load %arg16[%get3A_1085, %get3A_1086] {strides = array<i32>} : memref<128x16xf32, #tpu.memory_space<vmem>>, vector<1x16xf32>,
        %get3A_1088 = vector.shape_cast %get3A_1087 : vector<1x16xf32> to vector<16xf32>
        %slice3A_1089 = vector.extract_strided_slice %get3A_876 {offsets = [12], sizes = [1], strides = [1]} : vector<16xf32> to vector<1xf32>
        %squeeze3A_1090 = vector.extract %slice3A_1089[0] : f32 from vector<1xf32>
        %mul3A_1091 = vector.broadcast %squeeze3A_1090 : f32 to vector<16xf32>
        %mul3A_1092 = arith.mulf %get3A_1088, %mul3A_1091 : vector<16xf32>
        %add3A_1093 = arith.constant 12 : i32
        %add3A_1094 = arith.addi %mul3A_878, %add3A_1093 : i32
        %swap3A_1095 = arith.index_cast %add3A_1094 : i32 to index
        %swap3A_1096 = arith.constant 0 : index
        %swap3A_1097 = tpu.vector_load %arg16[%swap3A_1095, %swap3A_1096] {strides = array<i32>} : memref<128x16xf32, #tpu.memory_space<vmem>>, vector<1x16xf32>,
        %swap3A_1098 = vector.shape_cast %swap3A_1097 : vector<1x16xf32> to vector<16xf32>
        %swap3A_1099 = vector.shape_cast %mul3A_1092 : vector<16xf32> to vector<1x16xf32>
        tpu.vector_store %arg16[%swap3A_1095, %swap3A_1096], %swap3A_1099 {strides = array<i32>} : memref<128x16xf32, #tpu.memory_space<vmem>>, vector<1x16xf32>,
        %add3A_1100 = arith.constant 13 : i32
        %add3A_1101 = arith.addi %mul3A_878, %add3A_1100 : i32
        %get3A_1102 = arith.index_cast %add3A_1101 : i32 to index
        %get3A_1103 = arith.constant 0 : index
        %get3A_1104 = tpu.vector_load %arg16[%get3A_1102, %get3A_1103] {strides = array<i32>} : memref<128x16xf32, #tpu.memory_space<vmem>>, vector<1x16xf32>,
        %get3A_1105 = vector.shape_cast %get3A_1104 : vector<1x16xf32> to vector<16xf32>
        %slice3A_1106 = vector.extract_strided_slice %get3A_876 {offsets = [13], sizes = [1], strides = [1]} : vector<16xf32> to vector<1xf32>
        %squeeze3A_1107 = vector.extract %slice3A_1106[0] : f32 from vector<1xf32>
        %mul3A_1108 = vector.broadcast %squeeze3A_1107 : f32 to vector<16xf32>
        %mul3A_1109 = arith.mulf %get3A_1105, %mul3A_1108 : vector<16xf32>
        %add3A_1110 = arith.constant 13 : i32
        %add3A_1111 = arith.addi %mul3A_878, %add3A_1110 : i32
        %swap3A_1112 = arith.index_cast %add3A_1111 : i32 to index
        %swap3A_1113 = arith.constant 0 : index
        %swap3A_1114 = tpu.vector_load %arg16[%swap3A_1112, %swap3A_1113] {strides = array<i32>} : memref<128x16xf32, #tpu.memory_space<vmem>>, vector<1x16xf32>,
        %swap3A_1115 = vector.shape_cast %swap3A_1114 : vector<1x16xf32> to vector<16xf32>
        %swap3A_1116 = vector.shape_cast %mul3A_1109 : vector<16xf32> to vector<1x16xf32>
        tpu.vector_store %arg16[%swap3A_1112, %swap3A_1113], %swap3A_1116 {strides = array<i32>} : memref<128x16xf32, #tpu.memory_space<vmem>>, vector<1x16xf32>,
        %add3A_1117 = arith.constant 14 : i32
        %add3A_1118 = arith.addi %mul3A_878, %add3A_1117 : i32
        %get3A_1119 = arith.index_cast %add3A_1118 : i32 to index
        %get3A_1120 = arith.constant 0 : index
        %get3A_1121 = tpu.vector_load %arg16[%get3A_1119, %get3A_1120] {strides = array<i32>} : memref<128x16xf32, #tpu.memory_space<vmem>>, vector<1x16xf32>,
        %get3A_1122 = vector.shape_cast %get3A_1121 : vector<1x16xf32> to vector<16xf32>
        %slice3A_1123 = vector.extract_strided_slice %get3A_876 {offsets = [14], sizes = [1], strides = [1]} : vector<16xf32> to vector<1xf32>
        %squeeze3A_1124 = vector.extract %slice3A_1123[0] : f32 from vector<1xf32>
        %mul3A_1125 = vector.broadcast %squeeze3A_1124 : f32 to vector<16xf32>
        %mul3A_1126 = arith.mulf %get3A_1122, %mul3A_1125 : vector<16xf32>
        %add3A_1127 = arith.constant 14 : i32
        %add3A_1128 = arith.addi %mul3A_878, %add3A_1127 : i32
        %swap3A_1129 = arith.index_cast %add3A_1128 : i32 to index
        %swap3A_1130 = arith.constant 0 : index
        %swap3A_1131 = tpu.vector_load %arg16[%swap3A_1129, %swap3A_1130] {strides = array<i32>} : memref<128x16xf32, #tpu.memory_space<vmem>>, vector<1x16xf32>,
        %swap3A_1132 = vector.shape_cast %swap3A_1131 : vector<1x16xf32> to vector<16xf32>
        %swap3A_1133 = vector.shape_cast %mul3A_1126 : vector<16xf32> to vector<1x16xf32>
        tpu.vector_store %arg16[%swap3A_1129, %swap3A_1130], %swap3A_1133 {strides = array<i32>} : memref<128x16xf32, #tpu.memory_space<vmem>>, vector<1x16xf32>,
        %add3A_1134 = arith.constant 15 : i32
        %add3A_1135 = arith.addi %mul3A_878, %add3A_1134 : i32
        %get3A_1136 = arith.index_cast %add3A_1135 : i32 to index
        %get3A_1137 = arith.constant 0 : index
        %get3A_1138 = tpu.vector_load %arg16[%get3A_1136, %get3A_1137] {strides = array<i32>} : memref<128x16xf32, #tpu.memory_space<vmem>>, vector<1x16xf32>,
        %get3A_1139 = vector.shape_cast %get3A_1138 : vector<1x16xf32> to vector<16xf32>
        %slice3A_1140 = vector.extract_strided_slice %get3A_876 {offsets = [15], sizes = [1], strides = [1]} : vector<16xf32> to vector<1xf32>
        %squeeze3A_1141 = vector.extract %slice3A_1140[0] : f32 from vector<1xf32>
        %mul3A_1142 = vector.broadcast %squeeze3A_1141 : f32 to vector<16xf32>
        %mul3A_1143 = arith.mulf %get3A_1139, %mul3A_1142 : vector<16xf32>
        %add3A_1144 = arith.constant 15 : i32
        %add3A_1145 = arith.addi %mul3A_878, %add3A_1144 : i32
        %swap3A_1146 = arith.index_cast %add3A_1145 : i32 to index
        %swap3A_1147 = arith.constant 0 : index
        %swap3A_1148 = tpu.vector_load %arg16[%swap3A_1146, %swap3A_1147] {strides = array<i32>} : memref<128x16xf32, #tpu.memory_space<vmem>>, vector<1x16xf32>,
        %swap3A_1149 = vector.shape_cast %swap3A_1148 : vector<1x16xf32> to vector<16xf32>
        %swap3A_1150 = vector.shape_cast %mul3A_1143 : vector<16xf32> to vector<1x16xf32>
        tpu.vector_store %arg16[%swap3A_1146, %swap3A_1147], %swap3A_1150 {strides = array<i32>} : memref<128x16xf32, #tpu.memory_space<vmem>>, vector<1x16xf32>,
      }
      %scan3A_668 = arith.constant 8 : i32
      %dma_start3A_669 = arith.constant 0 : i32
      %dma_start3A_670 = arith.constant 0 : i32
      %dma_start3A_671 = tpu.memref_slice %arg34[%dma_start3A_669, %dma_start3A_670] : memref<100000x16xf32, #tpu.memory_space<vmem_shared>> -> memref<100000x16xf32, #tpu.memory_space<vmem_shared>>
      tpu.enqueue_indirect_dma source(%arg16 : memref<128x16xf32, #tpu.memory_space<vmem>>) target(%dma_start3A_671 : memref<100000x16xf32, #tpu.memory_space<vmem_shared>>) offsets(%arg12 : memref<128xi32, #tpu.memory_space<vmem>>) semaphore(%arg41 : memref<!tpu.dma_semaphore, #tpu.memory_space<semaphore_mem>>) {add = true}
      %eq3A_672 = arith.constant 0 : i32
      %eq3A_673 = arith.cmpi eq, %arg0, %eq3A_672 : i32
      %convert_element_type3A_674 = arith.extui %eq3A_673 : i1 to i32
      %cond3A_675 = arith.constant 0 : i32
      %cond3A_676 = arith.cmpi ne, %convert_element_type3A_674, %cond3A_675 : i32
      scf.if %cond3A_676 {
        %dma_start3A_871 = arith.constant 0 : i32
        %dma_start3A_872 = tpu.memref_slice %arg35[%dma_start3A_871] : memref<100000xf32, #tpu.memory_space<vmem_shared>> -> memref<100000xf32, #tpu.memory_space<vmem_shared>>
        tpu.enqueue_indirect_dma source(%arg15 : memref<128xf32, #tpu.memory_space<vmem>>) target(%dma_start3A_872 : memref<100000xf32, #tpu.memory_space<vmem_shared>>) offsets(%arg12 : memref<128xi32, #tpu.memory_space<vmem>>) semaphore(%arg42 : memref<!tpu.dma_semaphore, #tpu.memory_space<semaphore_mem>>) {add = true}
      } else {
      }
      %lt3A_677 = arith.constant 1561 : i32
      %lt3A_678 = arith.cmpi slt, %scan3A_396, %lt3A_677 : i32
      %convert_element_type3A_679 = arith.extui %lt3A_678 : i1 to i32
      %cond3A_680 = arith.constant 0 : i32
      %cond3A_681 = arith.cmpi ne, %convert_element_type3A_679, %cond3A_680 : i32
      scf.if %cond3A_681 {
        %dma_wait3A_871 = arith.constant 0 : i32
        %dma_wait3A_872 = arith.constant 0 : i32
        %dma_wait3A_873 = tpu.memref_slice %arg34[%dma_wait3A_871, %dma_wait3A_872] : memref<100000x16xf32, #tpu.memory_space<vmem_shared>> -> memref<100000x16xf32, #tpu.memory_space<vmem_shared>>
        tpu.wait_indirect_dma semaphore(%arg41 : memref<!tpu.dma_semaphore, #tpu.memory_space<semaphore_mem>>) src(%arg16 : memref<128x16xf32, #tpu.memory_space<vmem>>) dst(%dma_wait3A_873 : memref<100000x16xf32, #tpu.memory_space<vmem_shared>>)
        %eq3A_874 = arith.constant 0 : i32
        %eq3A_875 = arith.cmpi eq, %arg0, %eq3A_874 : i32
        %convert_element_type3A_876 = arith.extui %eq3A_875 : i1 to i32
        %cond3A_877 = arith.constant 0 : i32
        %cond3A_878 = arith.cmpi ne, %convert_element_type3A_876, %cond3A_877 : i32
        scf.if %cond3A_878 {
          %dma_wait3A_960 = arith.constant 0 : i32
          %dma_wait3A_961 = tpu.memref_slice %arg35[%dma_wait3A_960] : memref<100000xf32, #tpu.memory_space<vmem_shared>> -> memref<100000xf32, #tpu.memory_space<vmem_shared>>
          tpu.wait_indirect_dma semaphore(%arg42 : memref<!tpu.dma_semaphore, #tpu.memory_space<semaphore_mem>>) src(%arg15 : memref<128xf32, #tpu.memory_space<vmem>>) dst(%dma_wait3A_961 : memref<100000xf32, #tpu.memory_space<vmem_shared>>)
        } else {
        }
        %add3A_879 = arith.constant 256 : i32
        %add3A_880 = arith.addi %add3A_401, %add3A_879 : i32
        "tpu.region"() ({
          %run_scoped3A = tpu.sem_alloc : memref<!tpu.dma_semaphore, #tpu.memory_space<semaphore_mem>>
          %dma_start3A_960 = tpu.memref_slice %arg2[%add3A_880] : memref<6400000xi32, #tpu.memory_space<hbm>> -> memref<128xi32, #tpu.memory_space<hbm>>
          %dma_start3A_961 = tpu.memref_slice %arg2[%add3A_880] : memref<6400000xi32, #tpu.memory_space<hbm>> -> memref<128xi32, #tpu.memory_space<hbm>>
          tpu.enqueue_dma source(%dma_start3A_961 : memref<128xi32, #tpu.memory_space<hbm>>) target(%arg10 : memref<128xi32, #tpu.memory_space<vmem>>) target_semaphore(%run_scoped3A : memref<!tpu.dma_semaphore, #tpu.memory_space<semaphore_mem>>)
          %dma_wait3A_962 = tpu.memref_slice %arg2[%add3A_880] : memref<6400000xi32, #tpu.memory_space<hbm>> -> memref<128xi32, #tpu.memory_space<hbm>>
          %dma_wait3A_963 = tpu.memref_slice %arg2[%add3A_880] : memref<6400000xi32, #tpu.memory_space<hbm>> -> memref<128xi32, #tpu.memory_space<hbm>>
          tpu.wait_dma2 semaphore(%run_scoped3A : memref<!tpu.dma_semaphore, #tpu.memory_space<semaphore_mem>>) src(%dma_wait3A_963 : memref<128xi32, #tpu.memory_space<hbm>>) dst(%arg10 : memref<128xi32, #tpu.memory_space<vmem>>)
          tpu.yield
        }) : () -> ()
        "tpu.region"() ({
          %run_scoped3A = tpu.sem_alloc : memref<!tpu.dma_semaphore, #tpu.memory_space<semaphore_mem>>
          %dma_start3A_960 = tpu.memref_slice %arg3[%add3A_880] : memref<6400000xi32, #tpu.memory_space<hbm>> -> memref<128xi32, #tpu.memory_space<hbm>>
          %dma_start3A_961 = tpu.memref_slice %arg3[%add3A_880] : memref<6400000xi32, #tpu.memory_space<hbm>> -> memref<128xi32, #tpu.memory_space<hbm>>
          tpu.enqueue_dma source(%dma_start3A_961 : memref<128xi32, #tpu.memory_space<hbm>>) target(%arg12 : memref<128xi32, #tpu.memory_space<vmem>>) target_semaphore(%run_scoped3A : memref<!tpu.dma_semaphore, #tpu.memory_space<semaphore_mem>>)
          %dma_wait3A_962 = tpu.memref_slice %arg3[%add3A_880] : memref<6400000xi32, #tpu.memory_space<hbm>> -> memref<128xi32, #tpu.memory_space<hbm>>
          %dma_wait3A_963 = tpu.memref_slice %arg3[%add3A_880] : memref<6400000xi32, #tpu.memory_space<hbm>> -> memref<128xi32, #tpu.memory_space<hbm>>
          tpu.wait_dma2 semaphore(%run_scoped3A : memref<!tpu.dma_semaphore, #tpu.memory_space<semaphore_mem>>) src(%dma_wait3A_963 : memref<128xi32, #tpu.memory_space<hbm>>) dst(%arg12 : memref<128xi32, #tpu.memory_space<vmem>>)
          tpu.yield
        }) : () -> ()
        %get3A_881 = arith.constant 0 : index
        %get3A_882 = tpu.vector_load %arg10[%get3A_881] {strides = array<i32>} : memref<128xi32, #tpu.memory_space<vmem>>, vector<16xi32>,
        %get3A_883 = vector.shape_cast %get3A_882 : vector<16xi32> to vector<16xi32>
        %add3A_884 = vector.broadcast %mul3A_23 : i32 to vector<16xi32>
        %add3A_885 = arith.addi %get3A_883, %add3A_884 : vector<16xi32>
        %swap3A_886 = arith.constant 0 : index
        %swap3A_887 = tpu.vector_load %arg11[%swap3A_886] {strides = array<i32>} : memref<128xi32, #tpu.memory_space<vmem>>, vector<16xi32>,
        %swap3A_888 = vector.shape_cast %swap3A_887 : vector<16xi32> to vector<16xi32>
        %swap3A_889 = vector.shape_cast %add3A_885 : vector<16xi32> to vector<16xi32>
        tpu.vector_store %arg11[%swap3A_886], %swap3A_889 {strides = array<i32>} : memref<128xi32, #tpu.memory_space<vmem>>, vector<16xi32>,
        %get3A_890 = arith.constant 16 : index
        %get3A_891 = tpu.vector_load %arg10[%get3A_890] {strides = array<i32>} : memref<128xi32, #tpu.memory_space<vmem>>, vector<16xi32>,
        %get3A_892 = vector.shape_cast %get3A_891 : vector<16xi32> to vector<16xi32>
        %add3A_893 = vector.broadcast %mul3A_23 : i32 to vector<16xi32>
        %add3A_894 = arith.addi %get3A_892, %add3A_893 : vector<16xi32>
        %swap3A_895 = arith.constant 16 : index
        %swap3A_896 = tpu.vector_load %arg11[%swap3A_895] {strides = array<i32>} : memref<128xi32, #tpu.memory_space<vmem>>, vector<16xi32>,
        %swap3A_897 = vector.shape_cast %swap3A_896 : vector<16xi32> to vector<16xi32>
        %swap3A_898 = vector.shape_cast %add3A_894 : vector<16xi32> to vector<16xi32>
        tpu.vector_store %arg11[%swap3A_895], %swap3A_898 {strides = array<i32>} : memref<128xi32, #tpu.memory_space<vmem>>, vector<16xi32>,
        %get3A_899 = arith.constant 32 : index
        %get3A_900 = tpu.vector_load %arg10[%get3A_899] {strides = array<i32>} : memref<128xi32, #tpu.memory_space<vmem>>, vector<16xi32>,
        %get3A_901 = vector.shape_cast %get3A_900 : vector<16xi32> to vector<16xi32>
        %add3A_902 = vector.broadcast %mul3A_23 : i32 to vector<16xi32>
        %add3A_903 = arith.addi %get3A_901, %add3A_902 : vector<16xi32>
        %swap3A_904 = arith.constant 32 : index
        %swap3A_905 = tpu.vector_load %arg11[%swap3A_904] {strides = array<i32>} : memref<128xi32, #tpu.memory_space<vmem>>, vector<16xi32>,
        %swap3A_906 = vector.shape_cast %swap3A_905 : vector<16xi32> to vector<16xi32>
        %swap3A_907 = vector.shape_cast %add3A_903 : vector<16xi32> to vector<16xi32>
        tpu.vector_store %arg11[%swap3A_904], %swap3A_907 {strides = array<i32>} : memref<128xi32, #tpu.memory_space<vmem>>, vector<16xi32>,
        %get3A_908 = arith.constant 48 : index
        %get3A_909 = tpu.vector_load %arg10[%get3A_908] {strides = array<i32>} : memref<128xi32, #tpu.memory_space<vmem>>, vector<16xi32>,
        %get3A_910 = vector.shape_cast %get3A_909 : vector<16xi32> to vector<16xi32>
        %add3A_911 = vector.broadcast %mul3A_23 : i32 to vector<16xi32>
        %add3A_912 = arith.addi %get3A_910, %add3A_911 : vector<16xi32>
        %swap3A_913 = arith.constant 48 : index
        %swap3A_914 = tpu.vector_load %arg11[%swap3A_913] {strides = array<i32>} : memref<128xi32, #tpu.memory_space<vmem>>, vector<16xi32>,
        %swap3A_915 = vector.shape_cast %swap3A_914 : vector<16xi32> to vector<16xi32>
        %swap3A_916 = vector.shape_cast %add3A_912 : vector<16xi32> to vector<16xi32>
        tpu.vector_store %arg11[%swap3A_913], %swap3A_916 {strides = array<i32>} : memref<128xi32, #tpu.memory_space<vmem>>, vector<16xi32>,
        %get3A_917 = arith.constant 64 : index
        %get3A_918 = tpu.vector_load %arg10[%get3A_917] {strides = array<i32>} : memref<128xi32, #tpu.memory_space<vmem>>, vector<16xi32>,
        %get3A_919 = vector.shape_cast %get3A_918 : vector<16xi32> to vector<16xi32>
        %add3A_920 = vector.broadcast %mul3A_23 : i32 to vector<16xi32>
        %add3A_921 = arith.addi %get3A_919, %add3A_920 : vector<16xi32>
        %swap3A_922 = arith.constant 64 : index
        %swap3A_923 = tpu.vector_load %arg11[%swap3A_922] {strides = array<i32>} : memref<128xi32, #tpu.memory_space<vmem>>, vector<16xi32>,
        %swap3A_924 = vector.shape_cast %swap3A_923 : vector<16xi32> to vector<16xi32>
        %swap3A_925 = vector.shape_cast %add3A_921 : vector<16xi32> to vector<16xi32>
        tpu.vector_store %arg11[%swap3A_922], %swap3A_925 {strides = array<i32>} : memref<128xi32, #tpu.memory_space<vmem>>, vector<16xi32>,
        %get3A_926 = arith.constant 80 : index
        %get3A_927 = tpu.vector_load %arg10[%get3A_926] {strides = array<i32>} : memref<128xi32, #tpu.memory_space<vmem>>, vector<16xi32>,
        %get3A_928 = vector.shape_cast %get3A_927 : vector<16xi32> to vector<16xi32>
        %add3A_929 = vector.broadcast %mul3A_23 : i32 to vector<16xi32>
        %add3A_930 = arith.addi %get3A_928, %add3A_929 : vector<16xi32>
        %swap3A_931 = arith.constant 80 : index
        %swap3A_932 = tpu.vector_load %arg11[%swap3A_931] {strides = array<i32>} : memref<128xi32, #tpu.memory_space<vmem>>, vector<16xi32>,
        %swap3A_933 = vector.shape_cast %swap3A_932 : vector<16xi32> to vector<16xi32>
        %swap3A_934 = vector.shape_cast %add3A_930 : vector<16xi32> to vector<16xi32>
        tpu.vector_store %arg11[%swap3A_931], %swap3A_934 {strides = array<i32>} : memref<128xi32, #tpu.memory_space<vmem>>, vector<16xi32>,
        %get3A_935 = arith.constant 96 : index
        %get3A_936 = tpu.vector_load %arg10[%get3A_935] {strides = array<i32>} : memref<128xi32, #tpu.memory_space<vmem>>, vector<16xi32>,
        %get3A_937 = vector.shape_cast %get3A_936 : vector<16xi32> to vector<16xi32>
        %add3A_938 = vector.broadcast %mul3A_23 : i32 to vector<16xi32>
        %add3A_939 = arith.addi %get3A_937, %add3A_938 : vector<16xi32>
        %swap3A_940 = arith.constant 96 : index
        %swap3A_941 = tpu.vector_load %arg11[%swap3A_940] {strides = array<i32>} : memref<128xi32, #tpu.memory_space<vmem>>, vector<16xi32>,
        %swap3A_942 = vector.shape_cast %swap3A_941 : vector<16xi32> to vector<16xi32>
        %swap3A_943 = vector.shape_cast %add3A_939 : vector<16xi32> to vector<16xi32>
        tpu.vector_store %arg11[%swap3A_940], %swap3A_943 {strides = array<i32>} : memref<128xi32, #tpu.memory_space<vmem>>, vector<16xi32>,
        %get3A_944 = arith.constant 112 : index
        %get3A_945 = tpu.vector_load %arg10[%get3A_944] {strides = array<i32>} : memref<128xi32, #tpu.memory_space<vmem>>, vector<16xi32>,
        %get3A_946 = vector.shape_cast %get3A_945 : vector<16xi32> to vector<16xi32>
        %add3A_947 = vector.broadcast %mul3A_23 : i32 to vector<16xi32>
        %add3A_948 = arith.addi %get3A_946, %add3A_947 : vector<16xi32>
        %swap3A_949 = arith.constant 112 : index
        %swap3A_950 = tpu.vector_load %arg11[%swap3A_949] {strides = array<i32>} : memref<128xi32, #tpu.memory_space<vmem>>, vector<16xi32>,
        %swap3A_951 = vector.shape_cast %swap3A_950 : vector<16xi32> to vector<16xi32>
        %swap3A_952 = vector.shape_cast %add3A_948 : vector<16xi32> to vector<16xi32>
        tpu.vector_store %arg11[%swap3A_949], %swap3A_952 {strides = array<i32>} : memref<128xi32, #tpu.memory_space<vmem>>, vector<16xi32>,
        %dma_start3A_953 = arith.constant 0 : i32
        %dma_start3A_954 = tpu.memref_slice %arg36[%dma_start3A_953] : memref<100000xf32, #tpu.memory_space<vmem_shared>> -> memref<100000xf32, #tpu.memory_space<vmem_shared>>
        tpu.enqueue_indirect_dma source(%dma_start3A_954 : memref<100000xf32, #tpu.memory_space<vmem_shared>>) target(%arg13 : memref<128xf32, #tpu.memory_space<vmem>>) offsets(%arg10 : memref<128xi32, #tpu.memory_space<vmem>>) semaphore(%arg38 : memref<!tpu.dma_semaphore, #tpu.memory_space<semaphore_mem>>)
        %dma_start3A_955 = arith.constant 0 : i32
        %dma_start3A_956 = tpu.memref_slice %arg37[%dma_start3A_955] : memref<100000xf32, #tpu.memory_space<vmem_shared>> -> memref<100000xf32, #tpu.memory_space<vmem_shared>>
        tpu.enqueue_indirect_dma source(%dma_start3A_956 : memref<100000xf32, #tpu.memory_space<vmem_shared>>) target(%arg14 : memref<128xf32, #tpu.memory_space<vmem>>) offsets(%arg12 : memref<128xi32, #tpu.memory_space<vmem>>) semaphore(%arg39 : memref<!tpu.dma_semaphore, #tpu.memory_space<semaphore_mem>>)
        %dma_start3A_957 = arith.constant 0 : i32
        %dma_start3A_958 = arith.constant 0 : i32
        %dma_start3A_959 = tpu.memref_slice %arg4[%dma_start3A_957, %dma_start3A_958] : memref<200000x16xf32, #tpu.memory_space<hbm>> -> memref<200000x16xf32, #tpu.memory_space<hbm>>
        tpu.enqueue_indirect_dma source(%dma_start3A_959 : memref<200000x16xf32, #tpu.memory_space<hbm>>) target(%arg16 : memref<128x16xf32, #tpu.memory_space<vmem>>) offsets(%arg11 : memref<128xi32, #tpu.memory_space<vmem>>) semaphore(%arg40 : memref<!tpu.dma_semaphore, #tpu.memory_space<semaphore_mem>>)
      } else {
      }
      %dma_wait3A_682 = arith.constant 0 : i32
      %dma_wait3A_683 = tpu.memref_slice %arg36[%dma_wait3A_682] : memref<100000xf32, #tpu.memory_space<vmem_shared>> -> memref<100000xf32, #tpu.memory_space<vmem_shared>>
      tpu.wait_indirect_dma semaphore(%arg38 : memref<!tpu.dma_semaphore, #tpu.memory_space<semaphore_mem>>) src(%dma_wait3A_683 : memref<100000xf32, #tpu.memory_space<vmem_shared>>) dst(%arg20 : memref<128xf32, #tpu.memory_space<vmem>>)
      %dma_wait3A_684 = arith.constant 0 : i32
      %dma_wait3A_685 = tpu.memref_slice %arg37[%dma_wait3A_684] : memref<100000xf32, #tpu.memory_space<vmem_shared>> -> memref<100000xf32, #tpu.memory_space<vmem_shared>>
      tpu.wait_indirect_dma semaphore(%arg39 : memref<!tpu.dma_semaphore, #tpu.memory_space<semaphore_mem>>) src(%dma_wait3A_685 : memref<100000xf32, #tpu.memory_space<vmem_shared>>) dst(%arg21 : memref<128xf32, #tpu.memory_space<vmem>>)
      %dma_wait3A_686 = arith.constant 0 : i32
      %dma_wait3A_687 = arith.constant 0 : i32
      %dma_wait3A_688 = tpu.memref_slice %arg4[%dma_wait3A_686, %dma_wait3A_687] : memref<200000x16xf32, #tpu.memory_space<hbm>> -> memref<200000x16xf32, #tpu.memory_space<hbm>>
      tpu.wait_indirect_dma semaphore(%arg40 : memref<!tpu.dma_semaphore, #tpu.memory_space<semaphore_mem>>) src(%dma_wait3A_688 : memref<200000x16xf32, #tpu.memory_space<hbm>>) dst(%arg23 : memref<128x16xf32, #tpu.memory_space<vmem>>)
      %get3A_689 = arith.constant 0 : index
      %get3A_690 = tpu.vector_load %arg20[%get3A_689] {strides = array<i32>} : memref<128xf32, #tpu.memory_space<vmem>>, vector<16xf32>,
      %get3A_691 = vector.shape_cast %get3A_690 : vector<16xf32> to vector<16xf32>
      %get3A_692 = arith.constant 0 : index
      %get3A_693 = tpu.vector_load %arg21[%get3A_692] {strides = array<i32>} : memref<128xf32, #tpu.memory_space<vmem>>, vector<16xf32>,
      %get3A_694 = vector.shape_cast %get3A_693 : vector<16xf32> to vector<16xf32>
      %add3A_695 = arith.addf %get3A_691, %get3A_694 : vector<16xf32>
      %gt3A_696 = arith.constant 0.000000e+00 : f32
      %gt3A_697 = vector.broadcast %gt3A_696 : f32 to vector<16xf32>
      %gt3A_698 = arith.cmpf ogt, %add3A_695, %gt3A_697 : vector<16xf32>
      %mul3A_699 = arith.constant 2.000000e-01 : f32
      %mul3A_700 = vector.broadcast %mul3A_699 : f32 to vector<16xf32>
      %mul3A_701 = arith.mulf %mul3A_700, %add3A_695 : vector<16xf32>
      %select_n3A_702 = arith.select %gt3A_698, %add3A_695, %mul3A_701 : vector<16xi1>, vector<16xf32>
      %sub3A_703 = vector.broadcast %squeeze3A : f32 to vector<16xf32>
      %sub3A_704 = arith.subf %select_n3A_702, %sub3A_703 : vector<16xf32>
      %exp3A_705 = math.exp %sub3A_704 : vector<16xf32>
      %swap3A_706 = arith.constant 0 : index
      %swap3A_707 = tpu.vector_load %arg22[%swap3A_706] {strides = array<i32>} : memref<128xf32, #tpu.memory_space<vmem>>, vector<16xf32>,
      %swap3A_708 = vector.shape_cast %swap3A_707 : vector<16xf32> to vector<16xf32>
      %swap3A_709 = vector.shape_cast %exp3A_705 : vector<16xf32> to vector<16xf32>
      tpu.vector_store %arg22[%swap3A_706], %swap3A_709 {strides = array<i32>} : memref<128xf32, #tpu.memory_space<vmem>>, vector<16xf32>,
      %get3A_710 = arith.constant 16 : index
      %get3A_711 = tpu.vector_load %arg20[%get3A_710] {strides = array<i32>} : memref<128xf32, #tpu.memory_space<vmem>>, vector<16xf32>,
      %get3A_712 = vector.shape_cast %get3A_711 : vector<16xf32> to vector<16xf32>
      %get3A_713 = arith.constant 16 : index
      %get3A_714 = tpu.vector_load %arg21[%get3A_713] {strides = array<i32>} : memref<128xf32, #tpu.memory_space<vmem>>, vector<16xf32>,
      %get3A_715 = vector.shape_cast %get3A_714 : vector<16xf32> to vector<16xf32>
      %add3A_716 = arith.addf %get3A_712, %get3A_715 : vector<16xf32>
      %gt3A_717 = arith.constant 0.000000e+00 : f32
      %gt3A_718 = vector.broadcast %gt3A_717 : f32 to vector<16xf32>
      %gt3A_719 = arith.cmpf ogt, %add3A_716, %gt3A_718 : vector<16xf32>
      %mul3A_720 = arith.constant 2.000000e-01 : f32
      %mul3A_721 = vector.broadcast %mul3A_720 : f32 to vector<16xf32>
      %mul3A_722 = arith.mulf %mul3A_721, %add3A_716 : vector<16xf32>
      %select_n3A_723 = arith.select %gt3A_719, %add3A_716, %mul3A_722 : vector<16xi1>, vector<16xf32>
      %sub3A_724 = vector.broadcast %squeeze3A : f32 to vector<16xf32>
      %sub3A_725 = arith.subf %select_n3A_723, %sub3A_724 : vector<16xf32>
      %exp3A_726 = math.exp %sub3A_725 : vector<16xf32>
      %swap3A_727 = arith.constant 16 : index
      %swap3A_728 = tpu.vector_load %arg22[%swap3A_727] {strides = array<i32>} : memref<128xf32, #tpu.memory_space<vmem>>, vector<16xf32>,
      %swap3A_729 = vector.shape_cast %swap3A_728 : vector<16xf32> to vector<16xf32>
      %swap3A_730 = vector.shape_cast %exp3A_726 : vector<16xf32> to vector<16xf32>
      tpu.vector_store %arg22[%swap3A_727], %swap3A_730 {strides = array<i32>} : memref<128xf32, #tpu.memory_space<vmem>>, vector<16xf32>,
      %get3A_731 = arith.constant 32 : index
      %get3A_732 = tpu.vector_load %arg20[%get3A_731] {strides = array<i32>} : memref<128xf32, #tpu.memory_space<vmem>>, vector<16xf32>,
      %get3A_733 = vector.shape_cast %get3A_732 : vector<16xf32> to vector<16xf32>
      %get3A_734 = arith.constant 32 : index
      %get3A_735 = tpu.vector_load %arg21[%get3A_734] {strides = array<i32>} : memref<128xf32, #tpu.memory_space<vmem>>, vector<16xf32>,
      %get3A_736 = vector.shape_cast %get3A_735 : vector<16xf32> to vector<16xf32>
      %add3A_737 = arith.addf %get3A_733, %get3A_736 : vector<16xf32>
      %gt3A_738 = arith.constant 0.000000e+00 : f32
      %gt3A_739 = vector.broadcast %gt3A_738 : f32 to vector<16xf32>
      %gt3A_740 = arith.cmpf ogt, %add3A_737, %gt3A_739 : vector<16xf32>
      %mul3A_741 = arith.constant 2.000000e-01 : f32
      %mul3A_742 = vector.broadcast %mul3A_741 : f32 to vector<16xf32>
      %mul3A_743 = arith.mulf %mul3A_742, %add3A_737 : vector<16xf32>
      %select_n3A_744 = arith.select %gt3A_740, %add3A_737, %mul3A_743 : vector<16xi1>, vector<16xf32>
      %sub3A_745 = vector.broadcast %squeeze3A : f32 to vector<16xf32>
      %sub3A_746 = arith.subf %select_n3A_744, %sub3A_745 : vector<16xf32>
      %exp3A_747 = math.exp %sub3A_746 : vector<16xf32>
      %swap3A_748 = arith.constant 32 : index
      %swap3A_749 = tpu.vector_load %arg22[%swap3A_748] {strides = array<i32>} : memref<128xf32, #tpu.memory_space<vmem>>, vector<16xf32>,
      %swap3A_750 = vector.shape_cast %swap3A_749 : vector<16xf32> to vector<16xf32>
      %swap3A_751 = vector.shape_cast %exp3A_747 : vector<16xf32> to vector<16xf32>
      tpu.vector_store %arg22[%swap3A_748], %swap3A_751 {strides = array<i32>} : memref<128xf32, #tpu.memory_space<vmem>>, vector<16xf32>,
      %get3A_752 = arith.constant 48 : index
      %get3A_753 = tpu.vector_load %arg20[%get3A_752] {strides = array<i32>} : memref<128xf32, #tpu.memory_space<vmem>>, vector<16xf32>,
      %get3A_754 = vector.shape_cast %get3A_753 : vector<16xf32> to vector<16xf32>
      %get3A_755 = arith.constant 48 : index
      %get3A_756 = tpu.vector_load %arg21[%get3A_755] {strides = array<i32>} : memref<128xf32, #tpu.memory_space<vmem>>, vector<16xf32>,
      %get3A_757 = vector.shape_cast %get3A_756 : vector<16xf32> to vector<16xf32>
      %add3A_758 = arith.addf %get3A_754, %get3A_757 : vector<16xf32>
      %gt3A_759 = arith.constant 0.000000e+00 : f32
      %gt3A_760 = vector.broadcast %gt3A_759 : f32 to vector<16xf32>
      %gt3A_761 = arith.cmpf ogt, %add3A_758, %gt3A_760 : vector<16xf32>
      %mul3A_762 = arith.constant 2.000000e-01 : f32
      %mul3A_763 = vector.broadcast %mul3A_762 : f32 to vector<16xf32>
      %mul3A_764 = arith.mulf %mul3A_763, %add3A_758 : vector<16xf32>
      %select_n3A_765 = arith.select %gt3A_761, %add3A_758, %mul3A_764 : vector<16xi1>, vector<16xf32>
      %sub3A_766 = vector.broadcast %squeeze3A : f32 to vector<16xf32>
      %sub3A_767 = arith.subf %select_n3A_765, %sub3A_766 : vector<16xf32>
      %exp3A_768 = math.exp %sub3A_767 : vector<16xf32>
      %swap3A_769 = arith.constant 48 : index
      %swap3A_770 = tpu.vector_load %arg22[%swap3A_769] {strides = array<i32>} : memref<128xf32, #tpu.memory_space<vmem>>, vector<16xf32>,
      %swap3A_771 = vector.shape_cast %swap3A_770 : vector<16xf32> to vector<16xf32>
      %swap3A_772 = vector.shape_cast %exp3A_768 : vector<16xf32> to vector<16xf32>
      tpu.vector_store %arg22[%swap3A_769], %swap3A_772 {strides = array<i32>} : memref<128xf32, #tpu.memory_space<vmem>>, vector<16xf32>,
      %get3A_773 = arith.constant 64 : index
      %get3A_774 = tpu.vector_load %arg20[%get3A_773] {strides = array<i32>} : memref<128xf32, #tpu.memory_space<vmem>>, vector<16xf32>,
      %get3A_775 = vector.shape_cast %get3A_774 : vector<16xf32> to vector<16xf32>
      %get3A_776 = arith.constant 64 : index
      %get3A_777 = tpu.vector_load %arg21[%get3A_776] {strides = array<i32>} : memref<128xf32, #tpu.memory_space<vmem>>, vector<16xf32>,
      %get3A_778 = vector.shape_cast %get3A_777 : vector<16xf32> to vector<16xf32>
      %add3A_779 = arith.addf %get3A_775, %get3A_778 : vector<16xf32>
      %gt3A_780 = arith.constant 0.000000e+00 : f32
      %gt3A_781 = vector.broadcast %gt3A_780 : f32 to vector<16xf32>
      %gt3A_782 = arith.cmpf ogt, %add3A_779, %gt3A_781 : vector<16xf32>
      %mul3A_783 = arith.constant 2.000000e-01 : f32
      %mul3A_784 = vector.broadcast %mul3A_783 : f32 to vector<16xf32>
      %mul3A_785 = arith.mulf %mul3A_784, %add3A_779 : vector<16xf32>
      %select_n3A_786 = arith.select %gt3A_782, %add3A_779, %mul3A_785 : vector<16xi1>, vector<16xf32>
      %sub3A_787 = vector.broadcast %squeeze3A : f32 to vector<16xf32>
      %sub3A_788 = arith.subf %select_n3A_786, %sub3A_787 : vector<16xf32>
      %exp3A_789 = math.exp %sub3A_788 : vector<16xf32>
      %swap3A_790 = arith.constant 64 : index
      %swap3A_791 = tpu.vector_load %arg22[%swap3A_790] {strides = array<i32>} : memref<128xf32, #tpu.memory_space<vmem>>, vector<16xf32>,
      %swap3A_792 = vector.shape_cast %swap3A_791 : vector<16xf32> to vector<16xf32>
      %swap3A_793 = vector.shape_cast %exp3A_789 : vector<16xf32> to vector<16xf32>
      tpu.vector_store %arg22[%swap3A_790], %swap3A_793 {strides = array<i32>} : memref<128xf32, #tpu.memory_space<vmem>>, vector<16xf32>,
      %get3A_794 = arith.constant 80 : index
      %get3A_795 = tpu.vector_load %arg20[%get3A_794] {strides = array<i32>} : memref<128xf32, #tpu.memory_space<vmem>>, vector<16xf32>,
      %get3A_796 = vector.shape_cast %get3A_795 : vector<16xf32> to vector<16xf32>
      %get3A_797 = arith.constant 80 : index
      %get3A_798 = tpu.vector_load %arg21[%get3A_797] {strides = array<i32>} : memref<128xf32, #tpu.memory_space<vmem>>, vector<16xf32>,
      %get3A_799 = vector.shape_cast %get3A_798 : vector<16xf32> to vector<16xf32>
      %add3A_800 = arith.addf %get3A_796, %get3A_799 : vector<16xf32>
      %gt3A_801 = arith.constant 0.000000e+00 : f32
      %gt3A_802 = vector.broadcast %gt3A_801 : f32 to vector<16xf32>
      %gt3A_803 = arith.cmpf ogt, %add3A_800, %gt3A_802 : vector<16xf32>
      %mul3A_804 = arith.constant 2.000000e-01 : f32
      %mul3A_805 = vector.broadcast %mul3A_804 : f32 to vector<16xf32>
      %mul3A_806 = arith.mulf %mul3A_805, %add3A_800 : vector<16xf32>
      %select_n3A_807 = arith.select %gt3A_803, %add3A_800, %mul3A_806 : vector<16xi1>, vector<16xf32>
      %sub3A_808 = vector.broadcast %squeeze3A : f32 to vector<16xf32>
      %sub3A_809 = arith.subf %select_n3A_807, %sub3A_808 : vector<16xf32>
      %exp3A_810 = math.exp %sub3A_809 : vector<16xf32>
      %swap3A_811 = arith.constant 80 : index
      %swap3A_812 = tpu.vector_load %arg22[%swap3A_811] {strides = array<i32>} : memref<128xf32, #tpu.memory_space<vmem>>, vector<16xf32>,
      %swap3A_813 = vector.shape_cast %swap3A_812 : vector<16xf32> to vector<16xf32>
      %swap3A_814 = vector.shape_cast %exp3A_810 : vector<16xf32> to vector<16xf32>
      tpu.vector_store %arg22[%swap3A_811], %swap3A_814 {strides = array<i32>} : memref<128xf32, #tpu.memory_space<vmem>>, vector<16xf32>,
      %get3A_815 = arith.constant 96 : index
      %get3A_816 = tpu.vector_load %arg20[%get3A_815] {strides = array<i32>} : memref<128xf32, #tpu.memory_space<vmem>>, vector<16xf32>,
      %get3A_817 = vector.shape_cast %get3A_816 : vector<16xf32> to vector<16xf32>
      %get3A_818 = arith.constant 96 : index
      %get3A_819 = tpu.vector_load %arg21[%get3A_818] {strides = array<i32>} : memref<128xf32, #tpu.memory_space<vmem>>, vector<16xf32>,
      %get3A_820 = vector.shape_cast %get3A_819 : vector<16xf32> to vector<16xf32>
      %add3A_821 = arith.addf %get3A_817, %get3A_820 : vector<16xf32>
      %gt3A_822 = arith.constant 0.000000e+00 : f32
      %gt3A_823 = vector.broadcast %gt3A_822 : f32 to vector<16xf32>
      %gt3A_824 = arith.cmpf ogt, %add3A_821, %gt3A_823 : vector<16xf32>
      %mul3A_825 = arith.constant 2.000000e-01 : f32
      %mul3A_826 = vector.broadcast %mul3A_825 : f32 to vector<16xf32>
      %mul3A_827 = arith.mulf %mul3A_826, %add3A_821 : vector<16xf32>
      %select_n3A_828 = arith.select %gt3A_824, %add3A_821, %mul3A_827 : vector<16xi1>, vector<16xf32>
      %sub3A_829 = vector.broadcast %squeeze3A : f32 to vector<16xf32>
      %sub3A_830 = arith.subf %select_n3A_828, %sub3A_829 : vector<16xf32>
      %exp3A_831 = math.exp %sub3A_830 : vector<16xf32>
      %swap3A_832 = arith.constant 96 : index
      %swap3A_833 = tpu.vector_load %arg22[%swap3A_832] {strides = array<i32>} : memref<128xf32, #tpu.memory_space<vmem>>, vector<16xf32>,
      %swap3A_834 = vector.shape_cast %swap3A_833 : vector<16xf32> to vector<16xf32>
      %swap3A_835 = vector.shape_cast %exp3A_831 : vector<16xf32> to vector<16xf32>
      tpu.vector_store %arg22[%swap3A_832], %swap3A_835 {strides = array<i32>} : memref<128xf32, #tpu.memory_space<vmem>>, vector<16xf32>,
      %get3A_836 = arith.constant 112 : index
      %get3A_837 = tpu.vector_load %arg20[%get3A_836] {strides = array<i32>} : memref<128xf32, #tpu.memory_space<vmem>>, vector<16xf32>,
      %get3A_838 = vector.shape_cast %get3A_837 : vector<16xf32> to vector<16xf32>
      %get3A_839 = arith.constant 112 : index
      %get3A_840 = tpu.vector_load %arg21[%get3A_839] {strides = array<i32>} : memref<128xf32, #tpu.memory_space<vmem>>, vector<16xf32>,
      %get3A_841 = vector.shape_cast %get3A_840 : vector<16xf32> to vector<16xf32>
      %add3A_842 = arith.addf %get3A_838, %get3A_841 : vector<16xf32>
      %gt3A_843 = arith.constant 0.000000e+00 : f32
      %gt3A_844 = vector.broadcast %gt3A_843 : f32 to vector<16xf32>
      %gt3A_845 = arith.cmpf ogt, %add3A_842, %gt3A_844 : vector<16xf32>
      %mul3A_846 = arith.constant 2.000000e-01 : f32
      %mul3A_847 = vector.broadcast %mul3A_846 : f32 to vector<16xf32>
      %mul3A_848 = arith.mulf %mul3A_847, %add3A_842 : vector<16xf32>
      %select_n3A_849 = arith.select %gt3A_845, %add3A_842, %mul3A_848 : vector<16xi1>, vector<16xf32>
      %sub3A_850 = vector.broadcast %squeeze3A : f32 to vector<16xf32>
      %sub3A_851 = arith.subf %select_n3A_849, %sub3A_850 : vector<16xf32>
      %exp3A_852 = math.exp %sub3A_851 : vector<16xf32>
      %swap3A_853 = arith.constant 112 : index
      %swap3A_854 = tpu.vector_load %arg22[%swap3A_853] {strides = array<i32>} : memref<128xf32, #tpu.memory_space<vmem>>, vector<16xf32>,
      %swap3A_855 = vector.shape_cast %swap3A_854 : vector<16xf32> to vector<16xf32>
      %swap3A_856 = vector.shape_cast %exp3A_852 : vector<16xf32> to vector<16xf32>
      tpu.vector_store %arg22[%swap3A_853], %swap3A_856 {strides = array<i32>} : memref<128xf32, #tpu.memory_space<vmem>>, vector<16xf32>,
      %scan3A_857 = arith.constant 0 : i32
      %scan3A_858 = arith.constant 0 : i32
      %scan3A_859 = arith.constant 8 : i32
      %scan3A_860 = arith.addi %scan3A_858, %scan3A_859 : i32
      %scan3A_861 = arith.constant 1 : i32
      scf.for %scan3A_871 = %scan3A_858 to %scan3A_860 step %scan3A_861  : i32 {
        %mul3A_872 = arith.constant 16 : i32
        %mul3A_873 = arith.muli %scan3A_871, %mul3A_872 : i32
        %get3A_874 = arith.index_cast %mul3A_873 : i32 to index
        %get3A_875 = tpu.vector_load %arg22[%get3A_874] {strides = array<i32>} : memref<128xf32, #tpu.memory_space<vmem>>, vector<16xf32>,
        %get3A_876 = vector.shape_cast %get3A_875 : vector<16xf32> to vector<16xf32>
        %mul3A_877 = arith.constant 16 : i32
        %mul3A_878 = arith.muli %scan3A_871, %mul3A_877 : i32
        %add3A_879 = arith.constant 0 : i32
        %add3A_880 = arith.addi %mul3A_878, %add3A_879 : i32
        %get3A_881 = arith.index_cast %add3A_880 : i32 to index
        %get3A_882 = arith.constant 0 : index
        %get3A_883 = tpu.vector_load %arg23[%get3A_881, %get3A_882] {strides = array<i32>} : memref<128x16xf32, #tpu.memory_space<vmem>>, vector<1x16xf32>,
        %get3A_884 = vector.shape_cast %get3A_883 : vector<1x16xf32> to vector<16xf32>
        %slice3A_885 = vector.extract_strided_slice %get3A_876 {offsets = [0], sizes = [1], strides = [1]} : vector<16xf32> to vector<1xf32>
        %squeeze3A_886 = vector.extract %slice3A_885[0] : f32 from vector<1xf32>
        %mul3A_887 = vector.broadcast %squeeze3A_886 : f32 to vector<16xf32>
        %mul3A_888 = arith.mulf %get3A_884, %mul3A_887 : vector<16xf32>
        %add3A_889 = arith.constant 0 : i32
        %add3A_890 = arith.addi %mul3A_878, %add3A_889 : i32
        %swap3A_891 = arith.index_cast %add3A_890 : i32 to index
        %swap3A_892 = arith.constant 0 : index
        %swap3A_893 = tpu.vector_load %arg23[%swap3A_891, %swap3A_892] {strides = array<i32>} : memref<128x16xf32, #tpu.memory_space<vmem>>, vector<1x16xf32>,
        %swap3A_894 = vector.shape_cast %swap3A_893 : vector<1x16xf32> to vector<16xf32>
        %swap3A_895 = vector.shape_cast %mul3A_888 : vector<16xf32> to vector<1x16xf32>
        tpu.vector_store %arg23[%swap3A_891, %swap3A_892], %swap3A_895 {strides = array<i32>} : memref<128x16xf32, #tpu.memory_space<vmem>>, vector<1x16xf32>,
        %add3A_896 = arith.constant 1 : i32
        %add3A_897 = arith.addi %mul3A_878, %add3A_896 : i32
        %get3A_898 = arith.index_cast %add3A_897 : i32 to index
        %get3A_899 = arith.constant 0 : index
        %get3A_900 = tpu.vector_load %arg23[%get3A_898, %get3A_899] {strides = array<i32>} : memref<128x16xf32, #tpu.memory_space<vmem>>, vector<1x16xf32>,
        %get3A_901 = vector.shape_cast %get3A_900 : vector<1x16xf32> to vector<16xf32>
        %slice3A_902 = vector.extract_strided_slice %get3A_876 {offsets = [1], sizes = [1], strides = [1]} : vector<16xf32> to vector<1xf32>
        %squeeze3A_903 = vector.extract %slice3A_902[0] : f32 from vector<1xf32>
        %mul3A_904 = vector.broadcast %squeeze3A_903 : f32 to vector<16xf32>
        %mul3A_905 = arith.mulf %get3A_901, %mul3A_904 : vector<16xf32>
        %add3A_906 = arith.constant 1 : i32
        %add3A_907 = arith.addi %mul3A_878, %add3A_906 : i32
        %swap3A_908 = arith.index_cast %add3A_907 : i32 to index
        %swap3A_909 = arith.constant 0 : index
        %swap3A_910 = tpu.vector_load %arg23[%swap3A_908, %swap3A_909] {strides = array<i32>} : memref<128x16xf32, #tpu.memory_space<vmem>>, vector<1x16xf32>,
        %swap3A_911 = vector.shape_cast %swap3A_910 : vector<1x16xf32> to vector<16xf32>
        %swap3A_912 = vector.shape_cast %mul3A_905 : vector<16xf32> to vector<1x16xf32>
        tpu.vector_store %arg23[%swap3A_908, %swap3A_909], %swap3A_912 {strides = array<i32>} : memref<128x16xf32, #tpu.memory_space<vmem>>, vector<1x16xf32>,
        %add3A_913 = arith.constant 2 : i32
        %add3A_914 = arith.addi %mul3A_878, %add3A_913 : i32
        %get3A_915 = arith.index_cast %add3A_914 : i32 to index
        %get3A_916 = arith.constant 0 : index
        %get3A_917 = tpu.vector_load %arg23[%get3A_915, %get3A_916] {strides = array<i32>} : memref<128x16xf32, #tpu.memory_space<vmem>>, vector<1x16xf32>,
        %get3A_918 = vector.shape_cast %get3A_917 : vector<1x16xf32> to vector<16xf32>
        %slice3A_919 = vector.extract_strided_slice %get3A_876 {offsets = [2], sizes = [1], strides = [1]} : vector<16xf32> to vector<1xf32>
        %squeeze3A_920 = vector.extract %slice3A_919[0] : f32 from vector<1xf32>
        %mul3A_921 = vector.broadcast %squeeze3A_920 : f32 to vector<16xf32>
        %mul3A_922 = arith.mulf %get3A_918, %mul3A_921 : vector<16xf32>
        %add3A_923 = arith.constant 2 : i32
        %add3A_924 = arith.addi %mul3A_878, %add3A_923 : i32
        %swap3A_925 = arith.index_cast %add3A_924 : i32 to index
        %swap3A_926 = arith.constant 0 : index
        %swap3A_927 = tpu.vector_load %arg23[%swap3A_925, %swap3A_926] {strides = array<i32>} : memref<128x16xf32, #tpu.memory_space<vmem>>, vector<1x16xf32>,
        %swap3A_928 = vector.shape_cast %swap3A_927 : vector<1x16xf32> to vector<16xf32>
        %swap3A_929 = vector.shape_cast %mul3A_922 : vector<16xf32> to vector<1x16xf32>
        tpu.vector_store %arg23[%swap3A_925, %swap3A_926], %swap3A_929 {strides = array<i32>} : memref<128x16xf32, #tpu.memory_space<vmem>>, vector<1x16xf32>,
        %add3A_930 = arith.constant 3 : i32
        %add3A_931 = arith.addi %mul3A_878, %add3A_930 : i32
        %get3A_932 = arith.index_cast %add3A_931 : i32 to index
        %get3A_933 = arith.constant 0 : index
        %get3A_934 = tpu.vector_load %arg23[%get3A_932, %get3A_933] {strides = array<i32>} : memref<128x16xf32, #tpu.memory_space<vmem>>, vector<1x16xf32>,
        %get3A_935 = vector.shape_cast %get3A_934 : vector<1x16xf32> to vector<16xf32>
        %slice3A_936 = vector.extract_strided_slice %get3A_876 {offsets = [3], sizes = [1], strides = [1]} : vector<16xf32> to vector<1xf32>
        %squeeze3A_937 = vector.extract %slice3A_936[0] : f32 from vector<1xf32>
        %mul3A_938 = vector.broadcast %squeeze3A_937 : f32 to vector<16xf32>
        %mul3A_939 = arith.mulf %get3A_935, %mul3A_938 : vector<16xf32>
        %add3A_940 = arith.constant 3 : i32
        %add3A_941 = arith.addi %mul3A_878, %add3A_940 : i32
        %swap3A_942 = arith.index_cast %add3A_941 : i32 to index
        %swap3A_943 = arith.constant 0 : index
        %swap3A_944 = tpu.vector_load %arg23[%swap3A_942, %swap3A_943] {strides = array<i32>} : memref<128x16xf32, #tpu.memory_space<vmem>>, vector<1x16xf32>,
        %swap3A_945 = vector.shape_cast %swap3A_944 : vector<1x16xf32> to vector<16xf32>
        %swap3A_946 = vector.shape_cast %mul3A_939 : vector<16xf32> to vector<1x16xf32>
        tpu.vector_store %arg23[%swap3A_942, %swap3A_943], %swap3A_946 {strides = array<i32>} : memref<128x16xf32, #tpu.memory_space<vmem>>, vector<1x16xf32>,
        %add3A_947 = arith.constant 4 : i32
        %add3A_948 = arith.addi %mul3A_878, %add3A_947 : i32
        %get3A_949 = arith.index_cast %add3A_948 : i32 to index
        %get3A_950 = arith.constant 0 : index
        %get3A_951 = tpu.vector_load %arg23[%get3A_949, %get3A_950] {strides = array<i32>} : memref<128x16xf32, #tpu.memory_space<vmem>>, vector<1x16xf32>,
        %get3A_952 = vector.shape_cast %get3A_951 : vector<1x16xf32> to vector<16xf32>
        %slice3A_953 = vector.extract_strided_slice %get3A_876 {offsets = [4], sizes = [1], strides = [1]} : vector<16xf32> to vector<1xf32>
        %squeeze3A_954 = vector.extract %slice3A_953[0] : f32 from vector<1xf32>
        %mul3A_955 = vector.broadcast %squeeze3A_954 : f32 to vector<16xf32>
        %mul3A_956 = arith.mulf %get3A_952, %mul3A_955 : vector<16xf32>
        %add3A_957 = arith.constant 4 : i32
        %add3A_958 = arith.addi %mul3A_878, %add3A_957 : i32
        %swap3A_959 = arith.index_cast %add3A_958 : i32 to index
        %swap3A_960 = arith.constant 0 : index
        %swap3A_961 = tpu.vector_load %arg23[%swap3A_959, %swap3A_960] {strides = array<i32>} : memref<128x16xf32, #tpu.memory_space<vmem>>, vector<1x16xf32>,
        %swap3A_962 = vector.shape_cast %swap3A_961 : vector<1x16xf32> to vector<16xf32>
        %swap3A_963 = vector.shape_cast %mul3A_956 : vector<16xf32> to vector<1x16xf32>
        tpu.vector_store %arg23[%swap3A_959, %swap3A_960], %swap3A_963 {strides = array<i32>} : memref<128x16xf32, #tpu.memory_space<vmem>>, vector<1x16xf32>,
        %add3A_964 = arith.constant 5 : i32
        %add3A_965 = arith.addi %mul3A_878, %add3A_964 : i32
        %get3A_966 = arith.index_cast %add3A_965 : i32 to index
        %get3A_967 = arith.constant 0 : index
        %get3A_968 = tpu.vector_load %arg23[%get3A_966, %get3A_967] {strides = array<i32>} : memref<128x16xf32, #tpu.memory_space<vmem>>, vector<1x16xf32>,
        %get3A_969 = vector.shape_cast %get3A_968 : vector<1x16xf32> to vector<16xf32>
        %slice3A_970 = vector.extract_strided_slice %get3A_876 {offsets = [5], sizes = [1], strides = [1]} : vector<16xf32> to vector<1xf32>
        %squeeze3A_971 = vector.extract %slice3A_970[0] : f32 from vector<1xf32>
        %mul3A_972 = vector.broadcast %squeeze3A_971 : f32 to vector<16xf32>
        %mul3A_973 = arith.mulf %get3A_969, %mul3A_972 : vector<16xf32>
        %add3A_974 = arith.constant 5 : i32
        %add3A_975 = arith.addi %mul3A_878, %add3A_974 : i32
        %swap3A_976 = arith.index_cast %add3A_975 : i32 to index
        %swap3A_977 = arith.constant 0 : index
        %swap3A_978 = tpu.vector_load %arg23[%swap3A_976, %swap3A_977] {strides = array<i32>} : memref<128x16xf32, #tpu.memory_space<vmem>>, vector<1x16xf32>,
        %swap3A_979 = vector.shape_cast %swap3A_978 : vector<1x16xf32> to vector<16xf32>
        %swap3A_980 = vector.shape_cast %mul3A_973 : vector<16xf32> to vector<1x16xf32>
        tpu.vector_store %arg23[%swap3A_976, %swap3A_977], %swap3A_980 {strides = array<i32>} : memref<128x16xf32, #tpu.memory_space<vmem>>, vector<1x16xf32>,
        %add3A_981 = arith.constant 6 : i32
        %add3A_982 = arith.addi %mul3A_878, %add3A_981 : i32
        %get3A_983 = arith.index_cast %add3A_982 : i32 to index
        %get3A_984 = arith.constant 0 : index
        %get3A_985 = tpu.vector_load %arg23[%get3A_983, %get3A_984] {strides = array<i32>} : memref<128x16xf32, #tpu.memory_space<vmem>>, vector<1x16xf32>,
        %get3A_986 = vector.shape_cast %get3A_985 : vector<1x16xf32> to vector<16xf32>
        %slice3A_987 = vector.extract_strided_slice %get3A_876 {offsets = [6], sizes = [1], strides = [1]} : vector<16xf32> to vector<1xf32>
        %squeeze3A_988 = vector.extract %slice3A_987[0] : f32 from vector<1xf32>
        %mul3A_989 = vector.broadcast %squeeze3A_988 : f32 to vector<16xf32>
        %mul3A_990 = arith.mulf %get3A_986, %mul3A_989 : vector<16xf32>
        %add3A_991 = arith.constant 6 : i32
        %add3A_992 = arith.addi %mul3A_878, %add3A_991 : i32
        %swap3A_993 = arith.index_cast %add3A_992 : i32 to index
        %swap3A_994 = arith.constant 0 : index
        %swap3A_995 = tpu.vector_load %arg23[%swap3A_993, %swap3A_994] {strides = array<i32>} : memref<128x16xf32, #tpu.memory_space<vmem>>, vector<1x16xf32>,
        %swap3A_996 = vector.shape_cast %swap3A_995 : vector<1x16xf32> to vector<16xf32>
        %swap3A_997 = vector.shape_cast %mul3A_990 : vector<16xf32> to vector<1x16xf32>
        tpu.vector_store %arg23[%swap3A_993, %swap3A_994], %swap3A_997 {strides = array<i32>} : memref<128x16xf32, #tpu.memory_space<vmem>>, vector<1x16xf32>,
        %add3A_998 = arith.constant 7 : i32
        %add3A_999 = arith.addi %mul3A_878, %add3A_998 : i32
        %get3A_1000 = arith.index_cast %add3A_999 : i32 to index
        %get3A_1001 = arith.constant 0 : index
        %get3A_1002 = tpu.vector_load %arg23[%get3A_1000, %get3A_1001] {strides = array<i32>} : memref<128x16xf32, #tpu.memory_space<vmem>>, vector<1x16xf32>,
        %get3A_1003 = vector.shape_cast %get3A_1002 : vector<1x16xf32> to vector<16xf32>
        %slice3A_1004 = vector.extract_strided_slice %get3A_876 {offsets = [7], sizes = [1], strides = [1]} : vector<16xf32> to vector<1xf32>
        %squeeze3A_1005 = vector.extract %slice3A_1004[0] : f32 from vector<1xf32>
        %mul3A_1006 = vector.broadcast %squeeze3A_1005 : f32 to vector<16xf32>
        %mul3A_1007 = arith.mulf %get3A_1003, %mul3A_1006 : vector<16xf32>
        %add3A_1008 = arith.constant 7 : i32
        %add3A_1009 = arith.addi %mul3A_878, %add3A_1008 : i32
        %swap3A_1010 = arith.index_cast %add3A_1009 : i32 to index
        %swap3A_1011 = arith.constant 0 : index
        %swap3A_1012 = tpu.vector_load %arg23[%swap3A_1010, %swap3A_1011] {strides = array<i32>} : memref<128x16xf32, #tpu.memory_space<vmem>>, vector<1x16xf32>,
        %swap3A_1013 = vector.shape_cast %swap3A_1012 : vector<1x16xf32> to vector<16xf32>
        %swap3A_1014 = vector.shape_cast %mul3A_1007 : vector<16xf32> to vector<1x16xf32>
        tpu.vector_store %arg23[%swap3A_1010, %swap3A_1011], %swap3A_1014 {strides = array<i32>} : memref<128x16xf32, #tpu.memory_space<vmem>>, vector<1x16xf32>,
        %add3A_1015 = arith.constant 8 : i32
        %add3A_1016 = arith.addi %mul3A_878, %add3A_1015 : i32
        %get3A_1017 = arith.index_cast %add3A_1016 : i32 to index
        %get3A_1018 = arith.constant 0 : index
        %get3A_1019 = tpu.vector_load %arg23[%get3A_1017, %get3A_1018] {strides = array<i32>} : memref<128x16xf32, #tpu.memory_space<vmem>>, vector<1x16xf32>,
        %get3A_1020 = vector.shape_cast %get3A_1019 : vector<1x16xf32> to vector<16xf32>
        %slice3A_1021 = vector.extract_strided_slice %get3A_876 {offsets = [8], sizes = [1], strides = [1]} : vector<16xf32> to vector<1xf32>
        %squeeze3A_1022 = vector.extract %slice3A_1021[0] : f32 from vector<1xf32>
        %mul3A_1023 = vector.broadcast %squeeze3A_1022 : f32 to vector<16xf32>
        %mul3A_1024 = arith.mulf %get3A_1020, %mul3A_1023 : vector<16xf32>
        %add3A_1025 = arith.constant 8 : i32
        %add3A_1026 = arith.addi %mul3A_878, %add3A_1025 : i32
        %swap3A_1027 = arith.index_cast %add3A_1026 : i32 to index
        %swap3A_1028 = arith.constant 0 : index
        %swap3A_1029 = tpu.vector_load %arg23[%swap3A_1027, %swap3A_1028] {strides = array<i32>} : memref<128x16xf32, #tpu.memory_space<vmem>>, vector<1x16xf32>,
        %swap3A_1030 = vector.shape_cast %swap3A_1029 : vector<1x16xf32> to vector<16xf32>
        %swap3A_1031 = vector.shape_cast %mul3A_1024 : vector<16xf32> to vector<1x16xf32>
        tpu.vector_store %arg23[%swap3A_1027, %swap3A_1028], %swap3A_1031 {strides = array<i32>} : memref<128x16xf32, #tpu.memory_space<vmem>>, vector<1x16xf32>,
        %add3A_1032 = arith.constant 9 : i32
        %add3A_1033 = arith.addi %mul3A_878, %add3A_1032 : i32
        %get3A_1034 = arith.index_cast %add3A_1033 : i32 to index
        %get3A_1035 = arith.constant 0 : index
        %get3A_1036 = tpu.vector_load %arg23[%get3A_1034, %get3A_1035] {strides = array<i32>} : memref<128x16xf32, #tpu.memory_space<vmem>>, vector<1x16xf32>,
        %get3A_1037 = vector.shape_cast %get3A_1036 : vector<1x16xf32> to vector<16xf32>
        %slice3A_1038 = vector.extract_strided_slice %get3A_876 {offsets = [9], sizes = [1], strides = [1]} : vector<16xf32> to vector<1xf32>
        %squeeze3A_1039 = vector.extract %slice3A_1038[0] : f32 from vector<1xf32>
        %mul3A_1040 = vector.broadcast %squeeze3A_1039 : f32 to vector<16xf32>
        %mul3A_1041 = arith.mulf %get3A_1037, %mul3A_1040 : vector<16xf32>
        %add3A_1042 = arith.constant 9 : i32
        %add3A_1043 = arith.addi %mul3A_878, %add3A_1042 : i32
        %swap3A_1044 = arith.index_cast %add3A_1043 : i32 to index
        %swap3A_1045 = arith.constant 0 : index
        %swap3A_1046 = tpu.vector_load %arg23[%swap3A_1044, %swap3A_1045] {strides = array<i32>} : memref<128x16xf32, #tpu.memory_space<vmem>>, vector<1x16xf32>,
        %swap3A_1047 = vector.shape_cast %swap3A_1046 : vector<1x16xf32> to vector<16xf32>
        %swap3A_1048 = vector.shape_cast %mul3A_1041 : vector<16xf32> to vector<1x16xf32>
        tpu.vector_store %arg23[%swap3A_1044, %swap3A_1045], %swap3A_1048 {strides = array<i32>} : memref<128x16xf32, #tpu.memory_space<vmem>>, vector<1x16xf32>,
        %add3A_1049 = arith.constant 10 : i32
        %add3A_1050 = arith.addi %mul3A_878, %add3A_1049 : i32
        %get3A_1051 = arith.index_cast %add3A_1050 : i32 to index
        %get3A_1052 = arith.constant 0 : index
        %get3A_1053 = tpu.vector_load %arg23[%get3A_1051, %get3A_1052] {strides = array<i32>} : memref<128x16xf32, #tpu.memory_space<vmem>>, vector<1x16xf32>,
        %get3A_1054 = vector.shape_cast %get3A_1053 : vector<1x16xf32> to vector<16xf32>
        %slice3A_1055 = vector.extract_strided_slice %get3A_876 {offsets = [10], sizes = [1], strides = [1]} : vector<16xf32> to vector<1xf32>
        %squeeze3A_1056 = vector.extract %slice3A_1055[0] : f32 from vector<1xf32>
        %mul3A_1057 = vector.broadcast %squeeze3A_1056 : f32 to vector<16xf32>
        %mul3A_1058 = arith.mulf %get3A_1054, %mul3A_1057 : vector<16xf32>
        %add3A_1059 = arith.constant 10 : i32
        %add3A_1060 = arith.addi %mul3A_878, %add3A_1059 : i32
        %swap3A_1061 = arith.index_cast %add3A_1060 : i32 to index
        %swap3A_1062 = arith.constant 0 : index
        %swap3A_1063 = tpu.vector_load %arg23[%swap3A_1061, %swap3A_1062] {strides = array<i32>} : memref<128x16xf32, #tpu.memory_space<vmem>>, vector<1x16xf32>,
        %swap3A_1064 = vector.shape_cast %swap3A_1063 : vector<1x16xf32> to vector<16xf32>
        %swap3A_1065 = vector.shape_cast %mul3A_1058 : vector<16xf32> to vector<1x16xf32>
        tpu.vector_store %arg23[%swap3A_1061, %swap3A_1062], %swap3A_1065 {strides = array<i32>} : memref<128x16xf32, #tpu.memory_space<vmem>>, vector<1x16xf32>,
        %add3A_1066 = arith.constant 11 : i32
        %add3A_1067 = arith.addi %mul3A_878, %add3A_1066 : i32
        %get3A_1068 = arith.index_cast %add3A_1067 : i32 to index
        %get3A_1069 = arith.constant 0 : index
        %get3A_1070 = tpu.vector_load %arg23[%get3A_1068, %get3A_1069] {strides = array<i32>} : memref<128x16xf32, #tpu.memory_space<vmem>>, vector<1x16xf32>,
        %get3A_1071 = vector.shape_cast %get3A_1070 : vector<1x16xf32> to vector<16xf32>
        %slice3A_1072 = vector.extract_strided_slice %get3A_876 {offsets = [11], sizes = [1], strides = [1]} : vector<16xf32> to vector<1xf32>
        %squeeze3A_1073 = vector.extract %slice3A_1072[0] : f32 from vector<1xf32>
        %mul3A_1074 = vector.broadcast %squeeze3A_1073 : f32 to vector<16xf32>
        %mul3A_1075 = arith.mulf %get3A_1071, %mul3A_1074 : vector<16xf32>
        %add3A_1076 = arith.constant 11 : i32
        %add3A_1077 = arith.addi %mul3A_878, %add3A_1076 : i32
        %swap3A_1078 = arith.index_cast %add3A_1077 : i32 to index
        %swap3A_1079 = arith.constant 0 : index
        %swap3A_1080 = tpu.vector_load %arg23[%swap3A_1078, %swap3A_1079] {strides = array<i32>} : memref<128x16xf32, #tpu.memory_space<vmem>>, vector<1x16xf32>,
        %swap3A_1081 = vector.shape_cast %swap3A_1080 : vector<1x16xf32> to vector<16xf32>
        %swap3A_1082 = vector.shape_cast %mul3A_1075 : vector<16xf32> to vector<1x16xf32>
        tpu.vector_store %arg23[%swap3A_1078, %swap3A_1079], %swap3A_1082 {strides = array<i32>} : memref<128x16xf32, #tpu.memory_space<vmem>>, vector<1x16xf32>,
        %add3A_1083 = arith.constant 12 : i32
        %add3A_1084 = arith.addi %mul3A_878, %add3A_1083 : i32
        %get3A_1085 = arith.index_cast %add3A_1084 : i32 to index
        %get3A_1086 = arith.constant 0 : index
        %get3A_1087 = tpu.vector_load %arg23[%get3A_1085, %get3A_1086] {strides = array<i32>} : memref<128x16xf32, #tpu.memory_space<vmem>>, vector<1x16xf32>,
        %get3A_1088 = vector.shape_cast %get3A_1087 : vector<1x16xf32> to vector<16xf32>
        %slice3A_1089 = vector.extract_strided_slice %get3A_876 {offsets = [12], sizes = [1], strides = [1]} : vector<16xf32> to vector<1xf32>
        %squeeze3A_1090 = vector.extract %slice3A_1089[0] : f32 from vector<1xf32>
        %mul3A_1091 = vector.broadcast %squeeze3A_1090 : f32 to vector<16xf32>
        %mul3A_1092 = arith.mulf %get3A_1088, %mul3A_1091 : vector<16xf32>
        %add3A_1093 = arith.constant 12 : i32
        %add3A_1094 = arith.addi %mul3A_878, %add3A_1093 : i32
        %swap3A_1095 = arith.index_cast %add3A_1094 : i32 to index
        %swap3A_1096 = arith.constant 0 : index
        %swap3A_1097 = tpu.vector_load %arg23[%swap3A_1095, %swap3A_1096] {strides = array<i32>} : memref<128x16xf32, #tpu.memory_space<vmem>>, vector<1x16xf32>,
        %swap3A_1098 = vector.shape_cast %swap3A_1097 : vector<1x16xf32> to vector<16xf32>
        %swap3A_1099 = vector.shape_cast %mul3A_1092 : vector<16xf32> to vector<1x16xf32>
        tpu.vector_store %arg23[%swap3A_1095, %swap3A_1096], %swap3A_1099 {strides = array<i32>} : memref<128x16xf32, #tpu.memory_space<vmem>>, vector<1x16xf32>,
        %add3A_1100 = arith.constant 13 : i32
        %add3A_1101 = arith.addi %mul3A_878, %add3A_1100 : i32
        %get3A_1102 = arith.index_cast %add3A_1101 : i32 to index
        %get3A_1103 = arith.constant 0 : index
        %get3A_1104 = tpu.vector_load %arg23[%get3A_1102, %get3A_1103] {strides = array<i32>} : memref<128x16xf32, #tpu.memory_space<vmem>>, vector<1x16xf32>,
        %get3A_1105 = vector.shape_cast %get3A_1104 : vector<1x16xf32> to vector<16xf32>
        %slice3A_1106 = vector.extract_strided_slice %get3A_876 {offsets = [13], sizes = [1], strides = [1]} : vector<16xf32> to vector<1xf32>
        %squeeze3A_1107 = vector.extract %slice3A_1106[0] : f32 from vector<1xf32>
        %mul3A_1108 = vector.broadcast %squeeze3A_1107 : f32 to vector<16xf32>
        %mul3A_1109 = arith.mulf %get3A_1105, %mul3A_1108 : vector<16xf32>
        %add3A_1110 = arith.constant 13 : i32
        %add3A_1111 = arith.addi %mul3A_878, %add3A_1110 : i32
        %swap3A_1112 = arith.index_cast %add3A_1111 : i32 to index
        %swap3A_1113 = arith.constant 0 : index
        %swap3A_1114 = tpu.vector_load %arg23[%swap3A_1112, %swap3A_1113] {strides = array<i32>} : memref<128x16xf32, #tpu.memory_space<vmem>>, vector<1x16xf32>,
        %swap3A_1115 = vector.shape_cast %swap3A_1114 : vector<1x16xf32> to vector<16xf32>
        %swap3A_1116 = vector.shape_cast %mul3A_1109 : vector<16xf32> to vector<1x16xf32>
        tpu.vector_store %arg23[%swap3A_1112, %swap3A_1113], %swap3A_1116 {strides = array<i32>} : memref<128x16xf32, #tpu.memory_space<vmem>>, vector<1x16xf32>,
        %add3A_1117 = arith.constant 14 : i32
        %add3A_1118 = arith.addi %mul3A_878, %add3A_1117 : i32
        %get3A_1119 = arith.index_cast %add3A_1118 : i32 to index
        %get3A_1120 = arith.constant 0 : index
        %get3A_1121 = tpu.vector_load %arg23[%get3A_1119, %get3A_1120] {strides = array<i32>} : memref<128x16xf32, #tpu.memory_space<vmem>>, vector<1x16xf32>,
        %get3A_1122 = vector.shape_cast %get3A_1121 : vector<1x16xf32> to vector<16xf32>
        %slice3A_1123 = vector.extract_strided_slice %get3A_876 {offsets = [14], sizes = [1], strides = [1]} : vector<16xf32> to vector<1xf32>
        %squeeze3A_1124 = vector.extract %slice3A_1123[0] : f32 from vector<1xf32>
        %mul3A_1125 = vector.broadcast %squeeze3A_1124 : f32 to vector<16xf32>
        %mul3A_1126 = arith.mulf %get3A_1122, %mul3A_1125 : vector<16xf32>
        %add3A_1127 = arith.constant 14 : i32
        %add3A_1128 = arith.addi %mul3A_878, %add3A_1127 : i32
        %swap3A_1129 = arith.index_cast %add3A_1128 : i32 to index
        %swap3A_1130 = arith.constant 0 : index
        %swap3A_1131 = tpu.vector_load %arg23[%swap3A_1129, %swap3A_1130] {strides = array<i32>} : memref<128x16xf32, #tpu.memory_space<vmem>>, vector<1x16xf32>,
        %swap3A_1132 = vector.shape_cast %swap3A_1131 : vector<1x16xf32> to vector<16xf32>
        %swap3A_1133 = vector.shape_cast %mul3A_1126 : vector<16xf32> to vector<1x16xf32>
        tpu.vector_store %arg23[%swap3A_1129, %swap3A_1130], %swap3A_1133 {strides = array<i32>} : memref<128x16xf32, #tpu.memory_space<vmem>>, vector<1x16xf32>,
        %add3A_1134 = arith.constant 15 : i32
        %add3A_1135 = arith.addi %mul3A_878, %add3A_1134 : i32
        %get3A_1136 = arith.index_cast %add3A_1135 : i32 to index
        %get3A_1137 = arith.constant 0 : index
        %get3A_1138 = tpu.vector_load %arg23[%get3A_1136, %get3A_1137] {strides = array<i32>} : memref<128x16xf32, #tpu.memory_space<vmem>>, vector<1x16xf32>,
        %get3A_1139 = vector.shape_cast %get3A_1138 : vector<1x16xf32> to vector<16xf32>
        %slice3A_1140 = vector.extract_strided_slice %get3A_876 {offsets = [15], sizes = [1], strides = [1]} : vector<16xf32> to vector<1xf32>
        %squeeze3A_1141 = vector.extract %slice3A_1140[0] : f32 from vector<1xf32>
        %mul3A_1142 = vector.broadcast %squeeze3A_1141 : f32 to vector<16xf32>
        %mul3A_1143 = arith.mulf %get3A_1139, %mul3A_1142 : vector<16xf32>
        %add3A_1144 = arith.constant 15 : i32
        %add3A_1145 = arith.addi %mul3A_878, %add3A_1144 : i32
        %swap3A_1146 = arith.index_cast %add3A_1145 : i32 to index
        %swap3A_1147 = arith.constant 0 : index
        %swap3A_1148 = tpu.vector_load %arg23[%swap3A_1146, %swap3A_1147] {strides = array<i32>} : memref<128x16xf32, #tpu.memory_space<vmem>>, vector<1x16xf32>,
        %swap3A_1149 = vector.shape_cast %swap3A_1148 : vector<1x16xf32> to vector<16xf32>
        %swap3A_1150 = vector.shape_cast %mul3A_1143 : vector<16xf32> to vector<1x16xf32>
        tpu.vector_store %arg23[%swap3A_1146, %swap3A_1147], %swap3A_1150 {strides = array<i32>} : memref<128x16xf32, #tpu.memory_space<vmem>>, vector<1x16xf32>,
      }
      %scan3A_862 = arith.constant 8 : i32
      %dma_start3A_863 = arith.constant 0 : i32
      %dma_start3A_864 = arith.constant 0 : i32
      %dma_start3A_865 = tpu.memref_slice %arg34[%dma_start3A_863, %dma_start3A_864] : memref<100000x16xf32, #tpu.memory_space<vmem_shared>> -> memref<100000x16xf32, #tpu.memory_space<vmem_shared>>
      tpu.enqueue_indirect_dma source(%arg23 : memref<128x16xf32, #tpu.memory_space<vmem>>) target(%dma_start3A_865 : memref<100000x16xf32, #tpu.memory_space<vmem_shared>>) offsets(%arg19 : memref<128xi32, #tpu.memory_space<vmem>>) semaphore(%arg43 : memref<!tpu.dma_semaphore, #tpu.memory_space<semaphore_mem>>) {add = true}
      %eq3A_866 = arith.constant 0 : i32
      %eq3A_867 = arith.cmpi eq, %arg0, %eq3A_866 : i32
      %convert_element_type3A_868 = arith.extui %eq3A_867 : i1 to i32
      %cond3A_869 = arith.constant 0 : i32
      %cond3A_870 = arith.cmpi ne, %convert_element_type3A_868, %cond3A_869 : i32
      scf.if %cond3A_870 {
        %dma_start3A_871 = arith.constant 0 : i32
        %dma_start3A_872 = tpu.memref_slice %arg35[%dma_start3A_871] : memref<100000xf32, #tpu.memory_space<vmem_shared>> -> memref<100000xf32, #tpu.memory_space<vmem_shared>>
        tpu.enqueue_indirect_dma source(%arg22 : memref<128xf32, #tpu.memory_space<vmem>>) target(%dma_start3A_872 : memref<100000xf32, #tpu.memory_space<vmem_shared>>) offsets(%arg19 : memref<128xi32, #tpu.memory_space<vmem>>) semaphore(%arg44 : memref<!tpu.dma_semaphore, #tpu.memory_space<semaphore_mem>>) {add = true}
      } else {
      }
    }
    %scan3A_105 = arith.constant 1562 : i32
    %dma_wait3A = arith.constant 0 : i32
    %dma_wait3A_106 = arith.constant 0 : i32
    %dma_wait3A_107 = tpu.memref_slice %arg34[%dma_wait3A, %dma_wait3A_106] : memref<100000x16xf32, #tpu.memory_space<vmem_shared>> -> memref<100000x16xf32, #tpu.memory_space<vmem_shared>>
    tpu.wait_indirect_dma semaphore(%arg41 : memref<!tpu.dma_semaphore, #tpu.memory_space<semaphore_mem>>) src(%arg16 : memref<128x16xf32, #tpu.memory_space<vmem>>) dst(%dma_wait3A_107 : memref<100000x16xf32, #tpu.memory_space<vmem_shared>>)
    %eq3A = arith.constant 0 : i32
    %eq3A_108 = arith.cmpi eq, %arg0, %eq3A : i32
    %convert_element_type3A_109 = arith.extui %eq3A_108 : i1 to i32
    %cond3A_110 = arith.constant 0 : i32
    %cond3A_111 = arith.cmpi ne, %convert_element_type3A_109, %cond3A_110 : i32
    scf.if %cond3A_111 {
      %dma_wait3A_396 = arith.constant 0 : i32
      %dma_wait3A_397 = tpu.memref_slice %arg35[%dma_wait3A_396] : memref<100000xf32, #tpu.memory_space<vmem_shared>> -> memref<100000xf32, #tpu.memory_space<vmem_shared>>
      tpu.wait_indirect_dma semaphore(%arg42 : memref<!tpu.dma_semaphore, #tpu.memory_space<semaphore_mem>>) src(%arg15 : memref<128xf32, #tpu.memory_space<vmem>>) dst(%dma_wait3A_397 : memref<100000xf32, #tpu.memory_space<vmem_shared>>)
    } else {
    }
    %dma_wait3A_112 = arith.constant 0 : i32
    %dma_wait3A_113 = arith.constant 0 : i32
    %dma_wait3A_114 = tpu.memref_slice %arg34[%dma_wait3A_112, %dma_wait3A_113] : memref<100000x16xf32, #tpu.memory_space<vmem_shared>> -> memref<100000x16xf32, #tpu.memory_space<vmem_shared>>
    tpu.wait_indirect_dma semaphore(%arg43 : memref<!tpu.dma_semaphore, #tpu.memory_space<semaphore_mem>>) src(%arg23 : memref<128x16xf32, #tpu.memory_space<vmem>>) dst(%dma_wait3A_114 : memref<100000x16xf32, #tpu.memory_space<vmem_shared>>)
    %eq3A_115 = arith.constant 0 : i32
    %eq3A_116 = arith.cmpi eq, %arg0, %eq3A_115 : i32
    %convert_element_type3A_117 = arith.extui %eq3A_116 : i1 to i32
    %cond3A_118 = arith.constant 0 : i32
    %cond3A_119 = arith.cmpi ne, %convert_element_type3A_117, %cond3A_118 : i32
    scf.if %cond3A_119 {
      %dma_wait3A_396 = arith.constant 0 : i32
      %dma_wait3A_397 = tpu.memref_slice %arg35[%dma_wait3A_396] : memref<100000xf32, #tpu.memory_space<vmem_shared>> -> memref<100000xf32, #tpu.memory_space<vmem_shared>>
      tpu.wait_indirect_dma semaphore(%arg44 : memref<!tpu.dma_semaphore, #tpu.memory_space<semaphore_mem>>) src(%arg22 : memref<128xf32, #tpu.memory_space<vmem>>) dst(%dma_wait3A_397 : memref<100000xf32, #tpu.memory_space<vmem_shared>>)
    } else {
    }
    %add3A_120 = arith.constant 399872 : i32
    %add3A_121 = arith.addi %mul3A_21, %add3A_120 : i32
    "tpu.region"() ({
      %run_scoped3A = tpu.sem_alloc : memref<!tpu.dma_semaphore, #tpu.memory_space<semaphore_mem>>
      %dma_start3A_396 = tpu.memref_slice %arg2[%add3A_121] : memref<6400000xi32, #tpu.memory_space<hbm>> -> memref<128xi32, #tpu.memory_space<hbm>>
      %dma_start3A_397 = tpu.memref_slice %arg2[%add3A_121] : memref<6400000xi32, #tpu.memory_space<hbm>> -> memref<128xi32, #tpu.memory_space<hbm>>
      tpu.enqueue_dma source(%dma_start3A_397 : memref<128xi32, #tpu.memory_space<hbm>>) target(%arg10 : memref<128xi32, #tpu.memory_space<vmem>>) target_semaphore(%run_scoped3A : memref<!tpu.dma_semaphore, #tpu.memory_space<semaphore_mem>>)
      %dma_wait3A_398 = tpu.memref_slice %arg2[%add3A_121] : memref<6400000xi32, #tpu.memory_space<hbm>> -> memref<128xi32, #tpu.memory_space<hbm>>
      %dma_wait3A_399 = tpu.memref_slice %arg2[%add3A_121] : memref<6400000xi32, #tpu.memory_space<hbm>> -> memref<128xi32, #tpu.memory_space<hbm>>
      tpu.wait_dma2 semaphore(%run_scoped3A : memref<!tpu.dma_semaphore, #tpu.memory_space<semaphore_mem>>) src(%dma_wait3A_399 : memref<128xi32, #tpu.memory_space<hbm>>) dst(%arg10 : memref<128xi32, #tpu.memory_space<vmem>>)
      tpu.yield
    }) : () -> ()
    "tpu.region"() ({
      %run_scoped3A = tpu.sem_alloc : memref<!tpu.dma_semaphore, #tpu.memory_space<semaphore_mem>>
      %dma_start3A_396 = tpu.memref_slice %arg3[%add3A_121] : memref<6400000xi32, #tpu.memory_space<hbm>> -> memref<128xi32, #tpu.memory_space<hbm>>
      %dma_start3A_397 = tpu.memref_slice %arg3[%add3A_121] : memref<6400000xi32, #tpu.memory_space<hbm>> -> memref<128xi32, #tpu.memory_space<hbm>>
      tpu.enqueue_dma source(%dma_start3A_397 : memref<128xi32, #tpu.memory_space<hbm>>) target(%arg12 : memref<128xi32, #tpu.memory_space<vmem>>) target_semaphore(%run_scoped3A : memref<!tpu.dma_semaphore, #tpu.memory_space<semaphore_mem>>)
      %dma_wait3A_398 = tpu.memref_slice %arg3[%add3A_121] : memref<6400000xi32, #tpu.memory_space<hbm>> -> memref<128xi32, #tpu.memory_space<hbm>>
      %dma_wait3A_399 = tpu.memref_slice %arg3[%add3A_121] : memref<6400000xi32, #tpu.memory_space<hbm>> -> memref<128xi32, #tpu.memory_space<hbm>>
      tpu.wait_dma2 semaphore(%run_scoped3A : memref<!tpu.dma_semaphore, #tpu.memory_space<semaphore_mem>>) src(%dma_wait3A_399 : memref<128xi32, #tpu.memory_space<hbm>>) dst(%arg12 : memref<128xi32, #tpu.memory_space<vmem>>)
      tpu.yield
    }) : () -> ()
    %get3A_122 = arith.constant 0 : index
    %get3A_123 = tpu.vector_load %arg10[%get3A_122] {strides = array<i32>} : memref<128xi32, #tpu.memory_space<vmem>>, vector<16xi32>,
    %get3A_124 = vector.shape_cast %get3A_123 : vector<16xi32> to vector<16xi32>
    %add3A_125 = vector.broadcast %mul3A_23 : i32 to vector<16xi32>
    %add3A_126 = arith.addi %get3A_124, %add3A_125 : vector<16xi32>
    %swap3A_127 = arith.constant 0 : index
    %swap3A_128 = tpu.vector_load %arg11[%swap3A_127] {strides = array<i32>} : memref<128xi32, #tpu.memory_space<vmem>>, vector<16xi32>,
    %swap3A_129 = vector.shape_cast %swap3A_128 : vector<16xi32> to vector<16xi32>
    %swap3A_130 = vector.shape_cast %add3A_126 : vector<16xi32> to vector<16xi32>
    tpu.vector_store %arg11[%swap3A_127], %swap3A_130 {strides = array<i32>} : memref<128xi32, #tpu.memory_space<vmem>>, vector<16xi32>,
    %get3A_131 = arith.constant 16 : index
    %get3A_132 = tpu.vector_load %arg10[%get3A_131] {strides = array<i32>} : memref<128xi32, #tpu.memory_space<vmem>>, vector<16xi32>,
    %get3A_133 = vector.shape_cast %get3A_132 : vector<16xi32> to vector<16xi32>
    %add3A_134 = vector.broadcast %mul3A_23 : i32 to vector<16xi32>
    %add3A_135 = arith.addi %get3A_133, %add3A_134 : vector<16xi32>
    %swap3A_136 = arith.constant 16 : index
    %swap3A_137 = tpu.vector_load %arg11[%swap3A_136] {strides = array<i32>} : memref<128xi32, #tpu.memory_space<vmem>>, vector<16xi32>,
    %swap3A_138 = vector.shape_cast %swap3A_137 : vector<16xi32> to vector<16xi32>
    %swap3A_139 = vector.shape_cast %add3A_135 : vector<16xi32> to vector<16xi32>
    tpu.vector_store %arg11[%swap3A_136], %swap3A_139 {strides = array<i32>} : memref<128xi32, #tpu.memory_space<vmem>>, vector<16xi32>,
    %get3A_140 = arith.constant 32 : index
    %get3A_141 = tpu.vector_load %arg10[%get3A_140] {strides = array<i32>} : memref<128xi32, #tpu.memory_space<vmem>>, vector<16xi32>,
    %get3A_142 = vector.shape_cast %get3A_141 : vector<16xi32> to vector<16xi32>
    %add3A_143 = vector.broadcast %mul3A_23 : i32 to vector<16xi32>
    %add3A_144 = arith.addi %get3A_142, %add3A_143 : vector<16xi32>
    %swap3A_145 = arith.constant 32 : index
    %swap3A_146 = tpu.vector_load %arg11[%swap3A_145] {strides = array<i32>} : memref<128xi32, #tpu.memory_space<vmem>>, vector<16xi32>,
    %swap3A_147 = vector.shape_cast %swap3A_146 : vector<16xi32> to vector<16xi32>
    %swap3A_148 = vector.shape_cast %add3A_144 : vector<16xi32> to vector<16xi32>
    tpu.vector_store %arg11[%swap3A_145], %swap3A_148 {strides = array<i32>} : memref<128xi32, #tpu.memory_space<vmem>>, vector<16xi32>,
    %get3A_149 = arith.constant 48 : index
    %get3A_150 = tpu.vector_load %arg10[%get3A_149] {strides = array<i32>} : memref<128xi32, #tpu.memory_space<vmem>>, vector<16xi32>,
    %get3A_151 = vector.shape_cast %get3A_150 : vector<16xi32> to vector<16xi32>
    %add3A_152 = vector.broadcast %mul3A_23 : i32 to vector<16xi32>
    %add3A_153 = arith.addi %get3A_151, %add3A_152 : vector<16xi32>
    %swap3A_154 = arith.constant 48 : index
    %swap3A_155 = tpu.vector_load %arg11[%swap3A_154] {strides = array<i32>} : memref<128xi32, #tpu.memory_space<vmem>>, vector<16xi32>,
    %swap3A_156 = vector.shape_cast %swap3A_155 : vector<16xi32> to vector<16xi32>
    %swap3A_157 = vector.shape_cast %add3A_153 : vector<16xi32> to vector<16xi32>
    tpu.vector_store %arg11[%swap3A_154], %swap3A_157 {strides = array<i32>} : memref<128xi32, #tpu.memory_space<vmem>>, vector<16xi32>,
    %get3A_158 = arith.constant 64 : index
    %get3A_159 = tpu.vector_load %arg10[%get3A_158] {strides = array<i32>} : memref<128xi32, #tpu.memory_space<vmem>>, vector<16xi32>,
    %get3A_160 = vector.shape_cast %get3A_159 : vector<16xi32> to vector<16xi32>
    %add3A_161 = vector.broadcast %mul3A_23 : i32 to vector<16xi32>
    %add3A_162 = arith.addi %get3A_160, %add3A_161 : vector<16xi32>
    %swap3A_163 = arith.constant 64 : index
    %swap3A_164 = tpu.vector_load %arg11[%swap3A_163] {strides = array<i32>} : memref<128xi32, #tpu.memory_space<vmem>>, vector<16xi32>,
    %swap3A_165 = vector.shape_cast %swap3A_164 : vector<16xi32> to vector<16xi32>
    %swap3A_166 = vector.shape_cast %add3A_162 : vector<16xi32> to vector<16xi32>
    tpu.vector_store %arg11[%swap3A_163], %swap3A_166 {strides = array<i32>} : memref<128xi32, #tpu.memory_space<vmem>>, vector<16xi32>,
    %get3A_167 = arith.constant 80 : index
    %get3A_168 = tpu.vector_load %arg10[%get3A_167] {strides = array<i32>} : memref<128xi32, #tpu.memory_space<vmem>>, vector<16xi32>,
    %get3A_169 = vector.shape_cast %get3A_168 : vector<16xi32> to vector<16xi32>
    %add3A_170 = vector.broadcast %mul3A_23 : i32 to vector<16xi32>
    %add3A_171 = arith.addi %get3A_169, %add3A_170 : vector<16xi32>
    %swap3A_172 = arith.constant 80 : index
    %swap3A_173 = tpu.vector_load %arg11[%swap3A_172] {strides = array<i32>} : memref<128xi32, #tpu.memory_space<vmem>>, vector<16xi32>,
    %swap3A_174 = vector.shape_cast %swap3A_173 : vector<16xi32> to vector<16xi32>
    %swap3A_175 = vector.shape_cast %add3A_171 : vector<16xi32> to vector<16xi32>
    tpu.vector_store %arg11[%swap3A_172], %swap3A_175 {strides = array<i32>} : memref<128xi32, #tpu.memory_space<vmem>>, vector<16xi32>,
    %get3A_176 = arith.constant 96 : index
    %get3A_177 = tpu.vector_load %arg10[%get3A_176] {strides = array<i32>} : memref<128xi32, #tpu.memory_space<vmem>>, vector<16xi32>,
    %get3A_178 = vector.shape_cast %get3A_177 : vector<16xi32> to vector<16xi32>
    %add3A_179 = vector.broadcast %mul3A_23 : i32 to vector<16xi32>
    %add3A_180 = arith.addi %get3A_178, %add3A_179 : vector<16xi32>
    %swap3A_181 = arith.constant 96 : index
    %swap3A_182 = tpu.vector_load %arg11[%swap3A_181] {strides = array<i32>} : memref<128xi32, #tpu.memory_space<vmem>>, vector<16xi32>,
    %swap3A_183 = vector.shape_cast %swap3A_182 : vector<16xi32> to vector<16xi32>
    %swap3A_184 = vector.shape_cast %add3A_180 : vector<16xi32> to vector<16xi32>
    tpu.vector_store %arg11[%swap3A_181], %swap3A_184 {strides = array<i32>} : memref<128xi32, #tpu.memory_space<vmem>>, vector<16xi32>,
    %get3A_185 = arith.constant 112 : index
    %get3A_186 = tpu.vector_load %arg10[%get3A_185] {strides = array<i32>} : memref<128xi32, #tpu.memory_space<vmem>>, vector<16xi32>,
    %get3A_187 = vector.shape_cast %get3A_186 : vector<16xi32> to vector<16xi32>
    %add3A_188 = vector.broadcast %mul3A_23 : i32 to vector<16xi32>
    %add3A_189 = arith.addi %get3A_187, %add3A_188 : vector<16xi32>
    %swap3A_190 = arith.constant 112 : index
    %swap3A_191 = tpu.vector_load %arg11[%swap3A_190] {strides = array<i32>} : memref<128xi32, #tpu.memory_space<vmem>>, vector<16xi32>,
    %swap3A_192 = vector.shape_cast %swap3A_191 : vector<16xi32> to vector<16xi32>
    %swap3A_193 = vector.shape_cast %add3A_189 : vector<16xi32> to vector<16xi32>
    tpu.vector_store %arg11[%swap3A_190], %swap3A_193 {strides = array<i32>} : memref<128xi32, #tpu.memory_space<vmem>>, vector<16xi32>,
    %dma_start3A_194 = arith.constant 0 : i32
    %dma_start3A_195 = tpu.memref_slice %arg36[%dma_start3A_194] : memref<100000xf32, #tpu.memory_space<vmem_shared>> -> memref<100000xf32, #tpu.memory_space<vmem_shared>>
    tpu.enqueue_indirect_dma source(%dma_start3A_195 : memref<100000xf32, #tpu.memory_space<vmem_shared>>) target(%arg13 : memref<128xf32, #tpu.memory_space<vmem>>) offsets(%arg10 : memref<128xi32, #tpu.memory_space<vmem>>) semaphore(%arg38 : memref<!tpu.dma_semaphore, #tpu.memory_space<semaphore_mem>>)
    %dma_start3A_196 = arith.constant 0 : i32
    %dma_start3A_197 = tpu.memref_slice %arg37[%dma_start3A_196] : memref<100000xf32, #tpu.memory_space<vmem_shared>> -> memref<100000xf32, #tpu.memory_space<vmem_shared>>
    tpu.enqueue_indirect_dma source(%dma_start3A_197 : memref<100000xf32, #tpu.memory_space<vmem_shared>>) target(%arg14 : memref<128xf32, #tpu.memory_space<vmem>>) offsets(%arg12 : memref<128xi32, #tpu.memory_space<vmem>>) semaphore(%arg39 : memref<!tpu.dma_semaphore, #tpu.memory_space<semaphore_mem>>)
    %dma_start3A_198 = arith.constant 0 : i32
    %dma_start3A_199 = arith.constant 0 : i32
    %dma_start3A_200 = tpu.memref_slice %arg4[%dma_start3A_198, %dma_start3A_199] : memref<200000x16xf32, #tpu.memory_space<hbm>> -> memref<200000x16xf32, #tpu.memory_space<hbm>>
    tpu.enqueue_indirect_dma source(%dma_start3A_200 : memref<200000x16xf32, #tpu.memory_space<hbm>>) target(%arg16 : memref<128x16xf32, #tpu.memory_space<vmem>>) offsets(%arg11 : memref<128xi32, #tpu.memory_space<vmem>>) semaphore(%arg40 : memref<!tpu.dma_semaphore, #tpu.memory_space<semaphore_mem>>)
    %dma_wait3A_201 = arith.constant 0 : i32
    %dma_wait3A_202 = tpu.memref_slice %arg36[%dma_wait3A_201] : memref<100000xf32, #tpu.memory_space<vmem_shared>> -> memref<100000xf32, #tpu.memory_space<vmem_shared>>
    tpu.wait_indirect_dma semaphore(%arg38 : memref<!tpu.dma_semaphore, #tpu.memory_space<semaphore_mem>>) src(%dma_wait3A_202 : memref<100000xf32, #tpu.memory_space<vmem_shared>>) dst(%arg13 : memref<128xf32, #tpu.memory_space<vmem>>)
    %dma_wait3A_203 = arith.constant 0 : i32
    %dma_wait3A_204 = tpu.memref_slice %arg37[%dma_wait3A_203] : memref<100000xf32, #tpu.memory_space<vmem_shared>> -> memref<100000xf32, #tpu.memory_space<vmem_shared>>
    tpu.wait_indirect_dma semaphore(%arg39 : memref<!tpu.dma_semaphore, #tpu.memory_space<semaphore_mem>>) src(%dma_wait3A_204 : memref<100000xf32, #tpu.memory_space<vmem_shared>>) dst(%arg14 : memref<128xf32, #tpu.memory_space<vmem>>)
    %dma_wait3A_205 = arith.constant 0 : i32
    %dma_wait3A_206 = arith.constant 0 : i32
    %dma_wait3A_207 = tpu.memref_slice %arg4[%dma_wait3A_205, %dma_wait3A_206] : memref<200000x16xf32, #tpu.memory_space<hbm>> -> memref<200000x16xf32, #tpu.memory_space<hbm>>
    tpu.wait_indirect_dma semaphore(%arg40 : memref<!tpu.dma_semaphore, #tpu.memory_space<semaphore_mem>>) src(%dma_wait3A_207 : memref<200000x16xf32, #tpu.memory_space<hbm>>) dst(%arg16 : memref<128x16xf32, #tpu.memory_space<vmem>>)
    %get3A_208 = arith.constant 0 : index
    %get3A_209 = tpu.vector_load %arg13[%get3A_208] {strides = array<i32>} : memref<128xf32, #tpu.memory_space<vmem>>, vector<16xf32>,
    %get3A_210 = vector.shape_cast %get3A_209 : vector<16xf32> to vector<16xf32>
    %get3A_211 = arith.constant 0 : index
    %get3A_212 = tpu.vector_load %arg14[%get3A_211] {strides = array<i32>} : memref<128xf32, #tpu.memory_space<vmem>>, vector<16xf32>,
    %get3A_213 = vector.shape_cast %get3A_212 : vector<16xf32> to vector<16xf32>
    %add3A_214 = arith.addf %get3A_210, %get3A_213 : vector<16xf32>
    %gt3A = arith.constant 0.000000e+00 : f32
    %gt3A_215 = vector.broadcast %gt3A : f32 to vector<16xf32>
    %gt3A_216 = arith.cmpf ogt, %add3A_214, %gt3A_215 : vector<16xf32>
    %mul3A_217 = arith.constant 2.000000e-01 : f32
    %mul3A_218 = vector.broadcast %mul3A_217 : f32 to vector<16xf32>
    %mul3A_219 = arith.mulf %mul3A_218, %add3A_214 : vector<16xf32>
    %select_n3A = arith.select %gt3A_216, %add3A_214, %mul3A_219 : vector<16xi1>, vector<16xf32>
    %sub3A = vector.broadcast %squeeze3A : f32 to vector<16xf32>
    %sub3A_220 = arith.subf %select_n3A, %sub3A : vector<16xf32>
    %exp3A = math.exp %sub3A_220 : vector<16xf32>
    %swap3A_221 = arith.constant 0 : index
    %swap3A_222 = tpu.vector_load %arg15[%swap3A_221] {strides = array<i32>} : memref<128xf32, #tpu.memory_space<vmem>>, vector<16xf32>,
    %swap3A_223 = vector.shape_cast %swap3A_222 : vector<16xf32> to vector<16xf32>
    %swap3A_224 = vector.shape_cast %exp3A : vector<16xf32> to vector<16xf32>
    tpu.vector_store %arg15[%swap3A_221], %swap3A_224 {strides = array<i32>} : memref<128xf32, #tpu.memory_space<vmem>>, vector<16xf32>,
    %get3A_225 = arith.constant 16 : index
    %get3A_226 = tpu.vector_load %arg13[%get3A_225] {strides = array<i32>} : memref<128xf32, #tpu.memory_space<vmem>>, vector<16xf32>,
    %get3A_227 = vector.shape_cast %get3A_226 : vector<16xf32> to vector<16xf32>
    %get3A_228 = arith.constant 16 : index
    %get3A_229 = tpu.vector_load %arg14[%get3A_228] {strides = array<i32>} : memref<128xf32, #tpu.memory_space<vmem>>, vector<16xf32>,
    %get3A_230 = vector.shape_cast %get3A_229 : vector<16xf32> to vector<16xf32>
    %add3A_231 = arith.addf %get3A_227, %get3A_230 : vector<16xf32>
    %gt3A_232 = arith.constant 0.000000e+00 : f32
    %gt3A_233 = vector.broadcast %gt3A_232 : f32 to vector<16xf32>
    %gt3A_234 = arith.cmpf ogt, %add3A_231, %gt3A_233 : vector<16xf32>
    %mul3A_235 = arith.constant 2.000000e-01 : f32
    %mul3A_236 = vector.broadcast %mul3A_235 : f32 to vector<16xf32>
    %mul3A_237 = arith.mulf %mul3A_236, %add3A_231 : vector<16xf32>
    %select_n3A_238 = arith.select %gt3A_234, %add3A_231, %mul3A_237 : vector<16xi1>, vector<16xf32>
    %sub3A_239 = vector.broadcast %squeeze3A : f32 to vector<16xf32>
    %sub3A_240 = arith.subf %select_n3A_238, %sub3A_239 : vector<16xf32>
    %exp3A_241 = math.exp %sub3A_240 : vector<16xf32>
    %swap3A_242 = arith.constant 16 : index
    %swap3A_243 = tpu.vector_load %arg15[%swap3A_242] {strides = array<i32>} : memref<128xf32, #tpu.memory_space<vmem>>, vector<16xf32>,
    %swap3A_244 = vector.shape_cast %swap3A_243 : vector<16xf32> to vector<16xf32>
    %swap3A_245 = vector.shape_cast %exp3A_241 : vector<16xf32> to vector<16xf32>
    tpu.vector_store %arg15[%swap3A_242], %swap3A_245 {strides = array<i32>} : memref<128xf32, #tpu.memory_space<vmem>>, vector<16xf32>,
    %get3A_246 = arith.constant 32 : index
    %get3A_247 = tpu.vector_load %arg13[%get3A_246] {strides = array<i32>} : memref<128xf32, #tpu.memory_space<vmem>>, vector<16xf32>,
    %get3A_248 = vector.shape_cast %get3A_247 : vector<16xf32> to vector<16xf32>
    %get3A_249 = arith.constant 32 : index
    %get3A_250 = tpu.vector_load %arg14[%get3A_249] {strides = array<i32>} : memref<128xf32, #tpu.memory_space<vmem>>, vector<16xf32>,
    %get3A_251 = vector.shape_cast %get3A_250 : vector<16xf32> to vector<16xf32>
    %add3A_252 = arith.addf %get3A_248, %get3A_251 : vector<16xf32>
    %gt3A_253 = arith.constant 0.000000e+00 : f32
    %gt3A_254 = vector.broadcast %gt3A_253 : f32 to vector<16xf32>
    %gt3A_255 = arith.cmpf ogt, %add3A_252, %gt3A_254 : vector<16xf32>
    %mul3A_256 = arith.constant 2.000000e-01 : f32
    %mul3A_257 = vector.broadcast %mul3A_256 : f32 to vector<16xf32>
    %mul3A_258 = arith.mulf %mul3A_257, %add3A_252 : vector<16xf32>
    %select_n3A_259 = arith.select %gt3A_255, %add3A_252, %mul3A_258 : vector<16xi1>, vector<16xf32>
    %sub3A_260 = vector.broadcast %squeeze3A : f32 to vector<16xf32>
    %sub3A_261 = arith.subf %select_n3A_259, %sub3A_260 : vector<16xf32>
    %exp3A_262 = math.exp %sub3A_261 : vector<16xf32>
    %swap3A_263 = arith.constant 32 : index
    %swap3A_264 = tpu.vector_load %arg15[%swap3A_263] {strides = array<i32>} : memref<128xf32, #tpu.memory_space<vmem>>, vector<16xf32>,
    %swap3A_265 = vector.shape_cast %swap3A_264 : vector<16xf32> to vector<16xf32>
    %swap3A_266 = vector.shape_cast %exp3A_262 : vector<16xf32> to vector<16xf32>
    tpu.vector_store %arg15[%swap3A_263], %swap3A_266 {strides = array<i32>} : memref<128xf32, #tpu.memory_space<vmem>>, vector<16xf32>,
    %get3A_267 = arith.constant 48 : index
    %get3A_268 = tpu.vector_load %arg13[%get3A_267] {strides = array<i32>} : memref<128xf32, #tpu.memory_space<vmem>>, vector<16xf32>,
    %get3A_269 = vector.shape_cast %get3A_268 : vector<16xf32> to vector<16xf32>
    %get3A_270 = arith.constant 48 : index
    %get3A_271 = tpu.vector_load %arg14[%get3A_270] {strides = array<i32>} : memref<128xf32, #tpu.memory_space<vmem>>, vector<16xf32>,
    %get3A_272 = vector.shape_cast %get3A_271 : vector<16xf32> to vector<16xf32>
    %add3A_273 = arith.addf %get3A_269, %get3A_272 : vector<16xf32>
    %gt3A_274 = arith.constant 0.000000e+00 : f32
    %gt3A_275 = vector.broadcast %gt3A_274 : f32 to vector<16xf32>
    %gt3A_276 = arith.cmpf ogt, %add3A_273, %gt3A_275 : vector<16xf32>
    %mul3A_277 = arith.constant 2.000000e-01 : f32
    %mul3A_278 = vector.broadcast %mul3A_277 : f32 to vector<16xf32>
    %mul3A_279 = arith.mulf %mul3A_278, %add3A_273 : vector<16xf32>
    %select_n3A_280 = arith.select %gt3A_276, %add3A_273, %mul3A_279 : vector<16xi1>, vector<16xf32>
    %sub3A_281 = vector.broadcast %squeeze3A : f32 to vector<16xf32>
    %sub3A_282 = arith.subf %select_n3A_280, %sub3A_281 : vector<16xf32>
    %exp3A_283 = math.exp %sub3A_282 : vector<16xf32>
    %swap3A_284 = arith.constant 48 : index
    %swap3A_285 = tpu.vector_load %arg15[%swap3A_284] {strides = array<i32>} : memref<128xf32, #tpu.memory_space<vmem>>, vector<16xf32>,
    %swap3A_286 = vector.shape_cast %swap3A_285 : vector<16xf32> to vector<16xf32>
    %swap3A_287 = vector.shape_cast %exp3A_283 : vector<16xf32> to vector<16xf32>
    tpu.vector_store %arg15[%swap3A_284], %swap3A_287 {strides = array<i32>} : memref<128xf32, #tpu.memory_space<vmem>>, vector<16xf32>,
    %get3A_288 = arith.constant 64 : index
    %get3A_289 = tpu.vector_load %arg13[%get3A_288] {strides = array<i32>} : memref<128xf32, #tpu.memory_space<vmem>>, vector<16xf32>,
    %get3A_290 = vector.shape_cast %get3A_289 : vector<16xf32> to vector<16xf32>
    %get3A_291 = arith.constant 64 : index
    %get3A_292 = tpu.vector_load %arg14[%get3A_291] {strides = array<i32>} : memref<128xf32, #tpu.memory_space<vmem>>, vector<16xf32>,
    %get3A_293 = vector.shape_cast %get3A_292 : vector<16xf32> to vector<16xf32>
    %add3A_294 = arith.addf %get3A_290, %get3A_293 : vector<16xf32>
    %gt3A_295 = arith.constant 0.000000e+00 : f32
    %gt3A_296 = vector.broadcast %gt3A_295 : f32 to vector<16xf32>
    %gt3A_297 = arith.cmpf ogt, %add3A_294, %gt3A_296 : vector<16xf32>
    %mul3A_298 = arith.constant 2.000000e-01 : f32
    %mul3A_299 = vector.broadcast %mul3A_298 : f32 to vector<16xf32>
    %mul3A_300 = arith.mulf %mul3A_299, %add3A_294 : vector<16xf32>
    %select_n3A_301 = arith.select %gt3A_297, %add3A_294, %mul3A_300 : vector<16xi1>, vector<16xf32>
    %sub3A_302 = vector.broadcast %squeeze3A : f32 to vector<16xf32>
    %sub3A_303 = arith.subf %select_n3A_301, %sub3A_302 : vector<16xf32>
    %exp3A_304 = math.exp %sub3A_303 : vector<16xf32>
    %swap3A_305 = arith.constant 64 : index
    %swap3A_306 = tpu.vector_load %arg15[%swap3A_305] {strides = array<i32>} : memref<128xf32, #tpu.memory_space<vmem>>, vector<16xf32>,
    %swap3A_307 = vector.shape_cast %swap3A_306 : vector<16xf32> to vector<16xf32>
    %swap3A_308 = vector.shape_cast %exp3A_304 : vector<16xf32> to vector<16xf32>
    tpu.vector_store %arg15[%swap3A_305], %swap3A_308 {strides = array<i32>} : memref<128xf32, #tpu.memory_space<vmem>>, vector<16xf32>,
    %get3A_309 = arith.constant 80 : index
    %get3A_310 = tpu.vector_load %arg13[%get3A_309] {strides = array<i32>} : memref<128xf32, #tpu.memory_space<vmem>>, vector<16xf32>,
    %get3A_311 = vector.shape_cast %get3A_310 : vector<16xf32> to vector<16xf32>
    %get3A_312 = arith.constant 80 : index
    %get3A_313 = tpu.vector_load %arg14[%get3A_312] {strides = array<i32>} : memref<128xf32, #tpu.memory_space<vmem>>, vector<16xf32>,
    %get3A_314 = vector.shape_cast %get3A_313 : vector<16xf32> to vector<16xf32>
    %add3A_315 = arith.addf %get3A_311, %get3A_314 : vector<16xf32>
    %gt3A_316 = arith.constant 0.000000e+00 : f32
    %gt3A_317 = vector.broadcast %gt3A_316 : f32 to vector<16xf32>
    %gt3A_318 = arith.cmpf ogt, %add3A_315, %gt3A_317 : vector<16xf32>
    %mul3A_319 = arith.constant 2.000000e-01 : f32
    %mul3A_320 = vector.broadcast %mul3A_319 : f32 to vector<16xf32>
    %mul3A_321 = arith.mulf %mul3A_320, %add3A_315 : vector<16xf32>
    %select_n3A_322 = arith.select %gt3A_318, %add3A_315, %mul3A_321 : vector<16xi1>, vector<16xf32>
    %sub3A_323 = vector.broadcast %squeeze3A : f32 to vector<16xf32>
    %sub3A_324 = arith.subf %select_n3A_322, %sub3A_323 : vector<16xf32>
    %exp3A_325 = math.exp %sub3A_324 : vector<16xf32>
    %swap3A_326 = arith.constant 80 : index
    %swap3A_327 = tpu.vector_load %arg15[%swap3A_326] {strides = array<i32>} : memref<128xf32, #tpu.memory_space<vmem>>, vector<16xf32>,
    %swap3A_328 = vector.shape_cast %swap3A_327 : vector<16xf32> to vector<16xf32>
    %swap3A_329 = vector.shape_cast %exp3A_325 : vector<16xf32> to vector<16xf32>
    tpu.vector_store %arg15[%swap3A_326], %swap3A_329 {strides = array<i32>} : memref<128xf32, #tpu.memory_space<vmem>>, vector<16xf32>,
    %get3A_330 = arith.constant 96 : index
    %get3A_331 = tpu.vector_load %arg13[%get3A_330] {strides = array<i32>} : memref<128xf32, #tpu.memory_space<vmem>>, vector<16xf32>,
    %get3A_332 = vector.shape_cast %get3A_331 : vector<16xf32> to vector<16xf32>
    %get3A_333 = arith.constant 96 : index
    %get3A_334 = tpu.vector_load %arg14[%get3A_333] {strides = array<i32>} : memref<128xf32, #tpu.memory_space<vmem>>, vector<16xf32>,
    %get3A_335 = vector.shape_cast %get3A_334 : vector<16xf32> to vector<16xf32>
    %add3A_336 = arith.addf %get3A_332, %get3A_335 : vector<16xf32>
    %gt3A_337 = arith.constant 0.000000e+00 : f32
    %gt3A_338 = vector.broadcast %gt3A_337 : f32 to vector<16xf32>
    %gt3A_339 = arith.cmpf ogt, %add3A_336, %gt3A_338 : vector<16xf32>
    %mul3A_340 = arith.constant 2.000000e-01 : f32
    %mul3A_341 = vector.broadcast %mul3A_340 : f32 to vector<16xf32>
    %mul3A_342 = arith.mulf %mul3A_341, %add3A_336 : vector<16xf32>
    %select_n3A_343 = arith.select %gt3A_339, %add3A_336, %mul3A_342 : vector<16xi1>, vector<16xf32>
    %sub3A_344 = vector.broadcast %squeeze3A : f32 to vector<16xf32>
    %sub3A_345 = arith.subf %select_n3A_343, %sub3A_344 : vector<16xf32>
    %exp3A_346 = math.exp %sub3A_345 : vector<16xf32>
    %swap3A_347 = arith.constant 96 : index
    %swap3A_348 = tpu.vector_load %arg15[%swap3A_347] {strides = array<i32>} : memref<128xf32, #tpu.memory_space<vmem>>, vector<16xf32>,
    %swap3A_349 = vector.shape_cast %swap3A_348 : vector<16xf32> to vector<16xf32>
    %swap3A_350 = vector.shape_cast %exp3A_346 : vector<16xf32> to vector<16xf32>
    tpu.vector_store %arg15[%swap3A_347], %swap3A_350 {strides = array<i32>} : memref<128xf32, #tpu.memory_space<vmem>>, vector<16xf32>,
    %get3A_351 = arith.constant 112 : index
    %get3A_352 = tpu.vector_load %arg13[%get3A_351] {strides = array<i32>} : memref<128xf32, #tpu.memory_space<vmem>>, vector<16xf32>,
    %get3A_353 = vector.shape_cast %get3A_352 : vector<16xf32> to vector<16xf32>
    %get3A_354 = arith.constant 112 : index
    %get3A_355 = tpu.vector_load %arg14[%get3A_354] {strides = array<i32>} : memref<128xf32, #tpu.memory_space<vmem>>, vector<16xf32>,
    %get3A_356 = vector.shape_cast %get3A_355 : vector<16xf32> to vector<16xf32>
    %add3A_357 = arith.addf %get3A_353, %get3A_356 : vector<16xf32>
    %gt3A_358 = arith.constant 0.000000e+00 : f32
    %gt3A_359 = vector.broadcast %gt3A_358 : f32 to vector<16xf32>
    %gt3A_360 = arith.cmpf ogt, %add3A_357, %gt3A_359 : vector<16xf32>
    %mul3A_361 = arith.constant 2.000000e-01 : f32
    %mul3A_362 = vector.broadcast %mul3A_361 : f32 to vector<16xf32>
    %mul3A_363 = arith.mulf %mul3A_362, %add3A_357 : vector<16xf32>
    %select_n3A_364 = arith.select %gt3A_360, %add3A_357, %mul3A_363 : vector<16xi1>, vector<16xf32>
    %sub3A_365 = vector.broadcast %squeeze3A : f32 to vector<16xf32>
    %sub3A_366 = arith.subf %select_n3A_364, %sub3A_365 : vector<16xf32>
    %exp3A_367 = math.exp %sub3A_366 : vector<16xf32>
    %swap3A_368 = arith.constant 112 : index
    %swap3A_369 = tpu.vector_load %arg15[%swap3A_368] {strides = array<i32>} : memref<128xf32, #tpu.memory_space<vmem>>, vector<16xf32>,
    %swap3A_370 = vector.shape_cast %swap3A_369 : vector<16xf32> to vector<16xf32>
    %swap3A_371 = vector.shape_cast %exp3A_367 : vector<16xf32> to vector<16xf32>
    tpu.vector_store %arg15[%swap3A_368], %swap3A_371 {strides = array<i32>} : memref<128xf32, #tpu.memory_space<vmem>>, vector<16xf32>,
    %scan3A_372 = arith.constant 0 : i32
    %scan3A_373 = arith.constant 0 : i32
    %scan3A_374 = arith.constant 8 : i32
    %scan3A_375 = arith.addi %scan3A_373, %scan3A_374 : i32
    %scan3A_376 = arith.constant 1 : i32
    scf.for %scan3A_396 = %scan3A_373 to %scan3A_375 step %scan3A_376  : i32 {
      %mul3A_397 = arith.constant 16 : i32
      %mul3A_398 = arith.muli %scan3A_396, %mul3A_397 : i32
      %get3A_399 = arith.index_cast %mul3A_398 : i32 to index
      %get3A_400 = tpu.vector_load %arg15[%get3A_399] {strides = array<i32>} : memref<128xf32, #tpu.memory_space<vmem>>, vector<16xf32>,
      %get3A_401 = vector.shape_cast %get3A_400 : vector<16xf32> to vector<16xf32>
      %mul3A_402 = arith.constant 16 : i32
      %mul3A_403 = arith.muli %scan3A_396, %mul3A_402 : i32
      %add3A_404 = arith.constant 0 : i32
      %add3A_405 = arith.addi %mul3A_403, %add3A_404 : i32
      %get3A_406 = arith.index_cast %add3A_405 : i32 to index
      %get3A_407 = arith.constant 0 : index
      %get3A_408 = tpu.vector_load %arg16[%get3A_406, %get3A_407] {strides = array<i32>} : memref<128x16xf32, #tpu.memory_space<vmem>>, vector<1x16xf32>,
      %get3A_409 = vector.shape_cast %get3A_408 : vector<1x16xf32> to vector<16xf32>
      %slice3A_410 = vector.extract_strided_slice %get3A_401 {offsets = [0], sizes = [1], strides = [1]} : vector<16xf32> to vector<1xf32>
      %squeeze3A_411 = vector.extract %slice3A_410[0] : f32 from vector<1xf32>
      %mul3A_412 = vector.broadcast %squeeze3A_411 : f32 to vector<16xf32>
      %mul3A_413 = arith.mulf %get3A_409, %mul3A_412 : vector<16xf32>
      %add3A_414 = arith.constant 0 : i32
      %add3A_415 = arith.addi %mul3A_403, %add3A_414 : i32
      %swap3A_416 = arith.index_cast %add3A_415 : i32 to index
      %swap3A_417 = arith.constant 0 : index
      %swap3A_418 = tpu.vector_load %arg16[%swap3A_416, %swap3A_417] {strides = array<i32>} : memref<128x16xf32, #tpu.memory_space<vmem>>, vector<1x16xf32>,
      %swap3A_419 = vector.shape_cast %swap3A_418 : vector<1x16xf32> to vector<16xf32>
      %swap3A_420 = vector.shape_cast %mul3A_413 : vector<16xf32> to vector<1x16xf32>
      tpu.vector_store %arg16[%swap3A_416, %swap3A_417], %swap3A_420 {strides = array<i32>} : memref<128x16xf32, #tpu.memory_space<vmem>>, vector<1x16xf32>,
      %add3A_421 = arith.constant 1 : i32
      %add3A_422 = arith.addi %mul3A_403, %add3A_421 : i32
      %get3A_423 = arith.index_cast %add3A_422 : i32 to index
      %get3A_424 = arith.constant 0 : index
      %get3A_425 = tpu.vector_load %arg16[%get3A_423, %get3A_424] {strides = array<i32>} : memref<128x16xf32, #tpu.memory_space<vmem>>, vector<1x16xf32>,
      %get3A_426 = vector.shape_cast %get3A_425 : vector<1x16xf32> to vector<16xf32>
      %slice3A_427 = vector.extract_strided_slice %get3A_401 {offsets = [1], sizes = [1], strides = [1]} : vector<16xf32> to vector<1xf32>
      %squeeze3A_428 = vector.extract %slice3A_427[0] : f32 from vector<1xf32>
      %mul3A_429 = vector.broadcast %squeeze3A_428 : f32 to vector<16xf32>
      %mul3A_430 = arith.mulf %get3A_426, %mul3A_429 : vector<16xf32>
      %add3A_431 = arith.constant 1 : i32
      %add3A_432 = arith.addi %mul3A_403, %add3A_431 : i32
      %swap3A_433 = arith.index_cast %add3A_432 : i32 to index
      %swap3A_434 = arith.constant 0 : index
      %swap3A_435 = tpu.vector_load %arg16[%swap3A_433, %swap3A_434] {strides = array<i32>} : memref<128x16xf32, #tpu.memory_space<vmem>>, vector<1x16xf32>,
      %swap3A_436 = vector.shape_cast %swap3A_435 : vector<1x16xf32> to vector<16xf32>
      %swap3A_437 = vector.shape_cast %mul3A_430 : vector<16xf32> to vector<1x16xf32>
      tpu.vector_store %arg16[%swap3A_433, %swap3A_434], %swap3A_437 {strides = array<i32>} : memref<128x16xf32, #tpu.memory_space<vmem>>, vector<1x16xf32>,
      %add3A_438 = arith.constant 2 : i32
      %add3A_439 = arith.addi %mul3A_403, %add3A_438 : i32
      %get3A_440 = arith.index_cast %add3A_439 : i32 to index
      %get3A_441 = arith.constant 0 : index
      %get3A_442 = tpu.vector_load %arg16[%get3A_440, %get3A_441] {strides = array<i32>} : memref<128x16xf32, #tpu.memory_space<vmem>>, vector<1x16xf32>,
      %get3A_443 = vector.shape_cast %get3A_442 : vector<1x16xf32> to vector<16xf32>
      %slice3A_444 = vector.extract_strided_slice %get3A_401 {offsets = [2], sizes = [1], strides = [1]} : vector<16xf32> to vector<1xf32>
      %squeeze3A_445 = vector.extract %slice3A_444[0] : f32 from vector<1xf32>
      %mul3A_446 = vector.broadcast %squeeze3A_445 : f32 to vector<16xf32>
      %mul3A_447 = arith.mulf %get3A_443, %mul3A_446 : vector<16xf32>
      %add3A_448 = arith.constant 2 : i32
      %add3A_449 = arith.addi %mul3A_403, %add3A_448 : i32
      %swap3A_450 = arith.index_cast %add3A_449 : i32 to index
      %swap3A_451 = arith.constant 0 : index
      %swap3A_452 = tpu.vector_load %arg16[%swap3A_450, %swap3A_451] {strides = array<i32>} : memref<128x16xf32, #tpu.memory_space<vmem>>, vector<1x16xf32>,
      %swap3A_453 = vector.shape_cast %swap3A_452 : vector<1x16xf32> to vector<16xf32>
      %swap3A_454 = vector.shape_cast %mul3A_447 : vector<16xf32> to vector<1x16xf32>
      tpu.vector_store %arg16[%swap3A_450, %swap3A_451], %swap3A_454 {strides = array<i32>} : memref<128x16xf32, #tpu.memory_space<vmem>>, vector<1x16xf32>,
      %add3A_455 = arith.constant 3 : i32
      %add3A_456 = arith.addi %mul3A_403, %add3A_455 : i32
      %get3A_457 = arith.index_cast %add3A_456 : i32 to index
      %get3A_458 = arith.constant 0 : index
      %get3A_459 = tpu.vector_load %arg16[%get3A_457, %get3A_458] {strides = array<i32>} : memref<128x16xf32, #tpu.memory_space<vmem>>, vector<1x16xf32>,
      %get3A_460 = vector.shape_cast %get3A_459 : vector<1x16xf32> to vector<16xf32>
      %slice3A_461 = vector.extract_strided_slice %get3A_401 {offsets = [3], sizes = [1], strides = [1]} : vector<16xf32> to vector<1xf32>
      %squeeze3A_462 = vector.extract %slice3A_461[0] : f32 from vector<1xf32>
      %mul3A_463 = vector.broadcast %squeeze3A_462 : f32 to vector<16xf32>
      %mul3A_464 = arith.mulf %get3A_460, %mul3A_463 : vector<16xf32>
      %add3A_465 = arith.constant 3 : i32
      %add3A_466 = arith.addi %mul3A_403, %add3A_465 : i32
      %swap3A_467 = arith.index_cast %add3A_466 : i32 to index
      %swap3A_468 = arith.constant 0 : index
      %swap3A_469 = tpu.vector_load %arg16[%swap3A_467, %swap3A_468] {strides = array<i32>} : memref<128x16xf32, #tpu.memory_space<vmem>>, vector<1x16xf32>,
      %swap3A_470 = vector.shape_cast %swap3A_469 : vector<1x16xf32> to vector<16xf32>
      %swap3A_471 = vector.shape_cast %mul3A_464 : vector<16xf32> to vector<1x16xf32>
      tpu.vector_store %arg16[%swap3A_467, %swap3A_468], %swap3A_471 {strides = array<i32>} : memref<128x16xf32, #tpu.memory_space<vmem>>, vector<1x16xf32>,
      %add3A_472 = arith.constant 4 : i32
      %add3A_473 = arith.addi %mul3A_403, %add3A_472 : i32
      %get3A_474 = arith.index_cast %add3A_473 : i32 to index
      %get3A_475 = arith.constant 0 : index
      %get3A_476 = tpu.vector_load %arg16[%get3A_474, %get3A_475] {strides = array<i32>} : memref<128x16xf32, #tpu.memory_space<vmem>>, vector<1x16xf32>,
      %get3A_477 = vector.shape_cast %get3A_476 : vector<1x16xf32> to vector<16xf32>
      %slice3A_478 = vector.extract_strided_slice %get3A_401 {offsets = [4], sizes = [1], strides = [1]} : vector<16xf32> to vector<1xf32>
      %squeeze3A_479 = vector.extract %slice3A_478[0] : f32 from vector<1xf32>
      %mul3A_480 = vector.broadcast %squeeze3A_479 : f32 to vector<16xf32>
      %mul3A_481 = arith.mulf %get3A_477, %mul3A_480 : vector<16xf32>
      %add3A_482 = arith.constant 4 : i32
      %add3A_483 = arith.addi %mul3A_403, %add3A_482 : i32
      %swap3A_484 = arith.index_cast %add3A_483 : i32 to index
      %swap3A_485 = arith.constant 0 : index
      %swap3A_486 = tpu.vector_load %arg16[%swap3A_484, %swap3A_485] {strides = array<i32>} : memref<128x16xf32, #tpu.memory_space<vmem>>, vector<1x16xf32>,
      %swap3A_487 = vector.shape_cast %swap3A_486 : vector<1x16xf32> to vector<16xf32>
      %swap3A_488 = vector.shape_cast %mul3A_481 : vector<16xf32> to vector<1x16xf32>
      tpu.vector_store %arg16[%swap3A_484, %swap3A_485], %swap3A_488 {strides = array<i32>} : memref<128x16xf32, #tpu.memory_space<vmem>>, vector<1x16xf32>,
      %add3A_489 = arith.constant 5 : i32
      %add3A_490 = arith.addi %mul3A_403, %add3A_489 : i32
      %get3A_491 = arith.index_cast %add3A_490 : i32 to index
      %get3A_492 = arith.constant 0 : index
      %get3A_493 = tpu.vector_load %arg16[%get3A_491, %get3A_492] {strides = array<i32>} : memref<128x16xf32, #tpu.memory_space<vmem>>, vector<1x16xf32>,
      %get3A_494 = vector.shape_cast %get3A_493 : vector<1x16xf32> to vector<16xf32>
      %slice3A_495 = vector.extract_strided_slice %get3A_401 {offsets = [5], sizes = [1], strides = [1]} : vector<16xf32> to vector<1xf32>
      %squeeze3A_496 = vector.extract %slice3A_495[0] : f32 from vector<1xf32>
      %mul3A_497 = vector.broadcast %squeeze3A_496 : f32 to vector<16xf32>
      %mul3A_498 = arith.mulf %get3A_494, %mul3A_497 : vector<16xf32>
      %add3A_499 = arith.constant 5 : i32
      %add3A_500 = arith.addi %mul3A_403, %add3A_499 : i32
      %swap3A_501 = arith.index_cast %add3A_500 : i32 to index
      %swap3A_502 = arith.constant 0 : index
      %swap3A_503 = tpu.vector_load %arg16[%swap3A_501, %swap3A_502] {strides = array<i32>} : memref<128x16xf32, #tpu.memory_space<vmem>>, vector<1x16xf32>,
      %swap3A_504 = vector.shape_cast %swap3A_503 : vector<1x16xf32> to vector<16xf32>
      %swap3A_505 = vector.shape_cast %mul3A_498 : vector<16xf32> to vector<1x16xf32>
      tpu.vector_store %arg16[%swap3A_501, %swap3A_502], %swap3A_505 {strides = array<i32>} : memref<128x16xf32, #tpu.memory_space<vmem>>, vector<1x16xf32>,
      %add3A_506 = arith.constant 6 : i32
      %add3A_507 = arith.addi %mul3A_403, %add3A_506 : i32
      %get3A_508 = arith.index_cast %add3A_507 : i32 to index
      %get3A_509 = arith.constant 0 : index
      %get3A_510 = tpu.vector_load %arg16[%get3A_508, %get3A_509] {strides = array<i32>} : memref<128x16xf32, #tpu.memory_space<vmem>>, vector<1x16xf32>,
      %get3A_511 = vector.shape_cast %get3A_510 : vector<1x16xf32> to vector<16xf32>
      %slice3A_512 = vector.extract_strided_slice %get3A_401 {offsets = [6], sizes = [1], strides = [1]} : vector<16xf32> to vector<1xf32>
      %squeeze3A_513 = vector.extract %slice3A_512[0] : f32 from vector<1xf32>
      %mul3A_514 = vector.broadcast %squeeze3A_513 : f32 to vector<16xf32>
      %mul3A_515 = arith.mulf %get3A_511, %mul3A_514 : vector<16xf32>
      %add3A_516 = arith.constant 6 : i32
      %add3A_517 = arith.addi %mul3A_403, %add3A_516 : i32
      %swap3A_518 = arith.index_cast %add3A_517 : i32 to index
      %swap3A_519 = arith.constant 0 : index
      %swap3A_520 = tpu.vector_load %arg16[%swap3A_518, %swap3A_519] {strides = array<i32>} : memref<128x16xf32, #tpu.memory_space<vmem>>, vector<1x16xf32>,
      %swap3A_521 = vector.shape_cast %swap3A_520 : vector<1x16xf32> to vector<16xf32>
      %swap3A_522 = vector.shape_cast %mul3A_515 : vector<16xf32> to vector<1x16xf32>
      tpu.vector_store %arg16[%swap3A_518, %swap3A_519], %swap3A_522 {strides = array<i32>} : memref<128x16xf32, #tpu.memory_space<vmem>>, vector<1x16xf32>,
      %add3A_523 = arith.constant 7 : i32
      %add3A_524 = arith.addi %mul3A_403, %add3A_523 : i32
      %get3A_525 = arith.index_cast %add3A_524 : i32 to index
      %get3A_526 = arith.constant 0 : index
      %get3A_527 = tpu.vector_load %arg16[%get3A_525, %get3A_526] {strides = array<i32>} : memref<128x16xf32, #tpu.memory_space<vmem>>, vector<1x16xf32>,
      %get3A_528 = vector.shape_cast %get3A_527 : vector<1x16xf32> to vector<16xf32>
      %slice3A_529 = vector.extract_strided_slice %get3A_401 {offsets = [7], sizes = [1], strides = [1]} : vector<16xf32> to vector<1xf32>
      %squeeze3A_530 = vector.extract %slice3A_529[0] : f32 from vector<1xf32>
      %mul3A_531 = vector.broadcast %squeeze3A_530 : f32 to vector<16xf32>
      %mul3A_532 = arith.mulf %get3A_528, %mul3A_531 : vector<16xf32>
      %add3A_533 = arith.constant 7 : i32
      %add3A_534 = arith.addi %mul3A_403, %add3A_533 : i32
      %swap3A_535 = arith.index_cast %add3A_534 : i32 to index
      %swap3A_536 = arith.constant 0 : index
      %swap3A_537 = tpu.vector_load %arg16[%swap3A_535, %swap3A_536] {strides = array<i32>} : memref<128x16xf32, #tpu.memory_space<vmem>>, vector<1x16xf32>,
      %swap3A_538 = vector.shape_cast %swap3A_537 : vector<1x16xf32> to vector<16xf32>
      %swap3A_539 = vector.shape_cast %mul3A_532 : vector<16xf32> to vector<1x16xf32>
      tpu.vector_store %arg16[%swap3A_535, %swap3A_536], %swap3A_539 {strides = array<i32>} : memref<128x16xf32, #tpu.memory_space<vmem>>, vector<1x16xf32>,
      %add3A_540 = arith.constant 8 : i32
      %add3A_541 = arith.addi %mul3A_403, %add3A_540 : i32
      %get3A_542 = arith.index_cast %add3A_541 : i32 to index
      %get3A_543 = arith.constant 0 : index
      %get3A_544 = tpu.vector_load %arg16[%get3A_542, %get3A_543] {strides = array<i32>} : memref<128x16xf32, #tpu.memory_space<vmem>>, vector<1x16xf32>,
      %get3A_545 = vector.shape_cast %get3A_544 : vector<1x16xf32> to vector<16xf32>
      %slice3A_546 = vector.extract_strided_slice %get3A_401 {offsets = [8], sizes = [1], strides = [1]} : vector<16xf32> to vector<1xf32>
      %squeeze3A_547 = vector.extract %slice3A_546[0] : f32 from vector<1xf32>
      %mul3A_548 = vector.broadcast %squeeze3A_547 : f32 to vector<16xf32>
      %mul3A_549 = arith.mulf %get3A_545, %mul3A_548 : vector<16xf32>
      %add3A_550 = arith.constant 8 : i32
      %add3A_551 = arith.addi %mul3A_403, %add3A_550 : i32
      %swap3A_552 = arith.index_cast %add3A_551 : i32 to index
      %swap3A_553 = arith.constant 0 : index
      %swap3A_554 = tpu.vector_load %arg16[%swap3A_552, %swap3A_553] {strides = array<i32>} : memref<128x16xf32, #tpu.memory_space<vmem>>, vector<1x16xf32>,
      %swap3A_555 = vector.shape_cast %swap3A_554 : vector<1x16xf32> to vector<16xf32>
      %swap3A_556 = vector.shape_cast %mul3A_549 : vector<16xf32> to vector<1x16xf32>
      tpu.vector_store %arg16[%swap3A_552, %swap3A_553], %swap3A_556 {strides = array<i32>} : memref<128x16xf32, #tpu.memory_space<vmem>>, vector<1x16xf32>,
      %add3A_557 = arith.constant 9 : i32
      %add3A_558 = arith.addi %mul3A_403, %add3A_557 : i32
      %get3A_559 = arith.index_cast %add3A_558 : i32 to index
      %get3A_560 = arith.constant 0 : index
      %get3A_561 = tpu.vector_load %arg16[%get3A_559, %get3A_560] {strides = array<i32>} : memref<128x16xf32, #tpu.memory_space<vmem>>, vector<1x16xf32>,
      %get3A_562 = vector.shape_cast %get3A_561 : vector<1x16xf32> to vector<16xf32>
      %slice3A_563 = vector.extract_strided_slice %get3A_401 {offsets = [9], sizes = [1], strides = [1]} : vector<16xf32> to vector<1xf32>
      %squeeze3A_564 = vector.extract %slice3A_563[0] : f32 from vector<1xf32>
      %mul3A_565 = vector.broadcast %squeeze3A_564 : f32 to vector<16xf32>
      %mul3A_566 = arith.mulf %get3A_562, %mul3A_565 : vector<16xf32>
      %add3A_567 = arith.constant 9 : i32
      %add3A_568 = arith.addi %mul3A_403, %add3A_567 : i32
      %swap3A_569 = arith.index_cast %add3A_568 : i32 to index
      %swap3A_570 = arith.constant 0 : index
      %swap3A_571 = tpu.vector_load %arg16[%swap3A_569, %swap3A_570] {strides = array<i32>} : memref<128x16xf32, #tpu.memory_space<vmem>>, vector<1x16xf32>,
      %swap3A_572 = vector.shape_cast %swap3A_571 : vector<1x16xf32> to vector<16xf32>
      %swap3A_573 = vector.shape_cast %mul3A_566 : vector<16xf32> to vector<1x16xf32>
      tpu.vector_store %arg16[%swap3A_569, %swap3A_570], %swap3A_573 {strides = array<i32>} : memref<128x16xf32, #tpu.memory_space<vmem>>, vector<1x16xf32>,
      %add3A_574 = arith.constant 10 : i32
      %add3A_575 = arith.addi %mul3A_403, %add3A_574 : i32
      %get3A_576 = arith.index_cast %add3A_575 : i32 to index
      %get3A_577 = arith.constant 0 : index
      %get3A_578 = tpu.vector_load %arg16[%get3A_576, %get3A_577] {strides = array<i32>} : memref<128x16xf32, #tpu.memory_space<vmem>>, vector<1x16xf32>,
      %get3A_579 = vector.shape_cast %get3A_578 : vector<1x16xf32> to vector<16xf32>
      %slice3A_580 = vector.extract_strided_slice %get3A_401 {offsets = [10], sizes = [1], strides = [1]} : vector<16xf32> to vector<1xf32>
      %squeeze3A_581 = vector.extract %slice3A_580[0] : f32 from vector<1xf32>
      %mul3A_582 = vector.broadcast %squeeze3A_581 : f32 to vector<16xf32>
      %mul3A_583 = arith.mulf %get3A_579, %mul3A_582 : vector<16xf32>
      %add3A_584 = arith.constant 10 : i32
      %add3A_585 = arith.addi %mul3A_403, %add3A_584 : i32
      %swap3A_586 = arith.index_cast %add3A_585 : i32 to index
      %swap3A_587 = arith.constant 0 : index
      %swap3A_588 = tpu.vector_load %arg16[%swap3A_586, %swap3A_587] {strides = array<i32>} : memref<128x16xf32, #tpu.memory_space<vmem>>, vector<1x16xf32>,
      %swap3A_589 = vector.shape_cast %swap3A_588 : vector<1x16xf32> to vector<16xf32>
      %swap3A_590 = vector.shape_cast %mul3A_583 : vector<16xf32> to vector<1x16xf32>
      tpu.vector_store %arg16[%swap3A_586, %swap3A_587], %swap3A_590 {strides = array<i32>} : memref<128x16xf32, #tpu.memory_space<vmem>>, vector<1x16xf32>,
      %add3A_591 = arith.constant 11 : i32
      %add3A_592 = arith.addi %mul3A_403, %add3A_591 : i32
      %get3A_593 = arith.index_cast %add3A_592 : i32 to index
      %get3A_594 = arith.constant 0 : index
      %get3A_595 = tpu.vector_load %arg16[%get3A_593, %get3A_594] {strides = array<i32>} : memref<128x16xf32, #tpu.memory_space<vmem>>, vector<1x16xf32>,
      %get3A_596 = vector.shape_cast %get3A_595 : vector<1x16xf32> to vector<16xf32>
      %slice3A_597 = vector.extract_strided_slice %get3A_401 {offsets = [11], sizes = [1], strides = [1]} : vector<16xf32> to vector<1xf32>
      %squeeze3A_598 = vector.extract %slice3A_597[0] : f32 from vector<1xf32>
      %mul3A_599 = vector.broadcast %squeeze3A_598 : f32 to vector<16xf32>
      %mul3A_600 = arith.mulf %get3A_596, %mul3A_599 : vector<16xf32>
      %add3A_601 = arith.constant 11 : i32
      %add3A_602 = arith.addi %mul3A_403, %add3A_601 : i32
      %swap3A_603 = arith.index_cast %add3A_602 : i32 to index
      %swap3A_604 = arith.constant 0 : index
      %swap3A_605 = tpu.vector_load %arg16[%swap3A_603, %swap3A_604] {strides = array<i32>} : memref<128x16xf32, #tpu.memory_space<vmem>>, vector<1x16xf32>,
      %swap3A_606 = vector.shape_cast %swap3A_605 : vector<1x16xf32> to vector<16xf32>
      %swap3A_607 = vector.shape_cast %mul3A_600 : vector<16xf32> to vector<1x16xf32>
      tpu.vector_store %arg16[%swap3A_603, %swap3A_604], %swap3A_607 {strides = array<i32>} : memref<128x16xf32, #tpu.memory_space<vmem>>, vector<1x16xf32>,
      %add3A_608 = arith.constant 12 : i32
      %add3A_609 = arith.addi %mul3A_403, %add3A_608 : i32
      %get3A_610 = arith.index_cast %add3A_609 : i32 to index
      %get3A_611 = arith.constant 0 : index
      %get3A_612 = tpu.vector_load %arg16[%get3A_610, %get3A_611] {strides = array<i32>} : memref<128x16xf32, #tpu.memory_space<vmem>>, vector<1x16xf32>,
      %get3A_613 = vector.shape_cast %get3A_612 : vector<1x16xf32> to vector<16xf32>
      %slice3A_614 = vector.extract_strided_slice %get3A_401 {offsets = [12], sizes = [1], strides = [1]} : vector<16xf32> to vector<1xf32>
      %squeeze3A_615 = vector.extract %slice3A_614[0] : f32 from vector<1xf32>
      %mul3A_616 = vector.broadcast %squeeze3A_615 : f32 to vector<16xf32>
      %mul3A_617 = arith.mulf %get3A_613, %mul3A_616 : vector<16xf32>
      %add3A_618 = arith.constant 12 : i32
      %add3A_619 = arith.addi %mul3A_403, %add3A_618 : i32
      %swap3A_620 = arith.index_cast %add3A_619 : i32 to index
      %swap3A_621 = arith.constant 0 : index
      %swap3A_622 = tpu.vector_load %arg16[%swap3A_620, %swap3A_621] {strides = array<i32>} : memref<128x16xf32, #tpu.memory_space<vmem>>, vector<1x16xf32>,
      %swap3A_623 = vector.shape_cast %swap3A_622 : vector<1x16xf32> to vector<16xf32>
      %swap3A_624 = vector.shape_cast %mul3A_617 : vector<16xf32> to vector<1x16xf32>
      tpu.vector_store %arg16[%swap3A_620, %swap3A_621], %swap3A_624 {strides = array<i32>} : memref<128x16xf32, #tpu.memory_space<vmem>>, vector<1x16xf32>,
      %add3A_625 = arith.constant 13 : i32
      %add3A_626 = arith.addi %mul3A_403, %add3A_625 : i32
      %get3A_627 = arith.index_cast %add3A_626 : i32 to index
      %get3A_628 = arith.constant 0 : index
      %get3A_629 = tpu.vector_load %arg16[%get3A_627, %get3A_628] {strides = array<i32>} : memref<128x16xf32, #tpu.memory_space<vmem>>, vector<1x16xf32>,
      %get3A_630 = vector.shape_cast %get3A_629 : vector<1x16xf32> to vector<16xf32>
      %slice3A_631 = vector.extract_strided_slice %get3A_401 {offsets = [13], sizes = [1], strides = [1]} : vector<16xf32> to vector<1xf32>
      %squeeze3A_632 = vector.extract %slice3A_631[0] : f32 from vector<1xf32>
      %mul3A_633 = vector.broadcast %squeeze3A_632 : f32 to vector<16xf32>
      %mul3A_634 = arith.mulf %get3A_630, %mul3A_633 : vector<16xf32>
      %add3A_635 = arith.constant 13 : i32
      %add3A_636 = arith.addi %mul3A_403, %add3A_635 : i32
      %swap3A_637 = arith.index_cast %add3A_636 : i32 to index
      %swap3A_638 = arith.constant 0 : index
      %swap3A_639 = tpu.vector_load %arg16[%swap3A_637, %swap3A_638] {strides = array<i32>} : memref<128x16xf32, #tpu.memory_space<vmem>>, vector<1x16xf32>,
      %swap3A_640 = vector.shape_cast %swap3A_639 : vector<1x16xf32> to vector<16xf32>
      %swap3A_641 = vector.shape_cast %mul3A_634 : vector<16xf32> to vector<1x16xf32>
      tpu.vector_store %arg16[%swap3A_637, %swap3A_638], %swap3A_641 {strides = array<i32>} : memref<128x16xf32, #tpu.memory_space<vmem>>, vector<1x16xf32>,
      %add3A_642 = arith.constant 14 : i32
      %add3A_643 = arith.addi %mul3A_403, %add3A_642 : i32
      %get3A_644 = arith.index_cast %add3A_643 : i32 to index
      %get3A_645 = arith.constant 0 : index
      %get3A_646 = tpu.vector_load %arg16[%get3A_644, %get3A_645] {strides = array<i32>} : memref<128x16xf32, #tpu.memory_space<vmem>>, vector<1x16xf32>,
      %get3A_647 = vector.shape_cast %get3A_646 : vector<1x16xf32> to vector<16xf32>
      %slice3A_648 = vector.extract_strided_slice %get3A_401 {offsets = [14], sizes = [1], strides = [1]} : vector<16xf32> to vector<1xf32>
      %squeeze3A_649 = vector.extract %slice3A_648[0] : f32 from vector<1xf32>
      %mul3A_650 = vector.broadcast %squeeze3A_649 : f32 to vector<16xf32>
      %mul3A_651 = arith.mulf %get3A_647, %mul3A_650 : vector<16xf32>
      %add3A_652 = arith.constant 14 : i32
      %add3A_653 = arith.addi %mul3A_403, %add3A_652 : i32
      %swap3A_654 = arith.index_cast %add3A_653 : i32 to index
      %swap3A_655 = arith.constant 0 : index
      %swap3A_656 = tpu.vector_load %arg16[%swap3A_654, %swap3A_655] {strides = array<i32>} : memref<128x16xf32, #tpu.memory_space<vmem>>, vector<1x16xf32>,
      %swap3A_657 = vector.shape_cast %swap3A_656 : vector<1x16xf32> to vector<16xf32>
      %swap3A_658 = vector.shape_cast %mul3A_651 : vector<16xf32> to vector<1x16xf32>
      tpu.vector_store %arg16[%swap3A_654, %swap3A_655], %swap3A_658 {strides = array<i32>} : memref<128x16xf32, #tpu.memory_space<vmem>>, vector<1x16xf32>,
      %add3A_659 = arith.constant 15 : i32
      %add3A_660 = arith.addi %mul3A_403, %add3A_659 : i32
      %get3A_661 = arith.index_cast %add3A_660 : i32 to index
      %get3A_662 = arith.constant 0 : index
      %get3A_663 = tpu.vector_load %arg16[%get3A_661, %get3A_662] {strides = array<i32>} : memref<128x16xf32, #tpu.memory_space<vmem>>, vector<1x16xf32>,
      %get3A_664 = vector.shape_cast %get3A_663 : vector<1x16xf32> to vector<16xf32>
      %slice3A_665 = vector.extract_strided_slice %get3A_401 {offsets = [15], sizes = [1], strides = [1]} : vector<16xf32> to vector<1xf32>
      %squeeze3A_666 = vector.extract %slice3A_665[0] : f32 from vector<1xf32>
      %mul3A_667 = vector.broadcast %squeeze3A_666 : f32 to vector<16xf32>
      %mul3A_668 = arith.mulf %get3A_664, %mul3A_667 : vector<16xf32>
      %add3A_669 = arith.constant 15 : i32
      %add3A_670 = arith.addi %mul3A_403, %add3A_669 : i32
      %swap3A_671 = arith.index_cast %add3A_670 : i32 to index
      %swap3A_672 = arith.constant 0 : index
      %swap3A_673 = tpu.vector_load %arg16[%swap3A_671, %swap3A_672] {strides = array<i32>} : memref<128x16xf32, #tpu.memory_space<vmem>>, vector<1x16xf32>,
      %swap3A_674 = vector.shape_cast %swap3A_673 : vector<1x16xf32> to vector<16xf32>
      %swap3A_675 = vector.shape_cast %mul3A_668 : vector<16xf32> to vector<1x16xf32>
      tpu.vector_store %arg16[%swap3A_671, %swap3A_672], %swap3A_675 {strides = array<i32>} : memref<128x16xf32, #tpu.memory_space<vmem>>, vector<1x16xf32>,
    }
    %scan3A_377 = arith.constant 8 : i32
    "tpu.region"() ({
      %run_scoped3A = tpu.sem_alloc : memref<!tpu.dma_semaphore, #tpu.memory_space<semaphore_mem>>
      %dma_start3A_396 = arith.constant 0 : i32
      %dma_start3A_397 = arith.constant 0 : i32
      %dma_start3A_398 = tpu.memref_slice %arg34[%dma_start3A_396, %dma_start3A_397] : memref<100000x16xf32, #tpu.memory_space<vmem_shared>> -> memref<100000x16xf32, #tpu.memory_space<vmem_shared>>
      tpu.enqueue_indirect_dma source(%arg16 : memref<128x16xf32, #tpu.memory_space<vmem>>) target(%dma_start3A_398 : memref<100000x16xf32, #tpu.memory_space<vmem_shared>>) offsets(%arg12 : memref<128xi32, #tpu.memory_space<vmem>>) semaphore(%run_scoped3A : memref<!tpu.dma_semaphore, #tpu.memory_space<semaphore_mem>>) {add = true}
      %dma_wait3A_399 = arith.constant 0 : i32
      %dma_wait3A_400 = arith.constant 0 : i32
      %dma_wait3A_401 = tpu.memref_slice %arg34[%dma_wait3A_399, %dma_wait3A_400] : memref<100000x16xf32, #tpu.memory_space<vmem_shared>> -> memref<100000x16xf32, #tpu.memory_space<vmem_shared>>
      tpu.wait_indirect_dma semaphore(%run_scoped3A : memref<!tpu.dma_semaphore, #tpu.memory_space<semaphore_mem>>) src(%arg16 : memref<128x16xf32, #tpu.memory_space<vmem>>) dst(%dma_wait3A_401 : memref<100000x16xf32, #tpu.memory_space<vmem_shared>>)
      tpu.yield
    }) : () -> ()
    %eq3A_378 = arith.constant 0 : i32
    %eq3A_379 = arith.cmpi eq, %arg0, %eq3A_378 : i32
    %convert_element_type3A_380 = arith.extui %eq3A_379 : i1 to i32
    %cond3A_381 = arith.constant 0 : i32
    %cond3A_382 = arith.cmpi ne, %convert_element_type3A_380, %cond3A_381 : i32
    scf.if %cond3A_382 {
      "tpu.region"() ({
        %run_scoped3A = tpu.sem_alloc : memref<!tpu.dma_semaphore, #tpu.memory_space<semaphore_mem>>
        %dma_start3A_396 = arith.constant 0 : i32
        %dma_start3A_397 = tpu.memref_slice %arg35[%dma_start3A_396] : memref<100000xf32, #tpu.memory_space<vmem_shared>> -> memref<100000xf32, #tpu.memory_space<vmem_shared>>
        tpu.enqueue_indirect_dma source(%arg15 : memref<128xf32, #tpu.memory_space<vmem>>) target(%dma_start3A_397 : memref<100000xf32, #tpu.memory_space<vmem_shared>>) offsets(%arg12 : memref<128xi32, #tpu.memory_space<vmem>>) semaphore(%run_scoped3A : memref<!tpu.dma_semaphore, #tpu.memory_space<semaphore_mem>>) {add = true}
        %dma_wait3A_398 = arith.constant 0 : i32
        %dma_wait3A_399 = tpu.memref_slice %arg35[%dma_wait3A_398] : memref<100000xf32, #tpu.memory_space<vmem_shared>> -> memref<100000xf32, #tpu.memory_space<vmem_shared>>
        tpu.wait_indirect_dma semaphore(%run_scoped3A : memref<!tpu.dma_semaphore, #tpu.memory_space<semaphore_mem>>) src(%arg15 : memref<128xf32, #tpu.memory_space<vmem>>) dst(%dma_wait3A_399 : memref<100000xf32, #tpu.memory_space<vmem_shared>>)
        tpu.yield
      }) : () -> ()
    } else {
    }
    %barrier3A_383 = arith.constant 0 : index
    tpu.barrier barrier_id(%barrier3A_383)
    %lt3A_384 = arith.constant 10 : i32
    %lt3A_385 = arith.cmpi slt, %arg1, %lt3A_384 : i32
    %convert_element_type3A_386 = arith.extui %lt3A_385 : i1 to i32
    %cond3A_387 = arith.constant 0 : i32
    %cond3A_388 = arith.cmpi ne, %convert_element_type3A_386, %cond3A_387 : i32
    scf.if %cond3A_388 {
      %mul3A_396 = arith.constant 10000 : i32
      %mul3A_397 = arith.muli %arg1, %mul3A_396 : i32
      %mul3A_398 = arith.constant 100000 : i32
      %mul3A_399 = arith.muli %arg0, %mul3A_398 : i32
      %add3A_400 = arith.addi %mul3A_399, %mul3A_397 : i32
      "tpu.region"() ({
        %run_scoped3A = tpu.sem_alloc : memref<!tpu.dma_semaphore, #tpu.memory_space<semaphore_mem>>
        %dma_start3A_401 = arith.constant 0 : i32
        %dma_start3A_402 = tpu.memref_slice %arg8[%add3A_400, %dma_start3A_401] : memref<200000x16xf32, #tpu.memory_space<hbm>> -> memref<10000x16xf32, #tpu.memory_space<hbm>>
        %dma_start3A_403 = arith.constant 0 : i32
        %dma_start3A_404 = tpu.memref_slice %arg34[%mul3A_397, %dma_start3A_403] : memref<100000x16xf32, #tpu.memory_space<vmem_shared>> -> memref<10000x16xf32, #tpu.memory_space<vmem_shared>>
        tpu.enqueue_dma source(%dma_start3A_404 : memref<10000x16xf32, #tpu.memory_space<vmem_shared>>) target(%dma_start3A_402 : memref<10000x16xf32, #tpu.memory_space<hbm>>) target_semaphore(%run_scoped3A : memref<!tpu.dma_semaphore, #tpu.memory_space<semaphore_mem>>)
        %dma_wait3A_405 = arith.constant 0 : i32
        %dma_wait3A_406 = tpu.memref_slice %arg8[%add3A_400, %dma_wait3A_405] : memref<200000x16xf32, #tpu.memory_space<hbm>> -> memref<10000x16xf32, #tpu.memory_space<hbm>>
        %dma_wait3A_407 = arith.constant 0 : i32
        %dma_wait3A_408 = tpu.memref_slice %arg34[%mul3A_397, %dma_wait3A_407] : memref<100000x16xf32, #tpu.memory_space<vmem_shared>> -> memref<10000x16xf32, #tpu.memory_space<vmem_shared>>
        tpu.wait_dma2 semaphore(%run_scoped3A : memref<!tpu.dma_semaphore, #tpu.memory_space<semaphore_mem>>) src(%dma_wait3A_408 : memref<10000x16xf32, #tpu.memory_space<vmem_shared>>) dst(%dma_wait3A_406 : memref<10000x16xf32, #tpu.memory_space<hbm>>)
        tpu.yield
      }) : () -> ()
    } else {
    }
    %lt3A_389 = arith.constant 10 : i32
    %lt3A_390 = arith.cmpi slt, %arg1, %lt3A_389 : i32
    %eq3A_391 = arith.constant 0 : i32
    %eq3A_392 = arith.cmpi eq, %arg0, %eq3A_391 : i32
    %and3A = arith.andi %lt3A_390, %eq3A_392 : i1
    %convert_element_type3A_393 = arith.extui %and3A : i1 to i32
    %cond3A_394 = arith.constant 0 : i32
    %cond3A_395 = arith.cmpi ne, %convert_element_type3A_393, %cond3A_394 : i32
    scf.if %cond3A_395 {
      %mul3A_396 = arith.constant 10000 : i32
      %mul3A_397 = arith.muli %arg1, %mul3A_396 : i32
      %mul3A_398 = arith.constant 100000 : i32
      %mul3A_399 = arith.muli %arg0, %mul3A_398 : i32
      %add3A_400 = arith.addi %mul3A_399, %mul3A_397 : i32
      "tpu.region"() ({
        %run_scoped3A = tpu.sem_alloc : memref<!tpu.dma_semaphore, #tpu.memory_space<semaphore_mem>>
        %dma_start3A_401 = tpu.memref_slice %arg9[%add3A_400] : memref<200000xf32, #tpu.memory_space<hbm>> -> memref<10000xf32, #tpu.memory_space<hbm>>
        %dma_start3A_402 = tpu.memref_slice %arg35[%mul3A_397] : memref<100000xf32, #tpu.memory_space<vmem_shared>> -> memref<10000xf32, #tpu.memory_space<vmem_shared>>
        tpu.enqueue_dma source(%dma_start3A_402 : memref<10000xf32, #tpu.memory_space<vmem_shared>>) target(%dma_start3A_401 : memref<10000xf32, #tpu.memory_space<hbm>>) target_semaphore(%run_scoped3A : memref<!tpu.dma_semaphore, #tpu.memory_space<semaphore_mem>>)
        %dma_wait3A_403 = tpu.memref_slice %arg9[%add3A_400] : memref<200000xf32, #tpu.memory_space<hbm>> -> memref<10000xf32, #tpu.memory_space<hbm>>
        %dma_wait3A_404 = tpu.memref_slice %arg35[%mul3A_397] : memref<100000xf32, #tpu.memory_space<vmem_shared>> -> memref<10000xf32, #tpu.memory_space<vmem_shared>>
        tpu.wait_dma2 semaphore(%run_scoped3A : memref<!tpu.dma_semaphore, #tpu.memory_space<semaphore_mem>>) src(%dma_wait3A_404 : memref<10000xf32, #tpu.memory_space<vmem_shared>>) dst(%dma_wait3A_403 : memref<10000xf32, #tpu.memory_space<hbm>>)
        tpu.yield
      }) : () -> ()
    } else {
    }
    return
  }
}

module attributes {stable_mosaic.version = 14 : i64} {
  func.func @_prep1_body(%arg0: i32, %arg1: memref<2000x7xf32, #tpu.memory_space<vmem>>, %arg2: memref<7x16xf32, #tpu.memory_space<vmem>>, %arg3: memref<1x16xf32, #tpu.memory_space<vmem>>, %arg4: memref<1x16xf32, #tpu.memory_space<vmem>>, %arg5: memref<2000x16xf32, #tpu.memory_space<vmem>>, %arg6: memref<2000x1xf32, #tpu.memory_space<vmem>>, %arg7: memref<2000x1xf32, #tpu.memory_space<vmem>>, %arg8: memref<1x1xf32, #tpu.memory_space<vmem>>, %arg9: memref<1x1xf32, #tpu.memory_space<vmem>>) attributes {dimension_semantics = [#tpu.dimension_semantics<arbitrary>], iteration_bounds = array<i64: 50>, scalar_prefetch = 0 : i64, scratch_operands = 0 : i64, tpu.core_type = #tpu.core_type<tc>, window_params = [{transform_indices = @transform_0, window_bounds = array<i64: 2000, 7>}, {pipeline_mode = #tpu.pipeline_mode<synchronous>, transform_indices = @transform_1, window_bounds = array<i64: 7, 16>}, {pipeline_mode = #tpu.pipeline_mode<synchronous>, transform_indices = @transform_2, window_bounds = array<i64: 1, 16>}, {pipeline_mode = #tpu.pipeline_mode<synchronous>, transform_indices = @transform_3, window_bounds = array<i64: 1, 16>}, {transform_indices = @transform_4, window_bounds = array<i64: 2000, 16>}, {transform_indices = @transform_5, window_bounds = array<i64: 2000, 1>}, {transform_indices = @transform_6, window_bounds = array<i64: 2000, 1>}, {pipeline_mode = #tpu.pipeline_mode<synchronous>, transform_indices = @transform_7, window_bounds = array<i64: 1, 1>}, {pipeline_mode = #tpu.pipeline_mode<synchronous>, transform_indices = @transform_8, window_bounds = array<i64: 1, 1>}]} {
    %get3A = arith.constant 0 : index
    %get3A_0 = arith.constant 0 : index
    %get3A_1 = vector.load %arg1[%get3A, %get3A_0] : memref<2000x7xf32, #tpu.memory_space<vmem>>, vector<2000x7xf32>
    %get3A_2 = arith.constant 0 : index
    %get3A_3 = arith.constant 0 : index
    %get3A_4 = vector.load %arg2[%get3A_2, %get3A_3] : memref<7x16xf32, #tpu.memory_space<vmem>>, vector<7x16xf32>
    %dot_general3A = arith.constant dense<0.000000e+00> : vector<2000x16xf32>
    %dot_general3A_5 = tpu.matmul %get3A_1, %get3A_4, %dot_general3A {dimension_numbers = #tpu.dot_dimension_numbers<[1], [0], [0], [1], [0, 0, 1, 1], [], []>, transpose_lhs_hint = false} : vector<2000x7xf32>, vector<7x16xf32>, vector<2000x16xf32> -> vector<2000x16xf32>
    %swap3A = arith.constant 0 : index
    %swap3A_6 = arith.constant 0 : index
    %swap3A_7 = vector.load %arg5[%swap3A, %swap3A_6] : memref<2000x16xf32, #tpu.memory_space<vmem>>, vector<2000x16xf32>
    tpu.vector_store %arg5[%swap3A, %swap3A_6], %dot_general3A_5 {strides = array<i32>} : memref<2000x16xf32, #tpu.memory_space<vmem>>, vector<2000x16xf32>,
    %get3A_8 = arith.constant 0 : index
    %get3A_9 = arith.constant 0 : index
    %get3A_10 = vector.load %arg3[%get3A_8, %get3A_9] : memref<1x16xf32, #tpu.memory_space<vmem>>, vector<1x16xf32>
    %mul3A = vector.broadcast %get3A_10 : vector<1x16xf32> to vector<2000x16xf32>
    %mul3A_11 = arith.mulf %dot_general3A_5, %mul3A : vector<2000x16xf32>
    %reduce_sum3A = arith.constant dense<0.000000e+00> : vector<2000xf32>
    %reduce_sum3A_12 = vector.multi_reduction <add>, %mul3A_11, %reduce_sum3A [1] : vector<2000x16xf32> to vector<2000xf32>
    %broadcast_in_dim3A = vector.shape_cast %reduce_sum3A_12 : vector<2000xf32> to vector<2000x1xf32>
    %get3A_13 = arith.constant 0 : index
    %get3A_14 = arith.constant 0 : index
    %get3A_15 = vector.load %arg4[%get3A_13, %get3A_14] : memref<1x16xf32, #tpu.memory_space<vmem>>, vector<1x16xf32>
    %mul3A_16 = vector.broadcast %get3A_15 : vector<1x16xf32> to vector<2000x16xf32>
    %mul3A_17 = arith.mulf %dot_general3A_5, %mul3A_16 : vector<2000x16xf32>
    %reduce_sum3A_18 = arith.constant dense<0.000000e+00> : vector<2000xf32>
    %reduce_sum3A_19 = vector.multi_reduction <add>, %mul3A_17, %reduce_sum3A_18 [1] : vector<2000x16xf32> to vector<2000xf32>
    %broadcast_in_dim3A_20 = vector.shape_cast %reduce_sum3A_19 : vector<2000xf32> to vector<2000x1xf32>
    %swap3A_21 = arith.constant 0 : index
    %swap3A_22 = arith.constant 0 : index
    %swap3A_23 = vector.load %arg6[%swap3A_21, %swap3A_22] : memref<2000x1xf32, #tpu.memory_space<vmem>>, vector<2000x1xf32>
    tpu.vector_store %arg6[%swap3A_21, %swap3A_22], %broadcast_in_dim3A {strides = array<i32>} : memref<2000x1xf32, #tpu.memory_space<vmem>>, vector<2000x1xf32>,
    %swap3A_24 = arith.constant 0 : index
    %swap3A_25 = arith.constant 0 : index
    %swap3A_26 = vector.load %arg7[%swap3A_24, %swap3A_25] : memref<2000x1xf32, #tpu.memory_space<vmem>>, vector<2000x1xf32>
    tpu.vector_store %arg7[%swap3A_24, %swap3A_25], %broadcast_in_dim3A_20 {strides = array<i32>} : memref<2000x1xf32, #tpu.memory_space<vmem>>, vector<2000x1xf32>,
    %reduce_max3A = vector.shape_cast %broadcast_in_dim3A : vector<2000x1xf32> to vector<1x2000x1xf32>
    %reduce_max3A_27 = arith.constant dense<0xFF800000> : vector<1xf32>
    %reduce_max3A_28 = vector.multi_reduction <maximumf>, %reduce_max3A, %reduce_max3A_27 [1, 2] : vector<1x2000x1xf32> to vector<1xf32>
    %reduce_max3A_29 = vector.shape_cast %reduce_max3A_28 : vector<1xf32> to vector<1x1x1xf32>
    %reduce_max3A_30 = vector.extract %reduce_max3A_29[0, 0, 0] : f32 from vector<1x1x1xf32>
    %reshape3A = vector.broadcast %reduce_max3A_30 : f32 to vector<1x1xf32>
    %reduce_max3A_31 = vector.shape_cast %broadcast_in_dim3A_20 : vector<2000x1xf32> to vector<1x2000x1xf32>
    %reduce_max3A_32 = arith.constant dense<0xFF800000> : vector<1xf32>
    %reduce_max3A_33 = vector.multi_reduction <maximumf>, %reduce_max3A_31, %reduce_max3A_32 [1, 2] : vector<1x2000x1xf32> to vector<1xf32>
    %reduce_max3A_34 = vector.shape_cast %reduce_max3A_33 : vector<1xf32> to vector<1x1x1xf32>
    %reduce_max3A_35 = vector.extract %reduce_max3A_34[0, 0, 0] : f32 from vector<1x1x1xf32>
    %reshape3A_36 = vector.broadcast %reduce_max3A_35 : f32 to vector<1x1xf32>
    %eq3A = arith.constant 0 : i32
    %eq3A_37 = arith.cmpi eq, %arg0, %eq3A : i32
    %convert_element_type3A = arith.extui %eq3A_37 : i1 to i32
    %cond3A = arith.constant 0 : i32
    %cond3A_38 = arith.cmpi ne, %convert_element_type3A, %cond3A : i32
    scf.if %cond3A_38 {
      %swap3A_43 = arith.constant 0 : index
      %swap3A_44 = arith.constant 0 : index
      %swap3A_45 = vector.load %arg8[%swap3A_43, %swap3A_44] : memref<1x1xf32, #tpu.memory_space<vmem>>, vector<1x1xf32>
      tpu.vector_store %arg8[%swap3A_43, %swap3A_44], %reshape3A {strides = array<i32>} : memref<1x1xf32, #tpu.memory_space<vmem>>, vector<1x1xf32>,
      %swap3A_46 = arith.constant 0 : index
      %swap3A_47 = arith.constant 0 : index
      %swap3A_48 = vector.load %arg9[%swap3A_46, %swap3A_47] : memref<1x1xf32, #tpu.memory_space<vmem>>, vector<1x1xf32>
      tpu.vector_store %arg9[%swap3A_46, %swap3A_47], %reshape3A_36 {strides = array<i32>} : memref<1x1xf32, #tpu.memory_space<vmem>>, vector<1x1xf32>,
    } else {
    }
    %gt3A = arith.constant 0 : i32
    %gt3A_39 = arith.cmpi sgt, %arg0, %gt3A : i32
    %convert_element_type3A_40 = arith.extui %gt3A_39 : i1 to i32
    %cond3A_41 = arith.constant 0 : i32
    %cond3A_42 = arith.cmpi ne, %convert_element_type3A_40, %cond3A_41 : i32
    scf.if %cond3A_42 {
      %get3A_43 = arith.constant 0 : index
      %get3A_44 = arith.constant 0 : index
      %get3A_45 = vector.load %arg8[%get3A_43, %get3A_44] : memref<1x1xf32, #tpu.memory_space<vmem>>, vector<1x1xf32>
      %max3A = arith.maximumf %get3A_45, %reshape3A : vector<1x1xf32>
      %swap3A_46 = arith.constant 0 : index
      %swap3A_47 = arith.constant 0 : index
      %swap3A_48 = vector.load %arg8[%swap3A_46, %swap3A_47] : memref<1x1xf32, #tpu.memory_space<vmem>>, vector<1x1xf32>
      tpu.vector_store %arg8[%swap3A_46, %swap3A_47], %max3A {strides = array<i32>} : memref<1x1xf32, #tpu.memory_space<vmem>>, vector<1x1xf32>,
      %get3A_49 = arith.constant 0 : index
      %get3A_50 = arith.constant 0 : index
      %get3A_51 = vector.load %arg9[%get3A_49, %get3A_50] : memref<1x1xf32, #tpu.memory_space<vmem>>, vector<1x1xf32>
      %max3A_52 = arith.maximumf %get3A_51, %reshape3A_36 : vector<1x1xf32>
      %swap3A_53 = arith.constant 0 : index
      %swap3A_54 = arith.constant 0 : index
      %swap3A_55 = vector.load %arg9[%swap3A_53, %swap3A_54] : memref<1x1xf32, #tpu.memory_space<vmem>>, vector<1x1xf32>
      tpu.vector_store %arg9[%swap3A_53, %swap3A_54], %max3A_52 {strides = array<i32>} : memref<1x1xf32, #tpu.memory_space<vmem>>, vector<1x1xf32>,
    } else {
    }
    return
  }
  func.func @transform_0(%arg0: i32) -> (i32, i32) {
    %c0_i32 = arith.constant 0 : i32
    %c0_i32_0 = arith.constant 0 : i32
    return %arg0, %c0_i32 : i32, i32
  }
  func.func @transform_1(%arg0: i32) -> (i32, i32) {
    %c0_i32 = arith.constant 0 : i32
    %c0_i32_0 = arith.constant 0 : i32
    %c0_i32_1 = arith.constant 0 : i32
    return %c0_i32, %c0_i32_0 : i32, i32
  }
  func.func @transform_2(%arg0: i32) -> (i32, i32) {
    %c0_i32 = arith.constant 0 : i32
    %c0_i32_0 = arith.constant 0 : i32
    %c0_i32_1 = arith.constant 0 : i32
    return %c0_i32, %c0_i32_0 : i32, i32
  }
  func.func @transform_3(%arg0: i32) -> (i32, i32) {
    %c0_i32 = arith.constant 0 : i32
    %c0_i32_0 = arith.constant 0 : i32
    %c0_i32_1 = arith.constant 0 : i32
    return %c0_i32, %c0_i32_0 : i32, i32
  }
  func.func @transform_4(%arg0: i32) -> (i32, i32) {
    %c0_i32 = arith.constant 0 : i32
    %c0_i32_0 = arith.constant 0 : i32
    return %arg0, %c0_i32 : i32, i32
  }
  func.func @transform_5(%arg0: i32) -> (i32, i32) {
    %c0_i32 = arith.constant 0 : i32
    %c0_i32_0 = arith.constant 0 : i32
    return %arg0, %c0_i32 : i32, i32
  }
  func.func @transform_6(%arg0: i32) -> (i32, i32) {
    %c0_i32 = arith.constant 0 : i32
    %c0_i32_0 = arith.constant 0 : i32
    return %arg0, %c0_i32 : i32, i32
  }
  func.func @transform_7(%arg0: i32) -> (i32, i32) {
    %c0_i32 = arith.constant 0 : i32
    %c0_i32_0 = arith.constant 0 : i32
    %c0_i32_1 = arith.constant 0 : i32
    return %c0_i32, %c0_i32_0 : i32, i32
  }
  func.func @transform_8(%arg0: i32) -> (i32, i32) {
    %c0_i32 = arith.constant 0 : i32
    %c0_i32_0 = arith.constant 0 : i32
    %c0_i32_1 = arith.constant 0 : i32
    return %c0_i32, %c0_i32_0 : i32, i32
  }
}

module attributes {stable_mosaic.version = 14 : i64} {
  func.func @_mid_body(%arg0: i32, %arg1: memref<2x2000x16xf32, #tpu.memory_space<vmem>>, %arg2: memref<2x2000x1xf32, #tpu.memory_space<vmem>>, %arg3: memref<2000x16xf32, #tpu.memory_space<vmem>>, %arg4: memref<2000x1xf32, #tpu.memory_space<vmem>>, %arg5: memref<2000x1xf32, #tpu.memory_space<vmem>>, %arg6: memref<1x1xf32, #tpu.memory_space<vmem>>, %arg7: memref<1x16xf32, #tpu.memory_space<vmem>>, %arg8: memref<16x32xf32, #tpu.memory_space<vmem>>, %arg9: memref<1x32xf32, #tpu.memory_space<vmem>>, %arg10: memref<1x32xf32, #tpu.memory_space<vmem>>, %arg11: memref<2x2000x16xf32, #tpu.memory_space<vmem>>, %arg12: memref<2000x1xf32, #tpu.memory_space<vmem>>, %arg13: memref<2000x1xf32, #tpu.memory_space<vmem>>, %arg14: memref<1x1xf32, #tpu.memory_space<vmem>>, %arg15: memref<1x1xf32, #tpu.memory_space<vmem>>) attributes {dimension_semantics = [#tpu.dimension_semantics<arbitrary>], iteration_bounds = array<i64: 50>, scalar_prefetch = 0 : i64, scratch_operands = 0 : i64, tpu.core_type = #tpu.core_type<tc>, window_params = [{transform_indices = @transform_0, window_bounds = array<i64: 2, 2000, 16>}, {transform_indices = @transform_1, window_bounds = array<i64: 2, 2000, 1>}, {transform_indices = @transform_2, window_bounds = array<i64: 2000, 16>}, {transform_indices = @transform_3, window_bounds = array<i64: 2000, 1>}, {transform_indices = @transform_4, window_bounds = array<i64: 2000, 1>}, {pipeline_mode = #tpu.pipeline_mode<synchronous>, transform_indices = @transform_5, window_bounds = array<i64: 1, 1>}, {pipeline_mode = #tpu.pipeline_mode<synchronous>, transform_indices = @transform_6, window_bounds = array<i64: 1, 16>}, {pipeline_mode = #tpu.pipeline_mode<synchronous>, transform_indices = @transform_7, window_bounds = array<i64: 16, 32>}, {pipeline_mode = #tpu.pipeline_mode<synchronous>, transform_indices = @transform_8, window_bounds = array<i64: 1, 32>}, {pipeline_mode = #tpu.pipeline_mode<synchronous>, transform_indices = @transform_9, window_bounds = array<i64: 1, 32>}, {transform_indices = @transform_10, window_bounds = array<i64: 2, 2000, 16>}, {transform_indices = @transform_11, window_bounds = array<i64: 2000, 1>}, {transform_indices = @transform_12, window_bounds = array<i64: 2000, 1>}, {pipeline_mode = #tpu.pipeline_mode<synchronous>, transform_indices = @transform_13, window_bounds = array<i64: 1, 1>}, {pipeline_mode = #tpu.pipeline_mode<synchronous>, transform_indices = @transform_14, window_bounds = array<i64: 1, 1>}]} {
    %get3A = arith.constant 0 : index
    %get3A_0 = arith.constant 0 : index
    %get3A_1 = vector.load %arg4[%get3A, %get3A_0] : memref<2000x1xf32, #tpu.memory_space<vmem>>, vector<2000x1xf32>
    %get3A_2 = arith.constant 0 : index
    %get3A_3 = arith.constant 0 : index
    %get3A_4 = vector.load %arg5[%get3A_2, %get3A_3] : memref<2000x1xf32, #tpu.memory_space<vmem>>, vector<2000x1xf32>
    %add3A = arith.addf %get3A_1, %get3A_4 : vector<2000x1xf32>
    %gt3A = arith.constant 0.000000e+00 : f32
    %gt3A_5 = vector.broadcast %gt3A : f32 to vector<2000x1xf32>
    %gt3A_6 = arith.cmpf ogt, %add3A, %gt3A_5 : vector<2000x1xf32>
    %mul3A = arith.constant 2.000000e-01 : f32
    %mul3A_7 = vector.broadcast %mul3A : f32 to vector<2000x1xf32>
    %mul3A_8 = arith.mulf %mul3A_7, %add3A : vector<2000x1xf32>
    %select_n3A = arith.select %gt3A_6, %add3A, %mul3A_8 : vector<2000x1xi1>, vector<2000x1xf32>
    %get3A_9 = arith.constant 0 : index
    %get3A_10 = arith.constant 0 : index
    %get3A_11 = vector.load %arg6[%get3A_9, %get3A_10] : memref<1x1xf32, #tpu.memory_space<vmem>>, vector<1x1xf32>
    %get3A_12 = vector.extract %get3A_11[0, 0] : f32 from vector<1x1xf32>
    %sub3A = vector.broadcast %get3A_12 : f32 to vector<2000x1xf32>
    %sub3A_13 = arith.subf %select_n3A, %sub3A : vector<2000x1xf32>
    %exp3A = math.exp %sub3A_13 : vector<2000x1xf32>
    %get3A_14 = arith.constant 0 : index
    %get3A_15 = arith.constant 0 : index
    %get3A_16 = arith.constant 0 : index
    %get3A_17 = vector.load %arg1[%get3A_14, %get3A_15, %get3A_16] : memref<2x2000x16xf32, #tpu.memory_space<vmem>>, vector<1x2000x16xf32>
    %get3A_18 = vector.shape_cast %get3A_17 : vector<1x2000x16xf32> to vector<2000x16xf32>
    %get3A_19 = arith.constant 1 : index
    %get3A_20 = arith.constant 0 : index
    %get3A_21 = arith.constant 0 : index
    %get3A_22 = vector.load %arg1[%get3A_19, %get3A_20, %get3A_21] : memref<2x2000x16xf32, #tpu.memory_space<vmem>>, vector<1x2000x16xf32>
    %get3A_23 = vector.shape_cast %get3A_22 : vector<1x2000x16xf32> to vector<2000x16xf32>
    %add3A_24 = arith.addf %get3A_18, %get3A_23 : vector<2000x16xf32>
    %get3A_25 = arith.constant 0 : index
    %get3A_26 = arith.constant 0 : index
    %get3A_27 = vector.load %arg3[%get3A_25, %get3A_26] : memref<2000x16xf32, #tpu.memory_space<vmem>>, vector<2000x16xf32>
    %mul3A_28 = vector.broadcast %exp3A : vector<2000x1xf32> to vector<2000x16xf32>
    %mul3A_29 = arith.mulf %mul3A_28, %get3A_27 : vector<2000x16xf32>
    %add3A_30 = arith.addf %add3A_24, %mul3A_29 : vector<2000x16xf32>
    %get3A_31 = arith.constant 0 : index
    %get3A_32 = arith.constant 0 : index
    %get3A_33 = arith.constant 0 : index
    %get3A_34 = vector.load %arg2[%get3A_31, %get3A_32, %get3A_33] : memref<2x2000x1xf32, #tpu.memory_space<vmem>>, vector<1x2000x1xf32>
    %get3A_35 = vector.shape_cast %get3A_34 : vector<1x2000x1xf32> to vector<2000x1xf32>
    %get3A_36 = arith.constant 1 : index
    %get3A_37 = arith.constant 0 : index
    %get3A_38 = arith.constant 0 : index
    %get3A_39 = vector.load %arg2[%get3A_36, %get3A_37, %get3A_38] : memref<2x2000x1xf32, #tpu.memory_space<vmem>>, vector<1x2000x1xf32>
    %get3A_40 = vector.shape_cast %get3A_39 : vector<1x2000x1xf32> to vector<2000x1xf32>
    %add3A_41 = arith.addf %get3A_35, %get3A_40 : vector<2000x1xf32>
    %add3A_42 = arith.addf %add3A_41, %exp3A : vector<2000x1xf32>
    %add3A_43 = arith.constant 1.000000e-16 : f32
    %add3A_44 = vector.broadcast %add3A_43 : f32 to vector<2000x1xf32>
    %add3A_45 = arith.addf %add3A_42, %add3A_44 : vector<2000x1xf32>
    %div3A = vector.broadcast %add3A_45 : vector<2000x1xf32> to vector<2000x16xf32>
    %div3A_46 = arith.divf %add3A_30, %div3A : vector<2000x16xf32>
    %get3A_47 = arith.constant 0 : index
    %get3A_48 = arith.constant 0 : index
    %get3A_49 = vector.load %arg7[%get3A_47, %get3A_48] : memref<1x16xf32, #tpu.memory_space<vmem>>, vector<1x16xf32>
    %add3A_50 = vector.broadcast %get3A_49 : vector<1x16xf32> to vector<2000x16xf32>
    %add3A_51 = arith.addf %div3A_46, %add3A_50 : vector<2000x16xf32>
    %max3A = arith.constant 0.000000e+00 : f32
    %max3A_52 = vector.broadcast %max3A : f32 to vector<2000x16xf32>
    %max3A_53 = arith.maximumf %add3A_51, %max3A_52 : vector<2000x16xf32>
    %get3A_54 = arith.constant 0 : index
    %get3A_55 = arith.constant 0 : index
    %get3A_56 = vector.load %arg8[%get3A_54, %get3A_55] : memref<16x32xf32, #tpu.memory_space<vmem>>, vector<16x32xf32>
    %dot_general3A = arith.constant dense<0.000000e+00> : vector<2000x32xf32>
    %dot_general3A_57 = tpu.matmul %max3A_53, %get3A_56, %dot_general3A {dimension_numbers = #tpu.dot_dimension_numbers<[1], [0], [0], [1], [0, 0, 1, 1], [], []>, transpose_lhs_hint = false} : vector<2000x16xf32>, vector<16x32xf32>, vector<2000x32xf32> -> vector<2000x32xf32>
    %get3A_58 = arith.constant 0 : index
    %get3A_59 = arith.constant 0 : index
    %get3A_60 = vector.load %arg9[%get3A_58, %get3A_59] : memref<1x32xf32, #tpu.memory_space<vmem>>, vector<1x32xf32>
    %mul3A_61 = vector.broadcast %get3A_60 : vector<1x32xf32> to vector<2000x32xf32>
    %mul3A_62 = arith.mulf %dot_general3A_57, %mul3A_61 : vector<2000x32xf32>
    %reduce_sum3A = arith.constant dense<0.000000e+00> : vector<2000xf32>
    %reduce_sum3A_63 = vector.multi_reduction <add>, %mul3A_62, %reduce_sum3A [1] : vector<2000x32xf32> to vector<2000xf32>
    %broadcast_in_dim3A = vector.shape_cast %reduce_sum3A_63 : vector<2000xf32> to vector<2000x1xf32>
    %get3A_64 = arith.constant 0 : index
    %get3A_65 = arith.constant 0 : index
    %get3A_66 = vector.load %arg10[%get3A_64, %get3A_65] : memref<1x32xf32, #tpu.memory_space<vmem>>, vector<1x32xf32>
    %mul3A_67 = vector.broadcast %get3A_66 : vector<1x32xf32> to vector<2000x32xf32>
    %mul3A_68 = arith.mulf %dot_general3A_57, %mul3A_67 : vector<2000x32xf32>
    %reduce_sum3A_69 = arith.constant dense<0.000000e+00> : vector<2000xf32>
    %reduce_sum3A_70 = vector.multi_reduction <add>, %mul3A_68, %reduce_sum3A_69 [1] : vector<2000x32xf32> to vector<2000xf32>
    %broadcast_in_dim3A_71 = vector.shape_cast %reduce_sum3A_70 : vector<2000xf32> to vector<2000x1xf32>
    %slice3A = vector.extract_strided_slice %dot_general3A_57 {offsets = [0, 0], sizes = [2000, 16], strides = [1, 1]} : vector<2000x32xf32> to vector<2000x16xf32>
    %swap3A = arith.constant 0 : index
    %swap3A_72 = arith.constant 0 : index
    %swap3A_73 = arith.constant 0 : index
    %swap3A_74 = vector.load %arg11[%swap3A, %swap3A_72, %swap3A_73] : memref<2x2000x16xf32, #tpu.memory_space<vmem>>, vector<1x2000x16xf32>
    %swap3A_75 = vector.shape_cast %swap3A_74 : vector<1x2000x16xf32> to vector<2000x16xf32>
    %swap3A_76 = vector.shape_cast %slice3A : vector<2000x16xf32> to vector<1x2000x16xf32>
    tpu.vector_store %arg11[%swap3A, %swap3A_72, %swap3A_73], %swap3A_76 {strides = array<i32>} : memref<2x2000x16xf32, #tpu.memory_space<vmem>>, vector<1x2000x16xf32>,
    %slice3A_77 = vector.extract_strided_slice %dot_general3A_57 {offsets = [0, 16], sizes = [2000, 16], strides = [1, 1]} : vector<2000x32xf32> to vector<2000x16xf32>
    %swap3A_78 = arith.constant 1 : index
    %swap3A_79 = arith.constant 0 : index
    %swap3A_80 = arith.constant 0 : index
    %swap3A_81 = vector.load %arg11[%swap3A_78, %swap3A_79, %swap3A_80] : memref<2x2000x16xf32, #tpu.memory_space<vmem>>, vector<1x2000x16xf32>
    %swap3A_82 = vector.shape_cast %swap3A_81 : vector<1x2000x16xf32> to vector<2000x16xf32>
    %swap3A_83 = vector.shape_cast %slice3A_77 : vector<2000x16xf32> to vector<1x2000x16xf32>
    tpu.vector_store %arg11[%swap3A_78, %swap3A_79, %swap3A_80], %swap3A_83 {strides = array<i32>} : memref<2x2000x16xf32, #tpu.memory_space<vmem>>, vector<1x2000x16xf32>,
    %swap3A_84 = arith.constant 0 : index
    %swap3A_85 = arith.constant 0 : index
    %swap3A_86 = vector.load %arg12[%swap3A_84, %swap3A_85] : memref<2000x1xf32, #tpu.memory_space<vmem>>, vector<2000x1xf32>
    tpu.vector_store %arg12[%swap3A_84, %swap3A_85], %broadcast_in_dim3A {strides = array<i32>} : memref<2000x1xf32, #tpu.memory_space<vmem>>, vector<2000x1xf32>,
    %swap3A_87 = arith.constant 0 : index
    %swap3A_88 = arith.constant 0 : index
    %swap3A_89 = vector.load %arg13[%swap3A_87, %swap3A_88] : memref<2000x1xf32, #tpu.memory_space<vmem>>, vector<2000x1xf32>
    tpu.vector_store %arg13[%swap3A_87, %swap3A_88], %broadcast_in_dim3A_71 {strides = array<i32>} : memref<2000x1xf32, #tpu.memory_space<vmem>>, vector<2000x1xf32>,
    %reduce_max3A = vector.shape_cast %broadcast_in_dim3A : vector<2000x1xf32> to vector<1x2000x1xf32>
    %reduce_max3A_90 = arith.constant dense<0xFF800000> : vector<1xf32>
    %reduce_max3A_91 = vector.multi_reduction <maximumf>, %reduce_max3A, %reduce_max3A_90 [1, 2] : vector<1x2000x1xf32> to vector<1xf32>
    %reduce_max3A_92 = vector.shape_cast %reduce_max3A_91 : vector<1xf32> to vector<1x1x1xf32>
    %reduce_max3A_93 = vector.extract %reduce_max3A_92[0, 0, 0] : f32 from vector<1x1x1xf32>
    %reshape3A = vector.broadcast %reduce_max3A_93 : f32 to vector<1x1xf32>
    %reduce_max3A_94 = vector.shape_cast %broadcast_in_dim3A_71 : vector<2000x1xf32> to vector<1x2000x1xf32>
    %reduce_max3A_95 = arith.constant dense<0xFF800000> : vector<1xf32>
    %reduce_max3A_96 = vector.multi_reduction <maximumf>, %reduce_max3A_94, %reduce_max3A_95 [1, 2] : vector<1x2000x1xf32> to vector<1xf32>
    %reduce_max3A_97 = vector.shape_cast %reduce_max3A_96 : vector<1xf32> to vector<1x1x1xf32>
    %reduce_max3A_98 = vector.extract %reduce_max3A_97[0, 0, 0] : f32 from vector<1x1x1xf32>
    %reshape3A_99 = vector.broadcast %reduce_max3A_98 : f32 to vector<1x1xf32>
    %eq3A = arith.constant 0 : i32
    %eq3A_100 = arith.cmpi eq, %arg0, %eq3A : i32
    %convert_element_type3A = arith.extui %eq3A_100 : i1 to i32
    %cond3A = arith.constant 0 : i32
    %cond3A_101 = arith.cmpi ne, %convert_element_type3A, %cond3A : i32
    scf.if %cond3A_101 {
      %swap3A_107 = arith.constant 0 : index
      %swap3A_108 = arith.constant 0 : index
      %swap3A_109 = vector.load %arg14[%swap3A_107, %swap3A_108] : memref<1x1xf32, #tpu.memory_space<vmem>>, vector<1x1xf32>
      tpu.vector_store %arg14[%swap3A_107, %swap3A_108], %reshape3A {strides = array<i32>} : memref<1x1xf32, #tpu.memory_space<vmem>>, vector<1x1xf32>,
      %swap3A_110 = arith.constant 0 : index
      %swap3A_111 = arith.constant 0 : index
      %swap3A_112 = vector.load %arg15[%swap3A_110, %swap3A_111] : memref<1x1xf32, #tpu.memory_space<vmem>>, vector<1x1xf32>
      tpu.vector_store %arg15[%swap3A_110, %swap3A_111], %reshape3A_99 {strides = array<i32>} : memref<1x1xf32, #tpu.memory_space<vmem>>, vector<1x1xf32>,
    } else {
    }
    %gt3A_102 = arith.constant 0 : i32
    %gt3A_103 = arith.cmpi sgt, %arg0, %gt3A_102 : i32
    %convert_element_type3A_104 = arith.extui %gt3A_103 : i1 to i32
    %cond3A_105 = arith.constant 0 : i32
    %cond3A_106 = arith.cmpi ne, %convert_element_type3A_104, %cond3A_105 : i32
    scf.if %cond3A_106 {
      %get3A_107 = arith.constant 0 : index
      %get3A_108 = arith.constant 0 : index
      %get3A_109 = vector.load %arg14[%get3A_107, %get3A_108] : memref<1x1xf32, #tpu.memory_space<vmem>>, vector<1x1xf32>
      %max3A_110 = arith.maximumf %get3A_109, %reshape3A : vector<1x1xf32>
      %swap3A_111 = arith.constant 0 : index
      %swap3A_112 = arith.constant 0 : index
      %swap3A_113 = vector.load %arg14[%swap3A_111, %swap3A_112] : memref<1x1xf32, #tpu.memory_space<vmem>>, vector<1x1xf32>
      tpu.vector_store %arg14[%swap3A_111, %swap3A_112], %max3A_110 {strides = array<i32>} : memref<1x1xf32, #tpu.memory_space<vmem>>, vector<1x1xf32>,
      %get3A_114 = arith.constant 0 : index
      %get3A_115 = arith.constant 0 : index
      %get3A_116 = vector.load %arg15[%get3A_114, %get3A_115] : memref<1x1xf32, #tpu.memory_space<vmem>>, vector<1x1xf32>
      %max3A_117 = arith.maximumf %get3A_116, %reshape3A_99 : vector<1x1xf32>
      %swap3A_118 = arith.constant 0 : index
      %swap3A_119 = arith.constant 0 : index
      %swap3A_120 = vector.load %arg15[%swap3A_118, %swap3A_119] : memref<1x1xf32, #tpu.memory_space<vmem>>, vector<1x1xf32>
      tpu.vector_store %arg15[%swap3A_118, %swap3A_119], %max3A_117 {strides = array<i32>} : memref<1x1xf32, #tpu.memory_space<vmem>>, vector<1x1xf32>,
    } else {
    }
    return
  }
  func.func @transform_0(%arg0: i32) -> (i32, i32, i32) {
    %c0_i32 = arith.constant 0 : i32
    %c0_i32_0 = arith.constant 0 : i32
    %c0_i32_1 = arith.constant 0 : i32
    return %c0_i32, %arg0, %c0_i32_0 : i32, i32, i32
  }
  func.func @transform_1(%arg0: i32) -> (i32, i32, i32) {
    %c0_i32 = arith.constant 0 : i32
    %c0_i32_0 = arith.constant 0 : i32
    %c0_i32_1 = arith.constant 0 : i32
    return %c0_i32, %arg0, %c0_i32_0 : i32, i32, i32
  }
  func.func @transform_2(%arg0: i32) -> (i32, i32) {
    %c0_i32 = arith.constant 0 : i32
    %c0_i32_0 = arith.constant 0 : i32
    return %arg0, %c0_i32 : i32, i32
  }
  func.func @transform_3(%arg0: i32) -> (i32, i32) {
    %c0_i32 = arith.constant 0 : i32
    %c0_i32_0 = arith.constant 0 : i32
    return %arg0, %c0_i32 : i32, i32
  }
  func.func @transform_4(%arg0: i32) -> (i32, i32) {
    %c0_i32 = arith.constant 0 : i32
    %c0_i32_0 = arith.constant 0 : i32
    return %arg0, %c0_i32 : i32, i32
  }
  func.func @transform_5(%arg0: i32) -> (i32, i32) {
    %c0_i32 = arith.constant 0 : i32
    %c0_i32_0 = arith.constant 0 : i32
    %c0_i32_1 = arith.constant 0 : i32
    return %c0_i32, %c0_i32_0 : i32, i32
  }
  func.func @transform_6(%arg0: i32) -> (i32, i32) {
    %c0_i32 = arith.constant 0 : i32
    %c0_i32_0 = arith.constant 0 : i32
    %c0_i32_1 = arith.constant 0 : i32
    return %c0_i32, %c0_i32_0 : i32, i32
  }
  func.func @transform_7(%arg0: i32) -> (i32, i32) {
    %c0_i32 = arith.constant 0 : i32
    %c0_i32_0 = arith.constant 0 : i32
    %c0_i32_1 = arith.constant 0 : i32
    return %c0_i32, %c0_i32_0 : i32, i32
  }
  func.func @transform_8(%arg0: i32) -> (i32, i32) {
    %c0_i32 = arith.constant 0 : i32
    %c0_i32_0 = arith.constant 0 : i32
    %c0_i32_1 = arith.constant 0 : i32
    return %c0_i32, %c0_i32_0 : i32, i32
  }
  func.func @transform_9(%arg0: i32) -> (i32, i32) {
    %c0_i32 = arith.constant 0 : i32
    %c0_i32_0 = arith.constant 0 : i32
    %c0_i32_1 = arith.constant 0 : i32
    return %c0_i32, %c0_i32_0 : i32, i32
  }
  func.func @transform_10(%arg0: i32) -> (i32, i32, i32) {
    %c0_i32 = arith.constant 0 : i32
    %c0_i32_0 = arith.constant 0 : i32
    %c0_i32_1 = arith.constant 0 : i32
    return %c0_i32, %arg0, %c0_i32_0 : i32, i32, i32
  }
  func.func @transform_11(%arg0: i32) -> (i32, i32) {
    %c0_i32 = arith.constant 0 : i32
    %c0_i32_0 = arith.constant 0 : i32
    return %arg0, %c0_i32 : i32, i32
  }
  func.func @transform_12(%arg0: i32) -> (i32, i32) {
    %c0_i32 = arith.constant 0 : i32
    %c0_i32_0 = arith.constant 0 : i32
    return %arg0, %c0_i32 : i32, i32
  }
  func.func @transform_13(%arg0: i32) -> (i32, i32) {
    %c0_i32 = arith.constant 0 : i32
    %c0_i32_0 = arith.constant 0 : i32
    %c0_i32_1 = arith.constant 0 : i32
    return %c0_i32, %c0_i32_0 : i32, i32
  }
  func.func @transform_14(%arg0: i32) -> (i32, i32) {
    %c0_i32 = arith.constant 0 : i32
    %c0_i32_0 = arith.constant 0 : i32
    %c0_i32_1 = arith.constant 0 : i32
    return %c0_i32, %c0_i32_0 : i32, i32
  }
}

module attributes {stable_mosaic.version = 14 : i64} {
  func.func @_fin_body(%arg0: i32, %arg1: memref<2x2000x16xf32, #tpu.memory_space<vmem>>, %arg2: memref<2000x1xf32, #tpu.memory_space<vmem>>, %arg3: memref<2x2000x16xf32, #tpu.memory_space<vmem>>, %arg4: memref<2000x1xf32, #tpu.memory_space<vmem>>, %arg5: memref<2000x1xf32, #tpu.memory_space<vmem>>, %arg6: memref<1x1xf32, #tpu.memory_space<vmem>>, %arg7: memref<1x32xf32, #tpu.memory_space<vmem>>, %arg8: memref<32x4xf32, #tpu.memory_space<vmem>>, %arg9: memref<1x4xf32, #tpu.memory_space<vmem>>, %arg10: memref<2000x4xf32, #tpu.memory_space<vmem>>) attributes {dimension_semantics = [#tpu.dimension_semantics<arbitrary>], iteration_bounds = array<i64: 50>, scalar_prefetch = 0 : i64, scratch_operands = 0 : i64, tpu.core_type = #tpu.core_type<tc>, window_params = [{transform_indices = @transform_0, window_bounds = array<i64: 2, 2000, 16>}, {transform_indices = @transform_1, window_bounds = array<i64: 2000, 1>}, {transform_indices = @transform_2, window_bounds = array<i64: 2, 2000, 16>}, {transform_indices = @transform_3, window_bounds = array<i64: 2000, 1>}, {transform_indices = @transform_4, window_bounds = array<i64: 2000, 1>}, {pipeline_mode = #tpu.pipeline_mode<synchronous>, transform_indices = @transform_5, window_bounds = array<i64: 1, 1>}, {pipeline_mode = #tpu.pipeline_mode<synchronous>, transform_indices = @transform_6, window_bounds = array<i64: 1, 32>}, {pipeline_mode = #tpu.pipeline_mode<synchronous>, transform_indices = @transform_7, window_bounds = array<i64: 32, 4>}, {pipeline_mode = #tpu.pipeline_mode<synchronous>, transform_indices = @transform_8, window_bounds = array<i64: 1, 4>}, {transform_indices = @transform_9, window_bounds = array<i64: 2000, 4>}]} {
    %get3A = arith.constant 0 : index
    %get3A_0 = arith.constant 0 : index
    %get3A_1 = vector.load %arg4[%get3A, %get3A_0] : memref<2000x1xf32, #tpu.memory_space<vmem>>, vector<2000x1xf32>
    %get3A_2 = arith.constant 0 : index
    %get3A_3 = arith.constant 0 : index
    %get3A_4 = vector.load %arg5[%get3A_2, %get3A_3] : memref<2000x1xf32, #tpu.memory_space<vmem>>, vector<2000x1xf32>
    %add3A = arith.addf %get3A_1, %get3A_4 : vector<2000x1xf32>
    %gt3A = arith.constant 0.000000e+00 : f32
    %gt3A_5 = vector.broadcast %gt3A : f32 to vector<2000x1xf32>
    %gt3A_6 = arith.cmpf ogt, %add3A, %gt3A_5 : vector<2000x1xf32>
    %mul3A = arith.constant 2.000000e-01 : f32
    %mul3A_7 = vector.broadcast %mul3A : f32 to vector<2000x1xf32>
    %mul3A_8 = arith.mulf %mul3A_7, %add3A : vector<2000x1xf32>
    %select_n3A = arith.select %gt3A_6, %add3A, %mul3A_8 : vector<2000x1xi1>, vector<2000x1xf32>
    %get3A_9 = arith.constant 0 : index
    %get3A_10 = arith.constant 0 : index
    %get3A_11 = vector.load %arg6[%get3A_9, %get3A_10] : memref<1x1xf32, #tpu.memory_space<vmem>>, vector<1x1xf32>
    %get3A_12 = vector.extract %get3A_11[0, 0] : f32 from vector<1x1xf32>
    %sub3A = vector.broadcast %get3A_12 : f32 to vector<2000x1xf32>
    %sub3A_13 = arith.subf %select_n3A, %sub3A : vector<2000x1xf32>
    %exp3A = math.exp %sub3A_13 : vector<2000x1xf32>
    %get3A_14 = arith.constant 0 : index
    %get3A_15 = arith.constant 0 : index
    %get3A_16 = vector.load %arg2[%get3A_14, %get3A_15] : memref<2000x1xf32, #tpu.memory_space<vmem>>, vector<2000x1xf32>
    %add3A_17 = arith.addf %get3A_16, %exp3A : vector<2000x1xf32>
    %add3A_18 = arith.constant 1.000000e-16 : f32
    %add3A_19 = vector.broadcast %add3A_18 : f32 to vector<2000x1xf32>
    %add3A_20 = arith.addf %add3A_17, %add3A_19 : vector<2000x1xf32>
    %get3A_21 = arith.constant 0 : index
    %get3A_22 = arith.constant 0 : index
    %get3A_23 = arith.constant 0 : index
    %get3A_24 = vector.load %arg1[%get3A_21, %get3A_22, %get3A_23] : memref<2x2000x16xf32, #tpu.memory_space<vmem>>, vector<1x2000x16xf32>
    %get3A_25 = vector.shape_cast %get3A_24 : vector<1x2000x16xf32> to vector<2000x16xf32>
    %get3A_26 = arith.constant 0 : index
    %get3A_27 = arith.constant 0 : index
    %get3A_28 = arith.constant 0 : index
    %get3A_29 = vector.load %arg3[%get3A_26, %get3A_27, %get3A_28] : memref<2x2000x16xf32, #tpu.memory_space<vmem>>, vector<1x2000x16xf32>
    %get3A_30 = vector.shape_cast %get3A_29 : vector<1x2000x16xf32> to vector<2000x16xf32>
    %mul3A_31 = vector.broadcast %exp3A : vector<2000x1xf32> to vector<2000x16xf32>
    %mul3A_32 = arith.mulf %mul3A_31, %get3A_30 : vector<2000x16xf32>
    %add3A_33 = arith.addf %get3A_25, %mul3A_32 : vector<2000x16xf32>
    %div3A = vector.broadcast %add3A_20 : vector<2000x1xf32> to vector<2000x16xf32>
    %div3A_34 = arith.divf %add3A_33, %div3A : vector<2000x16xf32>
    %get3A_35 = arith.constant 0 : index
    %get3A_36 = arith.constant 0 : index
    %get3A_37 = vector.load %arg7[%get3A_35, %get3A_36] : memref<1x32xf32, #tpu.memory_space<vmem>>, vector<1x16xf32>
    %add3A_38 = vector.broadcast %get3A_37 : vector<1x16xf32> to vector<2000x16xf32>
    %add3A_39 = arith.addf %div3A_34, %add3A_38 : vector<2000x16xf32>
    %max3A = arith.constant 0.000000e+00 : f32
    %max3A_40 = vector.broadcast %max3A : f32 to vector<2000x16xf32>
    %max3A_41 = arith.maximumf %add3A_39, %max3A_40 : vector<2000x16xf32>
    %get3A_42 = arith.constant 1 : index
    %get3A_43 = arith.constant 0 : index
    %get3A_44 = arith.constant 0 : index
    %get3A_45 = vector.load %arg1[%get3A_42, %get3A_43, %get3A_44] : memref<2x2000x16xf32, #tpu.memory_space<vmem>>, vector<1x2000x16xf32>
    %get3A_46 = vector.shape_cast %get3A_45 : vector<1x2000x16xf32> to vector<2000x16xf32>
    %get3A_47 = arith.constant 1 : index
    %get3A_48 = arith.constant 0 : index
    %get3A_49 = arith.constant 0 : index
    %get3A_50 = vector.load %arg3[%get3A_47, %get3A_48, %get3A_49] : memref<2x2000x16xf32, #tpu.memory_space<vmem>>, vector<1x2000x16xf32>
    %get3A_51 = vector.shape_cast %get3A_50 : vector<1x2000x16xf32> to vector<2000x16xf32>
    %mul3A_52 = vector.broadcast %exp3A : vector<2000x1xf32> to vector<2000x16xf32>
    %mul3A_53 = arith.mulf %mul3A_52, %get3A_51 : vector<2000x16xf32>
    %add3A_54 = arith.addf %get3A_46, %mul3A_53 : vector<2000x16xf32>
    %div3A_55 = vector.broadcast %add3A_20 : vector<2000x1xf32> to vector<2000x16xf32>
    %div3A_56 = arith.divf %add3A_54, %div3A_55 : vector<2000x16xf32>
    %get3A_57 = arith.constant 0 : index
    %get3A_58 = arith.constant 16 : index
    %get3A_59 = vector.load %arg7[%get3A_57, %get3A_58] : memref<1x32xf32, #tpu.memory_space<vmem>>, vector<1x16xf32>
    %add3A_60 = vector.broadcast %get3A_59 : vector<1x16xf32> to vector<2000x16xf32>
    %add3A_61 = arith.addf %div3A_56, %add3A_60 : vector<2000x16xf32>
    %max3A_62 = arith.constant 0.000000e+00 : f32
    %max3A_63 = vector.broadcast %max3A_62 : f32 to vector<2000x16xf32>
    %max3A_64 = arith.maximumf %add3A_61, %max3A_63 : vector<2000x16xf32>
    %concatenate3A = tpu.concatenate %max3A_41, %max3A_64 in 1 : vector<2000x16xf32>, vector<2000x16xf32> -> vector<2000x32xf32>
    %get3A_65 = arith.constant 0 : index
    %get3A_66 = arith.constant 0 : index
    %get3A_67 = vector.load %arg8[%get3A_65, %get3A_66] : memref<32x4xf32, #tpu.memory_space<vmem>>, vector<32x4xf32>
    %dot_general3A = arith.constant dense<0.000000e+00> : vector<2000x4xf32>
    %dot_general3A_68 = tpu.matmul %concatenate3A, %get3A_67, %dot_general3A {dimension_numbers = #tpu.dot_dimension_numbers<[1], [0], [0], [1], [0, 0, 1, 1], [], []>, transpose_lhs_hint = false} : vector<2000x32xf32>, vector<32x4xf32>, vector<2000x4xf32> -> vector<2000x4xf32>
    %get3A_69 = arith.constant 0 : index
    %get3A_70 = arith.constant 0 : index
    %get3A_71 = vector.load %arg9[%get3A_69, %get3A_70] : memref<1x4xf32, #tpu.memory_space<vmem>>, vector<1x4xf32>
    %add3A_72 = vector.broadcast %get3A_71 : vector<1x4xf32> to vector<2000x4xf32>
    %add3A_73 = arith.addf %dot_general3A_68, %add3A_72 : vector<2000x4xf32>
    %swap3A = arith.constant 0 : index
    %swap3A_74 = arith.constant 0 : index
    %swap3A_75 = vector.load %arg10[%swap3A, %swap3A_74] : memref<2000x4xf32, #tpu.memory_space<vmem>>, vector<2000x4xf32>
    tpu.vector_store %arg10[%swap3A, %swap3A_74], %add3A_73 {strides = array<i32>} : memref<2000x4xf32, #tpu.memory_space<vmem>>, vector<2000x4xf32>,
    return
  }
  func.func @transform_0(%arg0: i32) -> (i32, i32, i32) {
    %c0_i32 = arith.constant 0 : i32
    %c0_i32_0 = arith.constant 0 : i32
    %c0_i32_1 = arith.constant 0 : i32
    return %c0_i32, %arg0, %c0_i32_0 : i32, i32, i32
  }
  func.func @transform_1(%arg0: i32) -> (i32, i32) {
    %c0_i32 = arith.constant 0 : i32
    %c0_i32_0 = arith.constant 0 : i32
    return %arg0, %c0_i32 : i32, i32
  }
  func.func @transform_2(%arg0: i32) -> (i32, i32, i32) {
    %c0_i32 = arith.constant 0 : i32
    %c0_i32_0 = arith.constant 0 : i32
    %c0_i32_1 = arith.constant 0 : i32
    return %c0_i32, %arg0, %c0_i32_0 : i32, i32, i32
  }
  func.func @transform_3(%arg0: i32) -> (i32, i32) {
    %c0_i32 = arith.constant 0 : i32
    %c0_i32_0 = arith.constant 0 : i32
    return %arg0, %c0_i32 : i32, i32
  }
  func.func @transform_4(%arg0: i32) -> (i32, i32) {
    %c0_i32 = arith.constant 0 : i32
    %c0_i32_0 = arith.constant 0 : i32
    return %arg0, %c0_i32 : i32, i32
  }
  func.func @transform_5(%arg0: i32) -> (i32, i32) {
    %c0_i32 = arith.constant 0 : i32
    %c0_i32_0 = arith.constant 0 : i32
    %c0_i32_1 = arith.constant 0 : i32
    return %c0_i32, %c0_i32_0 : i32, i32
  }
  func.func @transform_6(%arg0: i32) -> (i32, i32) {
    %c0_i32 = arith.constant 0 : i32
    %c0_i32_0 = arith.constant 0 : i32
    %c0_i32_1 = arith.constant 0 : i32
    return %c0_i32, %c0_i32_0 : i32, i32
  }
  func.func @transform_7(%arg0: i32) -> (i32, i32) {
    %c0_i32 = arith.constant 0 : i32
    %c0_i32_0 = arith.constant 0 : i32
    %c0_i32_1 = arith.constant 0 : i32
    return %c0_i32, %c0_i32_0 : i32, i32
  }
  func.func @transform_8(%arg0: i32) -> (i32, i32) {
    %c0_i32 = arith.constant 0 : i32
    %c0_i32_0 = arith.constant 0 : i32
    %c0_i32_1 = arith.constant 0 : i32
    return %c0_i32, %c0_i32_0 : i32, i32
  }
  func.func @transform_9(%arg0: i32) -> (i32, i32) {
    %c0_i32 = arith.constant 0 : i32
    %c0_i32_0 = arith.constant 0 : i32
    return %arg0, %c0_i32 : i32, i32
  }
}

</mosaic_0001>

<sc_bundles>
// kernel: kernel.10.cloned.1.call-start
scs
__scs_entry_jumppad:
0x0: {  	(pc) =	sbr.rel $0x88, $3  }
0x1: {  	(tag) =	ssettag $0x0;
	lr =	simm.s32 $0x1  }
0x2: {  	[smem:$0x3F95] =	sst lr;
	_ =	strace $0xD0000000  }
0x3: {  	_ = 	snop  }
0x4: {  	_ = 	snop  }
0x5: {  	_ = 	snop  }
0x6: {  	_ = 	snop  }
0x7: {  	_ = 	snop  }
__scs_overlays_trampoline_lowered:
0x8: {  	[smem:$0x3FA4] =	sst s0  }
0x9: {  	[smem:$0x3FA5] =	sst s1  }
0xa: {  	[smem:$0x3FA6] =	sst s2  }
0xb: {  	[smem:$0x3FA7] =	sst s3  }
0xc: {  	[smem:$0x3FA8] =	sst s4  }
0xd: {  	[smem:$0x3FA9] =	sst s5  }
0xe: {  	[smem:$0x3FAA] =	sst s6  }
0xf: {  	[smem:$0x3FAB] =	sst s7  }
0x10: {  	[smem:$0x3FAC] =	sst s8  }
0x11: {  	[smem:$0x3FAD] =	sst s9;
	s0 =	simm.s32 @!p0 $0x0  }
0x12: {  	s1 =	sld [smem:$0x3F93];
	s0 =	simm.s32 @p0 $0x1  }
0x13: {  	[smem:$0x3FAE] =	sst s0;
	s0 =	simm.s32 @!p1 $0x0  }
0x14: {  	s2 =	sld [smem:$0x3F92];
	s0 =	simm.s32 @p1 $0x1  }
0x15: {  	[smem:$0x3FAF] =	sst s0;
	s0 =	simm.s32 @!p2 $0x0  }
0x16: {  	s3 =	sld [smem:$0x3FDB];
	s0 =	simm.s32 @p2 $0x1  }
0x17: {  	s4 =	simm.s32 $0x1BF5;
	[smem:$0x3FB1] =	sst s0  }
0x18: {  	s0 =	sld [smem:$0x3F94];
	_ =	swait.ge [sflag:s4], $0x0  }
0x19: {  	s7 =	sld [smem:$0x3F95]  }
0x1a: {  	s8 =	sadd.s32 $0xFFFFE003, lr  }
0x1b: {  	s9 =	sadd.s32 $0xFFFFFEF7, lr;
	s5 =	simm.s32 $0xFFFFFFFF;
	p2 =	slt.u32 s8, $0xFFFFF086  }
0x1c: {  	p1 =	slt.u32 s9, $0xF7A;
	s5 =	simm.s32 @!p2 $0x0  }
0x1d: {  	s5 =	simm.s32 @p1 $0x1;
	p0 =	seq.s32 s7, s2  }
0x1e: {  	s7 =	smul.u32 @!p0 $0xF7A, s2;
	p2 =	seq.s32 @!p0 s5, $0x0  }
0x1f: {  	s9 =	smul.u32 $0xF7A, s1;
	s8 =	simm.s32 @!p0 $0x1BF5;
	p2 =	por !p2, p0  }
0x20: {  	[sflag:s8] =	ssyncset.s32 @!p0 $0xFFFFF086;
	s6 =	sadd.s32 @!p0 s3, s7;
	s7 =	simm.s32 @!p0 $0x108  }
0x21: {  	s3 =	sadd.s32 s3, s9;
	s6 =	sadd.s32 @!p0 $0x88, s6;
	s7 =	simm.s32 @p2 $0x1082  }
0x22: {  	[simem:s7], [sflag:s8] =	dma.local @!p0 [hbm:s6], $0xF7A  }
0x23: {  	s9 =	sor.u32 $0xD0000000, s2;
	s6 =	simm.s32 $0x108;
	_ =	swait.ge @!p0 [sflag:s8], $0x0  }
0x24: {  	s3 =	sadd.s32 $0x88, s3;
	s6 =	simm.s32 @!p1 $0x1082;
	[sflag:s4] =	ssyncset.s32 $0xFFFFF086  }
0x25: {  	[simem:s6], [sflag:s4] =	dma.local [hbm:s3], $0xF7A  }
0x26: {  	[smem:$0x3F95] =	sst s1;
	(tag) =	ssettag s2;
	_ =	strace s9  }
0x27: {  	s1 =	sld [smem:$0x3FA5]  }
0x28: {  	s2 =	sld [smem:$0x3FA6]  }
0x29: {  	s4 =	sld [smem:$0x3FA8]  }
0x2a: {  	p0 =	seq.s32 s5, $0x0;
	s5 =	sld [smem:$0x3FA9]  }
0x2b: {  	s6 =	sld [smem:$0x3FAA]  }
0x2c: {  	s7 =	sld [smem:$0x3FAB]  }
0x2d: {  	s3 =	simm.s32 $0x108;
	s8 =	sld [smem:$0x3FAC]  }
0x2e: {  	s3 =	simm.s32 @!p0 $0x1082;
	s9 =	sld [smem:$0x3FAD]  }
0x2f: {  	lr =	sadd.s32 s0, s3;
	s0 =	sld [smem:$0x3FA4]  }
0x30: {  	s3 =	sld [smem:$0x3FA7]  }
0x31: {  	[smem:$0x3FB0] =	sst s10  }
0x32: {  	s10 =	sld [smem:$0x3FAE];
	_ =	sdelay $0x3  }
0x33: {  	p0 =	seq.s32 s10, $0x1;
	s10 =	sld [smem:$0x3FB0];
	_ =	sdelay $0x3  }
0x34: {  	[smem:$0x3FB0] =	sst s10  }
0x35: {  	s10 =	sld [smem:$0x3FAF];
	_ =	sdelay $0x3  }
0x36: {  	p1 =	seq.s32 s10, $0x1;
	s10 =	sld [smem:$0x3FB0];
	_ =	sdelay $0x3  }
0x37: {  	[smem:$0x3FB0] =	sst s10  }
0x38: {  	s10 =	sld [smem:$0x3FB1]  }
0x39: {  	_ = 	snop;
	(pc) =	sbr.ind lr, $3  }
0x3a: {  	_ = 	snop  }
0x3b: {  	_ = 	snop  }
0x3c: {  	p2 =	seq.s32 s10, $0x1;
	s10 =	sld [smem:$0x3FB0]  }
0x3d: {  	_ =	shalt  }
0x3e: {  	_ =	shalt  }
0x3f: {  	_ =	shalt  }
0x40: {  	_ =	shalt  }
0x41: {  	_ =	shalt  }
0x42: {  	_ =	shalt  }
0x43: {  	_ =	shalt  }
0x44: {  	_ =	shalt  }
0x45: {  	_ =	shalt  }
0x46: {  	_ =	shalt  }
0x47: {  	_ =	shalt  }
0x48: {  	_ =	shalt  }
0x49: {  	_ =	shalt  }
0x4a: {  	_ =	shalt  }
0x4b: {  	_ =	shalt  }
0x4c: {  	_ =	shalt  }
0x4d: {  	_ =	shalt  }
0x4e: {  	_ =	shalt  }
0x4f: {  	_ =	shalt  }
0x50: {  	_ =	shalt  }
0x51: {  	_ =	shalt  }
0x52: {  	_ =	shalt  }
0x53: {  	_ =	shalt  }
0x54: {  	_ =	shalt  }
0x55: {  	_ =	shalt  }
0x56: {  	_ =	shalt  }
0x57: {  	_ =	shalt  }
0x58: {  	_ =	shalt  }
0x59: {  	_ =	shalt  }
0x5a: {  	_ =	shalt  }
0x5b: {  	_ =	shalt  }
0x5c: {  	_ =	shalt  }
0x5d: {  	_ =	shalt  }
0x5e: {  	_ =	shalt  }
0x5f: {  	_ =	shalt  }
0x60: {  	_ =	shalt  }
0x61: {  	_ =	shalt  }
0x62: {  	_ =	shalt  }
0x63: {  	_ =	shalt  }
0x64: {  	_ =	shalt  }
0x65: {  	_ =	shalt  }
0x66: {  	_ =	shalt  }
0x67: {  	_ =	shalt  }
0x68: {  	_ =	shalt  }
0x69: {  	_ =	shalt  }
0x6a: {  	_ =	shalt  }
0x6b: {  	_ =	shalt  }
0x6c: {  	_ =	shalt  }
0x6d: {  	_ =	shalt  }
0x6e: {  	_ =	shalt  }
0x6f: {  	_ =	shalt  }
0x70: {  	_ =	shalt  }
0x71: {  	_ =	shalt  }
0x72: {  	_ =	shalt  }
0x73: {  	_ =	shalt  }
0x74: {  	_ =	shalt  }
0x75: {  	_ =	shalt  }
0x76: {  	_ =	shalt  }
0x77: {  	_ =	shalt  }
0x78: {  	_ =	shalt  }
0x79: {  	_ =	shalt  }
0x7a: {  	_ =	shalt  }
0x7b: {  	_ =	shalt  }
0x7c: {  	_ =	shalt  }
0x7d: {  	_ =	shalt  }
0x7e: {  	_ =	shalt  }
0x7f: {  	_ =	shalt  }
0x80: {  	_ =	shalt  }
0x81: {  	_ =	shalt  }
0x82: {  	_ =	shalt  }
0x83: {  	_ =	shalt  }
0x84: {  	_ =	shalt  }
0x85: {  	_ =	shalt  }
0x86: {  	_ =	shalt  }
0x87: {  	_ =	shalt  }
.Lfunc_end0:
.L_simem_size_0:
called_computation.1_lowered:
.L_overlay_start_0:
0x88: {  	s2 =	sld [smem:$0x3FD9]  }
0x89: {  	s3 =	sld [smem:$0x3FFE];
	_ =	sdelay $0x1  }
0x8a: {  	s1 =	srdreg.scid  }
0x8b: {  	s0 =	sand.u32 $0x1, s1  }
0x8c: {  	s17 =	sshll.u32 s0, $0xA;
	s2 =	sadd.s32 s3, s2  }
0x8d: {  	s2 =	sadd.s32 s2, s17  }
0x8e: {  	[smem:$0x3FBC] =	sst s2  }
0x8f: {  	_ = 	snop  }
0x90: {  	s2 =	sld [smem:$0x3FD0];
	(tm) =	ssettm $0x1  }
0x91: {  	s18 =	sld [smem:$0x3FFB];
	_ =	sdelay $0x3  }
0x92: {  	_ =	strace s18  }
0x93: {  	s3 =	sld [smem:$0x3FFC];
	_ =	sdelay $0x3  }
0x94: {  	_ =	strace s3  }
0x95: {  	s3 =	sld [smem:$0x3FFD];
	_ =	sdelay $0x3  }
0x96: {  	_ =	strace s3  }
0x97: {  	_ =	strace $0x8FFFFFFF  }
0x98: {  	s19 =	sld [smem:$0x3FDB];
	_ =	sdelay $0x1  }
0x99: {  	s4 =	simm.s32 $_scs_section_size  }
0x9a: {  	s5 =	simm.s32 $_size__tile_overlayer_lowered;
	s6 =	simm.s32 $_tile_overlayer_lowered  }
0x9b: {  	s22 =	simm.s32 $0x1BFF;
	s21 =	sshll.u32 s6, $0x1;
	s3 =	sadd.s32 s4, s19  }
0x9c: {  	s7 =	simm.s32 $0x0;
	s20 =	sshll.u32 s5, $0x1;
	s5 =	sadd.s32 s21, s3  }
0x9d: {  	[timem:s7], [sflag:s22] =	dma.local [hbm:s5], s20  }
0x9e: {  	_ =	swait.ge [sflag:s22], s20  }
0x9f: {  	s4 =	ssub.s32 $0x0, s20;
	[sflag:s22] =	ssyncset.done $0x0  }
0xa0: {  	[sflag:s22] =	ssyncadd.s32 s4;
	_ =	sdelay $0x1  }
0xa1: {  	s23 =	simm.s32 $0x1B8B  }
0xa2: {  	_ =	swait.ge [sflag:s23], $0x1  }
0xa3: {  	[sflag:s23] =	ssyncset.done $0x0  }
0xa4: {  	s25 =	simm.s32 $0x1B8E;
	s24 =	sld [smem:$0x3FFE];
	[sflag:s23] =	ssyncadd.s32 $0xFFFFFFFF  }
0xa5: {  	s26 =	simm.s32 $execute0_lowered;
	[smem:$0x3FD2] =	sst s25  }
0xa6: {  	s5 =	sshll.u32 s26, $0x1;
	_ =	strace $0x80000049;
	[dreg:$0x1] =	wrdreg $0xFFFFFFFF  }
0xa7: {  	s28 =	simm.s32 $_size_execute0_lowered;
	s3 =	sadd.s32 s3, s5;
	[dreg:$0x0] =	wrdreg $0x0  }
0xa8: {  	s5 =	sshll.u32 s28, $0x1;
	[dreg:$0x2] =	wrdreg s3  }
0xa9: {  	[dreg:$0x3] =	wrdreg s5  }
0xaa: {  	[dreg:$0x4] =	wrdreg $0xC0  }
0xab: {  	_ =	task [dreg:s7], $0x5FFFF  }
0xac: {  	[dreg:$0x1] =	wrdreg $0xFFFFFFFF  }
0xad: {  	[dreg:$0x0] =	wrdreg $0x60  }
0xae: {  	[dreg:$0x2] =	wrdreg s24  }
0xaf: {  	[dreg:$0x3] =	wrdreg s2  }
0xb0: {  	[dreg:$0x4] =	wrdreg $0x25B00  }
0xb1: {  	[dreg:$0x5] =	wrdreg $0x1AC500  }
0xb2: {  	[dreg:$0x6] =	wrdreg $0x1C4C00  }
0xb3: {  	[dreg:$0x7] =	wrdreg $0x1DD300  }
0xb4: {  	[dreg:$0x8] =	wrdreg $0x9  }
0xb5: {  	_ =	task.clear_ibuf [dreg:s7], $0x9FFFF;
	_ =	strace $0x90000049  }
0xb6: {  	s29 =	simm.s32 $0x9;
	_ =	strace $0x8000004B  }
0xb7: {  	_ =	swait.ge [sflag:s29], $0x1  }
0xb8: {  	[sflag:s29] =	ssyncadd.s32 $0xFFFFFFFF  }
0xb9: {  	_ =	strace $0x9000004B  }
0xba: {  	_ =	sfence  }
0xbb: {  	s30 =	sld [smem:$0x0];
	_ =	sdelay $0x2  }
0xbc: {  	s31 =	sshll.u32 s1, $0xD;
	s1 =	sshrl.u32 s1, $0x2  }
0xbd: {  	s3 =	sand.u32 $0x4000, s31;
	s1 =	sadd.s32 s1, s30  }
0xbe: {  	s0 =	sor.u32 s3, s0;
	s1 =	sshll.u32 s1, $0x11  }
0xbf: {  	s0 =	sor.u32 s1, s0  }
0xc0: {  	s0 =	sadd.s32 $0x8F2B, s0  }
0xc1: {  	[sflag:s0] =	ssyncadd.remote.s32 $0x1  }
0xc2: {  	_ =	sfence.sel $0xFFFF  }
0xc3: {  	[dreg:$0x0] =	wrdreg $0xFFFFFFFF;
	(pc) =	sbr.abs _section_cstart, $3  }
0xc4: {  	[dreg:$0x1] =	wrdreg $0xFFFFFFFF  }
0xc5: {  	_ =	task.clear_ibuf [dreg:s7], $0x2FFFF;
	_ =	strace $0x9FFFFFFF  }
0xc6: {  	(tm) =	ssettm $0x7FFFFFFF  }
0xc7: {  	_ =	shalt  }
tec
execute0_lowered:
.L_overlay_start_1:
0x0: {  	(tag) =	ssettag $0x1  }
0x1: {  	s0 =	rddreg [dreg:$0x0]  }
0x2: {  	s4 =	rddreg [dreg:$0x1]  }
0x3: {  	s1 =	rddreg [dreg:$0x2]  }
0x4: {  	s2 =	rddreg [dreg:$0x3]  }
0x5: {  	s3 =	rddreg [dreg:$0x4]  }
0x6: {  	s5 =	rddreg [dreg:$0x5];
	s26 =	simm.s32 $0x0;
	s19 =	stileid.u32  }
0x7: {  	s6 =	srdreg.scid;
	s30 =	simm.s32 $0x180;
	s31 =	simm.s32 $0x200  }
0x8: {  	s29 =	simm.s32 $0x0;
	[smem:$0x7FF] =	sst s26;
	s11 =	smul.u32 $0x2710, s19  }
0x9: {  	s7 =	sand.u32 $0x1, s6;
	s8 =	sadd.s32 $0x61C200, s0;
	s9 =	sadd.s32 $0x38A00, s0  }
0xa: {  	s10 =	sadd.s32 $0xFC000, s0;
	s16 =	sadd.s32 $0x7E00, s0;
	s18 =	smul.u32 $0x9C400, s19  }
0xb: {  	p0 =	sgt.u32 s19, $0x9;
	_ =	strace $0x8000004A;
	s6 =	smul.u32 $0x186A0, s7  }
0xc: {  	s15 =	ssub.s32 $0x2, s7;
	[dreg:$0x8] =	wrdreg s16;
	p1 =	sne.s32 s7, $0x0  }
0xd: {  	p2 =	sne.s32 @!p0 s7, $0x0;
	s13 =	sshrl.u32 s11, $0x3;
	s22 =	sshrl.u32 s15, $0x1  }
0xe: {  	s28 =	sadd.s32 s11, s2;
	s16 =	sadd.s32 s11, s3;
	s18 =	sshrl.u32 s18, $0x2  }
0xf: {  	p2 =	por p2, p0;
	s14 =	sadd.s32 s13, s0;
	s12 =	sadd.s32 s11, s6  }
0x10: {  	s15 =	ssub.s32 s15, s22;
	s4 =	sadd.s32 s4, s13;
	[dreg:$0x9] =	wrdreg s28  }
0x11: {  	s11 =	sadd.s32 s11, s5;
	s21 =	sadd.s32 $0x7D0, s28;
	[dreg:$0xc] =	wrdreg s4  }
0x12: {  	s22 =	sadd.s32 $0xFA0, s28;
	s12 =	sshll.u32 s12, $0x1;
	[dreg:$0x16] =	wrdreg s21  }
0x13: {  	s17 =	sadd.s32 $0x4A00, s14;
	s14 =	sadd.s32 $0x1800, s14;
	[dreg:$0x17] =	wrdreg s22  }
0x14: {  	s20 =	smax.u32 s15, $0x1;
	s4 =	sshrl.u32 @!p0 s16, $0x3;
	[dreg:$0xa] =	wrdreg s17  }
0x15: {  	s21 =	simm.s32 $0x2;
	s15 =	simm.s32 $0x3;
	[dreg:$0xb] =	wrdreg s14  }
0x16: {  	s16 =	simm.s32 $0xC80;
	s22 =	simm.s32 $0xD00;
	[dreg:$0x12] =	wrdreg s20  }
0x17: {  	s0 =	sadd.s32 s12, s0;
	s12 =	smul.u32 $0x61A80, s19;
	[dreg:$0x13] =	wrdreg s4  }
0x18: {  	s4 =	sshrl.u32 @!p0 s11, $0x3;
	s11 =	simm.s32 $0x100;
	s20 =	simm.s32 $0x1  }
0x19: {  	s0 =	sadd.s32 $0x15DC00, s0;
	[dreg:$0x14] =	wrdreg s4;
	s23 =	sshrl.u32 s12, $0x3  }
0x1a: {  	s4 =	simm.s32 $0x8;
	[dreg:$0x11] =	wrdreg s0;
	s25 =	sadd.s32 s8, s23  }
0x1b: {  	s0 =	sadd.s32 s18, s1;
	s13 =	sadd.s32 s9, s23;
	[dreg:$0xd] =	wrdreg s25  }
0x1c: {  	s24 =	sadd.s32 $0xC340, s23;
	s0 =	sshrl.u32 @!p0 s0, $0x3;
	[dreg:$0xe] =	wrdreg s13  }
0x1d: {  	s19 =	sshrl.u32 s12, $0x2;
	s14 =	sadd.s32 s8, s24;
	[dreg:$0x15] =	wrdreg s0  }
0x1e: {  	s18 =	simm.s32 $0xB00;
	s17 =	sadd.s32 s9, s24;
	[dreg:$0xf] =	wrdreg s14  }
0x1f: {  	s23 =	sadd.s32 s19, s1;
	s24 =	sadd.s32 $0x1770, s28;
	[dreg:$0x10] =	wrdreg s17  }
0x20: {  	s19 =	simm.s32 $0xC00;
	s25 =	sadd.s32 $0x1F40, s28;
	[dreg:$0x18] =	wrdreg s24  }
0x21: {  	s0 =	simm.s32 $0x1610;
	[dreg:$0x19] =	wrdreg s25;
	s14 =	simm.s32 $0x80  }
0x22: {  	v1 =	vimm.f32 $0.0e+00;
	v0 =	vmov s6;
	s17 =	simm.s32 $0x300;
	s24 =	simm.s32 $0xB80;
	s25 =	simm.s32 $0xE00  }
.LBB2_1:
0x23: {  	s13 =	simm.s32 $0x40;
	s6 =	simm.s32 $0x0  }
.LBB2_2:
0x24: {  	p3 =	sne.s32 s13, $0x1F00;
	[tilespmem:s6+$0x1610] =	vst v1;
	s6 =	smov.u32 s13;
	s13 =	sadd.s32 $0x40, s13  }
.Ltmp0:
0x25: {  	(pc) =	sbr.rel @p3 .LBB2_2-.Ltmp0, $2  }
0x26: {  	_ =	sdelay $0x2  }
0x27: {  	s6 =	sshra.s32 s6, $0x2  }
0x28: {  	[tilespmem:s6+$0x1610] =	vst v1;
	s13 =	simm.s32 $0x40;
	s6 =	simm.s32 $0x0  }
.LBB2_4:
0x29: {  	p3 =	sne.s32 s13, $0x1F00;
	[tilespmem:s6+$0x1DE0] =	vst v1;
	s6 =	smov.u32 s13;
	s13 =	sadd.s32 $0x40, s13  }
.Ltmp1:
0x2a: {  	(pc) =	sbr.rel @p3 .LBB2_4-.Ltmp1, $2  }
0x2b: {  	_ =	sdelay $0x2  }
0x2c: {  	s6 =	sshra.s32 s6, $0x2  }
0x2d: {  	[dreg:$0x7] =	wrdreg s26;
	[tilespmem:s6+$0x1DE0] =	vst v1;
	s26 =	sadd.s32 $0x0, s23  }
0x2e: {  	[spmem:s26] =	stream.linear.scatter [tilespmem:s0], [sflag:$0x8], $0x7D0, $0x38;
	[tilespmem:$0x1F5A0] =	vst v63  }
0x2f: {  	s13 =	simm.s32 $0x1F40;
	_ =	swait.ge [sflag:s4], $0x7D0  }
.LBB2_6:
0x30: {  	s6 =	sshra.s32 s13, $0x2;
	[sflag:s4] =	ssyncset.done $0x0;
	p3 =	sne.s32 s13, $0x5FB40  }
.Ltmp2:
0x31: {  	s6 =	sadd.s32 s6, s23;
	[sflag:s4] =	ssyncadd.s32 $0xFFFFF830;
	(pc) =	sbr.rel @p3 .LBB2_6-.Ltmp2, $3  }
0x32: {  	[spmem:s6] =	stream.linear.scatter [tilespmem:s0], [sflag:$0x8], $0x7D0, $0x38;
	[tilespmem:$0x1F5A0] =	vst v63  }
0x33: {  	s13 =	sadd.s32 $0x1F40, s13;
	_ =	sdelay $0x1  }
0x34: {  	_ =	swait.ge [sflag:s4], $0x7D0  }
0x35: {  	[sflag:s4] =	ssyncset.done $0x0  }
0x36: {  	s6 =	simm.s32 @!p0 $0x1DE0;
	s13 =	simm.s32 @!p0 $0x8;
	[sflag:s4] =	ssyncadd.s32 $0xFFFFF830  }
0x37: {  	[spmem:s28] =	stream.linear.scatter @!p0 [tilespmem:s6], [sflag:$0x8], $0x7D0, $0x38;
	[tilespmem:$0x1F5A0] =	vst v63  }
0x38: {  	_ =	swait.ge @!p0 [sflag:s13], $0x7D0  }
0x39: {  	[sflag:s13] =	ssyncset.done @!p0 $0x0  }
0x3a: {  	s26 =	rddreg [dreg:$0x16];
	[sflag:s13] =	ssyncadd.s32 @!p0 $0xFFFFF830  }
0x3b: {  	[spmem:s26] =	stream.linear.scatter @!p0 [tilespmem:s6], [sflag:$0x8], $0x7D0, $0x38;
	[tilespmem:$0x1F5A0] =	vst v63  }
0x3c: {  	_ =	swait.ge @!p0 [sflag:s13], $0x7D0  }
0x3d: {  	[sflag:s13] =	ssyncset.done @!p0 $0x0  }
0x3e: {  	s26 =	rddreg [dreg:$0x17];
	[sflag:s13] =	ssyncadd.s32 @!p0 $0xFFFFF830  }
0x3f: {  	[spmem:s26] =	stream.linear.scatter @!p0 [tilespmem:s6], [sflag:$0x8], $0x7D0, $0x38;
	[tilespmem:$0x1F5A0] =	vst v63  }
0x40: {  	_ =	swait.ge @!p0 [sflag:s13], $0x7D0  }
0x41: {  	[sflag:s13] =	ssyncset.done @!p0 $0x0  }
0x42: {  	s26 =	rddreg [dreg:$0x18];
	[sflag:s13] =	ssyncadd.s32 @!p0 $0xFFFFF830  }
0x43: {  	[spmem:s26] =	stream.linear.scatter @!p0 [tilespmem:s6], [sflag:$0x8], $0x7D0, $0x38;
	[tilespmem:$0x1F5A0] =	vst v63  }
0x44: {  	_ =	swait.ge @!p0 [sflag:s13], $0x7D0  }
0x45: {  	[sflag:s13] =	ssyncset.done @!p0 $0x0  }
0x46: {  	s26 =	rddreg [dreg:$0x19];
	[sflag:s13] =	ssyncadd.s32 @!p0 $0xFFFFF830  }
0x47: {  	[spmem:s26] =	stream.linear.scatter @!p0 [tilespmem:s6], [sflag:$0x8], $0x7D0, $0x38;
	[tilespmem:$0x1F5A0] =	vst v63  }
0x48: {  	s6 =	stileid.u32  }
0x49: {  	_ =	swait.ge @!p0 [sflag:s13], $0x7D0;
	s6 =	sshll.u32 @!p0 s6, $0x6  }
0x4a: {  	[sflag:s13] =	ssyncset.done @!p0 $0x0;
	s28 =	sor.u32 @!p0 $0x1C08, s6;
	s6 =	rddreg [dreg:$0xa]  }
0x4b: {  	s26 =	rddreg [dreg:$0x13];
	[sflag:s13] =	ssyncadd.s32 @!p0 $0xFFFFF830  }
0x4c: {  	[spmem:s26], [sflag:s28] =	dma.local @!p0 [hbm:s6], $0x4E2  }
0x4d: {  	_ =	swait.ge @!p0 [sflag:s13], $0x4E2;
	[dreg:$0x1a] =	wrdreg s28  }
0x4e: {  	[sflag:s13] =	ssyncset.done @!p0 $0x0;
	s6 =	rddreg [dreg:$0xb]  }
0x4f: {  	s26 =	rddreg [dreg:$0x14];
	[sflag:s13] =	ssyncadd.s32 @!p0 $0xFFFFFB1E  }
0x50: {  	[spmem:s26], [sflag:s28] =	dma.local @!p0 [hbm:s6], $0x4E2  }
0x51: {  	_ =	swait.ge @!p0 [sflag:s13], $0x4E2  }
0x52: {  	[sflag:s13] =	ssyncset.done @!p0 $0x0  }
0x53: {  	s28 =	simm.s32 $0x1600;
	s26 =	rddreg [dreg:$0x8];
	[sflag:s13] =	ssyncadd.s32 @!p0 $0xFFFFFB1E  }
0x54: {  	[tilespmem:s28], [sflag:$0x8] =	stream.linear.gather [hbm4b:s26+s29], $0x10, $0x38;
	[tilespmem:$0x1F5A0] =	vst v63  }
0x55: {  	_ =	swait.ge [sflag:s4], $0x10  }
0x56: {  	[sflag:s4] =	ssyncset.done $0x0  }
0x57: {  	[sflag:s4] =	ssyncadd.s32 $0xFFFFFFF0  }
0x58: {  	[bflag:$0x0] =	sbarrier.arrive $0xFFFF  }
0x59: {  	s26 =	rddreg [dreg:$0xd]  }
0x5a: {  	v2 =	vld.msk [tilespmem:$0x1600 ss:$0x0], $0xffff;
	[tilespmem:s29], [sflag:$0x8] =	stream.linear.gather [hbm4b:s26+s29], $0x80, $0x38  }
0x5b: {  	_ =	swait.ge [sflag:s4], $0x80  }
0x5c: {  	[sflag:s4] =	ssyncset.done $0x0  }
0x5d: {  	s28 =	rddreg [dreg:$0xe];
	[sflag:s4] =	ssyncadd.s32 $0xFFFFFF80  }
0x5e: {  	[tilespmem:s11], [sflag:$0x8] =	stream.linear.gather [hbm4b:s28+s29], $0x80, $0x38;
	[tilespmem:$0x1F5A0] =	vst v63  }
0x5f: {  	_ =	swait.ge [sflag:s4], $0x80  }
0x60: {  	[sflag:s4] =	ssyncset.done $0x0  }
0x61: {  	[sflag:s4] =	ssyncadd.s32 $0xFFFFFF80  }
0x62: {  	v3 =	vld [tilespmem:$0x0]  }
0x63: {  	v4 =	vld [tilespmem:$0x10]  }
0x64: {  	v5 =	vld [tilespmem:$0x20]  }
0x65: {  	v6 =	vld [tilespmem:$0x30]  }
0x66: {  	v7 =	vld [tilespmem:$0x40]  }
0x67: {  	v8 =	vld [tilespmem:$0x50];
	v3 =	vadd.s32 v0, v3  }
0x68: {  	v62 =	vld [tilespmem:$0x60];
	[tilespmem:$0x80] =	vst v3;
	v3 =	vadd.s32 v0, v4  }
0x69: {  	v63 =	vld [tilespmem:$0x70];
	[tilespmem:$0x90] =	vst v3;
	v3 =	vadd.s32 v0, v5  }
0x6a: {  	[tilespmem:$0xA0] =	vst v3;
	v3 =	vadd.s32 v0, v6  }
0x6b: {  	[tilespmem:$0xB0] =	vst v3;
	v3 =	vadd.s32 v0, v7  }
0x6c: {  	[tilespmem:$0xC0] =	vst v3;
	v3 =	vadd.s32 v0, v8  }
0x6d: {  	[tilespmem:$0xD0] =	vst v3;
	v3 =	vadd.s32 v0, v62  }
0x6e: {  	[tilespmem:$0xE0] =	vst v3;
	v3 =	vadd.s32 v0, v63  }
0x6f: {  	[tilespmem:$0xF0] =	vst v3  }
0x70: {  	[tilespmem:s30], [sflag:$0x1] =	stream.indirect.gather [spmem:s3], $0x1, s29, s14, $0xb8;
	[tilespmem:$0x1F5A0] =	vst v63  }
0x71: {  	_ = 	snop  }
0x72: {  	[tilespmem:s31], [sflag:$0x2] =	stream.indirect.gather [spmem:s5], $0x1, s11, s14, $0xb8;
	[tilespmem:$0x1F5A0] =	vst v63  }
0x73: {  	s30 =	simm.s32 $0x0  }
0x74: {  	[tilespmem:s17], [sflag:$0x3] =	stream.indirect.gather [hbm4b:s10+s14], $0x10, s14, s14, $0xb8;
	[tilespmem:$0x1F5A0] =	vst v63  }
.LBB2_8:
0x75: {  	p3 =	seq.s32 s30, $0x0  }
0x76: {  	s6 =	simm.s32 @!p3 $0x6  }
0x77: {  	p4 =	sne.s32 @!p3 s7, $0x0;
	_ =	swait.ge @!p3 [sflag:s6], $0x800  }
0x78: {  	s13 =	sshll.u32 s30, $0x8;
	p4 =	por p4, p3;
	[sflag:s6] =	ssyncset.done @!p3 $0x0  }
0x79: {  	s31 =	sadd.s32 s12, s13;
	[sflag:s6] =	ssyncadd.s32 @!p3 $0xFFFFF800;
	s6 =	simm.s32 @!p4 $0x7  }
0x7a: {  	s13 =	sshrl.u32 s31, $0x3;
	_ =	swait.ge @!p4 [sflag:s6], $0x80  }
0x7b: {  	s13 =	sadd.s32 $0x10, s13;
	[sflag:s6] =	ssyncset.done @!p4 $0x0  }
0x7c: {  	s26 =	sadd.s32 s8, s13;
	[sflag:s6] =	ssyncadd.s32 @!p4 $0xFFFFFF80  }
0x7d: {  	[tilespmem:s18], [sflag:$0x8] =	stream.linear.gather [hbm4b:s26+s29], $0x80, $0x38;
	[tilespmem:$0x1F5A0] =	vst v63  }
0x7e: {  	_ =	swait.ge [sflag:s4], $0x80  }
0x7f: {  	[sflag:s4] =	ssyncset.done $0x0  }
0x80: {  	s26 =	sadd.s32 s9, s13;
	[sflag:s4] =	ssyncadd.s32 $0xFFFFFF80  }
0x81: {  	[tilespmem:s19], [sflag:$0x8] =	stream.linear.gather [hbm4b:s26+s29], $0x80, $0x38;
	[tilespmem:$0x1F5A0] =	vst v63  }
0x82: {  	_ =	swait.ge [sflag:s4], $0x80  }
0x83: {  	[sflag:s4] =	ssyncset.done $0x0  }
0x84: {  	[sflag:s4] =	ssyncadd.s32 $0xFFFFFF80  }
0x85: {  	v3 =	vld [tilespmem:$0xB00]  }
0x86: {  	v4 =	vld [tilespmem:$0xB10]  }
0x87: {  	v5 =	vld [tilespmem:$0xB20]  }
0x88: {  	v6 =	vld [tilespmem:$0xB30]  }
0x89: {  	v7 =	vld [tilespmem:$0xB40]  }
0x8a: {  	v8 =	vld [tilespmem:$0xB50];
	v3 =	vadd.s32 v0, v3  }
0x8b: {  	[tilespmem:$0xB80] =	vst v3;
	v3 =	vadd.s32 v0, v4;
	v4 =	vld [tilespmem:$0xB60]  }
0x8c: {  	[tilespmem:$0xB90] =	vst v3;
	v3 =	vadd.s32 v0, v5;
	v5 =	vld [tilespmem:$0xB70]  }
0x8d: {  	[tilespmem:$0xBA0] =	vst v3;
	v3 =	vadd.s32 v0, v6  }
0x8e: {  	[tilespmem:$0xBB0] =	vst v3;
	v3 =	vadd.s32 v0, v7  }
0x8f: {  	[tilespmem:$0xBC0] =	vst v3;
	v3 =	vadd.s32 v0, v8  }
0x90: {  	[tilespmem:$0xBD0] =	vst v3;
	v3 =	vadd.s32 v0, v4  }
0x91: {  	[tilespmem:$0xBE0] =	vst v3;
	v3 =	vadd.s32 v0, v5  }
0x92: {  	[tilespmem:$0xBF0] =	vst v3  }
0x93: {  	_ =	swait.ge [sflag:s20], $0x80  }
0x94: {  	[sflag:s20] =	ssyncset.done $0x0  }
0x95: {  	[sflag:s20] =	ssyncadd.s32 $0xFFFFFF80  }
0x96: {  	_ =	swait.ge [sflag:s21], $0x80  }
0x97: {  	[sflag:s21] =	ssyncset.done $0x0  }
0x98: {  	[sflag:s21] =	ssyncadd.s32 $0xFFFFFF80  }
0x99: {  	_ =	swait.ge [sflag:s15], $0x800  }
0x9a: {  	[sflag:s15] =	ssyncset.done $0x0  }
0x9b: {  	[sflag:s15] =	ssyncadd.s32 $0xFFFFF800  }
0x9c: {  	[tilespmem:s16], [sflag:$0x1] =	stream.indirect.gather [spmem:s3], $0x1, s18, s14, $0xb8;
	[tilespmem:$0x1F5A0] =	vst v63  }
0x9d: {  	_ = 	snop  }
0x9e: {  	[tilespmem:s22], [sflag:$0x2] =	stream.indirect.gather [spmem:s5], $0x1, s19, s14, $0xb8;
	[tilespmem:$0x1F5A0] =	vst v63  }
0x9f: {  	_ = 	snop  }
0xa0: {  	[tilespmem:s25], [sflag:$0x3] =	stream.indirect.gather [hbm4b:s10+s14], $0x10, s24, s14, $0xb8;
	[tilespmem:$0x1F5A0] =	vst v63  }
0xa1: {  	v3 =	vld [tilespmem:$0x180]  }
0xa2: {  	v4 =	vld [tilespmem:$0x200]  }
0xa3: {  	v5 =	vld [tilespmem:$0x190]  }
0xa4: {  	v50 =	vld [tilespmem:$0x210]  }
0xa5: {  	v51 =	vld [tilespmem:$0x1A0]  }
0xa6: {  	v52 =	vld [tilespmem:$0x220]  }
0xa7: {  	v9 =	vld [tilespmem:$0x230]  }
0xa8: {  	v11 =	vld [tilespmem:$0x1C0]  }
0xa9: {  	v56 =	vld [tilespmem:$0x1D0];
	v3 =	vadd.f32 v4, v3  }
0xaa: {  	v12 =	vld [tilespmem:$0x250];
	v4 =	vadd.f32 v50, v5  }
0xab: {  	v13 =	vld [tilespmem:$0x1E0];
	v53 =	vmul.f32 $2.000000030e-01, v3  }
0xac: {  	v58 =	vld [tilespmem:$0x260];
	vm0 =	vgt.f32 v3, $0.0e+00;
	v10 =	vmul.f32 $2.000000030e-01, v4  }
0xad: {  	v5 =	vld [tilespmem:$0x1B0];
	vm9 =	vgt.f32 v4, $0.0e+00;
	v3 =	vsel vm0, v3, v53  }
0xae: {  	v55 =	vld [tilespmem:$0x240];
	v54 =	vadd.f32 v52, v51;
	v4 =	vsel vm9, v4, v10;
	v3 =	vsub.f32 v3, v2  }
0xaf: {  	v4 =	vsub.f32 v4, v2  }
0xb0: {  	v59 =	vld [tilespmem:$0x1F0];
	v8 =	vadd.f32 v12, v56;
	v57 =	vmul.f32 $2.000000030e-01, v54;
	v3 =	vmul.f32 $1.442695020e+00, v3  }
0xb1: {  	v60 =	vld [tilespmem:$0x270];
	v61 =	vadd.f32 v58, v13;
	vm10 =	vgt.f32 v54, $0.0e+00;
	v4 =	vmul.f32 $1.442695020e+00, v4  }
0xb2: {  	v6 =	vsel vm10, v54, v57;
	v5 =	vadd.f32 v9, v5;
	(erf) = vpow2.f32 v3  }
0xb3: {  	v3 =	vsub.f32 v6, v2;
	(erf) = vpow2.f32 v4;
	v4 =	vadd.f32 v55, v11  }
0xb4: {  	v62 =	vmul.f32 $2.000000030e-01, v61;
	vm14 =	vgt.f32 v61, $0.0e+00;
	v9 =	vmul.f32 $2.000000030e-01, v5  }
0xb5: {  	vm11 =	vgt.f32 v5, $0.0e+00;
	v3 =	vmul.f32 $1.442695020e+00, v3;
	v11 =	vmul.f32 $2.000000030e-01, v4  }
0xb6: {  	v5 =	vsel vm11, v5, v9;
	v6 =	vadd.f32 v60, v59;
	vm12 =	vgt.f32 v4, $0.0e+00  }
0xb7: {  	(erf) = vpow2.f32 v3;
	v3 =	vsel vm12, v4, v11;
	v4 =	vmul.f32 $2.000000030e-01, v8  }
0xb8: {  	vm13 =	vgt.f32 v8, $0.0e+00;
	v7 =	vsel vm14, v61, v62;
	v5 =	vsub.f32 v5, v2  }
0xb9: {  	v63 =	vmul.f32 $2.000000030e-01, v6;
	v3 =	vsub.f32 v3, v2;
	v4 =	vsel vm13, v8, v4  }
0xba: {  	vm15 =	vgt.f32 v6, $0.0e+00;
	v5 =	vmul.f32 $1.442695020e+00, v5;
	v4 =	vsub.f32 v4, v2  }
0xbb: {  	v7 =	vsub.f32 v7, v2;
	v6 =	vsel vm15, v6, v63;
	v3 =	vmul.f32 $1.442695020e+00, v3  }
0xbc: {  	(erf) = vpow2.f32 v5;
	v5 =	vsub.f32 v6, v2;
	v4 =	vmul.f32 $1.442695020e+00, v4  }
0xbd: {  	(erf) = vpow2.f32 v3;
	v3 =	vmul.f32 $1.442695020e+00, v7  }
0xbe: {  	(erf) = vpow2.f32 v4;
	v4 =	vmul.f32 $1.442695020e+00, v5  }
0xbf: {  	(erf) = vpow2.f32 v3  }
0xc0: {  	(erf) = vpow2.f32 v4;
	_ =	sdelay $0x1  }
0xc1: {  	v3 =	vpop (erf)  }
0xc2: {  	[tilespmem:$0x280] =	vst v3;
	v4 =	vpop (erf)  }
0xc3: {  	v3 =	vpop (erf);
	[tilespmem:$0x290] =	vst v4  }
0xc4: {  	v4 =	vpop (erf);
	[tilespmem:$0x2A0] =	vst v3  }
0xc5: {  	v3 =	vpop (erf);
	[tilespmem:$0x2B0] =	vst v4  }
0xc6: {  	[tilespmem:$0x2C0] =	vst v3;
	v4 =	vpop (erf)  }
0xc7: {  	v3 =	vpop (erf);
	[tilespmem:$0x2D0] =	vst v4  }
0xc8: {  	[tilespmem:$0x2E0] =	vst v3;
	v3 =	vpop (erf)  }
0xc9: {  	s26 =	simm.s32 $0x380;
	[tilespmem:$0x2F0] =	vst v3  }
0xca: {  	s28 =	simm.s32 $0x40;
	s6 =	simm.s32 $0x0;
	s13 =	simm.s32 $0x380;
	v3 =	vld [tilespmem:s26+$0xFFFFFFB0]  }
.LBB2_9:
0xcb: {  	p3 =	sne.s32 s28, $0x1C0;
	v4 =	vld [tilespmem:s6+$0x280]  }
0xcc: {  	v5 =	vld [tilespmem:s26+$0xFFFFFF90]  }
0xcd: {  	v6 =	vld [tilespmem:s26+$0xFFFFFF80]  }
0xce: {  	v7 =	vld [tilespmem:s26+$0xFFFFFFA0]  }
0xcf: {  	v8 =	vld [tilespmem:s26+$0xFFFFFFF0]  }
0xd0: {  	v9 =	vbroadcast v4, $0x0;
	v10 =	vbroadcast v4, $0x1;
	v11 =	vld [tilespmem:s26+$0xFFFFFFD0]  }
0xd1: {  	v12 =	vbroadcast v4, $0x2;
	v13 =	vbroadcast v4, $0x3;
	v14 =	vld [tilespmem:s26+$0xFFFFFFC0]  }
0xd2: {  	v6 =	vmul.f32 v9, v6;
	v5 =	vmul.f32 v5, v10;
	v9 =	vld [tilespmem:s26+$0xFFFFFFE0]  }
0xd3: {  	v3 =	vmul.f32 v3, v13;
	v7 =	vmul.f32 v7, v12;
	v10 =	vld [tilespmem:s26+$0x30]  }
0xd4: {  	v12 =	vbroadcast v4, $0x5;
	[tilespmem:s26+$0xFFFFFF80] =	vst v6;
	v6 =	vbroadcast v4, $0x4;
	v13 =	vld [tilespmem:s26+$0x10]  }
0xd5: {  	v15 =	vbroadcast v4, $0x7;
	[tilespmem:s26+$0xFFFFFF90] =	vst v5;
	v5 =	vbroadcast v4, $0x6;
	v16 =	vld [tilespmem:s26+$0x0]  }
0xd6: {  	[tilespmem:s26+$0xFFFFFFA0] =	vst v7;
	v6 =	vmul.f32 v14, v6;
	v7 =	vmul.f32 v11, v12;
	v11 =	vld [tilespmem:s26+$0x20]  }
0xd7: {  	[tilespmem:s26+$0xFFFFFFB0] =	vst v3;
	v3 =	vmul.f32 v9, v5;
	v5 =	vmul.f32 v8, v15;
	v8 =	vld [tilespmem:s26+$0x70]  }
0xd8: {  	v9 =	vbroadcast v4, $0x9;
	[tilespmem:s26+$0xFFFFFFC0] =	vst v6;
	v6 =	vbroadcast v4, $0x8;
	v12 =	vld [tilespmem:s26+$0x50]  }
0xd9: {  	v14 =	vbroadcast v4, $0xB;
	[tilespmem:s26+$0xFFFFFFD0] =	vst v7;
	v7 =	vbroadcast v4, $0xA;
	v15 =	vld [tilespmem:s26+$0x40]  }
0xda: {  	[tilespmem:s26+$0xFFFFFFE0] =	vst v3;
	v3 =	vmul.f32 v16, v6;
	v6 =	vmul.f32 v13, v9;
	v9 =	vld [tilespmem:s26+$0x60]  }
0xdb: {  	[tilespmem:s26+$0xFFFFFFF0] =	vst v5;
	v5 =	vmul.f32 v11, v7;
	v7 =	vmul.f32 v10, v14  }
0xdc: {  	v10 =	vbroadcast v4, $0xD;
	[tilespmem:s26+$0x0] =	vst v3;
	v3 =	vbroadcast v4, $0xC  }
0xdd: {  	[tilespmem:s26+$0x10] =	vst v6;
	v6 =	vbroadcast v4, $0xE;
	v4 =	vbroadcast v4, $0xF  }
0xde: {  	[tilespmem:s26+$0x20] =	vst v5;
	v3 =	vmul.f32 v15, v3;
	v5 =	vmul.f32 v12, v10  }
.Ltmp3:
0xdf: {  	[tilespmem:s26+$0x30] =	vst v7;
	v6 =	vmul.f32 v9, v6;
	v4 =	vmul.f32 v8, v4;
	(pc) =	sbr.rel @p3 .LBB2_9-.Ltmp3, $4  }
0xe0: {  	[tilespmem:s26+$0x40] =	vst v3  }
0xe1: {  	[tilespmem:s26+$0x50] =	vst v5  }
0xe2: {  	s26 =	sadd.s32 $0x100, s26;
	[tilespmem:s13+$0x60] =	vst v6  }
0xe3: {  	s6 =	sshra.s32 s28, $0x2;
	s28 =	sadd.s32 $0x40, s28;
	v3 =	vld [tilespmem:s26+$0xFFFFFFB0];
	[tilespmem:s13+$0x70] =	vst v4;
	s13 =	smov.u32 s26  }
0xe4: {  	v4 =	vld [tilespmem:s6+$0x280];
	_ =	sdelay $0x1  }
0xe5: {  	v5 =	vld [tilespmem:s26+$0xFFFFFF80]  }
0xe6: {  	v6 =	vld [tilespmem:s26+$0xFFFFFF90]  }
0xe7: {  	v7 =	vld [tilespmem:s26+$0xFFFFFFA0]  }
0xe8: {  	v8 =	vbroadcast v4, $0x0  }
0xe9: {  	v11 =	vld [tilespmem:s26+$0xFFFFFFD0];
	v9 =	vbroadcast v4, $0x1  }
0xea: {  	v10 =	vld [tilespmem:s26+$0xFFFFFFC0];
	v12 =	vbroadcast v4, $0x2;
	v5 =	vmul.f32 v8, v5  }
0xeb: {  	v29 =	vld [tilespmem:s26+$0xFFFFFFE0];
	v28 =	vbroadcast v4, $0x3;
	v6 =	vmul.f32 v6, v9  }
0xec: {  	v32 =	vld [tilespmem:s26+$0x10];
	v30 =	vbroadcast v4, $0x5;
	v7 =	vmul.f32 v7, v12;
	[tilespmem:s26+$0xFFFFFF80] =	vst v5  }
0xed: {  	v13 =	vld [tilespmem:s26+$0xFFFFFFF0];
	v3 =	vmul.f32 v3, v28;
	v5 =	vbroadcast v4, $0x4;
	[tilespmem:s26+$0xFFFFFF90] =	vst v6  }
0xee: {  	v31 =	vld [tilespmem:s26+$0x0];
	v14 =	vbroadcast v4, $0x6;
	v8 =	vmul.f32 v11, v30;
	[tilespmem:s26+$0xFFFFFFA0] =	vst v7  }
0xef: {  	v37 =	vld [tilespmem:s26+$0x50];
	v35 =	vbroadcast v4, $0x9;
	[tilespmem:s26+$0xFFFFFFB0] =	vst v3;
	v5 =	vmul.f32 v10, v5  }
0xf0: {  	v34 =	vld [tilespmem:s26+$0x20];
	v33 =	vbroadcast v4, $0x7;
	v9 =	vmul.f32 v29, v14;
	[tilespmem:s26+$0xFFFFFFD0] =	vst v8  }
0xf1: {  	v40 =	vmul.f32 v32, v35;
	v3 =	vld [tilespmem:s26+$0x30];
	[tilespmem:s26+$0xFFFFFFC0] =	vst v5;
	v5 =	vbroadcast v4, $0x8  }
0xf2: {  	v36 =	vld [tilespmem:s26+$0x40];
	v43 =	vbroadcast v4, $0xD;
	v7 =	vmul.f32 v13, v33;
	[tilespmem:s26+$0xFFFFFFE0] =	vst v9  }
0xf3: {  	v41 =	vld [tilespmem:s26+$0x60];
	v38 =	vbroadcast v4, $0xA;
	[tilespmem:s26+$0x10] =	vst v40;
	v5 =	vmul.f32 v31, v5  }
0xf4: {  	v42 =	vld [tilespmem:s26+$0x70];
	v39 =	vbroadcast v4, $0xB;
	v6 =	vmul.f32 v37, v43;
	[tilespmem:s26+$0xFFFFFFF0] =	vst v7  }
0xf5: {  	v10 =	vmul.f32 v34, v38;
	[tilespmem:s26+$0x0] =	vst v5;
	v5 =	vbroadcast v4, $0xC  }
0xf6: {  	v44 =	vbroadcast v4, $0xE;
	[tilespmem:s26+$0x50] =	vst v6;
	v3 =	vmul.f32 v3, v39  }
0xf7: {  	[tilespmem:s26+$0x20] =	vst v10;
	v4 =	vbroadcast v4, $0xF;
	v5 =	vmul.f32 v36, v5  }
0xf8: {  	[tilespmem:s26+$0x30] =	vst v3;
	v3 =	vmul.f32 v41, v44  }
0xf9: {  	v4 =	vmul.f32 v42, v4;
	[tilespmem:s26+$0x40] =	vst v5  }
0xfa: {  	[tilespmem:s13+$0x60] =	vst v3  }
0xfb: {  	s6 =	simm.s32 @!p1 $0x80;
	[tilespmem:s13+$0x70] =	vst v4  }
0xfc: {  	[spmem:s1] =	stream.indirect.scatter.add.f32 [tilespmem:s17], [sflag:$0x4], $0x10, s11, s14, $0xb8;
	[tilespmem:$0x1F5A0] =	vst v63  }
0xfd: {  	p3 =	seq.s32 s30, $0x619;
	s26 =	simm.s32 @!p1 $0x280;
	s13 =	simm.s32 @!p1 $0x100  }
0xfe: {  	[spmem:s2] =	stream.indirect.scatter.add.f32 @!p1 [tilespmem:s26], [sflag:$0x5], $0x1, s13, s6, $0xb8;
	[tilespmem:$0x1F5A0] =	vst v63  }
0xff: {  	s6 =	simm.s32 @!p3 $0x4  }
0x100: {  	p4 =	sne.s32 @!p3 s7, $0x0;
	_ =	swait.ge @!p3 [sflag:s6], $0x800  }
0x101: {  	p4 =	por p4, p3;
	[sflag:s6] =	ssyncset.done @!p3 $0x0  }
0x102: {  	[sflag:s6] =	ssyncadd.s32 @!p3 $0xFFFFF800;
	s6 =	simm.s32 @!p4 $0x5  }
0x103: {  	s13 =	sshrl.u32 @!p3 s31, $0x3;
	_ =	swait.ge @!p4 [sflag:s6], $0x80  }
0x104: {  	s13 =	sadd.s32 @!p3 $0x20, s13;
	[sflag:s6] =	ssyncset.done @!p4 $0x0  }
0x105: {  	s26 =	simm.s32 @!p3 $0x0;
	[sflag:s6] =	ssyncadd.s32 @!p4 $0xFFFFFF80;
	s6 =	sadd.s32 @!p3 s8, s13  }
0x106: {  	[tilespmem:s26], [sflag:$0x8] =	stream.linear.gather @!p3 [hbm4b:s6+s26], $0x80, $0x38;
	[tilespmem:$0x1F5A0] =	vst v63  }
0x107: {  	s6 =	simm.s32 @!p3 $0x8  }
0x108: {  	_ =	swait.ge @!p3 [sflag:s6], $0x80  }
0x109: {  	[sflag:s6] =	ssyncset.done @!p3 $0x0  }
0x10a: {  	s28 =	simm.s32 @!p3 $0x100;
	s13 =	sadd.s32 @!p3 s9, s13;
	[sflag:s6] =	ssyncadd.s32 @!p3 $0xFFFFFF80  }
0x10b: {  	[tilespmem:s28], [sflag:$0x8] =	stream.linear.gather @!p3 [hbm4b:s13+s26], $0x80, $0x38;
	[tilespmem:$0x1F5A0] =	vst v63  }
0x10c: {  	_ =	swait.ge @!p3 [sflag:s6], $0x80  }
0x10d: {  	[sflag:s6] =	ssyncset.done @!p3 $0x0  }
0x10e: {  	[sflag:s6] =	ssyncadd.s32 @!p3 $0xFFFFFF80  }
0x10f: {  	v3 =	vld @!p3 [tilespmem:$0x0]  }
0x110: {  	v4 =	vld @!p3 [tilespmem:$0x10]  }
0x111: {  	v5 =	vld @!p3 [tilespmem:$0x20]  }
0x112: {  	v6 =	vld @!p3 [tilespmem:$0x30]  }
0x113: {  	v7 =	vld @!p3 [tilespmem:$0x40]  }
0x114: {  	v8 =	vld @!p3 [tilespmem:$0x50];
	v3 =	vadd.s32 @!p3 v0, v3  }
0x115: {  	[tilespmem:$0x80] =	vst @!p3 v3;
	v3 =	vadd.s32 @!p3 v0, v4;
	v4 =	vld @!p3 [tilespmem:$0x60]  }
0x116: {  	[tilespmem:$0x90] =	vst @!p3 v3;
	v3 =	vadd.s32 @!p3 v0, v5;
	v5 =	vld @!p3 [tilespmem:$0x70]  }
0x117: {  	[tilespmem:$0xA0] =	vst @!p3 v3;
	v3 =	vadd.s32 @!p3 v0, v6  }
0x118: {  	[tilespmem:$0xB0] =	vst @!p3 v3;
	v3 =	vadd.s32 @!p3 v0, v7  }
0x119: {  	[tilespmem:$0xC0] =	vst @!p3 v3;
	v3 =	vadd.s32 @!p3 v0, v8  }
0x11a: {  	[tilespmem:$0xD0] =	vst @!p3 v3;
	v3 =	vadd.s32 @!p3 v0, v4  }
0x11b: {  	[tilespmem:$0xE0] =	vst @!p3 v3;
	v3 =	vadd.s32 @!p3 v0, v5  }
0x11c: {  	s13 =	simm.s32 @!p3 $0x180;
	s6 =	simm.s32 @!p3 $0x80;
	[tilespmem:$0xF0] =	vst @!p3 v3  }
0x11d: {  	[tilespmem:s13], [sflag:$0x1] =	stream.indirect.gather @!p3 [spmem:s3], $0x1, s26, s6, $0xb8;
	[tilespmem:$0x1F5A0] =	vst v63  }
0x11e: {  	s13 =	simm.s32 @!p3 $0x200  }
0x11f: {  	[tilespmem:s13], [sflag:$0x2] =	stream.indirect.gather @!p3 [spmem:s5], $0x1, s28, s6, $0xb8;
	[tilespmem:$0x1F5A0] =	vst v63  }
0x120: {  	s13 =	simm.s32 @!p3 $0x300  }
0x121: {  	[tilespmem:s13], [sflag:$0x3] =	stream.indirect.gather @!p3 [hbm4b:s10+s6], $0x10, s6, s6, $0xb8;
	[tilespmem:$0x1F5A0] =	vst v63  }
0x122: {  	_ =	swait.ge [sflag:s20], $0x80  }
0x123: {  	[sflag:s20] =	ssyncset.done $0x0  }
0x124: {  	[sflag:s20] =	ssyncadd.s32 $0xFFFFFF80  }
0x125: {  	_ =	swait.ge [sflag:s21], $0x80  }
0x126: {  	[sflag:s21] =	ssyncset.done $0x0  }
0x127: {  	[sflag:s21] =	ssyncadd.s32 $0xFFFFFF80  }
0x128: {  	_ =	swait.ge [sflag:s15], $0x800  }
0x129: {  	[sflag:s15] =	ssyncset.done $0x0  }
0x12a: {  	[sflag:s15] =	ssyncadd.s32 $0xFFFFF800  }
0x12b: {  	v3 =	vld [tilespmem:$0xC80]  }
0x12c: {  	v4 =	vld [tilespmem:$0xD00]  }
0x12d: {  	v5 =	vld [tilespmem:$0xC90]  }
0x12e: {  	v45 =	vld [tilespmem:$0xD10]  }
0x12f: {  	v46 =	vld [tilespmem:$0xCA0]  }
0x130: {  	v47 =	vld [tilespmem:$0xD20]  }
0x131: {  	v48 =	vld [tilespmem:$0xD30]  }
0x132: {  	v50 =	vld [tilespmem:$0xCC0]  }
0x133: {  	v51 =	vld [tilespmem:$0xD40]  }
0x134: {  	v53 =	vld [tilespmem:$0xCD0]  }
0x135: {  	v55 =	vld [tilespmem:$0xD50];
	v3 =	vadd.f32 v4, v3  }
0x136: {  	v56 =	vld [tilespmem:$0xCE0]  }
0x137: {  	v57 =	vld [tilespmem:$0xD60];
	v5 =	vadd.f32 v45, v5;
	v49 =	vmul.f32 $2.000000030e-01, v3  }
0x138: {  	v4 =	vld [tilespmem:$0xCB0];
	vm0 =	vgt.f32 v3, $0.0e+00  }
0x139: {  	v52 =	vmul.f32 $2.000000030e-01, v5;
	v3 =	vsel vm0, v3, v49  }
0x13a: {  	vm9 =	vgt.f32 v5, $0.0e+00;
	v3 =	vsub.f32 v3, v2  }
0x13b: {  	v7 =	vadd.f32 v47, v46;
	v6 =	vadd.f32 v51, v50;
	v5 =	vsel vm9, v5, v52  }
0x13c: {  	v60 =	vadd.f32 v55, v53;
	v5 =	vsub.f32 v5, v2;
	v3 =	vmul.f32 $1.442695020e+00, v3  }
0x13d: {  	v59 =	vld [tilespmem:$0xCF0];
	v61 =	vadd.f32 v57, v56;
	v54 =	vmul.f32 $2.000000030e-01, v7;
	v4 =	vadd.f32 v48, v4  }
0x13e: {  	vm10 =	vgt.f32 v7, $0.0e+00;
	(erf) = vpow2.f32 v3;
	v3 =	vmul.f32 $1.442695020e+00, v5;
	v5 =	vld [tilespmem:$0xD70]  }
0x13f: {  	vm12 =	vgt.f32 v6, $0.0e+00;
	v62 =	vmul.f32 $2.000000030e-01, v60;
	v58 =	vmul.f32 $2.000000030e-01, v4  }
0x140: {  	v9 =	vmul.f32 $2.000000030e-01, v61;
	v7 =	vsel vm10, v7, v54;
	vm11 =	vgt.f32 v4, $0.0e+00  }
0x141: {  	vm14 =	vgt.f32 v61, $0.0e+00;
	v7 =	vsub.f32 v7, v2;
	v4 =	vsel vm11, v4, v58  }
0x142: {  	(erf) = vpow2.f32 v3;
	v3 =	vsub.f32 v4, v2;
	v4 =	vmul.f32 $2.000000030e-01, v6  }
0x143: {  	vm13 =	vgt.f32 v60, $0.0e+00;
	v8 =	vsel vm14, v61, v9;
	v5 =	vadd.f32 v5, v59  }
0x144: {  	v8 =	vsub.f32 v8, v2;
	v7 =	vmul.f32 $1.442695020e+00, v7;
	v4 =	vsel vm12, v6, v4  }
0x145: {  	v6 =	vsel vm13, v60, v62;
	v4 =	vsub.f32 v4, v2;
	v63 =	vmul.f32 $2.000000030e-01, v5  }
0x146: {  	v3 =	vmul.f32 $1.442695020e+00, v3;
	v6 =	vsub.f32 v6, v2;
	vm15 =	vgt.f32 v5, $0.0e+00  }
0x147: {  	(erf) = vpow2.f32 v7;
	v4 =	vmul.f32 $1.442695020e+00, v4;
	v5 =	vsel vm15, v5, v63  }
0x148: {  	(erf) = vpow2.f32 v3;
	v3 =	vmul.f32 $1.442695020e+00, v6;
	v5 =	vsub.f32 v5, v2  }
0x149: {  	(erf) = vpow2.f32 v4;
	v4 =	vmul.f32 $1.442695020e+00, v8  }
0x14a: {  	(erf) = vpow2.f32 v3;
	v3 =	vmul.f32 $1.442695020e+00, v5  }
0x14b: {  	(erf) = vpow2.f32 v4  }
0x14c: {  	(erf) = vpow2.f32 v3;
	_ =	sdelay $0x1  }
0x14d: {  	v3 =	vpop (erf)  }
0x14e: {  	v4 =	vpop (erf);
	[tilespmem:$0xD80] =	vst v3  }
0x14f: {  	v3 =	vpop (erf);
	[tilespmem:$0xD90] =	vst v4  }
0x150: {  	v4 =	vpop (erf);
	[tilespmem:$0xDA0] =	vst v3  }
0x151: {  	v3 =	vpop (erf);
	[tilespmem:$0xDB0] =	vst v4  }
0x152: {  	v4 =	vpop (erf);
	[tilespmem:$0xDC0] =	vst v3  }
0x153: {  	v3 =	vpop (erf);
	[tilespmem:$0xDD0] =	vst v4  }
0x154: {  	[tilespmem:$0xDE0] =	vst v3;
	v3 =	vpop (erf)  }
0x155: {  	s26 =	simm.s32 $0xE80;
	[tilespmem:$0xDF0] =	vst v3  }
0x156: {  	s28 =	simm.s32 $0x40;
	s6 =	simm.s32 $0x0;
	s13 =	simm.s32 $0xE80;
	v3 =	vld [tilespmem:s26+$0xFFFFFFB0]  }
.LBB2_11:
0x157: {  	p3 =	sne.s32 s28, $0x1C0;
	v4 =	vld [tilespmem:s6+$0xD80]  }
0x158: {  	v5 =	vld [tilespmem:s26+$0xFFFFFF90]  }
0x159: {  	v6 =	vld [tilespmem:s26+$0xFFFFFF80]  }
0x15a: {  	v7 =	vld [tilespmem:s26+$0xFFFFFFA0]  }
0x15b: {  	v8 =	vld [tilespmem:s26+$0xFFFFFFF0]  }
0x15c: {  	v9 =	vbroadcast v4, $0x0;
	v10 =	vbroadcast v4, $0x1;
	v11 =	vld [tilespmem:s26+$0xFFFFFFD0]  }
0x15d: {  	v12 =	vbroadcast v4, $0x2;
	v13 =	vbroadcast v4, $0x3;
	v14 =	vld [tilespmem:s26+$0xFFFFFFC0]  }
0x15e: {  	v6 =	vmul.f32 v9, v6;
	v5 =	vmul.f32 v5, v10;
	v9 =	vld [tilespmem:s26+$0xFFFFFFE0]  }
0x15f: {  	v3 =	vmul.f32 v3, v13;
	v7 =	vmul.f32 v7, v12;
	v10 =	vld [tilespmem:s26+$0x30]  }
0x160: {  	v12 =	vbroadcast v4, $0x5;
	[tilespmem:s26+$0xFFFFFF80] =	vst v6;
	v6 =	vbroadcast v4, $0x4;
	v13 =	vld [tilespmem:s26+$0x10]  }
0x161: {  	v15 =	vbroadcast v4, $0x7;
	[tilespmem:s26+$0xFFFFFF90] =	vst v5;
	v5 =	vbroadcast v4, $0x6;
	v16 =	vld [tilespmem:s26+$0x0]  }
0x162: {  	[tilespmem:s26+$0xFFFFFFA0] =	vst v7;
	v6 =	vmul.f32 v14, v6;
	v7 =	vmul.f32 v11, v12;
	v11 =	vld [tilespmem:s26+$0x20]  }
0x163: {  	[tilespmem:s26+$0xFFFFFFB0] =	vst v3;
	v3 =	vmul.f32 v9, v5;
	v5 =	vmul.f32 v8, v15;
	v8 =	vld [tilespmem:s26+$0x70]  }
0x164: {  	v9 =	vbroadcast v4, $0x9;
	[tilespmem:s26+$0xFFFFFFC0] =	vst v6;
	v6 =	vbroadcast v4, $0x8;
	v12 =	vld [tilespmem:s26+$0x50]  }
0x165: {  	v14 =	vbroadcast v4, $0xB;
	[tilespmem:s26+$0xFFFFFFD0] =	vst v7;
	v7 =	vbroadcast v4, $0xA;
	v15 =	vld [tilespmem:s26+$0x40]  }
0x166: {  	[tilespmem:s26+$0xFFFFFFE0] =	vst v3;
	v3 =	vmul.f32 v16, v6;
	v6 =	vmul.f32 v13, v9;
	v9 =	vld [tilespmem:s26+$0x60]  }
0x167: {  	[tilespmem:s26+$0xFFFFFFF0] =	vst v5;
	v5 =	vmul.f32 v11, v7;
	v7 =	vmul.f32 v10, v14  }
0x168: {  	v10 =	vbroadcast v4, $0xD;
	[tilespmem:s26+$0x0] =	vst v3;
	v3 =	vbroadcast v4, $0xC  }
0x169: {  	[tilespmem:s26+$0x10] =	vst v6;
	v6 =	vbroadcast v4, $0xE;
	v4 =	vbroadcast v4, $0xF  }
0x16a: {  	[tilespmem:s26+$0x20] =	vst v5;
	v3 =	vmul.f32 v15, v3;
	v5 =	vmul.f32 v12, v10  }
.Ltmp4:
0x16b: {  	[tilespmem:s26+$0x30] =	vst v7;
	v6 =	vmul.f32 v9, v6;
	v4 =	vmul.f32 v8, v4;
	(pc) =	sbr.rel @p3 .LBB2_11-.Ltmp4, $4  }
0x16c: {  	[tilespmem:s26+$0x40] =	vst v3  }
0x16d: {  	[tilespmem:s26+$0x50] =	vst v5  }
0x16e: {  	s26 =	sadd.s32 $0x100, s26;
	[tilespmem:s13+$0x60] =	vst v6  }
0x16f: {  	s6 =	sshra.s32 s28, $0x2;
	s28 =	sadd.s32 $0x40, s28;
	v3 =	vld [tilespmem:s26+$0xFFFFFFB0];
	[tilespmem:s13+$0x70] =	vst v4;
	s13 =	smov.u32 s26  }
0x170: {  	v4 =	vld [tilespmem:s6+$0xD80];
	_ =	sdelay $0x1  }
0x171: {  	v5 =	vld [tilespmem:s26+$0xFFFFFF80]  }
0x172: {  	v6 =	vld [tilespmem:s26+$0xFFFFFF90]  }
0x173: {  	v7 =	vld [tilespmem:s26+$0xFFFFFFA0]  }
0x174: {  	v8 =	vbroadcast v4, $0x0  }
0x175: {  	v11 =	vld [tilespmem:s26+$0xFFFFFFD0];
	v9 =	vbroadcast v4, $0x1;
	v12 =	vbroadcast v4, $0x2  }
0x176: {  	v45 =	vld [tilespmem:s26+$0xFFFFFFE0];
	v44 =	vbroadcast v4, $0x3;
	v5 =	vmul.f32 v8, v5  }
0x177: {  	v49 =	vld [tilespmem:s26+$0x10];
	v46 =	vbroadcast v4, $0x4;
	v6 =	vmul.f32 v6, v9  }
0x178: {  	v10 =	vld [tilespmem:s26+$0xFFFFFFC0];
	v47 =	vbroadcast v4, $0x5;
	v7 =	vmul.f32 v7, v12;
	[tilespmem:s26+$0xFFFFFF80] =	vst v5  }
0x179: {  	v13 =	vld [tilespmem:s26+$0xFFFFFFF0];
	v14 =	vbroadcast v4, $0x6;
	v3 =	vmul.f32 v3, v44;
	[tilespmem:s26+$0xFFFFFF90] =	vst v6  }
0x17a: {  	v51 =	vld [tilespmem:s26+$0x20];
	v53 =	vbroadcast v4, $0x9;
	v8 =	vmul.f32 v11, v47;
	[tilespmem:s26+$0xFFFFFFA0] =	vst v7  }
0x17b: {  	v48 =	vld [tilespmem:s26+$0x0];
	v50 =	vbroadcast v4, $0x7;
	v9 =	vmul.f32 v45, v14;
	[tilespmem:s26+$0xFFFFFFB0] =	vst v3  }
0x17c: {  	v55 =	vld [tilespmem:s26+$0x50];
	v52 =	vbroadcast v4, $0x8;
	v58 =	vmul.f32 v49, v53;
	[tilespmem:s26+$0xFFFFFFD0] =	vst v8  }
0x17d: {  	v54 =	vld [tilespmem:s26+$0x40];
	v56 =	vbroadcast v4, $0xA;
	v5 =	vmul.f32 v10, v46;
	[tilespmem:s26+$0xFFFFFFE0] =	vst v9  }
0x17e: {  	v57 =	vbroadcast v4, $0xB;
	v3 =	vld [tilespmem:s26+$0x30];
	v7 =	vmul.f32 v13, v50;
	[tilespmem:s26+$0x10] =	vst v58  }
0x17f: {  	v60 =	vld [tilespmem:s26+$0x70];
	v62 =	vbroadcast v4, $0xD;
	v10 =	vmul.f32 v51, v56;
	[tilespmem:s26+$0xFFFFFFC0] =	vst v5  }
0x180: {  	v59 =	vld [tilespmem:s26+$0x60];
	v61 =	vbroadcast v4, $0xC;
	v5 =	vmul.f32 v48, v52;
	[tilespmem:s26+$0xFFFFFFF0] =	vst v7  }
0x181: {  	v63 =	vbroadcast v4, $0xE;
	v6 =	vmul.f32 v55, v62;
	[tilespmem:s26+$0x20] =	vst v10  }
0x182: {  	v4 =	vbroadcast v4, $0xF;
	[tilespmem:s26+$0x0] =	vst v5;
	v5 =	vmul.f32 v54, v61  }
0x183: {  	[tilespmem:s26+$0x50] =	vst v6;
	v3 =	vmul.f32 v3, v57  }
0x184: {  	s30 =	sadd.s32 $0x1, s30;
	v4 =	vmul.f32 v60, v4;
	[tilespmem:s26+$0x40] =	vst v5  }
0x185: {  	p3 =	sne.s32 s30, $0x61A;
	[tilespmem:s26+$0x30] =	vst v3;
	v3 =	vmul.f32 v59, v63  }
.Ltmp5:
0x186: {  	[tilespmem:s13+$0x70] =	vst v4;
	(pc) =	sbr.rel @p3 .LBB2_8-.Ltmp5, $4  }
0x187: {  	[tilespmem:s13+$0x60] =	vst v3  }
0x188: {  	[spmem:s1] =	stream.indirect.scatter.add.f32 [tilespmem:s25], [sflag:$0x6], $0x10, s19, s14, $0xb8;
	[tilespmem:$0x1F5A0] =	vst v63  }
0x189: {  	s6 =	simm.s32 @!p1 $0x80;
	s26 =	simm.s32 @!p1 $0xD80;
	s13 =	simm.s32 @!p1 $0xC00  }
0x18a: {  	[spmem:s2] =	stream.indirect.scatter.add.f32 @!p1 [tilespmem:s26], [sflag:$0x7], $0x1, s13, s6, $0xb8;
	[tilespmem:$0x1F5A0] =	vst v63  }
0x18b: {  	s6 =	simm.s32 $0x4  }
0x18c: {  	_ =	swait.ge [sflag:s6], $0x800  }
0x18d: {  	[sflag:s6] =	ssyncset.done $0x0  }
0x18e: {  	[sflag:s6] =	ssyncadd.s32 $0xFFFFF800;
	s6 =	simm.s32 @p1 $0x6  }
0x18f: {  	_ =	swait.ge @p1 [sflag:s6], $0x800  }
0x190: {  	[sflag:s6] =	ssyncset.done @p1 $0x0  }
0x191: {  	[sflag:s6] =	ssyncadd.s32 @p1 $0xFFFFF800;
	s6 =	simm.s32 @!p1 $0x5  }
0x192: {  	_ =	swait.ge @!p1 [sflag:s6], $0x80  }
0x193: {  	[sflag:s6] =	ssyncset.done @!p1 $0x0  }
0x194: {  	[sflag:s6] =	ssyncadd.s32 @!p1 $0xFFFFFF80;
	s6 =	simm.s32 @!p1 $0x6  }
0x195: {  	_ =	swait.ge @!p1 [sflag:s6], $0x800  }
0x196: {  	[sflag:s6] =	ssyncset.done @!p1 $0x0  }
0x197: {  	[sflag:s6] =	ssyncadd.s32 @!p1 $0xFFFFF800;
	s6 =	simm.s32 @!p1 $0x7  }
0x198: {  	_ =	swait.ge @!p1 [sflag:s6], $0x80  }
0x199: {  	[sflag:s6] =	ssyncset.done @!p1 $0x0  }
0x19a: {  	s13 =	rddreg [dreg:$0xf];
	[sflag:s6] =	ssyncadd.s32 @!p1 $0xFFFFFF80;
	s6 =	simm.s32 $0x0  }
0x19b: {  	[tilespmem:s6], [sflag:$0x8] =	stream.linear.gather [hbm4b:s13+s6], $0x80, $0x38;
	[tilespmem:$0x1F5A0] =	vst v63  }
0x19c: {  	_ =	swait.ge [sflag:s4], $0x80  }
0x19d: {  	[sflag:s4] =	ssyncset.done $0x0  }
0x19e: {  	s26 =	rddreg [dreg:$0x10];
	[sflag:s4] =	ssyncadd.s32 $0xFFFFFF80  }
0x19f: {  	[tilespmem:s11], [sflag:$0x8] =	stream.linear.gather [hbm4b:s26+s6], $0x80, $0x38;
	[tilespmem:$0x1F5A0] =	vst v63  }
0x1a0: {  	_ =	swait.ge [sflag:s4], $0x80  }
0x1a1: {  	[sflag:s4] =	ssyncset.done $0x0  }
0x1a2: {  	[sflag:s4] =	ssyncadd.s32 $0xFFFFFF80  }
0x1a3: {  	v3 =	vld [tilespmem:$0x0]  }
0x1a4: {  	v4 =	vld [tilespmem:$0x10]  }
0x1a5: {  	v5 =	vld [tilespmem:$0x20]  }
0x1a6: {  	v6 =	vld [tilespmem:$0x30]  }
0x1a7: {  	v7 =	vld [tilespmem:$0x40]  }
0x1a8: {  	v8 =	vld [tilespmem:$0x50];
	v3 =	vadd.s32 v0, v3  }
0x1a9: {  	v42 =	vld [tilespmem:$0x60];
	[tilespmem:$0x80] =	vst v3;
	v3 =	vadd.s32 v0, v4  }
0x1aa: {  	v43 =	vld [tilespmem:$0x70];
	[tilespmem:$0x90] =	vst v3;
	v3 =	vadd.s32 v0, v5  }
0x1ab: {  	[tilespmem:$0xA0] =	vst v3;
	v3 =	vadd.s32 v0, v6  }
0x1ac: {  	[tilespmem:$0xB0] =	vst v3;
	v3 =	vadd.s32 v0, v7  }
0x1ad: {  	[tilespmem:$0xC0] =	vst v3;
	v3 =	vadd.s32 v0, v8  }
0x1ae: {  	[tilespmem:$0xD0] =	vst v3;
	v3 =	vadd.s32 v0, v42  }
0x1af: {  	[tilespmem:$0xE0] =	vst v3;
	v3 =	vadd.s32 v0, v43  }
0x1b0: {  	s30 =	simm.s32 $0x180;
	[tilespmem:$0xF0] =	vst v3  }
0x1b1: {  	[tilespmem:s30], [sflag:$0x1] =	stream.indirect.gather [spmem:s3], $0x1, s6, s14, $0xb8;
	[tilespmem:$0x1F5A0] =	vst v63  }
0x1b2: {  	s31 =	simm.s32 $0x200  }
0x1b3: {  	[tilespmem:s31], [sflag:$0x2] =	stream.indirect.gather [spmem:s5], $0x1, s11, s14, $0xb8;
	[tilespmem:$0x1F5A0] =	vst v63  }
0x1b4: {  	_ = 	snop  }
0x1b5: {  	[tilespmem:s17], [sflag:$0x3] =	stream.indirect.gather [hbm4b:s10+s14], $0x10, s14, s14, $0xb8;
	[tilespmem:$0x1F5A0] =	vst v63  }
0x1b6: {  	_ =	swait.ge [sflag:s20], $0x80  }
0x1b7: {  	[sflag:s20] =	ssyncset.done $0x0  }
0x1b8: {  	[sflag:s20] =	ssyncadd.s32 $0xFFFFFF80  }
0x1b9: {  	_ =	swait.ge [sflag:s21], $0x80  }
0x1ba: {  	[sflag:s21] =	ssyncset.done $0x0  }
0x1bb: {  	[sflag:s21] =	ssyncadd.s32 $0xFFFFFF80  }
0x1bc: {  	_ =	swait.ge [sflag:s15], $0x800  }
0x1bd: {  	[sflag:s15] =	ssyncset.done $0x0  }
0x1be: {  	[sflag:s15] =	ssyncadd.s32 $0xFFFFF800  }
0x1bf: {  	v3 =	vld [tilespmem:$0x180]  }
0x1c0: {  	v44 =	vld [tilespmem:$0x200]  }
0x1c1: {  	v45 =	vld [tilespmem:$0x190]  }
0x1c2: {  	v46 =	vld [tilespmem:$0x210]  }
0x1c3: {  	v47 =	vld [tilespmem:$0x1A0]  }
0x1c4: {  	v48 =	vld [tilespmem:$0x220]  }
0x1c5: {  	v50 =	vld [tilespmem:$0x1B0]  }
0x1c6: {  	v9 =	vld [tilespmem:$0x230]  }
0x1c7: {  	v11 =	vld [tilespmem:$0x1C0]  }
0x1c8: {  	v53 =	vld [tilespmem:$0x240]  }
0x1c9: {  	v54 =	vld [tilespmem:$0x1D0]  }
0x1ca: {  	v12 =	vld [tilespmem:$0x250]  }
0x1cb: {  	v13 =	vld [tilespmem:$0x1E0]  }
0x1cc: {  	v56 =	vld [tilespmem:$0x260]  }
0x1cd: {  	v3 =	vadd.f32 v44, v3  }
0x1ce: {  	v49 =	vadd.f32 v46, v45  }
0x1cf: {  	v52 =	vadd.f32 v48, v47;
	v5 =	vadd.f32 v9, v50;
	v51 =	vmul.f32 $2.000000030e-01, v3  }
0x1d0: {  	v58 =	vadd.f32 v53, v11;
	v8 =	vadd.f32 v12, v54;
	vm0 =	vgt.f32 v3, $0.0e+00  }
0x1d1: {  	v60 =	vadd.f32 v56, v13;
	v10 =	vmul.f32 $2.000000030e-01, v49;
	v3 =	vsel vm0, v3, v51  }
0x1d2: {  	vm9 =	vgt.f32 v49, $0.0e+00;
	v55 =	vmul.f32 $2.000000030e-01, v52;
	v3 =	vsub.f32 v3, v2  }
0x1d3: {  	v57 =	vld [tilespmem:$0x1F0];
	vm10 =	vgt.f32 v52, $0.0e+00;
	v9 =	vmul.f32 $2.000000030e-01, v5;
	vm11 =	vgt.f32 v5, $0.0e+00  }
0x1d4: {  	v59 =	vld [tilespmem:$0x270];
	v11 =	vmul.f32 $2.000000030e-01, v58;
	v4 =	vsel vm9, v49, v10;
	v3 =	vmul.f32 $1.442695020e+00, v3  }
0x1d5: {  	vm12 =	vgt.f32 v58, $0.0e+00;
	v6 =	vsel vm10, v52, v55;
	v4 =	vsub.f32 v4, v2  }
0x1d6: {  	v61 =	vmul.f32 $2.000000030e-01, v8;
	(erf) = vpow2.f32 v3;
	v3 =	vsub.f32 v6, v2  }
0x1d7: {  	vm13 =	vgt.f32 v8, $0.0e+00;
	v62 =	vmul.f32 $2.000000030e-01, v60;
	v4 =	vmul.f32 $1.442695020e+00, v4  }
0x1d8: {  	vm14 =	vgt.f32 v60, $0.0e+00;
	v5 =	vsel vm11, v5, v9;
	v3 =	vmul.f32 $1.442695020e+00, v3  }
0x1d9: {  	v7 =	vsel vm14, v60, v62;
	v6 =	vadd.f32 v59, v57;
	(erf) = vpow2.f32 v4  }
0x1da: {  	v5 =	vsub.f32 v5, v2;
	(erf) = vpow2.f32 v3;
	v3 =	vsel vm12, v58, v11  }
0x1db: {  	v4 =	vsel vm13, v8, v61;
	v63 =	vmul.f32 $2.000000030e-01, v6;
	v3 =	vsub.f32 v3, v2  }
0x1dc: {  	v5 =	vmul.f32 $1.442695020e+00, v5;
	v4 =	vsub.f32 v4, v2;
	vm15 =	vgt.f32 v6, $0.0e+00  }
0x1dd: {  	v7 =	vsub.f32 v7, v2;
	v6 =	vsel vm15, v6, v63;
	v3 =	vmul.f32 $1.442695020e+00, v3  }
0x1de: {  	v4 =	vmul.f32 $1.442695020e+00, v4;
	(erf) = vpow2.f32 v5;
	v2 =	vsub.f32 v6, v2  }
0x1df: {  	(erf) = vpow2.f32 v3;
	v3 =	vmul.f32 $1.442695020e+00, v7  }
0x1e0: {  	v2 =	vmul.f32 $1.442695020e+00, v2;
	(erf) = vpow2.f32 v4  }
0x1e1: {  	(erf) = vpow2.f32 v3  }
0x1e2: {  	(erf) = vpow2.f32 v2;
	_ =	sdelay $0x1  }
0x1e3: {  	v2 =	vpop (erf)  }
0x1e4: {  	v3 =	vpop (erf);
	[tilespmem:$0x280] =	vst v2  }
0x1e5: {  	v2 =	vpop (erf);
	[tilespmem:$0x290] =	vst v3  }
0x1e6: {  	v3 =	vpop (erf);
	[tilespmem:$0x2A0] =	vst v2  }
0x1e7: {  	[tilespmem:$0x2B0] =	vst v3;
	v2 =	vpop (erf)  }
0x1e8: {  	v3 =	vpop (erf);
	[tilespmem:$0x2C0] =	vst v2  }
0x1e9: {  	v2 =	vpop (erf);
	[tilespmem:$0x2D0] =	vst v3  }
0x1ea: {  	[tilespmem:$0x2E0] =	vst v2;
	v2 =	vpop (erf)  }
0x1eb: {  	s26 =	simm.s32 $0x380;
	[tilespmem:$0x2F0] =	vst v2  }
0x1ec: {  	s28 =	simm.s32 $0x40;
	s13 =	simm.s32 $0x380;
	s6 =	simm.s32 $0x0;
	v2 =	vld [tilespmem:s26+$0xFFFFFFB0]  }
.LBB2_14:
0x1ed: {  	p3 =	sne.s32 s28, $0x1C0;
	v3 =	vld [tilespmem:s6+$0x280]  }
0x1ee: {  	v4 =	vld [tilespmem:s26+$0xFFFFFF90]  }
0x1ef: {  	v5 =	vld [tilespmem:s26+$0xFFFFFF80]  }
0x1f0: {  	v6 =	vld [tilespmem:s26+$0xFFFFFFA0]  }
0x1f1: {  	v7 =	vld [tilespmem:s26+$0xFFFFFFF0]  }
0x1f2: {  	v8 =	vbroadcast v3, $0x0;
	v9 =	vbroadcast v3, $0x1;
	v10 =	vld [tilespmem:s26+$0xFFFFFFD0]  }
0x1f3: {  	v11 =	vbroadcast v3, $0x2;
	v12 =	vbroadcast v3, $0x3;
	v13 =	vld [tilespmem:s26+$0xFFFFFFC0]  }
0x1f4: {  	v5 =	vmul.f32 v8, v5;
	v4 =	vmul.f32 v4, v9;
	v8 =	vld [tilespmem:s26+$0xFFFFFFE0]  }
0x1f5: {  	v2 =	vmul.f32 v2, v12;
	v6 =	vmul.f32 v6, v11;
	v9 =	vld [tilespmem:s26+$0x30]  }
0x1f6: {  	v11 =	vbroadcast v3, $0x5;
	[tilespmem:s26+$0xFFFFFF80] =	vst v5;
	v5 =	vbroadcast v3, $0x4;
	v12 =	vld [tilespmem:s26+$0x10]  }
0x1f7: {  	v14 =	vbroadcast v3, $0x7;
	[tilespmem:s26+$0xFFFFFF90] =	vst v4;
	v4 =	vbroadcast v3, $0x6;
	v15 =	vld [tilespmem:s26+$0x0]  }
0x1f8: {  	[tilespmem:s26+$0xFFFFFFA0] =	vst v6;
	v5 =	vmul.f32 v13, v5;
	v6 =	vmul.f32 v10, v11;
	v10 =	vld [tilespmem:s26+$0x20]  }
0x1f9: {  	[tilespmem:s26+$0xFFFFFFB0] =	vst v2;
	v2 =	vmul.f32 v8, v4;
	v4 =	vmul.f32 v7, v14;
	v7 =	vld [tilespmem:s26+$0x70]  }
0x1fa: {  	v8 =	vbroadcast v3, $0x9;
	[tilespmem:s26+$0xFFFFFFC0] =	vst v5;
	v5 =	vbroadcast v3, $0x8;
	v11 =	vld [tilespmem:s26+$0x50]  }
0x1fb: {  	v13 =	vbroadcast v3, $0xB;
	[tilespmem:s26+$0xFFFFFFD0] =	vst v6;
	v6 =	vbroadcast v3, $0xA;
	v14 =	vld [tilespmem:s26+$0x40]  }
0x1fc: {  	[tilespmem:s26+$0xFFFFFFE0] =	vst v2;
	v2 =	vmul.f32 v15, v5;
	v5 =	vmul.f32 v12, v8;
	v8 =	vld [tilespmem:s26+$0x60]  }
0x1fd: {  	[tilespmem:s26+$0xFFFFFFF0] =	vst v4;
	v4 =	vmul.f32 v10, v6;
	v6 =	vmul.f32 v9, v13  }
0x1fe: {  	v9 =	vbroadcast v3, $0xD;
	[tilespmem:s26+$0x0] =	vst v2;
	v2 =	vbroadcast v3, $0xC  }
0x1ff: {  	[tilespmem:s26+$0x10] =	vst v5;
	v5 =	vbroadcast v3, $0xE;
	v3 =	vbroadcast v3, $0xF  }
0x200: {  	[tilespmem:s26+$0x20] =	vst v4;
	v2 =	vmul.f32 v14, v2;
	v4 =	vmul.f32 v11, v9  }
.Ltmp6:
0x201: {  	[tilespmem:s26+$0x30] =	vst v6;
	v5 =	vmul.f32 v8, v5;
	v3 =	vmul.f32 v7, v3;
	(pc) =	sbr.rel @p3 .LBB2_14-.Ltmp6, $4  }
0x202: {  	[tilespmem:s26+$0x40] =	vst v2  }
0x203: {  	[tilespmem:s26+$0x50] =	vst v4  }
0x204: {  	s26 =	sadd.s32 $0x100, s26;
	[tilespmem:s13+$0x60] =	vst v5  }
0x205: {  	s6 =	sshra.s32 s28, $0x2;
	s28 =	sadd.s32 $0x40, s28;
	v2 =	vld [tilespmem:s26+$0xFFFFFFB0];
	[tilespmem:s13+$0x70] =	vst v3;
	s13 =	smov.u32 s26  }
0x206: {  	v3 =	vld [tilespmem:s6+$0x280];
	_ =	sdelay $0x1  }
0x207: {  	v4 =	vld [tilespmem:s26+$0xFFFFFF80]  }
0x208: {  	v5 =	vld [tilespmem:s26+$0xFFFFFF90]  }
0x209: {  	v6 =	vld [tilespmem:s26+$0xFFFFFFA0]  }
0x20a: {  	v7 =	vbroadcast v3, $0x0  }
0x20b: {  	v10 =	vld [tilespmem:s26+$0xFFFFFFD0];
	v8 =	vbroadcast v3, $0x1;
	v11 =	vbroadcast v3, $0x2  }
0x20c: {  	v45 =	vld [tilespmem:s26+$0xFFFFFFE0];
	v44 =	vbroadcast v3, $0x3;
	v4 =	vmul.f32 v7, v4  }
0x20d: {  	v49 =	vld [tilespmem:s26+$0x10];
	v46 =	vbroadcast v3, $0x4;
	v5 =	vmul.f32 v5, v8  }
0x20e: {  	v9 =	vld [tilespmem:s26+$0xFFFFFFC0];
	v47 =	vbroadcast v3, $0x5;
	v6 =	vmul.f32 v6, v11;
	[tilespmem:s26+$0xFFFFFF80] =	vst v4  }
0x20f: {  	v12 =	vld [tilespmem:s26+$0xFFFFFFF0];
	v13 =	vbroadcast v3, $0x6;
	v2 =	vmul.f32 v2, v44;
	[tilespmem:s26+$0xFFFFFF90] =	vst v5  }
0x210: {  	v51 =	vld [tilespmem:s26+$0x20];
	v53 =	vbroadcast v3, $0x9;
	v7 =	vmul.f32 v10, v47;
	[tilespmem:s26+$0xFFFFFFA0] =	vst v6  }
0x211: {  	v48 =	vld [tilespmem:s26+$0x0];
	v50 =	vbroadcast v3, $0x7;
	v8 =	vmul.f32 v45, v13;
	[tilespmem:s26+$0xFFFFFFB0] =	vst v2  }
0x212: {  	v55 =	vld [tilespmem:s26+$0x50];
	v52 =	vbroadcast v3, $0x8;
	v58 =	vmul.f32 v49, v53;
	[tilespmem:s26+$0xFFFFFFD0] =	vst v7  }
0x213: {  	v54 =	vld [tilespmem:s26+$0x40];
	v56 =	vbroadcast v3, $0xA;
	v4 =	vmul.f32 v9, v46;
	[tilespmem:s26+$0xFFFFFFE0] =	vst v8  }
0x214: {  	v57 =	vbroadcast v3, $0xB;
	v2 =	vld [tilespmem:s26+$0x30];
	v6 =	vmul.f32 v12, v50;
	[tilespmem:s26+$0x10] =	vst v58  }
0x215: {  	v60 =	vld [tilespmem:s26+$0x70];
	v62 =	vbroadcast v3, $0xD;
	v9 =	vmul.f32 v51, v56;
	[tilespmem:s26+$0xFFFFFFC0] =	vst v4  }
0x216: {  	v59 =	vld [tilespmem:s26+$0x60];
	v61 =	vbroadcast v3, $0xC;
	v4 =	vmul.f32 v48, v52;
	[tilespmem:s26+$0xFFFFFFF0] =	vst v6  }
0x217: {  	v63 =	vbroadcast v3, $0xE;
	v5 =	vmul.f32 v55, v62;
	[tilespmem:s26+$0x20] =	vst v9  }
0x218: {  	v3 =	vbroadcast v3, $0xF;
	[tilespmem:s26+$0x0] =	vst v4;
	v4 =	vmul.f32 v54, v61  }
0x219: {  	[tilespmem:s26+$0x50] =	vst v5;
	v2 =	vmul.f32 v2, v57  }
0x21a: {  	v3 =	vmul.f32 v60, v3;
	[tilespmem:s26+$0x40] =	vst v4  }
0x21b: {  	[tilespmem:s26+$0x30] =	vst v2;
	v2 =	vmul.f32 v59, v63  }
0x21c: {  	[tilespmem:s13+$0x70] =	vst v3  }
0x21d: {  	[tilespmem:s13+$0x60] =	vst v2  }
0x21e: {  	[spmem:s1] =	stream.indirect.scatter.add.f32 [tilespmem:s17], [sflag:$0x8], $0x10, s11, s14, $0xb8;
	[tilespmem:$0x1F5A0] =	vst v63  }
0x21f: {  	_ =	swait.ge [sflag:s4], $0x800  }
0x220: {  	s6 =	simm.s32 @!p1 $0x80;
	[sflag:s4] =	ssyncset.done $0x0  }
0x221: {  	s26 =	simm.s32 @!p1 $0x280;
	s13 =	simm.s32 @!p1 $0x100;
	[sflag:s4] =	ssyncadd.s32 $0xFFFFF800  }
0x222: {  	[spmem:s2] =	stream.indirect.scatter.add.f32 @!p1 [tilespmem:s26], [sflag:$0x8], $0x1, s13, s6, $0xb8;
	[tilespmem:$0x1F5A0] =	vst v63  }
0x223: {  	s6 =	simm.s32 @!p1 $0x8  }
0x224: {  	_ =	swait.ge @!p1 [sflag:s6], $0x80  }
0x225: {  	[sflag:s6] =	ssyncset.done @!p1 $0x0  }
0x226: {  	[sflag:s6] =	ssyncadd.s32 @!p1 $0xFFFFFF80  }
0x227: {  	[bflag:$0x0] =	sbarrier.arrive $0xFFFF  }
0x228: {  	s6 =	rddreg [dreg:$0x11]  }
0x229: {  	s13 =	rddreg [dreg:$0x15]  }
0x22a: {  	s26 =	rddreg [dreg:$0x1a]  }
0x22b: {  	[hbm:s6], [sflag:s26] =	dma.local @!p0 [spmem:s13], $0x4E20  }
0x22c: {  	s6 =	simm.s32 @!p0 $0x8  }
0x22d: {  	_ =	swait.ge @!p0 [sflag:s6], $0x4E20  }
0x22e: {  	[sflag:s6] =	ssyncset.done @!p0 $0x0;
	s28 =	rddreg [dreg:$0x9]  }
0x22f: {  	s13 =	rddreg [dreg:$0xc];
	[sflag:s6] =	ssyncadd.s32 @!p0 $0xFFFFB1E0;
	s6 =	sshrl.u32 @!p2 s28, $0x3  }
0x230: {  	[hbm:s13], [sflag:s26] =	dma.local @!p2 [spmem:s6], $0x4E2  }
0x231: {  	s6 =	simm.s32 @!p2 $0x8  }
0x232: {  	_ =	swait.ge @!p2 [sflag:s6], $0x4E2  }
0x233: {  	s13 =	rddreg [dreg:$0x7]  }
0x234: {  	s26 =	sadd.s32 $0x1, s13;
	s13 =	rddreg [dreg:$0x12]  }
0x235: {  	p3 =	sne.s32 s26, s13  }
.Ltmp7:
0x236: {  	_ = 	snop;
	(pc) =	sbr.rel @p3 .LBB2_1-.Ltmp7, $3  }
0x237: {  	_ =	sdelay $0x1  }
0x238: {  	[sflag:s6] =	ssyncset.done @!p2 $0x0  }
0x239: {  	[sflag:s6] =	ssyncadd.s32 @!p2 $0xFFFFFB1E  }
0x23a: {  	_ =	sfence.sel $0x180000  }
0x23b: {  	[bflag:$0x0] =	sbarrier.arrive $0xFFFF  }
0x23c: {  	_ =	strace $0x9000004A  }
0x23d: {  	s0 =	stileid.u32;
	[bflag:$0x2] =	sbarrier.arrive $0xFFFF  }
0x23e: {  	p0 =	sne.s32 s0, $0x0;
	s0 =	rddreg [dreg:$0x6]  }
0x23f: {  	s0 =	sadd.s32 @!p0 $0x100000, s0  }
0x240: {  	[sflag:s0] =	ssyncadd.tile.s32 @!p0 $0x1;
	_ =	shalt  }
.Lfunc_end2:
_tile_overlayer_lowered:
.L_overlay_start_2:
0x241: {  	(tag) =	ssettag $0x2  }
0x242: {  	s0 =	rddreg [dreg:$0x0];
	s2 =	stileid.u32  }
0x243: {  	s1 =	rddreg [dreg:$0x1];
	p0 =	sne.s32 s2, $0x0  }
0x244: {  	s3 =	rddreg [dreg:$0x2];
	[bflag:$0x3] =	sbarrier.arrive $0xFFFF;
	s2 =	simm.s32 @!p0 $0x1C08  }
0x245: {  	[timem:s3], [sflag:s2] =	dma.local @!p0 [hbm:s0], s1  }
0x246: {  	s0 =	simm.s32 @!p0 $0x8  }
0x247: {  	_ =	swait.ge @!p0 [sflag:s0], s1  }
0x248: {  	s1 =	ssub.s32 @!p0 $0x0, s1;
	[sflag:s0] =	ssyncset.done @!p0 $0x0  }
0x249: {  	[sflag:s0] =	ssyncadd.s32 @!p0 s1  }
0x24a: {  	[bflag:$0x3] =	sbarrier.arrive $0xFFFF  }
0x24b: {  	_ =	shalt  }

// kernel: kernel.7.cloned.1.call-start
scs
__scs_entry_jumppad:
0x0: {  	(pc) =	sbr.rel $0x88, $3  }
0x1: {  	(tag) =	ssettag $0x0;
	lr =	simm.s32 $0x1  }
0x2: {  	[smem:$0x3F95] =	sst lr;
	_ =	strace $0xD0000000  }
0x3: {  	_ = 	snop  }
0x4: {  	_ = 	snop  }
0x5: {  	_ = 	snop  }
0x6: {  	_ = 	snop  }
0x7: {  	_ = 	snop  }
__scs_overlays_trampoline_lowered:
0x8: {  	[smem:$0x3FA4] =	sst s0  }
0x9: {  	[smem:$0x3FA5] =	sst s1  }
0xa: {  	[smem:$0x3FA6] =	sst s2  }
0xb: {  	[smem:$0x3FA7] =	sst s3  }
0xc: {  	[smem:$0x3FA8] =	sst s4  }
0xd: {  	[smem:$0x3FA9] =	sst s5  }
0xe: {  	[smem:$0x3FAA] =	sst s6  }
0xf: {  	[smem:$0x3FAB] =	sst s7  }
0x10: {  	[smem:$0x3FAC] =	sst s8  }
0x11: {  	[smem:$0x3FAD] =	sst s9;
	s0 =	simm.s32 @!p0 $0x0  }
0x12: {  	s1 =	sld [smem:$0x3F93];
	s0 =	simm.s32 @p0 $0x1  }
0x13: {  	[smem:$0x3FAE] =	sst s0;
	s0 =	simm.s32 @!p1 $0x0  }
0x14: {  	s2 =	sld [smem:$0x3F92];
	s0 =	simm.s32 @p1 $0x1  }
0x15: {  	[smem:$0x3FAF] =	sst s0;
	s0 =	simm.s32 @!p2 $0x0  }
0x16: {  	s3 =	sld [smem:$0x3FDB];
	s0 =	simm.s32 @p2 $0x1  }
0x17: {  	s4 =	simm.s32 $0x1BF5;
	[smem:$0x3FB1] =	sst s0  }
0x18: {  	s0 =	sld [smem:$0x3F94];
	_ =	swait.ge [sflag:s4], $0x0  }
0x19: {  	s7 =	sld [smem:$0x3F95]  }
0x1a: {  	s8 =	sadd.s32 $0xFFFFE003, lr  }
0x1b: {  	s9 =	sadd.s32 $0xFFFFFEF7, lr;
	s5 =	simm.s32 $0xFFFFFFFF;
	p2 =	slt.u32 s8, $0xFFFFF086  }
0x1c: {  	p1 =	slt.u32 s9, $0xF7A;
	s5 =	simm.s32 @!p2 $0x0  }
0x1d: {  	s5 =	simm.s32 @p1 $0x1;
	p0 =	seq.s32 s7, s2  }
0x1e: {  	s7 =	smul.u32 @!p0 $0xF7A, s2;
	p2 =	seq.s32 @!p0 s5, $0x0  }
0x1f: {  	s9 =	smul.u32 $0xF7A, s1;
	s8 =	simm.s32 @!p0 $0x1BF5;
	p2 =	por !p2, p0  }
0x20: {  	[sflag:s8] =	ssyncset.s32 @!p0 $0xFFFFF086;
	s6 =	sadd.s32 @!p0 s3, s7;
	s7 =	simm.s32 @!p0 $0x108  }
0x21: {  	s3 =	sadd.s32 s3, s9;
	s6 =	sadd.s32 @!p0 $0x88, s6;
	s7 =	simm.s32 @p2 $0x1082  }
0x22: {  	[simem:s7], [sflag:s8] =	dma.local @!p0 [hbm:s6], $0xF7A  }
0x23: {  	s9 =	sor.u32 $0xD0000000, s2;
	s6 =	simm.s32 $0x108;
	_ =	swait.ge @!p0 [sflag:s8], $0x0  }
0x24: {  	s3 =	sadd.s32 $0x88, s3;
	s6 =	simm.s32 @!p1 $0x1082;
	[sflag:s4] =	ssyncset.s32 $0xFFFFF086  }
0x25: {  	[simem:s6], [sflag:s4] =	dma.local [hbm:s3], $0xF7A  }
0x26: {  	[smem:$0x3F95] =	sst s1;
	(tag) =	ssettag s2;
	_ =	strace s9  }
0x27: {  	s1 =	sld [smem:$0x3FA5]  }
0x28: {  	s2 =	sld [smem:$0x3FA6]  }
0x29: {  	s4 =	sld [smem:$0x3FA8]  }
0x2a: {  	p0 =	seq.s32 s5, $0x0;
	s5 =	sld [smem:$0x3FA9]  }
0x2b: {  	s6 =	sld [smem:$0x3FAA]  }
0x2c: {  	s7 =	sld [smem:$0x3FAB]  }
0x2d: {  	s3 =	simm.s32 $0x108;
	s8 =	sld [smem:$0x3FAC]  }
0x2e: {  	s3 =	simm.s32 @!p0 $0x1082;
	s9 =	sld [smem:$0x3FAD]  }
0x2f: {  	lr =	sadd.s32 s0, s3;
	s0 =	sld [smem:$0x3FA4]  }
0x30: {  	s3 =	sld [smem:$0x3FA7]  }
0x31: {  	[smem:$0x3FB0] =	sst s10  }
0x32: {  	s10 =	sld [smem:$0x3FAE];
	_ =	sdelay $0x3  }
0x33: {  	p0 =	seq.s32 s10, $0x1;
	s10 =	sld [smem:$0x3FB0];
	_ =	sdelay $0x3  }
0x34: {  	[smem:$0x3FB0] =	sst s10  }
0x35: {  	s10 =	sld [smem:$0x3FAF];
	_ =	sdelay $0x3  }
0x36: {  	p1 =	seq.s32 s10, $0x1;
	s10 =	sld [smem:$0x3FB0];
	_ =	sdelay $0x3  }
0x37: {  	[smem:$0x3FB0] =	sst s10  }
0x38: {  	s10 =	sld [smem:$0x3FB1]  }
0x39: {  	_ = 	snop;
	(pc) =	sbr.ind lr, $3  }
0x3a: {  	_ = 	snop  }
0x3b: {  	_ = 	snop  }
0x3c: {  	p2 =	seq.s32 s10, $0x1;
	s10 =	sld [smem:$0x3FB0]  }
0x3d: {  	_ =	shalt  }
0x3e: {  	_ =	shalt  }
0x3f: {  	_ =	shalt  }
0x40: {  	_ =	shalt  }
0x41: {  	_ =	shalt  }
0x42: {  	_ =	shalt  }
0x43: {  	_ =	shalt  }
0x44: {  	_ =	shalt  }
0x45: {  	_ =	shalt  }
0x46: {  	_ =	shalt  }
0x47: {  	_ =	shalt  }
0x48: {  	_ =	shalt  }
0x49: {  	_ =	shalt  }
0x4a: {  	_ =	shalt  }
0x4b: {  	_ =	shalt  }
0x4c: {  	_ =	shalt  }
0x4d: {  	_ =	shalt  }
0x4e: {  	_ =	shalt  }
0x4f: {  	_ =	shalt  }
0x50: {  	_ =	shalt  }
0x51: {  	_ =	shalt  }
0x52: {  	_ =	shalt  }
0x53: {  	_ =	shalt  }
0x54: {  	_ =	shalt  }
0x55: {  	_ =	shalt  }
0x56: {  	_ =	shalt  }
0x57: {  	_ =	shalt  }
0x58: {  	_ =	shalt  }
0x59: {  	_ =	shalt  }
0x5a: {  	_ =	shalt  }
0x5b: {  	_ =	shalt  }
0x5c: {  	_ =	shalt  }
0x5d: {  	_ =	shalt  }
0x5e: {  	_ =	shalt  }
0x5f: {  	_ =	shalt  }
0x60: {  	_ =	shalt  }
0x61: {  	_ =	shalt  }
0x62: {  	_ =	shalt  }
0x63: {  	_ =	shalt  }
0x64: {  	_ =	shalt  }
0x65: {  	_ =	shalt  }
0x66: {  	_ =	shalt  }
0x67: {  	_ =	shalt  }
0x68: {  	_ =	shalt  }
0x69: {  	_ =	shalt  }
0x6a: {  	_ =	shalt  }
0x6b: {  	_ =	shalt  }
0x6c: {  	_ =	shalt  }
0x6d: {  	_ =	shalt  }
0x6e: {  	_ =	shalt  }
0x6f: {  	_ =	shalt  }
0x70: {  	_ =	shalt  }
0x71: {  	_ =	shalt  }
0x72: {  	_ =	shalt  }
0x73: {  	_ =	shalt  }
0x74: {  	_ =	shalt  }
0x75: {  	_ =	shalt  }
0x76: {  	_ =	shalt  }
0x77: {  	_ =	shalt  }
0x78: {  	_ =	shalt  }
0x79: {  	_ =	shalt  }
0x7a: {  	_ =	shalt  }
0x7b: {  	_ =	shalt  }
0x7c: {  	_ =	shalt  }
0x7d: {  	_ =	shalt  }
0x7e: {  	_ =	shalt  }
0x7f: {  	_ =	shalt  }
0x80: {  	_ =	shalt  }
0x81: {  	_ =	shalt  }
0x82: {  	_ =	shalt  }
0x83: {  	_ =	shalt  }
0x84: {  	_ =	shalt  }
0x85: {  	_ =	shalt  }
0x86: {  	_ =	shalt  }
0x87: {  	_ =	shalt  }
.Lfunc_end0:
.L_simem_size_0:
called_computation_lowered:
.L_overlay_start_0:
0x88: {  	s2 =	sld [smem:$0x3FD9]  }
0x89: {  	s3 =	sld [smem:$0x3FFE];
	_ =	sdelay $0x1  }
0x8a: {  	s1 =	srdreg.scid  }
0x8b: {  	s0 =	sand.u32 $0x1, s1  }
0x8c: {  	s17 =	sshll.u32 s0, $0xA;
	s2 =	sadd.s32 s3, s2  }
0x8d: {  	s2 =	sadd.s32 s2, s17  }
0x8e: {  	[smem:$0x3FBC] =	sst s2  }
0x8f: {  	_ = 	snop  }
0x90: {  	s2 =	sld [smem:$0x3FD0];
	(tm) =	ssettm $0x1  }
0x91: {  	s18 =	sld [smem:$0x3FFB];
	_ =	sdelay $0x3  }
0x92: {  	_ =	strace s18  }
0x93: {  	s3 =	sld [smem:$0x3FFC];
	_ =	sdelay $0x3  }
0x94: {  	_ =	strace s3  }
0x95: {  	s3 =	sld [smem:$0x3FFD];
	_ =	sdelay $0x3  }
0x96: {  	_ =	strace s3  }
0x97: {  	_ =	strace $0x8FFFFFFF  }
0x98: {  	s19 =	sld [smem:$0x3FDB];
	_ =	sdelay $0x1  }
0x99: {  	s4 =	simm.s32 $_scs_section_size  }
0x9a: {  	s5 =	simm.s32 $_size__tile_overlayer_lowered;
	s6 =	simm.s32 $_tile_overlayer_lowered  }
0x9b: {  	s22 =	simm.s32 $0x1BFF;
	s21 =	sshll.u32 s6, $0x1;
	s3 =	sadd.s32 s4, s19  }
0x9c: {  	s7 =	simm.s32 $0x0;
	s20 =	sshll.u32 s5, $0x1;
	s5 =	sadd.s32 s21, s3  }
0x9d: {  	[timem:s7], [sflag:s22] =	dma.local [hbm:s5], s20  }
0x9e: {  	_ =	swait.ge [sflag:s22], s20  }
0x9f: {  	s4 =	ssub.s32 $0x0, s20;
	[sflag:s22] =	ssyncset.done $0x0  }
0xa0: {  	[sflag:s22] =	ssyncadd.s32 s4;
	_ =	sdelay $0x1  }
0xa1: {  	s23 =	simm.s32 $0x1B8B  }
0xa2: {  	_ =	swait.ge [sflag:s23], $0x1  }
0xa3: {  	[sflag:s23] =	ssyncset.done $0x0  }
0xa4: {  	s25 =	simm.s32 $0x1B8E;
	s24 =	sld [smem:$0x3FFE];
	[sflag:s23] =	ssyncadd.s32 $0xFFFFFFFF  }
0xa5: {  	s26 =	simm.s32 $execute0_lowered;
	[smem:$0x3FD2] =	sst s25  }
0xa6: {  	s5 =	sshll.u32 s26, $0x1;
	_ =	strace $0x80000046;
	[dreg:$0x1] =	wrdreg $0xFFFFFFFF  }
0xa7: {  	s28 =	simm.s32 $_size_execute0_lowered;
	s3 =	sadd.s32 s3, s5;
	[dreg:$0x0] =	wrdreg $0x0  }
0xa8: {  	s5 =	sshll.u32 s28, $0x1;
	[dreg:$0x2] =	wrdreg s3  }
0xa9: {  	[dreg:$0x3] =	wrdreg s5  }
0xaa: {  	[dreg:$0x4] =	wrdreg $0xC0  }
0xab: {  	_ =	task [dreg:s7], $0x5FFFF  }
0xac: {  	[dreg:$0x1] =	wrdreg $0xFFFFFFFF  }
0xad: {  	[dreg:$0x0] =	wrdreg $0x60  }
0xae: {  	[dreg:$0x2] =	wrdreg s24  }
0xaf: {  	[dreg:$0x3] =	wrdreg s2  }
0xb0: {  	[dreg:$0x4] =	wrdreg $0x29F00  }
0xb1: {  	[dreg:$0x5] =	wrdreg $0x1B0900  }
0xb2: {  	[dreg:$0x6] =	wrdreg $0x1C9000  }
0xb3: {  	[dreg:$0x7] =	wrdreg $0x1E1700  }
0xb4: {  	[dreg:$0x8] =	wrdreg $0x9  }
0xb5: {  	_ =	task.clear_ibuf [dreg:s7], $0x9FFFF;
	_ =	strace $0x90000046  }
0xb6: {  	s29 =	simm.s32 $0x9;
	_ =	strace $0x80000048  }
0xb7: {  	_ =	swait.ge [sflag:s29], $0x1  }
0xb8: {  	[sflag:s29] =	ssyncadd.s32 $0xFFFFFFFF  }
0xb9: {  	_ =	strace $0x90000048  }
0xba: {  	_ =	sfence  }
0xbb: {  	s30 =	sld [smem:$0x0];
	_ =	sdelay $0x2  }
0xbc: {  	s31 =	sshll.u32 s1, $0xD;
	s1 =	sshrl.u32 s1, $0x2  }
0xbd: {  	s3 =	sand.u32 $0x4000, s31;
	s1 =	sadd.s32 s1, s30  }
0xbe: {  	s0 =	sor.u32 s3, s0;
	s1 =	sshll.u32 s1, $0x11  }
0xbf: {  	s0 =	sor.u32 s1, s0  }
0xc0: {  	s0 =	sadd.s32 $0x8F2B, s0  }
0xc1: {  	[sflag:s0] =	ssyncadd.remote.s32 $0x1  }
0xc2: {  	_ =	sfence.sel $0xFFFF  }
0xc3: {  	[dreg:$0x0] =	wrdreg $0xFFFFFFFF;
	(pc) =	sbr.abs _section_cstart, $3  }
0xc4: {  	[dreg:$0x1] =	wrdreg $0xFFFFFFFF  }
0xc5: {  	_ =	task.clear_ibuf [dreg:s7], $0x2FFFF;
	_ =	strace $0x9FFFFFFF  }
0xc6: {  	(tm) =	ssettm $0x7FFFFFFF  }
0xc7: {  	_ =	shalt  }
tec
execute0_lowered:
.L_overlay_start_1:
0x0: {  	(tag) =	ssettag $0x1  }
0x1: {  	s0 =	rddreg [dreg:$0x0]  }
0x2: {  	s4 =	rddreg [dreg:$0x1]  }
0x3: {  	s1 =	rddreg [dreg:$0x2]  }
0x4: {  	s2 =	rddreg [dreg:$0x3]  }
0x5: {  	s3 =	rddreg [dreg:$0x4]  }
0x6: {  	s5 =	rddreg [dreg:$0x5]  }
0x7: {  	s6 =	simm.s32 $0x0;
	s18 =	stileid.u32;
	s8 =	srdreg.scid  }
0x8: {  	s31 =	simm.s32 $0x1A50;
	[smem:$0x7FF] =	sst s6;
	s10 =	smul.u32 $0x2710, s18  }
0x9: {  	s7 =	sadd.s32 $0x61C200, s0;
	s11 =	sand.u32 $0x1, s8;
	s8 =	sadd.s32 $0x38A00, s0  }
0xa: {  	s9 =	sadd.s32 $0x1800, s0;
	s14 =	sadd.s32 $0xFC200, s0;
	s17 =	smul.u32 $0x9C400, s18  }
0xb: {  	s22 =	smul.u32 $0x61A80, s18;
	p0 =	sgt.u32 s18, $0x9;
	_ =	strace $0x80000047  }
0xc: {  	s13 =	smul.u32 $0x186A0, s11;
	[dreg:$0x7] =	wrdreg s14;
	s25 =	ssub.s32 $0x2, s11  }
0xd: {  	s11 =	sshll.u32 s11, $0x4;
	s12 =	sshrl.u32 s10, $0x3;
	s16 =	sshrl.u32 s25, $0x1  }
0xe: {  	s11 =	sor.u32 s18, s11;
	s21 =	sshrl.u32 s17, $0x2;
	s17 =	simm.s32 $0x3  }
0xf: {  	s18 =	simm.s32 $0xB80;
	s12 =	sadd.s32 s12, s0;
	s13 =	sadd.s32 s10, s13  }
0x10: {  	s14 =	ssub.s32 s25, s16;
	s11 =	smul.u32 $0x30D40, s11;
	s25 =	sadd.s32 s10, s2  }
0x11: {  	s16 =	simm.s32 $0x2;
	s15 =	sshll.u32 s13, $0x1;
	s26 =	sadd.s32 $0x32600, s12  }
0x12: {  	s12 =	sadd.s32 $0x35800, s12;
	s20 =	sshrl.u32 s13, $0x3;
	[dreg:$0x8] =	wrdreg s25  }
0x13: {  	s24 =	smax.u32 s14, $0x1;
	s13 =	simm.s32 $0xA80;
	[dreg:$0x9] =	wrdreg s26  }
0x14: {  	s14 =	simm.s32 $0xB00;
	s0 =	sadd.s32 s15, s0;
	[dreg:$0xa] =	wrdreg s12  }
0x15: {  	s15 =	sadd.s32 s10, s3;
	s4 =	sadd.s32 s4, s20;
	[dreg:$0x11] =	wrdreg s24  }
0x16: {  	s28 =	sshrl.u32 s11, $0x3;
	s26 =	sadd.s32 $0x7D0, s25;
	[dreg:$0xe] =	wrdreg s4  }
0x17: {  	s10 =	sadd.s32 s10, s5;
	s29 =	sadd.s32 s7, s28;
	[dreg:$0x15] =	wrdreg s26  }
0x18: {  	s20 =	simm.s32 $0xD00;
	s12 =	sadd.s32 s8, s28;
	[dreg:$0xb] =	wrdreg s29  }
0x19: {  	s30 =	sadd.s32 $0x61A0, s28;
	s0 =	sadd.s32 $0xFC400, s0;
	[dreg:$0xc] =	wrdreg s12  }
0x1a: {  	s4 =	sshrl.u32 s22, $0x2;
	s28 =	sadd.s32 $0xFA0, s25;
	[dreg:$0x10] =	wrdreg s0  }
0x1b: {  	s19 =	sadd.s32 s7, s30;
	s23 =	sadd.s32 s8, s30;
	[dreg:$0x16] =	wrdreg s28  }
0x1c: {  	s0 =	sadd.s32 s21, s1;
	s22 =	sadd.s32 s4, s1;
	[dreg:$0xd] =	wrdreg s19  }
0x1d: {  	s4 =	sshrl.u32 @!p0 s15, $0x3;
	s29 =	sadd.s32 $0x1770, s25;
	[dreg:$0xf] =	wrdreg s23  }
0x1e: {  	s30 =	sadd.s32 $0x1F40, s25;
	s15 =	simm.s32 $0x1;
	[dreg:$0x12] =	wrdreg s4  }
0x1f: {  	s21 =	simm.s32 $0x200;
	s4 =	sshrl.u32 @!p0 s10, $0x3;
	[dreg:$0x17] =	wrdreg s29  }
0x20: {  	s0 =	sshrl.u32 @!p0 s0, $0x3;
	[dreg:$0x18] =	wrdreg s30;
	s10 =	simm.s32 $0x280  }
0x21: {  	s19 =	simm.s32 $0xC00;
	s23 =	simm.s32 $0xC80;
	[dreg:$0x13] =	wrdreg s4  }
0x22: {  	v0 =	vimm.f32 $0.0e+00;
	[dreg:$0x14] =	wrdreg s0;
	s0 =	simm.s32 $0x8;
	s4 =	simm.s32 $0x80  }
.LBB2_1:
0x23: {  	s12 =	simm.s32 $0x40;
	s24 =	simm.s32 $0x0  }
.LBB2_2:
0x24: {  	p1 =	sne.s32 s12, $0x1F00;
	[tilespmem:s24+$0x1A50] =	vst v0;
	s24 =	smov.u32 s12;
	s12 =	sadd.s32 $0x40, s12  }
.Ltmp0:
0x25: {  	(pc) =	sbr.rel @p1 .LBB2_2-.Ltmp0, $2  }
0x26: {  	_ =	sdelay $0x2  }
0x27: {  	s24 =	sshra.s32 s24, $0x2  }
0x28: {  	[tilespmem:s24+$0x1A50] =	vst v0;
	s12 =	simm.s32 $0x40;
	s24 =	simm.s32 $0x0  }
.LBB2_4:
0x29: {  	p1 =	sne.s32 s12, $0x1F00;
	[tilespmem:s24+$0x2220] =	vst v0;
	s24 =	smov.u32 s12;
	s12 =	sadd.s32 $0x40, s12  }
.Ltmp1:
0x2a: {  	(pc) =	sbr.rel @p1 .LBB2_4-.Ltmp1, $2  }
0x2b: {  	_ =	sdelay $0x2  }
0x2c: {  	s24 =	sshra.s32 s24, $0x2  }
0x2d: {  	[tilespmem:s24+$0x2220] =	vst v0;
	s12 =	sadd.s32 $0x0, s22  }
0x2e: {  	[spmem:s12] =	stream.linear.scatter [tilespmem:s31], [sflag:$0x8], $0x7D0, $0x38;
	[tilespmem:$0x1F9E0] =	vst v63  }
0x2f: {  	s12 =	simm.s32 $0x1F40;
	_ =	swait.ge [sflag:s0], $0x7D0  }
.LBB2_6:
0x30: {  	s24 =	sshra.s32 s12, $0x2;
	[sflag:s0] =	ssyncset.done $0x0;
	p1 =	sne.s32 s12, $0x5FB40  }
.Ltmp2:
0x31: {  	s24 =	sadd.s32 s24, s22;
	[sflag:s0] =	ssyncadd.s32 $0xFFFFF830;
	(pc) =	sbr.rel @p1 .LBB2_6-.Ltmp2, $3  }
0x32: {  	[spmem:s24] =	stream.linear.scatter [tilespmem:s31], [sflag:$0x8], $0x7D0, $0x38;
	[tilespmem:$0x1F9E0] =	vst v63  }
0x33: {  	s12 =	sadd.s32 $0x1F40, s12;
	_ =	sdelay $0x1  }
0x34: {  	_ =	swait.ge [sflag:s0], $0x7D0  }
0x35: {  	[sflag:s0] =	ssyncset.done $0x0  }
0x36: {  	s12 =	simm.s32 @!p0 $0x2220;
	s24 =	simm.s32 @!p0 $0x8;
	[sflag:s0] =	ssyncadd.s32 $0xFFFFF830  }
0x37: {  	[spmem:s25] =	stream.linear.scatter @!p0 [tilespmem:s12], [sflag:$0x8], $0x7D0, $0x38;
	[tilespmem:$0x1F9E0] =	vst v63  }
0x38: {  	_ =	swait.ge @!p0 [sflag:s24], $0x7D0  }
0x39: {  	[sflag:s24] =	ssyncset.done @!p0 $0x0  }
0x3a: {  	s25 =	rddreg [dreg:$0x15];
	[sflag:s24] =	ssyncadd.s32 @!p0 $0xFFFFF830  }
0x3b: {  	[spmem:s25] =	stream.linear.scatter @!p0 [tilespmem:s12], [sflag:$0x8], $0x7D0, $0x38;
	[tilespmem:$0x1F9E0] =	vst v63  }
0x3c: {  	_ =	swait.ge @!p0 [sflag:s24], $0x7D0  }
0x3d: {  	[sflag:s24] =	ssyncset.done @!p0 $0x0  }
0x3e: {  	s25 =	rddreg [dreg:$0x16];
	[sflag:s24] =	ssyncadd.s32 @!p0 $0xFFFFF830  }
0x3f: {  	[spmem:s25] =	stream.linear.scatter @!p0 [tilespmem:s12], [sflag:$0x8], $0x7D0, $0x38;
	[tilespmem:$0x1F9E0] =	vst v63  }
0x40: {  	_ =	swait.ge @!p0 [sflag:s24], $0x7D0  }
0x41: {  	[sflag:s24] =	ssyncset.done @!p0 $0x0  }
0x42: {  	s25 =	rddreg [dreg:$0x17];
	[sflag:s24] =	ssyncadd.s32 @!p0 $0xFFFFF830  }
0x43: {  	[spmem:s25] =	stream.linear.scatter @!p0 [tilespmem:s12], [sflag:$0x8], $0x7D0, $0x38;
	[tilespmem:$0x1F9E0] =	vst v63  }
0x44: {  	_ =	swait.ge @!p0 [sflag:s24], $0x7D0  }
0x45: {  	[sflag:s24] =	ssyncset.done @!p0 $0x0  }
0x46: {  	s25 =	rddreg [dreg:$0x18];
	[sflag:s24] =	ssyncadd.s32 @!p0 $0xFFFFF830  }
0x47: {  	[spmem:s25] =	stream.linear.scatter @!p0 [tilespmem:s12], [sflag:$0x8], $0x7D0, $0x38;
	[tilespmem:$0x1F9E0] =	vst v63  }
0x48: {  	s12 =	stileid.u32  }
0x49: {  	_ =	swait.ge @!p0 [sflag:s24], $0x7D0;
	s12 =	sshll.u32 @!p0 s12, $0x6  }
0x4a: {  	[sflag:s24] =	ssyncset.done @!p0 $0x0;
	s26 =	sor.u32 @!p0 $0x1C08, s12;
	s12 =	rddreg [dreg:$0x9]  }
0x4b: {  	s25 =	rddreg [dreg:$0x12];
	[sflag:s24] =	ssyncadd.s32 @!p0 $0xFFFFF830  }
0x4c: {  	[spmem:s25], [sflag:s26] =	dma.local @!p0 [hbm:s12], $0x4E2  }
0x4d: {  	_ =	swait.ge @!p0 [sflag:s24], $0x4E2;
	[dreg:$0x19] =	wrdreg s26  }
0x4e: {  	[sflag:s24] =	ssyncset.done @!p0 $0x0;
	s12 =	rddreg [dreg:$0xa]  }
0x4f: {  	s25 =	rddreg [dreg:$0x13];
	[sflag:s24] =	ssyncadd.s32 @!p0 $0xFFFFFB1E  }
0x50: {  	[spmem:s25], [sflag:s26] =	dma.local @!p0 [hbm:s12], $0x4E2  }
0x51: {  	_ =	swait.ge @!p0 [sflag:s24], $0x4E2  }
0x52: {  	s30 =	simm.s32 $0x1A40;
	[sflag:s24] =	ssyncset.done @!p0 $0x0  }
0x53: {  	s26 =	simm.s32 $0x0;
	s29 =	rddreg [dreg:$0x7];
	[sflag:s24] =	ssyncadd.s32 @!p0 $0xFFFFFB1E  }
0x54: {  	[tilespmem:s30], [sflag:$0x8] =	stream.linear.gather [hbm4b:s29+s26], $0x10, $0x38;
	[tilespmem:$0x1F9E0] =	vst v63  }
0x55: {  	_ =	swait.ge [sflag:s0], $0x10  }
0x56: {  	[sflag:s0] =	ssyncset.done $0x0  }
0x57: {  	[sflag:s0] =	ssyncadd.s32 $0xFFFFFFF0  }
0x58: {  	[bflag:$0x0] =	sbarrier.arrive $0xFFFF  }
0x59: {  	s24 =	rddreg [dreg:$0xb]  }
0x5a: {  	v1 =	vld.msk [tilespmem:$0x1A40 ss:$0x0], $0xffff;
	[tilespmem:s26], [sflag:$0x8] =	stream.linear.gather [hbm4b:s24+s26], $0x80, $0x38  }
0x5b: {  	_ =	swait.ge [sflag:s0], $0x80  }
0x5c: {  	[sflag:s0] =	ssyncset.done $0x0  }
0x5d: {  	s25 =	rddreg [dreg:$0xc];
	[sflag:s0] =	ssyncadd.s32 $0xFFFFFF80  }
0x5e: {  	[tilespmem:s4], [sflag:$0x8] =	stream.linear.gather [hbm4b:s25+s26], $0x80, $0x38;
	[tilespmem:$0x1F9E0] =	vst v63  }
0x5f: {  	_ =	swait.ge [sflag:s0], $0x80  }
0x60: {  	[sflag:s0] =	ssyncset.done $0x0  }
0x61: {  	s29 =	simm.s32 $0x100;
	[sflag:s0] =	ssyncadd.s32 $0xFFFFFF80  }
0x62: {  	[tilespmem:s29], [sflag:$0x1] =	stream.indirect.gather [spmem:s3], $0x1, s26, s4, $0xb8;
	[tilespmem:$0x1F9E0] =	vst v63  }
0x63: {  	s30 =	simm.s32 $0x180  }
0x64: {  	[tilespmem:s30], [sflag:$0x2] =	stream.indirect.gather [spmem:s5], $0x1, s4, s4, $0xb8;
	[tilespmem:$0x1F9E0] =	vst v63  }
0x65: {  	s28 =	simm.s32 $0x0  }
0x66: {  	[tilespmem:s10], [sflag:$0x3] =	stream.indirect.gather [hbm4b:s9+s4], $0x10, s26, s4, $0xb8;
	[tilespmem:$0x1F9E0] =	vst v63  }
.LBB2_8:
0x67: {  	p1 =	seq.s32 s28, $0x0  }
0x68: {  	s12 =	simm.s32 @!p1 $0x6  }
0x69: {  	_ =	swait.ge @!p1 [sflag:s12], $0x800  }
0x6a: {  	s24 =	sshll.u32 s28, $0x8;
	[sflag:s12] =	ssyncset.done @!p1 $0x0  }
0x6b: {  	s29 =	sadd.s32 s11, s24;
	[sflag:s12] =	ssyncadd.s32 @!p1 $0xFFFFF800;
	s12 =	simm.s32 @!p1 $0x7  }
0x6c: {  	s24 =	sshrl.u32 s29, $0x3;
	_ =	swait.ge @!p1 [sflag:s12], $0x80  }
0x6d: {  	s24 =	sadd.s32 $0x10, s24;
	[sflag:s12] =	ssyncset.done @!p1 $0x0  }
0x6e: {  	s25 =	sadd.s32 s7, s24;
	[sflag:s12] =	ssyncadd.s32 @!p1 $0xFFFFFF80  }
0x6f: {  	[tilespmem:s13], [sflag:$0x8] =	stream.linear.gather [hbm4b:s25+s26], $0x80, $0x38;
	[tilespmem:$0x1F9E0] =	vst v63  }
0x70: {  	_ =	swait.ge [sflag:s0], $0x80  }
0x71: {  	[sflag:s0] =	ssyncset.done $0x0  }
0x72: {  	s25 =	sadd.s32 s8, s24;
	[sflag:s0] =	ssyncadd.s32 $0xFFFFFF80  }
0x73: {  	[tilespmem:s14], [sflag:$0x8] =	stream.linear.gather [hbm4b:s25+s26], $0x80, $0x38;
	[tilespmem:$0x1F9E0] =	vst v63  }
0x74: {  	_ =	swait.ge [sflag:s0], $0x80  }
0x75: {  	[sflag:s0] =	ssyncset.done $0x0  }
0x76: {  	[sflag:s0] =	ssyncadd.s32 $0xFFFFFF80  }
0x77: {  	_ =	swait.ge [sflag:s15], $0x80  }
0x78: {  	[sflag:s15] =	ssyncset.done $0x0  }
0x79: {  	[sflag:s15] =	ssyncadd.s32 $0xFFFFFF80  }
0x7a: {  	_ =	swait.ge [sflag:s16], $0x80  }
0x7b: {  	[sflag:s16] =	ssyncset.done $0x0  }
0x7c: {  	[sflag:s16] =	ssyncadd.s32 $0xFFFFFF80  }
0x7d: {  	_ =	swait.ge [sflag:s17], $0x800  }
0x7e: {  	[sflag:s17] =	ssyncset.done $0x0  }
0x7f: {  	[sflag:s17] =	ssyncadd.s32 $0xFFFFF800  }
0x80: {  	[tilespmem:s18], [sflag:$0x1] =	stream.indirect.gather [spmem:s3], $0x1, s13, s4, $0xb8;
	[tilespmem:$0x1F9E0] =	vst v63  }
0x81: {  	_ = 	snop  }
0x82: {  	[tilespmem:s19], [sflag:$0x2] =	stream.indirect.gather [spmem:s5], $0x1, s14, s4, $0xb8;
	[tilespmem:$0x1F9E0] =	vst v63  }
0x83: {  	_ = 	snop  }
0x84: {  	[tilespmem:s20], [sflag:$0x3] =	stream.indirect.gather [hbm4b:s9+s4], $0x10, s13, s4, $0xb8;
	[tilespmem:$0x1F9E0] =	vst v63  }
0x85: {  	v2 =	vld [tilespmem:$0x100]  }
0x86: {  	v3 =	vld [tilespmem:$0x180]  }
0x87: {  	v4 =	vld [tilespmem:$0x110]  }
0x88: {  	v5 =	vld [tilespmem:$0x190]  }
0x89: {  	v6 =	vld [tilespmem:$0x120]  }
0x8a: {  	v7 =	vld [tilespmem:$0x1A0]  }
0x8b: {  	v51 =	vld [tilespmem:$0x130]  }
0x8c: {  	v8 =	vld [tilespmem:$0x1B0]  }
0x8d: {  	v10 =	vld [tilespmem:$0x140];
	v2 =	vadd.f32 v3, v2  }
0x8e: {  	v55 =	vld [tilespmem:$0x150];
	v3 =	vadd.f32 v5, v4  }
0x8f: {  	v11 =	vld [tilespmem:$0x1D0];
	v52 =	vmul.f32 $2.000000030e-01, v2  }
0x90: {  	v12 =	vld [tilespmem:$0x160];
	vm0 =	vgt.f32 v2, $0.0e+00;
	v9 =	vmul.f32 $2.000000030e-01, v3  }
0x91: {  	v57 =	vld [tilespmem:$0x1E0];
	vm9 =	vgt.f32 v3, $0.0e+00;
	v2 =	vsel vm0, v2, v52  }
0x92: {  	v54 =	vld [tilespmem:$0x1C0];
	v53 =	vadd.f32 v7, v6;
	v3 =	vsel vm9, v3, v9;
	v2 =	vsub.f32 v2, v1  }
0x93: {  	v3 =	vsub.f32 v3, v1  }
0x94: {  	v58 =	vld [tilespmem:$0x170];
	v4 =	vadd.f32 v8, v51;
	v56 =	vmul.f32 $2.000000030e-01, v53;
	v2 =	vmul.f32 $1.442695020e+00, v2  }
0x95: {  	v59 =	vld [tilespmem:$0x1F0];
	v7 =	vadd.f32 v11, v55;
	vm10 =	vgt.f32 v53, $0.0e+00;
	v3 =	vmul.f32 $1.442695020e+00, v3  }
0x96: {  	v60 =	vadd.f32 v57, v12;
	v5 =	vsel vm10, v53, v56;
	(erf) = vpow2.f32 v2  }
0x97: {  	v2 =	vsub.f32 v5, v1;
	(erf) = vpow2.f32 v3;
	v3 =	vadd.f32 v54, v10  }
0x98: {  	v8 =	vmul.f32 $2.000000030e-01, v4;
	vm11 =	vgt.f32 v4, $0.0e+00;
	v61 =	vmul.f32 $2.000000030e-01, v60  }
0x99: {  	vm14 =	vgt.f32 v60, $0.0e+00;
	v2 =	vmul.f32 $1.442695020e+00, v2;
	v10 =	vmul.f32 $2.000000030e-01, v3  }
0x9a: {  	v4 =	vsel vm11, v4, v8;
	v5 =	vadd.f32 v59, v58;
	vm12 =	vgt.f32 v3, $0.0e+00  }
0x9b: {  	(erf) = vpow2.f32 v2;
	v2 =	vsel vm12, v3, v10;
	v3 =	vmul.f32 $2.000000030e-01, v7  }
0x9c: {  	vm13 =	vgt.f32 v7, $0.0e+00;
	v6 =	vsel vm14, v60, v61;
	v4 =	vsub.f32 v4, v1  }
0x9d: {  	v62 =	vmul.f32 $2.000000030e-01, v5;
	v2 =	vsub.f32 v2, v1;
	v3 =	vsel vm13, v7, v3  }
0x9e: {  	v4 =	vmul.f32 $1.442695020e+00, v4;
	vm15 =	vgt.f32 v5, $0.0e+00;
	v3 =	vsub.f32 v3, v1  }
0x9f: {  	v6 =	vsub.f32 v6, v1;
	v5 =	vsel vm15, v5, v62;
	v2 =	vmul.f32 $1.442695020e+00, v2  }
0xa0: {  	(erf) = vpow2.f32 v4;
	v63 =	vsub.f32 v5, v1;
	v3 =	vmul.f32 $1.442695020e+00, v3  }
0xa1: {  	(erf) = vpow2.f32 v2;
	v2 =	vmul.f32 $1.442695020e+00, v6  }
0xa2: {  	(erf) = vpow2.f32 v3;
	v3 =	vmul.f32 $1.442695020e+00, v63  }
0xa3: {  	(erf) = vpow2.f32 v2  }
0xa4: {  	(erf) = vpow2.f32 v3;
	_ =	sdelay $0x1  }
0xa5: {  	v2 =	vpop (erf)  }
0xa6: {  	[tilespmem:$0x200] =	vst v2;
	v3 =	vpop (erf)  }
0xa7: {  	v2 =	vpop (erf);
	[tilespmem:$0x210] =	vst v3  }
0xa8: {  	v3 =	vpop (erf);
	[tilespmem:$0x220] =	vst v2  }
0xa9: {  	v2 =	vpop (erf);
	[tilespmem:$0x230] =	vst v3  }
0xaa: {  	[tilespmem:$0x240] =	vst v2;
	v3 =	vpop (erf)  }
0xab: {  	v2 =	vpop (erf);
	[tilespmem:$0x250] =	vst v3  }
0xac: {  	[tilespmem:$0x260] =	vst v2;
	v2 =	vpop (erf)  }
0xad: {  	s30 =	simm.s32 $0x300;
	[tilespmem:$0x270] =	vst v2  }
0xae: {  	s12 =	simm.s32 $0x300;
	s24 =	simm.s32 $0x40;
	s25 =	simm.s32 $0x0;
	v2 =	vld [tilespmem:s30+$0xFFFFFFB0]  }
.LBB2_9:
0xaf: {  	p1 =	sne.s32 s24, $0x1C0;
	v3 =	vld [tilespmem:s25+$0x200]  }
0xb0: {  	v4 =	vld [tilespmem:s30+$0xFFFFFF90]  }
0xb1: {  	v5 =	vld [tilespmem:s30+$0xFFFFFF80]  }
0xb2: {  	v6 =	vld [tilespmem:s30+$0xFFFFFFA0]  }
0xb3: {  	v7 =	vld [tilespmem:s30+$0xFFFFFFF0]  }
0xb4: {  	v8 =	vbroadcast v3, $0x0;
	v9 =	vbroadcast v3, $0x1;
	v10 =	vld [tilespmem:s30+$0xFFFFFFD0]  }
0xb5: {  	v11 =	vbroadcast v3, $0x2;
	v12 =	vbroadcast v3, $0x3;
	v13 =	vld [tilespmem:s30+$0xFFFFFFC0]  }
0xb6: {  	v5 =	vmul.f32 v8, v5;
	v4 =	vmul.f32 v4, v9;
	v8 =	vld [tilespmem:s30+$0xFFFFFFE0]  }
0xb7: {  	v2 =	vmul.f32 v2, v12;
	v6 =	vmul.f32 v6, v11;
	v9 =	vld [tilespmem:s30+$0x30]  }
0xb8: {  	v11 =	vbroadcast v3, $0x5;
	[tilespmem:s30+$0xFFFFFF80] =	vst v5;
	v5 =	vbroadcast v3, $0x4;
	v12 =	vld [tilespmem:s30+$0x10]  }
0xb9: {  	v14 =	vbroadcast v3, $0x7;
	[tilespmem:s30+$0xFFFFFF90] =	vst v4;
	v4 =	vbroadcast v3, $0x6;
	v15 =	vld [tilespmem:s30+$0x0]  }
0xba: {  	[tilespmem:s30+$0xFFFFFFA0] =	vst v6;
	v5 =	vmul.f32 v13, v5;
	v6 =	vmul.f32 v10, v11;
	v10 =	vld [tilespmem:s30+$0x20]  }
0xbb: {  	[tilespmem:s30+$0xFFFFFFB0] =	vst v2;
	v2 =	vmul.f32 v8, v4;
	v4 =	vmul.f32 v7, v14;
	v7 =	vld [tilespmem:s30+$0x70]  }
0xbc: {  	v8 =	vbroadcast v3, $0x9;
	[tilespmem:s30+$0xFFFFFFC0] =	vst v5;
	v5 =	vbroadcast v3, $0x8;
	v11 =	vld [tilespmem:s30+$0x50]  }
0xbd: {  	v13 =	vbroadcast v3, $0xB;
	[tilespmem:s30+$0xFFFFFFD0] =	vst v6;
	v6 =	vbroadcast v3, $0xA;
	v14 =	vld [tilespmem:s30+$0x40]  }
0xbe: {  	[tilespmem:s30+$0xFFFFFFE0] =	vst v2;
	v2 =	vmul.f32 v15, v5;
	v5 =	vmul.f32 v12, v8;
	v8 =	vld [tilespmem:s30+$0x60]  }
0xbf: {  	[tilespmem:s30+$0xFFFFFFF0] =	vst v4;
	v4 =	vmul.f32 v10, v6;
	v6 =	vmul.f32 v9, v13  }
0xc0: {  	v9 =	vbroadcast v3, $0xD;
	[tilespmem:s30+$0x0] =	vst v2;
	v2 =	vbroadcast v3, $0xC  }
0xc1: {  	[tilespmem:s30+$0x10] =	vst v5;
	v5 =	vbroadcast v3, $0xE;
	v3 =	vbroadcast v3, $0xF  }
0xc2: {  	[tilespmem:s30+$0x20] =	vst v4;
	v2 =	vmul.f32 v14, v2;
	v4 =	vmul.f32 v11, v9  }
.Ltmp3:
0xc3: {  	[tilespmem:s30+$0x30] =	vst v6;
	v5 =	vmul.f32 v8, v5;
	v3 =	vmul.f32 v7, v3;
	(pc) =	sbr.rel @p1 .LBB2_9-.Ltmp3, $4  }
0xc4: {  	[tilespmem:s30+$0x40] =	vst v2  }
0xc5: {  	[tilespmem:s30+$0x50] =	vst v4  }
0xc6: {  	s30 =	sadd.s32 $0x100, s30;
	[tilespmem:s12+$0x60] =	vst v5  }
0xc7: {  	s25 =	sshra.s32 s24, $0x2;
	s24 =	sadd.s32 $0x40, s24;
	v2 =	vld [tilespmem:s30+$0xFFFFFFB0];
	[tilespmem:s12+$0x70] =	vst v3;
	s12 =	smov.u32 s30  }
0xc8: {  	v3 =	vld [tilespmem:s25+$0x200];
	_ =	sdelay $0x1  }
0xc9: {  	v4 =	vld [tilespmem:s30+$0xFFFFFF80]  }
0xca: {  	v5 =	vld [tilespmem:s30+$0xFFFFFF90]  }
0xcb: {  	v6 =	vld [tilespmem:s30+$0xFFFFFFA0]  }
0xcc: {  	v7 =	vbroadcast v3, $0x0  }
0xcd: {  	v10 =	vld [tilespmem:s30+$0xFFFFFFD0];
	v8 =	vbroadcast v3, $0x1;
	v11 =	vbroadcast v3, $0x2  }
0xce: {  	v24 =	vld [tilespmem:s30+$0xFFFFFFE0];
	v23 =	vbroadcast v3, $0x3;
	v4 =	vmul.f32 v7, v4  }
0xcf: {  	v28 =	vld [tilespmem:s30+$0x10];
	v25 =	vbroadcast v3, $0x4;
	v5 =	vmul.f32 v5, v8  }
0xd0: {  	v9 =	vld [tilespmem:s30+$0xFFFFFFC0];
	v26 =	vbroadcast v3, $0x5;
	v6 =	vmul.f32 v6, v11;
	[tilespmem:s30+$0xFFFFFF80] =	vst v4  }
0xd1: {  	v12 =	vld [tilespmem:s30+$0xFFFFFFF0];
	v13 =	vbroadcast v3, $0x6;
	v2 =	vmul.f32 v2, v23;
	[tilespmem:s30+$0xFFFFFF90] =	vst v5  }
0xd2: {  	v30 =	vld [tilespmem:s30+$0x20];
	v32 =	vbroadcast v3, $0x9;
	v7 =	vmul.f32 v10, v26;
	[tilespmem:s30+$0xFFFFFFA0] =	vst v6  }
0xd3: {  	v27 =	vld [tilespmem:s30+$0x0];
	v29 =	vbroadcast v3, $0x7;
	v8 =	vmul.f32 v24, v13;
	[tilespmem:s30+$0xFFFFFFB0] =	vst v2  }
0xd4: {  	v34 =	vld [tilespmem:s30+$0x50];
	v31 =	vbroadcast v3, $0x8;
	v37 =	vmul.f32 v28, v32;
	[tilespmem:s30+$0xFFFFFFD0] =	vst v7  }
0xd5: {  	v33 =	vld [tilespmem:s30+$0x40];
	v35 =	vbroadcast v3, $0xA;
	v4 =	vmul.f32 v9, v25;
	[tilespmem:s30+$0xFFFFFFE0] =	vst v8  }
0xd6: {  	v36 =	vbroadcast v3, $0xB;
	v2 =	vld [tilespmem:s30+$0x30];
	v6 =	vmul.f32 v12, v29;
	[tilespmem:s30+$0x10] =	vst v37  }
0xd7: {  	v39 =	vld [tilespmem:s30+$0x70];
	v41 =	vbroadcast v3, $0xD;
	v9 =	vmul.f32 v30, v35;
	[tilespmem:s30+$0xFFFFFFC0] =	vst v4  }
0xd8: {  	v38 =	vld [tilespmem:s30+$0x60];
	v40 =	vbroadcast v3, $0xC;
	v4 =	vmul.f32 v27, v31;
	[tilespmem:s30+$0xFFFFFFF0] =	vst v6  }
0xd9: {  	v42 =	vbroadcast v3, $0xE;
	v5 =	vmul.f32 v34, v41;
	[tilespmem:s30+$0x20] =	vst v9  }
0xda: {  	v3 =	vbroadcast v3, $0xF;
	[tilespmem:s30+$0x0] =	vst v4;
	v4 =	vmul.f32 v33, v40  }
0xdb: {  	[tilespmem:s30+$0x50] =	vst v5;
	v2 =	vmul.f32 v2, v36  }
0xdc: {  	v3 =	vmul.f32 v39, v3;
	[tilespmem:s30+$0x40] =	vst v4  }
0xdd: {  	[tilespmem:s30+$0x30] =	vst v2;
	v2 =	vmul.f32 v38, v42  }
0xde: {  	[tilespmem:s12+$0x70] =	vst v3  }
0xdf: {  	p1 =	seq.s32 s28, $0x30C;
	[tilespmem:s12+$0x60] =	vst v2  }
0xe0: {  	[spmem:s1] =	stream.indirect.scatter.add.f32 [tilespmem:s10], [sflag:$0x4], $0x10, s4, s4, $0xb8;
	[tilespmem:$0x1F9E0] =	vst v63  }
0xe1: {  	s12 =	simm.s32 @!p1 $0x4  }
0xe2: {  	[spmem:s2] =	stream.indirect.scatter.add.f32 [tilespmem:s21], [sflag:$0x5], $0x1, s4, s4, $0xb8;
	[tilespmem:$0x1F9E0] =	vst v63  }
0xe3: {  	_ =	swait.ge @!p1 [sflag:s12], $0x800  }
0xe4: {  	[sflag:s12] =	ssyncset.done @!p1 $0x0  }
0xe5: {  	[sflag:s12] =	ssyncadd.s32 @!p1 $0xFFFFF800;
	s12 =	simm.s32 @!p1 $0x5  }
0xe6: {  	s24 =	sshrl.u32 @!p1 s29, $0x3;
	_ =	swait.ge @!p1 [sflag:s12], $0x80  }
0xe7: {  	s24 =	sadd.s32 @!p1 $0x20, s24;
	[sflag:s12] =	ssyncset.done @!p1 $0x0  }
0xe8: {  	s25 =	simm.s32 @!p1 $0x0;
	[sflag:s12] =	ssyncadd.s32 @!p1 $0xFFFFFF80;
	s12 =	sadd.s32 @!p1 s7, s24  }
0xe9: {  	[tilespmem:s25], [sflag:$0x8] =	stream.linear.gather @!p1 [hbm4b:s12+s25], $0x80, $0x38;
	[tilespmem:$0x1F9E0] =	vst v63  }
0xea: {  	s12 =	simm.s32 @!p1 $0x8  }
0xeb: {  	_ =	swait.ge @!p1 [sflag:s12], $0x80  }
0xec: {  	[sflag:s12] =	ssyncset.done @!p1 $0x0  }
0xed: {  	s29 =	simm.s32 @!p1 $0x80;
	s24 =	sadd.s32 @!p1 s8, s24;
	[sflag:s12] =	ssyncadd.s32 @!p1 $0xFFFFFF80  }
0xee: {  	[tilespmem:s29], [sflag:$0x8] =	stream.linear.gather @!p1 [hbm4b:s24+s25], $0x80, $0x38;
	[tilespmem:$0x1F9E0] =	vst v63  }
0xef: {  	_ =	swait.ge @!p1 [sflag:s12], $0x80  }
0xf0: {  	[sflag:s12] =	ssyncset.done @!p1 $0x0  }
0xf1: {  	[sflag:s12] =	ssyncadd.s32 @!p1 $0xFFFFFF80;
	s12 =	simm.s32 @!p1 $0x100  }
0xf2: {  	[tilespmem:s12], [sflag:$0x1] =	stream.indirect.gather @!p1 [spmem:s3], $0x1, s25, s29, $0xb8;
	[tilespmem:$0x1F9E0] =	vst v63  }
0xf3: {  	s12 =	simm.s32 @!p1 $0x180  }
0xf4: {  	[tilespmem:s12], [sflag:$0x2] =	stream.indirect.gather @!p1 [spmem:s5], $0x1, s29, s29, $0xb8;
	[tilespmem:$0x1F9E0] =	vst v63  }
0xf5: {  	s12 =	simm.s32 @!p1 $0x280  }
0xf6: {  	[tilespmem:s12], [sflag:$0x3] =	stream.indirect.gather @!p1 [hbm4b:s9+s29], $0x10, s25, s29, $0xb8;
	[tilespmem:$0x1F9E0] =	vst v63  }
0xf7: {  	_ =	swait.ge [sflag:s15], $0x80  }
0xf8: {  	[sflag:s15] =	ssyncset.done $0x0  }
0xf9: {  	[sflag:s15] =	ssyncadd.s32 $0xFFFFFF80  }
0xfa: {  	_ =	swait.ge [sflag:s16], $0x80  }
0xfb: {  	[sflag:s16] =	ssyncset.done $0x0  }
0xfc: {  	[sflag:s16] =	ssyncadd.s32 $0xFFFFFF80  }
0xfd: {  	_ =	swait.ge [sflag:s17], $0x800  }
0xfe: {  	[sflag:s17] =	ssyncset.done $0x0  }
0xff: {  	[sflag:s17] =	ssyncadd.s32 $0xFFFFF800  }
0x100: {  	v2 =	vld [tilespmem:$0xB80]  }
0x101: {  	v3 =	vld [tilespmem:$0xC00]  }
0x102: {  	v43 =	vld [tilespmem:$0xB90]  }
0x103: {  	v44 =	vld [tilespmem:$0xC10]  }
0x104: {  	v45 =	vld [tilespmem:$0xBA0]  }
0x105: {  	v46 =	vld [tilespmem:$0xC20]  }
0x106: {  	v49 =	vld [tilespmem:$0xBC0]  }
0x107: {  	v50 =	vld [tilespmem:$0xC40]  }
0x108: {  	v52 =	vld [tilespmem:$0xBD0]  }
0x109: {  	v54 =	vld [tilespmem:$0xC50]  }
0x10a: {  	v55 =	vld [tilespmem:$0xBE0]  }
0x10b: {  	v56 =	vld [tilespmem:$0xC60];
	_ =	sdelay $0x1  }
0x10c: {  	v47 =	vld [tilespmem:$0xC30];
	v2 =	vadd.f32 v3, v2  }
0x10d: {  	v3 =	vld [tilespmem:$0xBB0];
	v4 =	vadd.f32 v44, v43  }
0x10e: {  	v6 =	vadd.f32 v46, v45;
	v5 =	vadd.f32 v50, v49;
	v48 =	vmul.f32 $2.000000030e-01, v2  }
0x10f: {  	v60 =	vadd.f32 v54, v52;
	v61 =	vadd.f32 v56, v55;
	vm0 =	vgt.f32 v2, $0.0e+00  }
0x110: {  	v51 =	vmul.f32 $2.000000030e-01, v4;
	vm9 =	vgt.f32 v4, $0.0e+00;
	v2 =	vsel vm0, v2, v48  }
0x111: {  	v53 =	vmul.f32 $2.000000030e-01, v6;
	vm10 =	vgt.f32 v6, $0.0e+00;
	v2 =	vsub.f32 v2, v1  }
0x112: {  	v58 =	vld [tilespmem:$0xBF0];
	vm12 =	vgt.f32 v5, $0.0e+00;
	v4 =	vsel vm9, v4, v51;
	v3 =	vadd.f32 v47, v3  }
0x113: {  	v59 =	vld [tilespmem:$0xC70];
	v62 =	vmul.f32 $2.000000030e-01, v60;
	v4 =	vsub.f32 v4, v1;
	v2 =	vmul.f32 $1.442695020e+00, v2  }
0x114: {  	v8 =	vmul.f32 $2.000000030e-01, v61;
	v6 =	vsel vm10, v6, v53;
	v57 =	vmul.f32 $2.000000030e-01, v3  }
0x115: {  	vm11 =	vgt.f32 v3, $0.0e+00;
	(erf) = vpow2.f32 v2;
	v2 =	vmul.f32 $1.442695020e+00, v4  }
0x116: {  	vm14 =	vgt.f32 v61, $0.0e+00;
	v6 =	vsub.f32 v6, v1;
	v3 =	vsel vm11, v3, v57  }
0x117: {  	(erf) = vpow2.f32 v2;
	v2 =	vsub.f32 v3, v1;
	v3 =	vmul.f32 $2.000000030e-01, v5  }
0x118: {  	vm13 =	vgt.f32 v60, $0.0e+00;
	v7 =	vsel vm14, v61, v8;
	v4 =	vadd.f32 v59, v58  }
0x119: {  	v7 =	vsub.f32 v7, v1;
	v6 =	vmul.f32 $1.442695020e+00, v6;
	v3 =	vsel vm12, v5, v3  }
0x11a: {  	v63 =	vmul.f32 $2.000000030e-01, v4;
	v5 =	vsel vm13, v60, v62;
	v3 =	vsub.f32 v3, v1  }
0x11b: {  	vm15 =	vgt.f32 v4, $0.0e+00;
	v2 =	vmul.f32 $1.442695020e+00, v2;
	v5 =	vsub.f32 v5, v1  }
0x11c: {  	(erf) = vpow2.f32 v6;
	v4 =	vsel vm15, v4, v63;
	v3 =	vmul.f32 $1.442695020e+00, v3  }
0x11d: {  	v4 =	vsub.f32 v4, v1;
	(erf) = vpow2.f32 v2;
	v2 =	vmul.f32 $1.442695020e+00, v5  }
0x11e: {  	(erf) = vpow2.f32 v3;
	v3 =	vmul.f32 $1.442695020e+00, v7  }
0x11f: {  	(erf) = vpow2.f32 v2;
	v2 =	vmul.f32 $1.442695020e+00, v4  }
0x120: {  	(erf) = vpow2.f32 v3  }
0x121: {  	(erf) = vpow2.f32 v2;
	_ =	sdelay $0x1  }
0x122: {  	v2 =	vpop (erf)  }
0x123: {  	v3 =	vpop (erf);
	[tilespmem:$0xC80] =	vst v2  }
0x124: {  	v2 =	vpop (erf);
	[tilespmem:$0xC90] =	vst v3  }
0x125: {  	v3 =	vpop (erf);
	[tilespmem:$0xCA0] =	vst v2  }
0x126: {  	v2 =	vpop (erf);
	[tilespmem:$0xCB0] =	vst v3  }
0x127: {  	v3 =	vpop (erf);
	[tilespmem:$0xCC0] =	vst v2  }
0x128: {  	v2 =	vpop (erf);
	[tilespmem:$0xCD0] =	vst v3  }
0x129: {  	[tilespmem:$0xCE0] =	vst v2;
	v2 =	vpop (erf)  }
0x12a: {  	s29 =	simm.s32 $0xD80;
	[tilespmem:$0xCF0] =	vst v2  }
0x12b: {  	s24 =	simm.s32 $0x40;
	s25 =	simm.s32 $0x0;
	s12 =	simm.s32 $0xD80;
	v2 =	vld [tilespmem:s29+$0xFFFFFFB0]  }
.LBB2_11:
0x12c: {  	p1 =	sne.s32 s24, $0x1C0;
	v3 =	vld [tilespmem:s25+$0xC80]  }
0x12d: {  	v4 =	vld [tilespmem:s29+$0xFFFFFF90]  }
0x12e: {  	v5 =	vld [tilespmem:s29+$0xFFFFFF80]  }
0x12f: {  	v6 =	vld [tilespmem:s29+$0xFFFFFFA0]  }
0x130: {  	v7 =	vld [tilespmem:s29+$0xFFFFFFF0]  }
0x131: {  	v8 =	vbroadcast v3, $0x0;
	v9 =	vbroadcast v3, $0x1;
	v10 =	vld [tilespmem:s29+$0xFFFFFFD0]  }
0x132: {  	v11 =	vbroadcast v3, $0x2;
	v12 =	vbroadcast v3, $0x3;
	v13 =	vld [tilespmem:s29+$0xFFFFFFC0]  }
0x133: {  	v5 =	vmul.f32 v8, v5;
	v4 =	vmul.f32 v4, v9;
	v8 =	vld [tilespmem:s29+$0xFFFFFFE0]  }
0x134: {  	v2 =	vmul.f32 v2, v12;
	v6 =	vmul.f32 v6, v11;
	v9 =	vld [tilespmem:s29+$0x30]  }
0x135: {  	v11 =	vbroadcast v3, $0x5;
	[tilespmem:s29+$0xFFFFFF80] =	vst v5;
	v5 =	vbroadcast v3, $0x4;
	v12 =	vld [tilespmem:s29+$0x10]  }
0x136: {  	v14 =	vbroadcast v3, $0x7;
	[tilespmem:s29+$0xFFFFFF90] =	vst v4;
	v4 =	vbroadcast v3, $0x6;
	v15 =	vld [tilespmem:s29+$0x0]  }
0x137: {  	[tilespmem:s29+$0xFFFFFFA0] =	vst v6;
	v5 =	vmul.f32 v13, v5;
	v6 =	vmul.f32 v10, v11;
	v10 =	vld [tilespmem:s29+$0x20]  }
0x138: {  	[tilespmem:s29+$0xFFFFFFB0] =	vst v2;
	v2 =	vmul.f32 v8, v4;
	v4 =	vmul.f32 v7, v14;
	v7 =	vld [tilespmem:s29+$0x70]  }
0x139: {  	v8 =	vbroadcast v3, $0x9;
	[tilespmem:s29+$0xFFFFFFC0] =	vst v5;
	v5 =	vbroadcast v3, $0x8;
	v11 =	vld [tilespmem:s29+$0x50]  }
0x13a: {  	v13 =	vbroadcast v3, $0xB;
	[tilespmem:s29+$0xFFFFFFD0] =	vst v6;
	v6 =	vbroadcast v3, $0xA;
	v14 =	vld [tilespmem:s29+$0x40]  }
0x13b: {  	[tilespmem:s29+$0xFFFFFFE0] =	vst v2;
	v2 =	vmul.f32 v15, v5;
	v5 =	vmul.f32 v12, v8;
	v8 =	vld [tilespmem:s29+$0x60]  }
0x13c: {  	[tilespmem:s29+$0xFFFFFFF0] =	vst v4;
	v4 =	vmul.f32 v10, v6;
	v6 =	vmul.f32 v9, v13  }
0x13d: {  	v9 =	vbroadcast v3, $0xD;
	[tilespmem:s29+$0x0] =	vst v2;
	v2 =	vbroadcast v3, $0xC  }
0x13e: {  	[tilespmem:s29+$0x10] =	vst v5;
	v5 =	vbroadcast v3, $0xE;
	v3 =	vbroadcast v3, $0xF  }
0x13f: {  	[tilespmem:s29+$0x20] =	vst v4;
	v2 =	vmul.f32 v14, v2;
	v4 =	vmul.f32 v11, v9  }
.Ltmp4:
0x140: {  	[tilespmem:s29+$0x30] =	vst v6;
	v5 =	vmul.f32 v8, v5;
	v3 =	vmul.f32 v7, v3;
	(pc) =	sbr.rel @p1 .LBB2_11-.Ltmp4, $4  }
0x141: {  	[tilespmem:s29+$0x40] =	vst v2  }
0x142: {  	[tilespmem:s29+$0x50] =	vst v4  }
0x143: {  	s29 =	sadd.s32 $0x100, s29;
	[tilespmem:s12+$0x60] =	vst v5  }
0x144: {  	s25 =	sshra.s32 s24, $0x2;
	s24 =	sadd.s32 $0x40, s24;
	v2 =	vld [tilespmem:s29+$0xFFFFFFB0];
	[tilespmem:s12+$0x70] =	vst v3;
	s12 =	smov.u32 s29  }
0x145: {  	v3 =	vld [tilespmem:s25+$0xC80];
	_ =	sdelay $0x1  }
0x146: {  	v4 =	vld [tilespmem:s29+$0xFFFFFF80]  }
0x147: {  	v5 =	vld [tilespmem:s29+$0xFFFFFF90]  }
0x148: {  	v6 =	vld [tilespmem:s29+$0xFFFFFFA0]  }
0x149: {  	v7 =	vbroadcast v3, $0x0  }
0x14a: {  	v10 =	vld [tilespmem:s29+$0xFFFFFFD0];
	v8 =	vbroadcast v3, $0x1;
	v11 =	vbroadcast v3, $0x2  }
0x14b: {  	v45 =	vld [tilespmem:s29+$0xFFFFFFE0];
	v44 =	vbroadcast v3, $0x3;
	v4 =	vmul.f32 v7, v4  }
0x14c: {  	v49 =	vld [tilespmem:s29+$0x10];
	v46 =	vbroadcast v3, $0x4;
	v5 =	vmul.f32 v5, v8  }
0x14d: {  	v9 =	vld [tilespmem:s29+$0xFFFFFFC0];
	v47 =	vbroadcast v3, $0x5;
	v6 =	vmul.f32 v6, v11;
	[tilespmem:s29+$0xFFFFFF80] =	vst v4  }
0x14e: {  	v12 =	vld [tilespmem:s29+$0xFFFFFFF0];
	v13 =	vbroadcast v3, $0x6;
	v2 =	vmul.f32 v2, v44;
	[tilespmem:s29+$0xFFFFFF90] =	vst v5  }
0x14f: {  	v51 =	vld [tilespmem:s29+$0x20];
	v53 =	vbroadcast v3, $0x9;
	v7 =	vmul.f32 v10, v47;
	[tilespmem:s29+$0xFFFFFFA0] =	vst v6  }
0x150: {  	v48 =	vld [tilespmem:s29+$0x0];
	v50 =	vbroadcast v3, $0x7;
	v8 =	vmul.f32 v45, v13;
	[tilespmem:s29+$0xFFFFFFB0] =	vst v2  }
0x151: {  	v55 =	vld [tilespmem:s29+$0x50];
	v52 =	vbroadcast v3, $0x8;
	v58 =	vmul.f32 v49, v53;
	[tilespmem:s29+$0xFFFFFFD0] =	vst v7  }
0x152: {  	v54 =	vld [tilespmem:s29+$0x40];
	v56 =	vbroadcast v3, $0xA;
	v4 =	vmul.f32 v9, v46;
	[tilespmem:s29+$0xFFFFFFE0] =	vst v8  }
0x153: {  	v57 =	vbroadcast v3, $0xB;
	v2 =	vld [tilespmem:s29+$0x30];
	v6 =	vmul.f32 v12, v50;
	[tilespmem:s29+$0x10] =	vst v58  }
0x154: {  	v60 =	vld [tilespmem:s29+$0x70];
	v62 =	vbroadcast v3, $0xD;
	v9 =	vmul.f32 v51, v56;
	[tilespmem:s29+$0xFFFFFFC0] =	vst v4  }
0x155: {  	v59 =	vld [tilespmem:s29+$0x60];
	v61 =	vbroadcast v3, $0xC;
	v4 =	vmul.f32 v48, v52;
	[tilespmem:s29+$0xFFFFFFF0] =	vst v6  }
0x156: {  	v63 =	vbroadcast v3, $0xE;
	v5 =	vmul.f32 v55, v62;
	[tilespmem:s29+$0x20] =	vst v9  }
0x157: {  	v3 =	vbroadcast v3, $0xF;
	[tilespmem:s29+$0x0] =	vst v4;
	v4 =	vmul.f32 v54, v61  }
0x158: {  	[tilespmem:s29+$0x50] =	vst v5;
	v2 =	vmul.f32 v2, v57  }
0x159: {  	s28 =	sadd.s32 $0x1, s28;
	v3 =	vmul.f32 v60, v3;
	[tilespmem:s29+$0x40] =	vst v4  }
0x15a: {  	p1 =	sne.s32 s28, $0x30D;
	[tilespmem:s29+$0x30] =	vst v2;
	v2 =	vmul.f32 v59, v63  }
.Ltmp5:
0x15b: {  	[tilespmem:s12+$0x70] =	vst v3;
	(pc) =	sbr.rel @p1 .LBB2_8-.Ltmp5, $4  }
0x15c: {  	[tilespmem:s12+$0x60] =	vst v2  }
0x15d: {  	[spmem:s1] =	stream.indirect.scatter.add.f32 [tilespmem:s20], [sflag:$0x6], $0x10, s14, s4, $0xb8;
	[tilespmem:$0x1F9E0] =	vst v63  }
0x15e: {  	_ = 	snop  }
0x15f: {  	[spmem:s2] =	stream.indirect.scatter.add.f32 [tilespmem:s23], [sflag:$0x7], $0x1, s14, s4, $0xb8;
	[tilespmem:$0x1F9E0] =	vst v63  }
0x160: {  	s12 =	simm.s32 $0x4  }
0x161: {  	_ =	swait.ge [sflag:s12], $0x800  }
0x162: {  	[sflag:s12] =	ssyncset.done $0x0  }
0x163: {  	s26 =	simm.s32 $0x5;
	[sflag:s12] =	ssyncadd.s32 $0xFFFFF800  }
0x164: {  	_ =	swait.ge [sflag:s26], $0x80  }
0x165: {  	[sflag:s26] =	ssyncset.done $0x0  }
0x166: {  	s24 =	simm.s32 $0x6;
	[sflag:s26] =	ssyncadd.s32 $0xFFFFFF80  }
0x167: {  	_ =	swait.ge [sflag:s24], $0x800  }
0x168: {  	[sflag:s24] =	ssyncset.done $0x0  }
0x169: {  	s25 =	simm.s32 $0x7;
	[sflag:s24] =	ssyncadd.s32 $0xFFFFF800  }
0x16a: {  	_ =	swait.ge [sflag:s25], $0x80  }
0x16b: {  	s12 =	simm.s32 $0x0;
	[sflag:s25] =	ssyncset.done $0x0  }
0x16c: {  	s24 =	rddreg [dreg:$0xd];
	[sflag:s25] =	ssyncadd.s32 $0xFFFFFF80;
	s25 =	simm.s32 $0x1500  }
0x16d: {  	[tilespmem:s25], [sflag:$0x8] =	stream.linear.gather [hbm4b:s24+s12], $0x40, $0x38;
	[tilespmem:$0x1F9E0] =	vst v63  }
0x16e: {  	_ =	swait.ge [sflag:s0], $0x40  }
0x16f: {  	[sflag:s0] =	ssyncset.done $0x0  }
0x170: {  	s28 =	simm.s32 $0x1540;
	s26 =	rddreg [dreg:$0xf];
	[sflag:s0] =	ssyncadd.s32 $0xFFFFFFC0  }
0x171: {  	[tilespmem:s28], [sflag:$0x8] =	stream.linear.gather [hbm4b:s26+s12], $0x40, $0x38;
	[tilespmem:$0x1F9E0] =	vst v63  }
0x172: {  	_ =	swait.ge [sflag:s0], $0x40  }
0x173: {  	[sflag:s0] =	ssyncset.done $0x0  }
0x174: {  	s29 =	simm.s32 $0x40;
	s24 =	simm.s32 $0x1580;
	[sflag:s0] =	ssyncadd.s32 $0xFFFFFFC0  }
0x175: {  	[tilespmem:s24], [sflag:$0x1] =	stream.indirect.gather [spmem:s3], $0x1, s25, s29, $0xb8;
	[tilespmem:$0x1F9E0] =	vst v63  }
0x176: {  	s26 =	simm.s32 $0x15C0  }
0x177: {  	[tilespmem:s26], [sflag:$0x2] =	stream.indirect.gather [spmem:s5], $0x1, s28, s29, $0xb8;
	[tilespmem:$0x1F9E0] =	vst v63  }
0x178: {  	s30 =	simm.s32 $0x1640  }
0x179: {  	[tilespmem:s30], [sflag:$0x3] =	stream.indirect.gather [hbm4b:s9+s29], $0x10, s25, s29, $0xb8;
	[tilespmem:$0x1F9E0] =	vst v63  }
0x17a: {  	_ =	swait.ge [sflag:s15], $0x40  }
0x17b: {  	[sflag:s15] =	ssyncset.done $0x0  }
0x17c: {  	[sflag:s15] =	ssyncadd.s32 $0xFFFFFFC0  }
0x17d: {  	_ =	swait.ge [sflag:s16], $0x40  }
0x17e: {  	[sflag:s16] =	ssyncset.done $0x0  }
0x17f: {  	[sflag:s16] =	ssyncadd.s32 $0xFFFFFFC0  }
0x180: {  	_ =	swait.ge [sflag:s17], $0x400  }
0x181: {  	[sflag:s17] =	ssyncset.done $0x0  }
0x182: {  	[sflag:s17] =	ssyncadd.s32 $0xFFFFFC00  }
0x183: {  	v2 =	vld [tilespmem:$0x1580]  }
0x184: {  	v3 =	vld [tilespmem:$0x15C0]  }
0x185: {  	v4 =	vld [tilespmem:$0x1590]  }
0x186: {  	v5 =	vld [tilespmem:$0x15D0]  }
0x187: {  	v6 =	vld [tilespmem:$0x15A0]  }
0x188: {  	v7 =	vld [tilespmem:$0x15E0]  }
0x189: {  	v8 =	vld [tilespmem:$0x15B0]  }
0x18a: {  	v9 =	vld [tilespmem:$0x15F0];
	_ =	sdelay $0x2  }
0x18b: {  	v2 =	vadd.f32 v3, v2  }
0x18c: {  	v3 =	vadd.f32 v5, v4  }
0x18d: {  	v60 =	vadd.f32 v7, v6;
	v62 =	vadd.f32 v9, v8;
	v59 =	vmul.f32 $2.000000030e-01, v2  }
0x18e: {  	vm0 =	vgt.f32 v2, $0.0e+00;
	v61 =	vmul.f32 $2.000000030e-01, v3;
	vm13 =	vgt.f32 v3, $0.0e+00  }
0x18f: {  	v7 =	vmul.f32 $2.000000030e-01, v60;
	vm14 =	vgt.f32 v60, $0.0e+00;
	v2 =	vsel vm0, v2, v59  }
0x190: {  	v63 =	vmul.f32 $2.000000030e-01, v62;
	v3 =	vsel vm13, v3, v61;
	v2 =	vsub.f32 v2, v1  }
0x191: {  	vm15 =	vgt.f32 v62, $0.0e+00;
	v5 =	vsel vm14, v60, v7;
	v3 =	vsub.f32 v3, v1  }
0x192: {  	v4 =	vsel vm15, v62, v63;
	v5 =	vsub.f32 v5, v1;
	v2 =	vmul.f32 $1.442695020e+00, v2  }
0x193: {  	v1 =	vsub.f32 v4, v1;
	v3 =	vmul.f32 $1.442695020e+00, v3  }
0x194: {  	(erf) = vpow2.f32 v2;
	v2 =	vmul.f32 $1.442695020e+00, v5  }
0x195: {  	v1 =	vmul.f32 $1.442695020e+00, v1;
	(erf) = vpow2.f32 v3  }
0x196: {  	(erf) = vpow2.f32 v2  }
0x197: {  	(erf) = vpow2.f32 v1;
	_ =	sdelay $0x5  }
0x198: {  	v1 =	vpop (erf)  }
0x199: {  	v2 =	vpop (erf);
	[tilespmem:$0x1600] =	vst v1  }
0x19a: {  	v1 =	vpop (erf);
	[tilespmem:$0x1610] =	vst v2  }
0x19b: {  	[tilespmem:$0x1620] =	vst v1;
	v1 =	vpop (erf)  }
0x19c: {  	s26 =	simm.s32 $0x16C0;
	[tilespmem:$0x1630] =	vst v1  }
0x19d: {  	s12 =	simm.s32 $0x16C0;
	s24 =	simm.s32 $0x40;
	s25 =	simm.s32 $0x0;
	v1 =	vld [tilespmem:s26+$0xFFFFFFB0]  }
.LBB2_14:
0x19e: {  	p1 =	sne.s32 s24, $0xC0;
	v2 =	vld [tilespmem:s25+$0x1600]  }
0x19f: {  	v3 =	vld [tilespmem:s26+$0xFFFFFF90]  }
0x1a0: {  	v4 =	vld [tilespmem:s26+$0xFFFFFF80]  }
0x1a1: {  	v5 =	vld [tilespmem:s26+$0xFFFFFFA0]  }
0x1a2: {  	v6 =	vld [tilespmem:s26+$0xFFFFFFF0]  }
0x1a3: {  	v7 =	vbroadcast v2, $0x0;
	v8 =	vbroadcast v2, $0x1;
	v9 =	vld [tilespmem:s26+$0xFFFFFFD0]  }
0x1a4: {  	v10 =	vbroadcast v2, $0x2;
	v11 =	vbroadcast v2, $0x3;
	v12 =	vld [tilespmem:s26+$0xFFFFFFC0]  }
0x1a5: {  	v4 =	vmul.f32 v7, v4;
	v3 =	vmul.f32 v3, v8;
	v7 =	vld [tilespmem:s26+$0xFFFFFFE0]  }
0x1a6: {  	v1 =	vmul.f32 v1, v11;
	v5 =	vmul.f32 v5, v10;
	v8 =	vld [tilespmem:s26+$0x30]  }
0x1a7: {  	v10 =	vbroadcast v2, $0x5;
	[tilespmem:s26+$0xFFFFFF80] =	vst v4;
	v4 =	vbroadcast v2, $0x4;
	v11 =	vld [tilespmem:s26+$0x10]  }
0x1a8: {  	v13 =	vbroadcast v2, $0x7;
	[tilespmem:s26+$0xFFFFFF90] =	vst v3;
	v3 =	vbroadcast v2, $0x6;
	v14 =	vld [tilespmem:s26+$0x0]  }
0x1a9: {  	[tilespmem:s26+$0xFFFFFFA0] =	vst v5;
	v4 =	vmul.f32 v12, v4;
	v5 =	vmul.f32 v9, v10;
	v9 =	vld [tilespmem:s26+$0x20]  }
0x1aa: {  	[tilespmem:s26+$0xFFFFFFB0] =	vst v1;
	v1 =	vmul.f32 v7, v3;
	v3 =	vmul.f32 v6, v13;
	v6 =	vld [tilespmem:s26+$0x70]  }
0x1ab: {  	v7 =	vbroadcast v2, $0x9;
	[tilespmem:s26+$0xFFFFFFC0] =	vst v4;
	v4 =	vbroadcast v2, $0x8;
	v10 =	vld [tilespmem:s26+$0x50]  }
0x1ac: {  	v12 =	vbroadcast v2, $0xB;
	[tilespmem:s26+$0xFFFFFFD0] =	vst v5;
	v5 =	vbroadcast v2, $0xA;
	v13 =	vld [tilespmem:s26+$0x40]  }
0x1ad: {  	[tilespmem:s26+$0xFFFFFFE0] =	vst v1;
	v1 =	vmul.f32 v14, v4;
	v4 =	vmul.f32 v11, v7;
	v7 =	vld [tilespmem:s26+$0x60]  }
0x1ae: {  	[tilespmem:s26+$0xFFFFFFF0] =	vst v3;
	v3 =	vmul.f32 v9, v5;
	v5 =	vmul.f32 v8, v12  }
0x1af: {  	v8 =	vbroadcast v2, $0xD;
	[tilespmem:s26+$0x0] =	vst v1;
	v1 =	vbroadcast v2, $0xC  }
0x1b0: {  	[tilespmem:s26+$0x10] =	vst v4;
	v4 =	vbroadcast v2, $0xE;
	v2 =	vbroadcast v2, $0xF  }
0x1b1: {  	[tilespmem:s26+$0x20] =	vst v3;
	v1 =	vmul.f32 v13, v1;
	v3 =	vmul.f32 v10, v8  }
.Ltmp6:
0x1b2: {  	[tilespmem:s26+$0x30] =	vst v5;
	v4 =	vmul.f32 v7, v4;
	v2 =	vmul.f32 v6, v2;
	(pc) =	sbr.rel @p1 .LBB2_14-.Ltmp6, $4  }
0x1b3: {  	[tilespmem:s26+$0x40] =	vst v1  }
0x1b4: {  	[tilespmem:s26+$0x50] =	vst v3  }
0x1b5: {  	s26 =	sadd.s32 $0x100, s26;
	[tilespmem:s12+$0x60] =	vst v4  }
0x1b6: {  	s25 =	sshra.s32 s24, $0x2;
	s24 =	sadd.s32 $0x40, s24;
	v1 =	vld [tilespmem:s26+$0xFFFFFFB0];
	[tilespmem:s12+$0x70] =	vst v2;
	s12 =	smov.u32 s26  }
0x1b7: {  	v2 =	vld [tilespmem:s25+$0x1600];
	_ =	sdelay $0x1  }
0x1b8: {  	v3 =	vld [tilespmem:s26+$0xFFFFFF80]  }
0x1b9: {  	v4 =	vld [tilespmem:s26+$0xFFFFFF90]  }
0x1ba: {  	v5 =	vld [tilespmem:s26+$0xFFFFFFA0]  }
0x1bb: {  	v6 =	vbroadcast v2, $0x0  }
0x1bc: {  	v9 =	vld [tilespmem:s26+$0xFFFFFFD0];
	v7 =	vbroadcast v2, $0x1  }
0x1bd: {  	v8 =	vld [tilespmem:s26+$0xFFFFFFC0];
	v10 =	vbroadcast v2, $0x2;
	v3 =	vmul.f32 v6, v3  }
0x1be: {  	v48 =	vld [tilespmem:s26+$0xFFFFFFE0];
	v47 =	vbroadcast v2, $0x3;
	v4 =	vmul.f32 v4, v7  }
0x1bf: {  	v51 =	vld [tilespmem:s26+$0x10];
	v49 =	vbroadcast v2, $0x5;
	v5 =	vmul.f32 v5, v10;
	[tilespmem:s26+$0xFFFFFF80] =	vst v3  }
0x1c0: {  	v11 =	vld [tilespmem:s26+$0xFFFFFFF0];
	v1 =	vmul.f32 v1, v47;
	v3 =	vbroadcast v2, $0x4;
	[tilespmem:s26+$0xFFFFFF90] =	vst v4  }
0x1c1: {  	v50 =	vld [tilespmem:s26+$0x0];
	v12 =	vbroadcast v2, $0x6;
	v6 =	vmul.f32 v9, v49;
	[tilespmem:s26+$0xFFFFFFA0] =	vst v5  }
0x1c2: {  	v56 =	vld [tilespmem:s26+$0x50];
	v54 =	vbroadcast v2, $0x9;
	[tilespmem:s26+$0xFFFFFFB0] =	vst v1;
	v3 =	vmul.f32 v8, v3  }
0x1c3: {  	v53 =	vld [tilespmem:s26+$0x20];
	v52 =	vbroadcast v2, $0x7;
	v7 =	vmul.f32 v48, v12;
	[tilespmem:s26+$0xFFFFFFD0] =	vst v6  }
0x1c4: {  	v59 =	vmul.f32 v51, v54;
	v1 =	vld [tilespmem:s26+$0x30];
	[tilespmem:s26+$0xFFFFFFC0] =	vst v3;
	v3 =	vbroadcast v2, $0x8  }
0x1c5: {  	v55 =	vld [tilespmem:s26+$0x40];
	v62 =	vbroadcast v2, $0xD;
	v5 =	vmul.f32 v11, v52;
	[tilespmem:s26+$0xFFFFFFE0] =	vst v7  }
0x1c6: {  	v60 =	vld [tilespmem:s26+$0x60];
	v57 =	vbroadcast v2, $0xA;
	[tilespmem:s26+$0x10] =	vst v59;
	v3 =	vmul.f32 v50, v3  }
0x1c7: {  	v61 =	vld [tilespmem:s26+$0x70];
	v58 =	vbroadcast v2, $0xB;
	v4 =	vmul.f32 v56, v62;
	[tilespmem:s26+$0xFFFFFFF0] =	vst v5  }
0x1c8: {  	v8 =	vmul.f32 v53, v57;
	[tilespmem:s26+$0x0] =	vst v3;
	v3 =	vbroadcast v2, $0xC  }
0x1c9: {  	v63 =	vbroadcast v2, $0xE;
	[tilespmem:s26+$0x50] =	vst v4;
	v1 =	vmul.f32 v1, v58  }
0x1ca: {  	[tilespmem:s26+$0x20] =	vst v8;
	v2 =	vbroadcast v2, $0xF;
	v3 =	vmul.f32 v55, v3  }
0x1cb: {  	[tilespmem:s26+$0x30] =	vst v1;
	v1 =	vmul.f32 v60, v63  }
0x1cc: {  	v2 =	vmul.f32 v61, v2;
	[tilespmem:s26+$0x40] =	vst v3  }
0x1cd: {  	[tilespmem:s12+$0x60] =	vst v1  }
0x1ce: {  	[tilespmem:s12+$0x70] =	vst v2  }
0x1cf: {  	[spmem:s1] =	stream.indirect.scatter.add.f32 [tilespmem:s30], [sflag:$0x8], $0x10, s28, s29, $0xb8;
	[tilespmem:$0x1F9E0] =	vst v63  }
0x1d0: {  	_ =	swait.ge [sflag:s0], $0x400  }
0x1d1: {  	[sflag:s0] =	ssyncset.done $0x0  }
0x1d2: {  	s26 =	simm.s32 $0x1600;
	[sflag:s0] =	ssyncadd.s32 $0xFFFFFC00  }
0x1d3: {  	[spmem:s2] =	stream.indirect.scatter.add.f32 [tilespmem:s26], [sflag:$0x8], $0x1, s28, s29, $0xb8;
	[tilespmem:$0x1F9E0] =	vst v63  }
0x1d4: {  	_ =	swait.ge [sflag:s0], $0x40  }
0x1d5: {  	[sflag:s0] =	ssyncset.done $0x0  }
0x1d6: {  	[sflag:s0] =	ssyncadd.s32 $0xFFFFFFC0  }
0x1d7: {  	[bflag:$0x0] =	sbarrier.arrive $0xFFFF  }
0x1d8: {  	s12 =	rddreg [dreg:$0x10]  }
0x1d9: {  	s24 =	rddreg [dreg:$0x14]  }
0x1da: {  	s28 =	rddreg [dreg:$0x19]  }
0x1db: {  	[hbm:s12], [sflag:s28] =	dma.local @!p0 [spmem:s24], $0x4E20  }
0x1dc: {  	s12 =	simm.s32 @!p0 $0x8  }
0x1dd: {  	_ =	swait.ge @!p0 [sflag:s12], $0x4E20  }
0x1de: {  	[sflag:s12] =	ssyncset.done @!p0 $0x0;
	s25 =	rddreg [dreg:$0x8]  }
0x1df: {  	s26 =	rddreg [dreg:$0xe];
	[sflag:s12] =	ssyncadd.s32 @!p0 $0xFFFFB1E0;
	s24 =	sshrl.u32 @!p0 s25, $0x3  }
0x1e0: {  	[hbm:s26], [sflag:s28] =	dma.local @!p0 [spmem:s24], $0x4E2  }
0x1e1: {  	_ =	swait.ge @!p0 [sflag:s12], $0x4E2  }
0x1e2: {  	s6 =	sadd.s32 $0x1, s6;
	s30 =	rddreg [dreg:$0x11]  }
0x1e3: {  	p1 =	sne.s32 s6, s30  }
.Ltmp7:
0x1e4: {  	_ = 	snop;
	(pc) =	sbr.rel @p1 .LBB2_1-.Ltmp7, $3  }
0x1e5: {  	_ =	sdelay $0x1  }
0x1e6: {  	[sflag:s12] =	ssyncset.done @!p0 $0x0  }
0x1e7: {  	[sflag:s12] =	ssyncadd.s32 @!p0 $0xFFFFFB1E  }
0x1e8: {  	_ =	sfence.sel $0x180000  }
0x1e9: {  	[bflag:$0x0] =	sbarrier.arrive $0xFFFF  }
0x1ea: {  	_ =	strace $0x90000047  }
0x1eb: {  	s0 =	stileid.u32;
	[bflag:$0x2] =	sbarrier.arrive $0xFFFF  }
0x1ec: {  	p0 =	sne.s32 s0, $0x0;
	s0 =	rddreg [dreg:$0x6]  }
0x1ed: {  	s0 =	sadd.s32 @!p0 $0x100000, s0  }
0x1ee: {  	[sflag:s0] =	ssyncadd.tile.s32 @!p0 $0x1;
	_ =	shalt  }
.Lfunc_end2:
_tile_overlayer_lowered:
.L_overlay_start_2:
0x1ef: {  	(tag) =	ssettag $0x2  }
0x1f0: {  	s0 =	rddreg [dreg:$0x0];
	s2 =	stileid.u32  }
0x1f1: {  	s1 =	rddreg [dreg:$0x1];
	p0 =	sne.s32 s2, $0x0  }
0x1f2: {  	s3 =	rddreg [dreg:$0x2];
	[bflag:$0x3] =	sbarrier.arrive $0xFFFF;
	s2 =	simm.s32 @!p0 $0x1C08  }
0x1f3: {  	[timem:s3], [sflag:s2] =	dma.local @!p0 [hbm:s0], s1  }
0x1f4: {  	s0 =	simm.s32 @!p0 $0x8  }
0x1f5: {  	_ =	swait.ge @!p0 [sflag:s0], s1  }
0x1f6: {  	s1 =	ssub.s32 @!p0 $0x0, s1;
	[sflag:s0] =	ssyncset.done @!p0 $0x0  }
0x1f7: {  	[sflag:s0] =	ssyncadd.s32 @!p0 s1  }
0x1f8: {  	[bflag:$0x3] =	sbarrier.arrive $0xFFFF  }
0x1f9: {  	_ =	shalt  }

</sc_bundles>
